<compile_context>
chip_gen: v7x
topology: tpu7x:2x2x1
jax: 0.10.2.dev20260603
libtpu: 0.0.44.dev20260713+nightly
codegen_flags: <defaults>
</compile_context>

<pallas_src>
import functools
import math

import jax
import jax.numpy as jnp
from jax import lax
from jax.experimental import pallas as pl
from jax.experimental.pallas import tpu as pltpu, tpu_sc as plsc

N0 = 4096
E = 65536
H = 128
K0 = 2048
K1 = 1024

_SC_MESH = plsc.VectorSubcoreMesh(core_axis_name="c", subcore_axis_name="s")
_NSC = 2
_NT = 16
_CH = 128
_EPT = E // (_NSC * _NT)


def _dinv_of(deg):
    return jnp.where(deg > 0, lax.rsqrt(jnp.maximum(deg, 1e-12)), 0.0)


def _zero16(ref, n, row=None):
    def zf(i, _):
        if row is None:
            ref[pl.ds(i * 16, 16)] = jnp.zeros((16,), jnp.float32)
        else:
            ref[row, pl.ds(i * 16, 16)] = jnp.zeros((16,), jnp.float32)
        return 0
    lax.fori_loop(0, n // 16, zf, 0)


@functools.partial(
    pl.kernel, mesh=_SC_MESH,
    out_type=jax.ShapeDtypeStruct((_NSC, N0), jnp.float32),
    scratch_types=[
        pltpu.VMEM((_CH,), jnp.int32),
        pltpu.VMEM((_CH,), jnp.float32),
        pltpu.VMEM((N0 // _NT,), jnp.float32),
        pltpu.VMEM_SHARED((N0,), jnp.float32),
    ],
)
def _sc_deg(dst_hbm, w_hbm, out_hbm, idx_v, w_v, zd_v, deg_sh):
    cid = lax.axis_index("c")
    sid = lax.axis_index("s")
    sl = N0 // _NT
    _zero16(zd_v, sl)
    pltpu.sync_copy(zd_v, deg_sh.at[pl.ds(sid * sl, sl)])
    plsc.subcore_barrier()

    base0 = cid * (E // _NSC) + sid * _EPT

    def chunk(ci, _):
        base = base0 + ci * _CH
        pltpu.sync_copy(dst_hbm.at[pl.ds(base, _CH)], idx_v)
        pltpu.sync_copy(w_hbm.at[pl.ds(base, _CH)], w_v)
        pltpu.sync_copy(w_v, deg_sh.at[idx_v], add=True)
        return 0
    lax.fori_loop(0, _EPT // _CH, chunk, 0)
    plsc.subcore_barrier()
    pltpu.sync_copy(deg_sh.at[pl.ds(sid * sl, sl)],
                    out_hbm.at[cid, pl.ds(sid * sl, sl)])


_SLAB = 256
_NSLAB = K0 // _SLAB
_ECH = E // _CH
_CPT = _ECH // _NT


@functools.partial(
    pl.kernel, mesh=_SC_MESH,
    out_type=jax.ShapeDtypeStruct((N0 * N0,), jnp.float32),
    scratch_types=[
        pltpu.VMEM((_CPT, _CH), jnp.int32),
        pltpu.VMEM((_CPT, _CH), jnp.int32),
        pltpu.VMEM((_CPT, _CH), jnp.float32),
        pltpu.VMEM((_CPT, _CH), jnp.int32),
        pltpu.VMEM((4096,), jnp.float32),
        pltpu.VMEM_SHARED(((_SLAB + 1) * N0,), jnp.float32),
    ],
)
def _sc_dense_adj(src2, dst2, w2, a_out, src_t, dst_t, w_t, idx_t, zb_v, sh):
    cid = lax.axis_index("c")
    sid = lax.axis_index("s")
    crow = sid * _CPT
    pltpu.sync_copy(src2.at[pl.ds(crow, _CPT)], src_t)
    pltpu.sync_copy(dst2.at[pl.ds(crow, _CPT)], dst_t)
    pltpu.sync_copy(w2.at[pl.ds(crow, _CPT)], w_t)
    _zero16(zb_v, 4096)
    dump = _SLAB * N0

    def do_round(r, _):
        slab = r * _NSC + cid
        rbase = slab * _SLAB
        def zs(i, _):
            pltpu.sync_copy(zb_v, sh.at[pl.ds((sid * 16 + i) * N0, N0)])
            return 0
        lax.fori_loop(0, 16, zs, 0)
        plsc.subcore_barrier()

        def chunk(c, _):
            def grp(g, _):
                row = dst_t[c, pl.ds(g * 16, 16)]
                col = src_t[c, pl.ds(g * 16, 16)]
                rloc = row - rbase
                ok = (rloc >= 0) & (rloc < _SLAB)
                idx_t[c, pl.ds(g * 16, 16)] = jnp.where(
                    ok, rloc * N0 + col, dump)
                return 0
            lax.fori_loop(0, _CH // 16, grp, 0)
            pltpu.sync_copy(w_t.at[c], sh.at[idx_t.at[c]], add=True)
            return 0
        lax.fori_loop(0, _CPT, chunk, 0)
        plsc.subcore_barrier()

        pltpu.sync_copy(
            sh.at[pl.ds(sid * 16 * N0, 16 * N0)],
            a_out.at[pl.ds((rbase + sid * 16) * N0, 16 * N0)])
        plsc.subcore_barrier()
        return 0
    lax.fori_loop(0, (N0 // _SLAB) // _NSC, do_round, 0)




@functools.partial(
    pl.kernel, mesh=_SC_MESH,
    out_type=[
        jax.ShapeDtypeStruct((K0 * N0,), jnp.float32),
        jax.ShapeDtypeStruct((K0 * N0,), jnp.float32),
    ],
    scratch_types=[
        pltpu.VMEM((_CPT, _CH), jnp.int32),
        pltpu.VMEM((_CPT, _CH), jnp.int32),
        pltpu.VMEM((_CPT, _CH), jnp.float32),
        pltpu.VMEM((_CPT, _CH), jnp.int32),
        pltpu.VMEM((_CPT, _CH), jnp.int32),
        pltpu.VMEM((_CPT, _CH), jnp.int32),
        pltpu.VMEM((4096,), jnp.float32),
        pltpu.VMEM((1, 16), jnp.int32),
        pltpu.VMEM((1, 16), jnp.float32),
        pltpu.VMEM_SHARED(((_SLAB + 1) * N0,), jnp.float32),
        pltpu.SemaphoreType.DMA,
    ],
)
def _sc_factors(src2, dst2, w2, rkd2, rks2, perm_hbm, r_out, ct_out,
                src_t, dst_t, w_t, rkd_t, rks_t, idx_t, zb_v, sidx_v,
                ones_v, sh, sem):
    cid = lax.axis_index("c")
    sid = lax.axis_index("s")
    crow = sid * _CPT

    pltpu.sync_copy(src2.at[pl.ds(crow, _CPT)], src_t)
    pltpu.sync_copy(dst2.at[pl.ds(crow, _CPT)], dst_t)
    pltpu.sync_copy(w2.at[pl.ds(crow, _CPT)], w_t)
    pltpu.sync_copy(rkd2.at[pl.ds(crow, _CPT)], rkd_t)
    pltpu.sync_copy(rks2.at[pl.ds(crow, _CPT)], rks_t)
    _zero16(zb_v, 4096)
    ones_v[0, :] = jnp.ones((16,), jnp.float32)
    dump = _SLAB * N0

    for mat in range(2):
        out = r_out if mat == 0 else ct_out

        def do_round(r, _):
            slab = r * _NSC + cid
            rbase = slab * _SLAB
            def zs(i, _):
                pltpu.sync_copy(
                    zb_v, sh.at[pl.ds((sid * 16 + i) * N0, N0)])
                return 0
            lax.fori_loop(0, 16, zs, 0)
            plsc.subcore_barrier()

            def chunk(c, _):
                def grp(g, _):
                    rk = (rkd_t if mat == 0 else rks_t)[c, pl.ds(g * 16, 16)]
                    col = (src_t if mat == 0 else dst_t)[c, pl.ds(g * 16, 16)]
                    other = (dst_t if mat == 0 else src_t)[c, pl.ds(g * 16, 16)]
                    rloc = rk - rbase
                    ok = ((rk >= 0) & (col != other)
                          & (rloc >= 0) & (rloc < _SLAB))
                    idx_t[c, pl.ds(g * 16, 16)] = jnp.where(
                        ok, rloc * N0 + col, dump)
                    return 0
                lax.fori_loop(0, _CH // 16, grp, 0)
                pltpu.sync_copy(w_t.at[c], sh.at[idx_t.at[c]], add=True)
                return 0
            lax.fori_loop(0, _CPT, chunk, 0)

            pltpu.sync_copy(perm_hbm.at[pl.ds(rbase + sid * 16, 16)],
                            sidx_v.at[0])
            pv = sidx_v[0, :]
            rr = lax.iota(jnp.int32, 16) + sid * 16
            sidx_v[0, :] = rr * N0 + pv
            pltpu.sync_copy(ones_v.at[0], sh.at[sidx_v.at[0]], add=True)
            plsc.subcore_barrier()

            pltpu.sync_copy(
                sh.at[pl.ds(sid * 16 * N0, 16 * N0)],
                out.at[pl.ds((rbase + sid * 16) * N0, 16 * N0)])
            plsc.subcore_barrier()
            return 0
        lax.fori_loop(0, _NSLAB // _NSC, do_round, 0)


def _make_gather(k, width, naux):
    rpt = k // (_NSC * _NT)
    nch = max(1, rpt // _CH)
    cpr = min(rpt, _CH)

    @functools.partial(
        pl.kernel, mesh=_SC_MESH,
        out_type=([jax.ShapeDtypeStruct((k, width), jnp.float32)]
                  + [jax.ShapeDtypeStruct((k,), jnp.float32)] * naux),
        scratch_types=[
            pltpu.VMEM((cpr,), jnp.int32),
            pltpu.VMEM((cpr, width), jnp.float32),
            pltpu.VMEM((cpr,), jnp.float32),
            pltpu.SemaphoreType.DMA,
        ],
    )
    def gk(idx_hbm, tab_hbm, *rest):
        aux = rest[:naux]
        out_hbm = rest[naux]
        aux_out = rest[naux + 1:naux + 1 + naux]
        idx_v, rows_v, el_v, sem = rest[naux + 1 + naux:]
        cid = lax.axis_index("c")
        sid = lax.axis_index("s")
        base0 = (cid * _NT + sid) * rpt

        def chunk(ci, _):
            base = base0 + ci * cpr
            pltpu.sync_copy(idx_hbm.at[pl.ds(base, cpr)], idx_v)
            pltpu.async_copy(tab_hbm.at[idx_v], rows_v, sem).wait()
            pltpu.sync_copy(rows_v, out_hbm.at[pl.ds(base, cpr)])
            for j in range(naux):
                pltpu.async_copy(aux[j].at[idx_v], el_v, sem).wait()
                pltpu.sync_copy(el_v, aux_out[j].at[pl.ds(base, cpr)])
            return 0
        lax.fori_loop(0, nch, chunk, 0)

    return gk


_gather_x0 = _make_gather(K0, H, 2)
_gather_x1 = _make_gather(K1, H, 1)
_gather_a1 = _make_gather(K1, K0, 0)


def _make_unpool(m, k):
    half = m // 2
    sl = half // _NT
    rpt = k // _NT
    nch = max(1, rpt // _CH)
    cpr = min(rpt, _CH)

    @functools.partial(
        pl.kernel, mesh=_SC_MESH,
        out_type=jax.ShapeDtypeStruct((m, H), jnp.float32),
        scratch_types=[
            pltpu.VMEM((cpr,), jnp.int32),
            pltpu.VMEM((cpr, H), jnp.float32),
            pltpu.VMEM_SHARED((half + 1, H), jnp.float32),
            pltpu.SemaphoreType.DMA,
        ],
    )
    def uk(base_hbm, u_hbm, perm_hbm, out_hbm, idx_v, rows_v, sh, sem):
        cid = lax.axis_index("c")
        sid = lax.axis_index("s")
        hbase = cid * half
        pltpu.sync_copy(base_hbm.at[pl.ds(hbase + sid * sl, sl)],
                        sh.at[pl.ds(sid * sl, sl)])
        plsc.subcore_barrier()

        def chunk(ci, _):
            base = sid * rpt + ci * cpr
            pltpu.sync_copy(perm_hbm.at[pl.ds(base, cpr)], idx_v)
            pltpu.sync_copy(u_hbm.at[pl.ds(base, cpr)], rows_v)
            def grp(g, _):
                pv = idx_v[pl.ds(g * 16, 16)]
                loc = pv - hbase
                ok = (loc >= 0) & (loc < half)
                idx_v[pl.ds(g * 16, 16)] = jnp.where(ok, loc, half)
                return 0
            lax.fori_loop(0, cpr // 16, grp, 0)
            pltpu.sync_copy(rows_v, sh.at[idx_v], add=True)
            return 0
        lax.fori_loop(0, nch, chunk, 0)
        plsc.subcore_barrier()
        pltpu.sync_copy(sh.at[pl.ds(sid * sl, sl)],
                        out_hbm.at[pl.ds(hbase + sid * sl, sl)])

    return uk


_unpool1 = _make_unpool(K0, K1)
_unpool0 = _make_unpool(N0, K0)


def _sq_body(nsteps, inject, twout, r_ref, ct_ref, pr_ref, pc_ref,
             a_ref, deg_ref, *maybe_at):
    i, j, k = pl.program_id(0), pl.program_id(1), pl.program_id(2)

    @pl.when(k == 0)
    def _():
        a_ref[...] = jnp.zeros_like(a_ref)

    rb = r_ref[...]
    cb = ct_ref[...]
    if inject:
        bk = rb.shape[1]
        colk = lax.broadcasted_iota(jnp.int32, (rb.shape[0], bk), 1) + k * bk
        rb = rb + jnp.where(colk == pr_ref[...][:, None], 1.0, 0.0)
        colk2 = lax.broadcasted_iota(jnp.int32, (cb.shape[0], bk), 1) + k * bk
        cb = cb + jnp.where(colk2 == pc_ref[...][:, None], 1.0, 0.0)
    a_ref[...] += lax.dot_general(
        rb, cb, (((1,), (1,)), ((), ())), preferred_element_type=jnp.float32)

    @pl.when(k == nsteps - 1)
    def _():
        blk = a_ref[...]
        bm, bn = blk.shape
        rows = lax.broadcasted_iota(jnp.int32, (bm, bn), 0) + i * bm
        cols = lax.broadcasted_iota(jnp.int32, (bm, bn), 1) + j * bn
        blk = jnp.where(rows == cols, 0.0, blk)
        a_ref[...] = blk
        if twout:
            maybe_at[0][...] = blk.T
        rs = jnp.sum(blk, axis=1)

        @pl.when(j == 0)
        def _():
            deg_ref[...] = rs

        @pl.when(j != 0)
        def _():
            deg_ref[...] += rs


def _square_pool(Rm, CTm, permv=None, twout=False, bm=512, bn=512, bk=2048):
    m, K = Rm.shape
    nsteps = K // bk
    grid = (m // bm, m // bn, nsteps)
    inject = permv is not None
    if permv is None:
        permv = jnp.zeros((m,), jnp.int32)
    out_specs = [
        pl.BlockSpec((bm, bn), lambda i, j, k: (i, j)),
        pl.BlockSpec((bm,), lambda i, j, k: (i,)),
    ]
    out_shape = [
        jax.ShapeDtypeStruct((m, m), jnp.float32),
        jax.ShapeDtypeStruct((m,), jnp.float32),
    ]
    if twout:
        out_specs.append(pl.BlockSpec((bn, bm), lambda i, j, k: (j, i)))
        out_shape.append(jax.ShapeDtypeStruct((m, m), jnp.float32))
    return pl.pallas_call(
        functools.partial(_sq_body, nsteps, inject, twout),
        grid=grid,
        in_specs=[
            pl.BlockSpec((bm, bk), lambda i, j, k: (i, k)),
            pl.BlockSpec((bn, bk), lambda i, j, k: (j, k)),
            pl.BlockSpec((bm,), lambda i, j, k: (i,)),
            pl.BlockSpec((bn,), lambda i, j, k: (j,)),
        ],
        out_specs=out_specs,
        out_shape=out_shape,
    )(Rm, CTm, permv, permv)


def _conv_body(a_ref, z_ref, degk_ref, degi_ref, b_ref, pv_ref,
               y_ref, s_ref, th_ref):
    dinvk = _dinv_of(degk_ref[...])
    zs = z_ref[...] * dinvk[:, None]
    acc = jnp.dot(a_ref[...], zs, preferred_element_type=jnp.float32)
    dinvi = _dinv_of(degi_ref[...])
    y = jnp.maximum(acc * dinvi[:, None] + b_ref[...], 0.0)
    y_ref[...] = y
    pv = pv_ref[...]
    pn = pv / jnp.sqrt(jnp.sum(pv * pv))
    s = jnp.dot(y, pn.reshape(H, 1), preferred_element_type=jnp.float32)
    s_ref[...] = s
    th_ref[...] = jnp.tanh(s)


def _conv_dense(A, Z, deg, b, pvec, bm=512):
    m = A.shape[0]
    return pl.pallas_call(
        _conv_body,
        grid=(m // bm,),
        in_specs=[
            pl.BlockSpec((bm, m), lambda i: (i, 0)),
            pl.BlockSpec((m, H), lambda i: (0, 0)),
            pl.BlockSpec((m,), lambda i: (0,)),
            pl.BlockSpec((bm,), lambda i: (i,)),
            pl.BlockSpec((1, H), lambda i: (0, 0)),
            pl.BlockSpec((1, H), lambda i: (0, 0)),
        ],
        out_specs=[
            pl.BlockSpec((bm, H), lambda i: (i, 0)),
            pl.BlockSpec((bm, 1), lambda i: (i, 0)),
            pl.BlockSpec((bm, 1), lambda i: (i, 0)),
        ],
        out_shape=[
            jax.ShapeDtypeStruct((m, H), jnp.float32),
            jax.ShapeDtypeStruct((m, 1), jnp.float32),
            jax.ShapeDtypeStruct((m, 1), jnp.float32),
        ],
    )(A, Z, deg, deg, b.reshape(1, H), pvec.reshape(1, H))


def _mm_body(x_ref, w_ref, si_ref, so_ref, y_ref):
    y = jnp.dot(x_ref[...] * si_ref[...][:, None], w_ref[...],
                preferred_element_type=jnp.float32)
    y_ref[...] = y * so_ref[...][:, None]


def _mm(X, W, s_in=None, s_out=None, bm=1024):
    m, f = X.shape
    if s_in is None:
        s_in = jnp.ones((m,), jnp.float32)
    if s_out is None:
        s_out = jnp.ones((m,), jnp.float32)
    return pl.pallas_call(
        _mm_body,
        grid=(m // bm,),
        in_specs=[
            pl.BlockSpec((bm, f), lambda i: (i, 0)),
            pl.BlockSpec((f, W.shape[1]), lambda i: (0, 0)),
            pl.BlockSpec((bm,), lambda i: (i,)),
            pl.BlockSpec((bm,), lambda i: (i,)),
        ],
        out_specs=pl.BlockSpec((bm, W.shape[1]), lambda i: (i, 0)),
        out_shape=jax.ShapeDtypeStruct((m, W.shape[1]), jnp.float32),
    )(X, W, s_in, s_out)


def _topk_set(score, k):
    _, perm = lax.top_k(score, k)
    return jnp.sort(perm)


def kernel(x, edge_index, edge_weight, W0, b0, W1, b1, W2, b2, U0, c0, U1, c1, p0, p1):
    xf = x.reshape(N0, H)
    dst, src = edge_index[1], edge_index[0]
    src2 = src.reshape(_ECH, _CH)
    dst2 = dst.reshape(_ECH, _CH)
    w2 = edge_weight.reshape(_ECH, _CH)

    degP = _sc_deg(dst, edge_weight)
    deg0 = degP[0] + degP[1]
    dinv0 = _dinv_of(deg0)
    A0 = jnp.zeros((N0, N0), jnp.float32).at[dst, src].add(edge_weight)

    x0, s0, th0 = _conv_dense(A0, _mm(xf, W0), deg0, b0, p0)
    score0 = s0.reshape(N0)

    perm0 = _topk_set(score0, K0)
    rank0 = jnp.full((N0,), -1, jnp.int32).at[perm0].set(
        jnp.arange(K0, dtype=jnp.int32))

    rkd2 = rank0[dst].reshape(_ECH, _CH)
    rks2 = rank0[src].reshape(_ECH, _CH)
    R0f, CT0f = _sc_factors(src2, dst2, w2, rkd2, rks2, perm0)
    R0 = R0f.reshape(K0, N0)
    CT0 = CT0f.reshape(K0, N0)

    A1, deg1, A1T = _square_pool(R0, CT0, twout=True)

    x0g, t0, di0g = _gather_x0(perm0, x0, th0.reshape(N0), dinv0)
    x1, s1, th1 = _conv_dense(A1, _mm(x0g, W1, s_in=t0), deg1, b1, p1)
    score1 = s1.reshape(K0)

    perm1 = _topk_set(score1, K1)

    x1g, t1 = _gather_x1(perm1, x1, th1.reshape(K0))

    R1 = _gather_a1(perm1, A1)[0]
    CT1 = _gather_a1(perm1, A1T)[0]

    A2, deg2 = _square_pool(R1, CT1, permv=perm1, bm=512, bn=512, bk=2048)

    x2, _, _ = _conv_dense(A2, _mm(x1g, W2, s_in=t1, bm=512), deg2, b2, p1)

    z1 = _unpool1(_mm(x1, U0[:H]), _mm(x2, U0[H:]), perm1)
    x3, _, _ = _conv_dense(A1, z1, deg1, c0, p1)

    u0 = _mm(x3, U1[H:])
    zup = _unpool0(_mm(x0, U1[:H]), u0, perm0)
    out, _, _ = _conv_dense(A0, zup, deg0, c1, p1)
    return out.reshape(1, N0, H)

# --- scband reference (transcript-rebuilt; emitter-appended) ---
"""Pipeline reference for scband-graph-unet-17824114278984 (READ-ONLY COPY).

The authoritative reference and input builder live on the scoring server;
editing this copy changes nothing except your own understanding.
"""

import jax, jax.numpy as jnp
import numpy as np
import math

N_NODES = 4096
N_EDGES = 65536
F_IN = 128
HID = 128
N_LAYERS = 2
RATIO = 0.5


def _dense_adj(edge_index, edge_weight, n):
    A = jnp.zeros((n, n), dtype=jnp.float32)
    # A[dst, src] = w so that row-aggregation gathers from source neighbors
    return A.at[edge_index[1], edge_index[0]].add(edge_weight)


def _sym_norm(A):
    deg = A.sum(axis=1)
    dinv = jnp.where(deg > 0, 1.0 / jnp.sqrt(jnp.maximum(deg, 1e-12)), 0.0)
    return dinv[:, None] * A * dinv[None, :]


def _graph_conv(A, x, W, b):
    # GraphConv with norm='sym' and relu activation
    return jax.nn.relu(_sym_norm(A) @ x @ W + b)


def _augment(A):
    # remove self loops, add self loops (weight 1), square adjacency, remove self loops
    n = A.shape[0]
    eye = jnp.eye(n, dtype=A.dtype)
    A1 = A * (1.0 - eye) + eye
    A2 = A1 @ A1
    return A2 * (1.0 - eye)


def _topk_pool(x, A, p, ratio):
    # TopKPooling: score = x.p/||p||, keep top ceil(ratio*N) nodes, scale by tanh(score)
    score = (x @ p) / jnp.linalg.norm(p)
    k = int(math.ceil(ratio * x.shape[0]))
    vals, perm = jax.lax.top_k(score, k)
    x2 = x[perm] * jnp.tanh(vals)[:, None]
    A2 = A[perm][:, perm]
    return x2, A2, perm


def _forward(x, edge_index, edge_weight, W0, b0, W1, b1, W2, b2, U0, c0, U1, c1, p0, p1):
    b, n, f = x.shape
    xf = x.reshape(b * n, f)
    A = _dense_adj(edge_index, edge_weight, b * n)
    xf = _graph_conv(A, xf, W0, b0)
    xs = [xf]
    adjs = [A]
    perms = []
    down_w = [(W1, b1), (W2, b2)]
    pool_p = [p0, p1]
    for i in range(N_LAYERS):
        A = _augment(A)
        xf, A, perm = _topk_pool(xf, A, pool_p[i], RATIO)
        Wd, bd = down_w[i]
        xf = _graph_conv(A, xf, Wd, bd)
        if i < N_LAYERS - 1:
            xs.append(xf)
            adjs.append(A)
        perms.append(perm)
    up_w = [(U0, c0), (U1, c1)]
    for i in range(N_LAYERS):
        j = N_LAYERS - 1 - i
        res = xs[j]
        Aj = adjs[j]
        perm = perms[j]
        up = jnp.zeros_like(res).at[perm].set(xf)
        xf = jnp.concatenate([res, up], axis=-1)
        Wu, cu = up_w[i]
        xf = _graph_conv(Aj, xf, Wu, cu)
    return xf.reshape(b, n, -1)


def setup_inputs(seed: int = 0):
    key = jax.random.key(seed)
    ks = jax.random.split(key, 16)
    x = jax.random.normal(ks[0], (1, N_NODES, F_IN), dtype=jnp.float32)
    edge_index = jax.random.randint(ks[1], (2, N_EDGES), 0, N_NODES, dtype=jnp.int32)
    edge_weight = jax.random.uniform(ks[2], (N_EDGES,), dtype=jnp.float32)
    s_in = 1.0 / math.sqrt(F_IN)
    s_h = 1.0 / math.sqrt(HID)
    s_2h = 1.0 / math.sqrt(2 * HID)
    W0 = jax.random.normal(ks[3], (F_IN, HID), dtype=jnp.float32) * s_in
    b0 = jnp.zeros((HID,), dtype=jnp.float32)
    W1 = jax.random.normal(ks[4], (HID, HID), dtype=jnp.float32) * s_h
    b1 = jnp.zeros((HID,), dtype=jnp.float32)
    W2 = jax.random.normal(ks[5], (HID, HID), dtype=jnp.float32) * s_h
    b2 = jnp.zeros((HID,), dtype=jnp.float32)
    U0 = jax.random.normal(ks[6], (2 * HID, HID), dtype=jnp.float32) * s_2h
    c0 = jnp.zeros((HID,), dtype=jnp.float32)
    U1 = jax.random.normal(ks[7], (2 * HID, HID), dtype=jnp.float32) * s_2h
    c1 = jnp.zeros((HID,), dtype=jnp.float32)
    p0 = jax.random.normal(ks[8], (HID,), dtype=jnp.float32)
    p1 = jax.random.normal(ks[9], (HID,), dtype=jnp.float32)
    return {"x": x, "edge_index": edge_index, "edge_weight": edge_weight,
            "W0": W0, "b0": b0, "W1": W1, "b1": b1, "W2": W2, "b2": b2,
            "U0": U0, "c0": c0, "U1": U1, "c1": c1, "p0": p0, "p1": p1}


def reference(x, edge_index, edge_weight, W0, b0, W1, b1, W2, b2, U0, c0, U1, c1, p0, p1):
    return _forward(x, edge_index, edge_weight, W0, b0, W1, b1, W2, b2, U0, c0, U1, c1, p0, p1)

if __name__ == "__main__":
    import jax
    _d = setup_inputs()
    print(jax.jit(kernel)(*tuple(_d.values())))

</pallas_src>

<mosaic_0001>
#map = affine_map<(d0, d1) -> (0)>
#map1 = affine_map<(d0, d1) -> (0, 0)>
module attributes {stable_mosaic.version = 14 : i64} {
  func.func @_sc_deg(%arg0: i32, %arg1: i32, %arg2: memref<65536xi32, #tpu.memory_space<hbm>>, %arg3: memref<65536xf32, #tpu.memory_space<hbm>>, %arg4: memref<2x4096xf32, #tpu.memory_space<hbm>>, %arg5: memref<128xi32, #tpu.memory_space<vmem>>, %arg6: memref<128xf32, #tpu.memory_space<vmem>>, %arg7: memref<256xf32, #tpu.memory_space<vmem>>, %arg8: memref<4096xf32, #tpu.memory_space<vmem_shared>>) attributes {dimension_semantics = [#tpu.dimension_semantics<core_parallel>, #tpu.dimension_semantics<subcore_parallel>], iteration_bounds = array<i64: 2, 16>, scalar_prefetch = 0 : i64, scratch_operands = 4 : i64, tpu.core_type = #tpu.core_type<sc_vector_subcore>, window_params = [{transform_indices = #map}, {transform_indices = #map}, {transform_indices = #map1}]} {
    %scan3A = arith.constant 0 : i32
    %scan3A_0 = arith.constant 0 : i32
    %scan3A_1 = arith.constant 16 : i32
    %scan3A_2 = arith.addi %scan3A_0, %scan3A_1 : i32
    %scan3A_3 = arith.constant 1 : i32
    %scan3A_4 = scf.for %scan3A_23 = %scan3A_0 to %scan3A_2 step %scan3A_3 iter_args(%scan3A_24 = %scan3A) -> (i32)  : i32 {
      %broadcast_in_dim3A = arith.constant 0.000000e+00 : f32
      %broadcast_in_dim3A_25 = vector.broadcast %broadcast_in_dim3A : f32 to vector<16xf32>
      %mul3A_26 = arith.constant 16 : i32
      %mul3A_27 = arith.muli %scan3A_23, %mul3A_26 : i32
      %swap3A = arith.index_cast %mul3A_27 : i32 to index
      %swap3A_28 = tpu.vector_load %arg7[%swap3A] {strides = array<i32>} : memref<256xf32, #tpu.memory_space<vmem>>, vector<16xf32>,
      %swap3A_29 = vector.shape_cast %swap3A_28 : vector<16xf32> to vector<16xf32>
      %swap3A_30 = vector.shape_cast %broadcast_in_dim3A_25 : vector<16xf32> to vector<16xf32>
      tpu.vector_store %arg7[%swap3A], %swap3A_30 {strides = array<i32>} : memref<256xf32, #tpu.memory_space<vmem>>, vector<16xf32>,
      %scan3A_31 = arith.constant 0 : i32
      scf.yield %scan3A_31 : i32
    }
    %scan3A_5 = arith.constant 16 : i32
    %mul3A = arith.constant 256 : i32
    %mul3A_6 = arith.muli %arg1, %mul3A : i32
    "tpu.region"() ({
      %run_scoped3A = tpu.sem_alloc : memref<!tpu.dma_semaphore, #tpu.memory_space<semaphore_mem>>
      %dma_start3A = tpu.memref_slice %arg8[%mul3A_6] : memref<4096xf32, #tpu.memory_space<vmem_shared>> -> memref<256xf32, #tpu.memory_space<vmem_shared>>
      %dma_start3A_23 = tpu.memref_slice %arg8[%mul3A_6] : memref<4096xf32, #tpu.memory_space<vmem_shared>> -> memref<256xf32, #tpu.memory_space<vmem_shared>>
      tpu.enqueue_dma source(%arg7 : memref<256xf32, #tpu.memory_space<vmem>>) target(%dma_start3A_23 : memref<256xf32, #tpu.memory_space<vmem_shared>>) target_semaphore(%run_scoped3A : memref<!tpu.dma_semaphore, #tpu.memory_space<semaphore_mem>>)
      %dma_wait3A = tpu.memref_slice %arg8[%mul3A_6] : memref<4096xf32, #tpu.memory_space<vmem_shared>> -> memref<256xf32, #tpu.memory_space<vmem_shared>>
      %dma_wait3A_24 = tpu.memref_slice %arg8[%mul3A_6] : memref<4096xf32, #tpu.memory_space<vmem_shared>> -> memref<256xf32, #tpu.memory_space<vmem_shared>>
      tpu.wait_dma2 semaphore(%run_scoped3A : memref<!tpu.dma_semaphore, #tpu.memory_space<semaphore_mem>>) src(%arg7 : memref<256xf32, #tpu.memory_space<vmem>>) dst(%dma_wait3A_24 : memref<256xf32, #tpu.memory_space<vmem_shared>>)
      tpu.yield
    }) : () -> ()
    %barrier3A = arith.constant 0 : index
    tpu.barrier barrier_id(%barrier3A)
    %mul3A_7 = arith.constant 32768 : i32
    %mul3A_8 = arith.muli %arg0, %mul3A_7 : i32
    %mul3A_9 = arith.constant 2048 : i32
    %mul3A_10 = arith.muli %arg1, %mul3A_9 : i32
    %add3A = arith.addi %mul3A_8, %mul3A_10 : i32
    %scan3A_11 = arith.constant 0 : i32
    %scan3A_12 = arith.constant 0 : i32
    %scan3A_13 = arith.constant 16 : i32
    %scan3A_14 = arith.addi %scan3A_12, %scan3A_13 : i32
    %scan3A_15 = arith.constant 1 : i32
    %scan3A_16 = scf.for %scan3A_23 = %scan3A_12 to %scan3A_14 step %scan3A_15 iter_args(%scan3A_24 = %scan3A_11) -> (i32)  : i32 {
      %mul3A_25 = arith.constant 128 : i32
      %mul3A_26 = arith.muli %scan3A_23, %mul3A_25 : i32
      %add3A_27 = arith.addi %add3A, %mul3A_26 : i32
      "tpu.region"() ({
        %run_scoped3A = tpu.sem_alloc : memref<!tpu.dma_semaphore, #tpu.memory_space<semaphore_mem>>
        %dma_start3A = tpu.memref_slice %arg2[%add3A_27] : memref<65536xi32, #tpu.memory_space<hbm>> -> memref<128xi32, #tpu.memory_space<hbm>>
        %dma_start3A_29 = tpu.memref_slice %arg2[%add3A_27] : memref<65536xi32, #tpu.memory_space<hbm>> -> memref<128xi32, #tpu.memory_space<hbm>>
        tpu.enqueue_dma source(%dma_start3A_29 : memref<128xi32, #tpu.memory_space<hbm>>) target(%arg5 : memref<128xi32, #tpu.memory_space<vmem>>) target_semaphore(%run_scoped3A : memref<!tpu.dma_semaphore, #tpu.memory_space<semaphore_mem>>)
        %dma_wait3A = tpu.memref_slice %arg2[%add3A_27] : memref<65536xi32, #tpu.memory_space<hbm>> -> memref<128xi32, #tpu.memory_space<hbm>>
        %dma_wait3A_30 = tpu.memref_slice %arg2[%add3A_27] : memref<65536xi32, #tpu.memory_space<hbm>> -> memref<128xi32, #tpu.memory_space<hbm>>
        tpu.wait_dma2 semaphore(%run_scoped3A : memref<!tpu.dma_semaphore, #tpu.memory_space<semaphore_mem>>) src(%dma_wait3A_30 : memref<128xi32, #tpu.memory_space<hbm>>) dst(%arg5 : memref<128xi32, #tpu.memory_space<vmem>>)
        tpu.yield
      }) : () -> ()
      "tpu.region"() ({
        %run_scoped3A = tpu.sem_alloc : memref<!tpu.dma_semaphore, #tpu.memory_space<semaphore_mem>>
        %dma_start3A = tpu.memref_slice %arg3[%add3A_27] : memref<65536xf32, #tpu.memory_space<hbm>> -> memref<128xf32, #tpu.memory_space<hbm>>
        %dma_start3A_29 = tpu.memref_slice %arg3[%add3A_27] : memref<65536xf32, #tpu.memory_space<hbm>> -> memref<128xf32, #tpu.memory_space<hbm>>
        tpu.enqueue_dma source(%dma_start3A_29 : memref<128xf32, #tpu.memory_space<hbm>>) target(%arg6 : memref<128xf32, #tpu.memory_space<vmem>>) target_semaphore(%run_scoped3A : memref<!tpu.dma_semaphore, #tpu.memory_space<semaphore_mem>>)
        %dma_wait3A = tpu.memref_slice %arg3[%add3A_27] : memref<65536xf32, #tpu.memory_space<hbm>> -> memref<128xf32, #tpu.memory_space<hbm>>
        %dma_wait3A_30 = tpu.memref_slice %arg3[%add3A_27] : memref<65536xf32, #tpu.memory_space<hbm>> -> memref<128xf32, #tpu.memory_space<hbm>>
        tpu.wait_dma2 semaphore(%run_scoped3A : memref<!tpu.dma_semaphore, #tpu.memory_space<semaphore_mem>>) src(%dma_wait3A_30 : memref<128xf32, #tpu.memory_space<hbm>>) dst(%arg6 : memref<128xf32, #tpu.memory_space<vmem>>)
        tpu.yield
      }) : () -> ()
      "tpu.region"() ({
        %run_scoped3A = tpu.sem_alloc : memref<!tpu.dma_semaphore, #tpu.memory_space<semaphore_mem>>
        %dma_start3A = arith.constant 0 : i32
        %dma_start3A_29 = tpu.memref_slice %arg8[%dma_start3A] : memref<4096xf32, #tpu.memory_space<vmem_shared>> -> memref<4096xf32, #tpu.memory_space<vmem_shared>>
        tpu.enqueue_indirect_dma source(%arg6 : memref<128xf32, #tpu.memory_space<vmem>>) target(%dma_start3A_29 : memref<4096xf32, #tpu.memory_space<vmem_shared>>) offsets(%arg5 : memref<128xi32, #tpu.memory_space<vmem>>) semaphore(%run_scoped3A : memref<!tpu.dma_semaphore, #tpu.memory_space<semaphore_mem>>) {add = true}
        %dma_wait3A = arith.constant 0 : i32
        %dma_wait3A_30 = tpu.memref_slice %arg8[%dma_wait3A] : memref<4096xf32, #tpu.memory_space<vmem_shared>> -> memref<4096xf32, #tpu.memory_space<vmem_shared>>
        tpu.wait_indirect_dma semaphore(%run_scoped3A : memref<!tpu.dma_semaphore, #tpu.memory_space<semaphore_mem>>) src(%arg6 : memref<128xf32, #tpu.memory_space<vmem>>) dst(%dma_wait3A_30 : memref<4096xf32, #tpu.memory_space<vmem_shared>>)
        tpu.yield
      }) : () -> ()
      %scan3A_28 = arith.constant 0 : i32
      scf.yield %scan3A_28 : i32
    }
    %scan3A_17 = arith.constant 16 : i32
    %barrier3A_18 = arith.constant 0 : index
    tpu.barrier barrier_id(%barrier3A_18)
    %mul3A_19 = arith.constant 256 : i32
    %mul3A_20 = arith.muli %arg1, %mul3A_19 : i32
    %mul3A_21 = arith.constant 256 : i32
    %mul3A_22 = arith.muli %arg1, %mul3A_21 : i32
    "tpu.region"() ({
      %run_scoped3A = tpu.sem_alloc : memref<!tpu.dma_semaphore, #tpu.memory_space<semaphore_mem>>
      %dma_start3A = tpu.memref_slice %arg4[%arg0, %mul3A_22] : memref<2x4096xf32, #tpu.memory_space<hbm>> -> memref<1x256xf32, #tpu.memory_space<hbm>>
      %dma_start3A_23 = tpu.memref_squeeze %dma_start3A : memref<1x256xf32, #tpu.memory_space<hbm>> -> memref<256xf32, #tpu.memory_space<hbm>>
      %dma_start3A_24 = tpu.memref_slice %arg8[%mul3A_20] : memref<4096xf32, #tpu.memory_space<vmem_shared>> -> memref<256xf32, #tpu.memory_space<vmem_shared>>
      tpu.enqueue_dma source(%dma_start3A_24 : memref<256xf32, #tpu.memory_space<vmem_shared>>) target(%dma_start3A_23 : memref<256xf32, #tpu.memory_space<hbm>>) target_semaphore(%run_scoped3A : memref<!tpu.dma_semaphore, #tpu.memory_space<semaphore_mem>>)
      %dma_wait3A = tpu.memref_slice %arg4[%arg0, %mul3A_22] : memref<2x4096xf32, #tpu.memory_space<hbm>> -> memref<1x256xf32, #tpu.memory_space<hbm>>
      %dma_wait3A_25 = tpu.memref_squeeze %dma_wait3A : memref<1x256xf32, #tpu.memory_space<hbm>> -> memref<256xf32, #tpu.memory_space<hbm>>
      %dma_wait3A_26 = tpu.memref_slice %arg8[%mul3A_20] : memref<4096xf32, #tpu.memory_space<vmem_shared>> -> memref<256xf32, #tpu.memory_space<vmem_shared>>
      tpu.wait_dma2 semaphore(%run_scoped3A : memref<!tpu.dma_semaphore, #tpu.memory_space<semaphore_mem>>) src(%dma_wait3A_26 : memref<256xf32, #tpu.memory_space<vmem_shared>>) dst(%dma_wait3A_25 : memref<256xf32, #tpu.memory_space<hbm>>)
      tpu.yield
    }) : () -> ()
    return
  }
}

#map = affine_map<(d0, d1) -> (0, 0)>
#map1 = affine_map<(d0, d1) -> (0)>
module attributes {stable_mosaic.version = 14 : i64} {
  func.func @_sc_factors(%arg0: i32, %arg1: i32, %arg2: memref<512x128xi32, #tpu.memory_space<hbm>>, %arg3: memref<512x128xi32, #tpu.memory_space<hbm>>, %arg4: memref<512x128xf32, #tpu.memory_space<hbm>>, %arg5: memref<512x128xi32, #tpu.memory_space<hbm>>, %arg6: memref<512x128xi32, #tpu.memory_space<hbm>>, %arg7: memref<2048xi32, #tpu.memory_space<hbm>>, %arg8: memref<8388608xf32, #tpu.memory_space<hbm>>, %arg9: memref<8388608xf32, #tpu.memory_space<hbm>>, %arg10: memref<32x128xi32, #tpu.memory_space<vmem>>, %arg11: memref<32x128xi32, #tpu.memory_space<vmem>>, %arg12: memref<32x128xf32, #tpu.memory_space<vmem>>, %arg13: memref<32x128xi32, #tpu.memory_space<vmem>>, %arg14: memref<32x128xi32, #tpu.memory_space<vmem>>, %arg15: memref<32x128xi32, #tpu.memory_space<vmem>>, %arg16: memref<4096xf32, #tpu.memory_space<vmem>>, %arg17: memref<1x16xi32, #tpu.memory_space<vmem>>, %arg18: memref<1x16xf32, #tpu.memory_space<vmem>>, %arg19: memref<1052672xf32, #tpu.memory_space<vmem_shared>>, %arg20: memref<!tpu.dma_semaphore, #tpu.memory_space<semaphore_mem>>) attributes {dimension_semantics = [#tpu.dimension_semantics<core_parallel>, #tpu.dimension_semantics<subcore_parallel>], iteration_bounds = array<i64: 2, 16>, scalar_prefetch = 0 : i64, scratch_operands = 11 : i64, tpu.core_type = #tpu.core_type<sc_vector_subcore>, window_params = [{transform_indices = #map}, {transform_indices = #map}, {transform_indices = #map}, {transform_indices = #map}, {transform_indices = #map}, {transform_indices = #map1}, {transform_indices = #map1}, {transform_indices = #map1}]} {
    %mul3A = arith.constant 32 : i32
    %mul3A_0 = arith.muli %arg1, %mul3A : i32
    "tpu.region"() ({
      %run_scoped3A = tpu.sem_alloc : memref<!tpu.dma_semaphore, #tpu.memory_space<semaphore_mem>>
      %dma_start3A = arith.constant 0 : i32
      %dma_start3A_27 = tpu.memref_slice %arg2[%mul3A_0, %dma_start3A] : memref<512x128xi32, #tpu.memory_space<hbm>> -> memref<32x128xi32, #tpu.memory_space<hbm>>
      %dma_start3A_28 = arith.constant 0 : i32
      %dma_start3A_29 = tpu.memref_slice %arg2[%mul3A_0, %dma_start3A_28] : memref<512x128xi32, #tpu.memory_space<hbm>> -> memref<32x128xi32, #tpu.memory_space<hbm>>
      tpu.enqueue_dma source(%dma_start3A_29 : memref<32x128xi32, #tpu.memory_space<hbm>>) target(%arg10 : memref<32x128xi32, #tpu.memory_space<vmem>>) target_semaphore(%run_scoped3A : memref<!tpu.dma_semaphore, #tpu.memory_space<semaphore_mem>>)
      %dma_wait3A = arith.constant 0 : i32
      %dma_wait3A_30 = tpu.memref_slice %arg2[%mul3A_0, %dma_wait3A] : memref<512x128xi32, #tpu.memory_space<hbm>> -> memref<32x128xi32, #tpu.memory_space<hbm>>
      %dma_wait3A_31 = arith.constant 0 : i32
      %dma_wait3A_32 = tpu.memref_slice %arg2[%mul3A_0, %dma_wait3A_31] : memref<512x128xi32, #tpu.memory_space<hbm>> -> memref<32x128xi32, #tpu.memory_space<hbm>>
      tpu.wait_dma2 semaphore(%run_scoped3A : memref<!tpu.dma_semaphore, #tpu.memory_space<semaphore_mem>>) src(%dma_wait3A_32 : memref<32x128xi32, #tpu.memory_space<hbm>>) dst(%arg10 : memref<32x128xi32, #tpu.memory_space<vmem>>)
      tpu.yield
    }) : () -> ()
    "tpu.region"() ({
      %run_scoped3A = tpu.sem_alloc : memref<!tpu.dma_semaphore, #tpu.memory_space<semaphore_mem>>
      %dma_start3A = arith.constant 0 : i32
      %dma_start3A_27 = tpu.memref_slice %arg3[%mul3A_0, %dma_start3A] : memref<512x128xi32, #tpu.memory_space<hbm>> -> memref<32x128xi32, #tpu.memory_space<hbm>>
      %dma_start3A_28 = arith.constant 0 : i32
      %dma_start3A_29 = tpu.memref_slice %arg3[%mul3A_0, %dma_start3A_28] : memref<512x128xi32, #tpu.memory_space<hbm>> -> memref<32x128xi32, #tpu.memory_space<hbm>>
      tpu.enqueue_dma source(%dma_start3A_29 : memref<32x128xi32, #tpu.memory_space<hbm>>) target(%arg11 : memref<32x128xi32, #tpu.memory_space<vmem>>) target_semaphore(%run_scoped3A : memref<!tpu.dma_semaphore, #tpu.memory_space<semaphore_mem>>)
      %dma_wait3A = arith.constant 0 : i32
      %dma_wait3A_30 = tpu.memref_slice %arg3[%mul3A_0, %dma_wait3A] : memref<512x128xi32, #tpu.memory_space<hbm>> -> memref<32x128xi32, #tpu.memory_space<hbm>>
      %dma_wait3A_31 = arith.constant 0 : i32
      %dma_wait3A_32 = tpu.memref_slice %arg3[%mul3A_0, %dma_wait3A_31] : memref<512x128xi32, #tpu.memory_space<hbm>> -> memref<32x128xi32, #tpu.memory_space<hbm>>
      tpu.wait_dma2 semaphore(%run_scoped3A : memref<!tpu.dma_semaphore, #tpu.memory_space<semaphore_mem>>) src(%dma_wait3A_32 : memref<32x128xi32, #tpu.memory_space<hbm>>) dst(%arg11 : memref<32x128xi32, #tpu.memory_space<vmem>>)
      tpu.yield
    }) : () -> ()
    "tpu.region"() ({
      %run_scoped3A = tpu.sem_alloc : memref<!tpu.dma_semaphore, #tpu.memory_space<semaphore_mem>>
      %dma_start3A = arith.constant 0 : i32
      %dma_start3A_27 = tpu.memref_slice %arg4[%mul3A_0, %dma_start3A] : memref<512x128xf32, #tpu.memory_space<hbm>> -> memref<32x128xf32, #tpu.memory_space<hbm>>
      %dma_start3A_28 = arith.constant 0 : i32
      %dma_start3A_29 = tpu.memref_slice %arg4[%mul3A_0, %dma_start3A_28] : memref<512x128xf32, #tpu.memory_space<hbm>> -> memref<32x128xf32, #tpu.memory_space<hbm>>
      tpu.enqueue_dma source(%dma_start3A_29 : memref<32x128xf32, #tpu.memory_space<hbm>>) target(%arg12 : memref<32x128xf32, #tpu.memory_space<vmem>>) target_semaphore(%run_scoped3A : memref<!tpu.dma_semaphore, #tpu.memory_space<semaphore_mem>>)
      %dma_wait3A = arith.constant 0 : i32
      %dma_wait3A_30 = tpu.memref_slice %arg4[%mul3A_0, %dma_wait3A] : memref<512x128xf32, #tpu.memory_space<hbm>> -> memref<32x128xf32, #tpu.memory_space<hbm>>
      %dma_wait3A_31 = arith.constant 0 : i32
      %dma_wait3A_32 = tpu.memref_slice %arg4[%mul3A_0, %dma_wait3A_31] : memref<512x128xf32, #tpu.memory_space<hbm>> -> memref<32x128xf32, #tpu.memory_space<hbm>>
      tpu.wait_dma2 semaphore(%run_scoped3A : memref<!tpu.dma_semaphore, #tpu.memory_space<semaphore_mem>>) src(%dma_wait3A_32 : memref<32x128xf32, #tpu.memory_space<hbm>>) dst(%arg12 : memref<32x128xf32, #tpu.memory_space<vmem>>)
      tpu.yield
    }) : () -> ()
    "tpu.region"() ({
      %run_scoped3A = tpu.sem_alloc : memref<!tpu.dma_semaphore, #tpu.memory_space<semaphore_mem>>
      %dma_start3A = arith.constant 0 : i32
      %dma_start3A_27 = tpu.memref_slice %arg5[%mul3A_0, %dma_start3A] : memref<512x128xi32, #tpu.memory_space<hbm>> -> memref<32x128xi32, #tpu.memory_space<hbm>>
      %dma_start3A_28 = arith.constant 0 : i32
      %dma_start3A_29 = tpu.memref_slice %arg5[%mul3A_0, %dma_start3A_28] : memref<512x128xi32, #tpu.memory_space<hbm>> -> memref<32x128xi32, #tpu.memory_space<hbm>>
      tpu.enqueue_dma source(%dma_start3A_29 : memref<32x128xi32, #tpu.memory_space<hbm>>) target(%arg13 : memref<32x128xi32, #tpu.memory_space<vmem>>) target_semaphore(%run_scoped3A : memref<!tpu.dma_semaphore, #tpu.memory_space<semaphore_mem>>)
      %dma_wait3A = arith.constant 0 : i32
      %dma_wait3A_30 = tpu.memref_slice %arg5[%mul3A_0, %dma_wait3A] : memref<512x128xi32, #tpu.memory_space<hbm>> -> memref<32x128xi32, #tpu.memory_space<hbm>>
      %dma_wait3A_31 = arith.constant 0 : i32
      %dma_wait3A_32 = tpu.memref_slice %arg5[%mul3A_0, %dma_wait3A_31] : memref<512x128xi32, #tpu.memory_space<hbm>> -> memref<32x128xi32, #tpu.memory_space<hbm>>
      tpu.wait_dma2 semaphore(%run_scoped3A : memref<!tpu.dma_semaphore, #tpu.memory_space<semaphore_mem>>) src(%dma_wait3A_32 : memref<32x128xi32, #tpu.memory_space<hbm>>) dst(%arg13 : memref<32x128xi32, #tpu.memory_space<vmem>>)
      tpu.yield
    }) : () -> ()
    "tpu.region"() ({
      %run_scoped3A = tpu.sem_alloc : memref<!tpu.dma_semaphore, #tpu.memory_space<semaphore_mem>>
      %dma_start3A = arith.constant 0 : i32
      %dma_start3A_27 = tpu.memref_slice %arg6[%mul3A_0, %dma_start3A] : memref<512x128xi32, #tpu.memory_space<hbm>> -> memref<32x128xi32, #tpu.memory_space<hbm>>
      %dma_start3A_28 = arith.constant 0 : i32
      %dma_start3A_29 = tpu.memref_slice %arg6[%mul3A_0, %dma_start3A_28] : memref<512x128xi32, #tpu.memory_space<hbm>> -> memref<32x128xi32, #tpu.memory_space<hbm>>
      tpu.enqueue_dma source(%dma_start3A_29 : memref<32x128xi32, #tpu.memory_space<hbm>>) target(%arg14 : memref<32x128xi32, #tpu.memory_space<vmem>>) target_semaphore(%run_scoped3A : memref<!tpu.dma_semaphore, #tpu.memory_space<semaphore_mem>>)
      %dma_wait3A = arith.constant 0 : i32
      %dma_wait3A_30 = tpu.memref_slice %arg6[%mul3A_0, %dma_wait3A] : memref<512x128xi32, #tpu.memory_space<hbm>> -> memref<32x128xi32, #tpu.memory_space<hbm>>
      %dma_wait3A_31 = arith.constant 0 : i32
      %dma_wait3A_32 = tpu.memref_slice %arg6[%mul3A_0, %dma_wait3A_31] : memref<512x128xi32, #tpu.memory_space<hbm>> -> memref<32x128xi32, #tpu.memory_space<hbm>>
      tpu.wait_dma2 semaphore(%run_scoped3A : memref<!tpu.dma_semaphore, #tpu.memory_space<semaphore_mem>>) src(%dma_wait3A_32 : memref<32x128xi32, #tpu.memory_space<hbm>>) dst(%arg14 : memref<32x128xi32, #tpu.memory_space<vmem>>)
      tpu.yield
    }) : () -> ()
    %scan3A = arith.constant 0 : i32
    %scan3A_1 = arith.constant 0 : i32
    %scan3A_2 = arith.constant 256 : i32
    %scan3A_3 = arith.addi %scan3A_1, %scan3A_2 : i32
    %scan3A_4 = arith.constant 1 : i32
    %scan3A_5 = scf.for %scan3A_27 = %scan3A_1 to %scan3A_3 step %scan3A_4 iter_args(%scan3A_28 = %scan3A) -> (i32)  : i32 {
      %broadcast_in_dim3A_29 = arith.constant 0.000000e+00 : f32
      %broadcast_in_dim3A_30 = vector.broadcast %broadcast_in_dim3A_29 : f32 to vector<16xf32>
      %mul3A_31 = arith.constant 16 : i32
      %mul3A_32 = arith.muli %scan3A_27, %mul3A_31 : i32
      %swap3A_33 = arith.index_cast %mul3A_32 : i32 to index
      %swap3A_34 = tpu.vector_load %arg16[%swap3A_33] {strides = array<i32>} : memref<4096xf32, #tpu.memory_space<vmem>>, vector<16xf32>,
      %swap3A_35 = vector.shape_cast %swap3A_34 : vector<16xf32> to vector<16xf32>
      %swap3A_36 = vector.shape_cast %broadcast_in_dim3A_30 : vector<16xf32> to vector<16xf32>
      tpu.vector_store %arg16[%swap3A_33], %swap3A_36 {strides = array<i32>} : memref<4096xf32, #tpu.memory_space<vmem>>, vector<16xf32>,
      %scan3A_37 = arith.constant 0 : i32
      scf.yield %scan3A_37 : i32
    }
    %scan3A_6 = arith.constant 256 : i32
    %broadcast_in_dim3A = arith.constant 1.000000e+00 : f32
    %broadcast_in_dim3A_7 = vector.broadcast %broadcast_in_dim3A : f32 to vector<16xf32>
    %swap3A = arith.constant 0 : i32
    %swap3A_8 = arith.index_cast %swap3A : i32 to index
    %swap3A_9 = arith.constant 0 : index
    %swap3A_10 = tpu.vector_load %arg18[%swap3A_8, %swap3A_9] {strides = array<i32>} : memref<1x16xf32, #tpu.memory_space<vmem>>, vector<1x16xf32>,
    %swap3A_11 = vector.shape_cast %swap3A_10 : vector<1x16xf32> to vector<16xf32>
    %swap3A_12 = vector.shape_cast %broadcast_in_dim3A_7 : vector<16xf32> to vector<1x16xf32>
    tpu.vector_store %arg18[%swap3A_8, %swap3A_9], %swap3A_12 {strides = array<i32>} : memref<1x16xf32, #tpu.memory_space<vmem>>, vector<1x16xf32>,
    %scan3A_13 = arith.constant 0 : i32
    %scan3A_14 = arith.constant 0 : i32
    %scan3A_15 = arith.constant 4 : i32
    %scan3A_16 = arith.addi %scan3A_14, %scan3A_15 : i32
    %scan3A_17 = arith.constant 1 : i32
    %scan3A_18 = scf.for %scan3A_27 = %scan3A_14 to %scan3A_16 step %scan3A_17 iter_args(%scan3A_28 = %scan3A_13) -> (i32)  : i32 {
      %mul3A_29 = arith.constant 2 : i32
      %mul3A_30 = arith.muli %scan3A_27, %mul3A_29 : i32
      %add3A = arith.addi %mul3A_30, %arg0 : i32
      %mul3A_31 = arith.constant 256 : i32
      %mul3A_32 = arith.muli %add3A, %mul3A_31 : i32
      %scan3A_33 = arith.constant 0 : i32
      %scan3A_34 = arith.constant 0 : i32
      %scan3A_35 = arith.constant 16 : i32
      %scan3A_36 = arith.addi %scan3A_34, %scan3A_35 : i32
      %scan3A_37 = arith.constant 1 : i32
      %scan3A_38 = scf.for %scan3A_82 = %scan3A_34 to %scan3A_36 step %scan3A_37 iter_args(%scan3A_83 = %scan3A_33) -> (i32)  : i32 {
        %mul3A_84 = arith.constant 16 : i32
        %mul3A_85 = arith.muli %arg1, %mul3A_84 : i32
        %add3A_86 = arith.addi %mul3A_85, %scan3A_82 : i32
        %mul3A_87 = arith.constant 4096 : i32
        %mul3A_88 = arith.muli %add3A_86, %mul3A_87 : i32
        "tpu.region"() ({
          %run_scoped3A_90 = tpu.sem_alloc : memref<!tpu.dma_semaphore, #tpu.memory_space<semaphore_mem>>
          %dma_start3A = tpu.memref_slice %arg19[%mul3A_88] : memref<1052672xf32, #tpu.memory_space<vmem_shared>> -> memref<4096xf32, #tpu.memory_space<vmem_shared>>
          %dma_start3A_91 = tpu.memref_slice %arg19[%mul3A_88] : memref<1052672xf32, #tpu.memory_space<vmem_shared>> -> memref<4096xf32, #tpu.memory_space<vmem_shared>>
          tpu.enqueue_dma source(%arg16 : memref<4096xf32, #tpu.memory_space<vmem>>) target(%dma_start3A_91 : memref<4096xf32, #tpu.memory_space<vmem_shared>>) target_semaphore(%run_scoped3A_90 : memref<!tpu.dma_semaphore, #tpu.memory_space<semaphore_mem>>)
          %dma_wait3A = tpu.memref_slice %arg19[%mul3A_88] : memref<1052672xf32, #tpu.memory_space<vmem_shared>> -> memref<4096xf32, #tpu.memory_space<vmem_shared>>
          %dma_wait3A_92 = tpu.memref_slice %arg19[%mul3A_88] : memref<1052672xf32, #tpu.memory_space<vmem_shared>> -> memref<4096xf32, #tpu.memory_space<vmem_shared>>
          tpu.wait_dma2 semaphore(%run_scoped3A_90 : memref<!tpu.dma_semaphore, #tpu.memory_space<semaphore_mem>>) src(%arg16 : memref<4096xf32, #tpu.memory_space<vmem>>) dst(%dma_wait3A_92 : memref<4096xf32, #tpu.memory_space<vmem_shared>>)
          tpu.yield
        }) : () -> ()
        %scan3A_89 = arith.constant 0 : i32
        scf.yield %scan3A_89 : i32
      }
      %scan3A_39 = arith.constant 16 : i32
      %barrier3A = arith.constant 0 : index
      tpu.barrier barrier_id(%barrier3A)
      %scan3A_40 = arith.constant 0 : i32
      %scan3A_41 = arith.constant 0 : i32
      %scan3A_42 = arith.constant 32 : i32
      %scan3A_43 = arith.addi %scan3A_41, %scan3A_42 : i32
      %scan3A_44 = arith.constant 1 : i32
      %scan3A_45 = scf.for %scan3A_82 = %scan3A_41 to %scan3A_43 step %scan3A_44 iter_args(%scan3A_83 = %scan3A_40) -> (i32)  : i32 {
        %scan3A_84 = arith.constant 0 : i32
        %scan3A_85 = arith.constant 0 : i32
        %scan3A_86 = arith.constant 8 : i32
        %scan3A_87 = arith.addi %scan3A_85, %scan3A_86 : i32
        %scan3A_88 = arith.constant 1 : i32
        %scan3A_89 = scf.for %scan3A_92 = %scan3A_85 to %scan3A_87 step %scan3A_88 iter_args(%scan3A_93 = %scan3A_84) -> (i32)  : i32 {
          %mul3A_94 = arith.constant 16 : i32
          %mul3A_95 = arith.muli %scan3A_92, %mul3A_94 : i32
          %get3A_96 = arith.index_cast %scan3A_82 : i32 to index
          %get3A_97 = arith.index_cast %mul3A_95 : i32 to index
          %get3A_98 = tpu.vector_load %arg13[%get3A_96, %get3A_97] {strides = array<i32>} : memref<32x128xi32, #tpu.memory_space<vmem>>, vector<1x16xi32>,
          %get3A_99 = vector.shape_cast %get3A_98 : vector<1x16xi32> to vector<16xi32>
          %mul3A_100 = arith.constant 16 : i32
          %mul3A_101 = arith.muli %scan3A_92, %mul3A_100 : i32
          %get3A_102 = arith.index_cast %scan3A_82 : i32 to index
          %get3A_103 = arith.index_cast %mul3A_101 : i32 to index
          %get3A_104 = tpu.vector_load %arg10[%get3A_102, %get3A_103] {strides = array<i32>} : memref<32x128xi32, #tpu.memory_space<vmem>>, vector<1x16xi32>,
          %get3A_105 = vector.shape_cast %get3A_104 : vector<1x16xi32> to vector<16xi32>
          %mul3A_106 = arith.constant 16 : i32
          %mul3A_107 = arith.muli %scan3A_92, %mul3A_106 : i32
          %get3A_108 = arith.index_cast %scan3A_82 : i32 to index
          %get3A_109 = arith.index_cast %mul3A_107 : i32 to index
          %get3A_110 = tpu.vector_load %arg11[%get3A_108, %get3A_109] {strides = array<i32>} : memref<32x128xi32, #tpu.memory_space<vmem>>, vector<1x16xi32>,
          %get3A_111 = vector.shape_cast %get3A_110 : vector<1x16xi32> to vector<16xi32>
          %sub3A = vector.broadcast %mul3A_32 : i32 to vector<16xi32>
          %sub3A_112 = arith.subi %get3A_99, %sub3A : vector<16xi32>
          %ge3A = arith.constant 0 : i32
          %ge3A_113 = vector.broadcast %ge3A : i32 to vector<16xi32>
          %ge3A_114 = arith.cmpi sge, %get3A_99, %ge3A_113 : vector<16xi32>
          %ne3A = arith.cmpi ne, %get3A_105, %get3A_111 : vector<16xi32>
          %and3A = arith.andi %ge3A_114, %ne3A : vector<16xi1>
          %ge3A_115 = arith.constant 0 : i32
          %ge3A_116 = vector.broadcast %ge3A_115 : i32 to vector<16xi32>
          %ge3A_117 = arith.cmpi sge, %sub3A_112, %ge3A_116 : vector<16xi32>
          %and3A_118 = arith.andi %and3A, %ge3A_117 : vector<16xi1>
          %lt3A = arith.constant 256 : i32
          %lt3A_119 = vector.broadcast %lt3A : i32 to vector<16xi32>
          %lt3A_120 = arith.cmpi slt, %sub3A_112, %lt3A_119 : vector<16xi32>
          %and3A_121 = arith.andi %and3A_118, %lt3A_120 : vector<16xi1>
          %mul3A_122 = arith.constant 4096 : i32
          %mul3A_123 = vector.broadcast %mul3A_122 : i32 to vector<16xi32>
          %mul3A_124 = arith.muli %sub3A_112, %mul3A_123 : vector<16xi32>
          %add3A_125 = arith.addi %mul3A_124, %get3A_105 : vector<16xi32>
          %jit3A = arith.constant 1048576 : i32
          %broadcast_in_dim3A_126 = vector.broadcast %jit3A : i32 to vector<16xi32>
          %select_n3A = arith.select %and3A_121, %add3A_125, %broadcast_in_dim3A_126 : vector<16xi1>, vector<16xi32>
          %mul3A_127 = arith.constant 16 : i32
          %mul3A_128 = arith.muli %scan3A_92, %mul3A_127 : i32
          %swap3A_129 = arith.index_cast %scan3A_82 : i32 to index
          %swap3A_130 = arith.index_cast %mul3A_128 : i32 to index
          %swap3A_131 = tpu.vector_load %arg15[%swap3A_129, %swap3A_130] {strides = array<i32>} : memref<32x128xi32, #tpu.memory_space<vmem>>, vector<1x16xi32>,
          %swap3A_132 = vector.shape_cast %swap3A_131 : vector<1x16xi32> to vector<16xi32>
          %swap3A_133 = vector.shape_cast %select_n3A : vector<16xi32> to vector<1x16xi32>
          tpu.vector_store %arg15[%swap3A_129, %swap3A_130], %swap3A_133 {strides = array<i32>} : memref<32x128xi32, #tpu.memory_space<vmem>>, vector<1x16xi32>,
          %scan3A_134 = arith.constant 0 : i32
          scf.yield %scan3A_134 : i32
        }
        %scan3A_90 = arith.constant 8 : i32
        "tpu.region"() ({
          %run_scoped3A_92 = tpu.sem_alloc : memref<!tpu.dma_semaphore, #tpu.memory_space<semaphore_mem>>
          %dma_start3A = arith.constant 0 : i32
          %dma_start3A_93 = tpu.memref_slice %arg12[%scan3A_82, %dma_start3A] : memref<32x128xf32, #tpu.memory_space<vmem>> -> memref<1x128xf32, #tpu.memory_space<vmem>>
          %dma_start3A_94 = tpu.memref_squeeze %dma_start3A_93 : memref<1x128xf32, #tpu.memory_space<vmem>> -> memref<128xf32, #tpu.memory_space<vmem>>
          %dma_start3A_95 = arith.constant 0 : i32
          %dma_start3A_96 = tpu.memref_slice %arg15[%scan3A_82, %dma_start3A_95] : memref<32x128xi32, #tpu.memory_space<vmem>> -> memref<1x128xi32, #tpu.memory_space<vmem>>
          %dma_start3A_97 = tpu.memref_squeeze %dma_start3A_96 : memref<1x128xi32, #tpu.memory_space<vmem>> -> memref<128xi32, #tpu.memory_space<vmem>>
          %dma_start3A_98 = arith.constant 0 : i32
          %dma_start3A_99 = tpu.memref_slice %arg19[%dma_start3A_98] : memref<1052672xf32, #tpu.memory_space<vmem_shared>> -> memref<1052672xf32, #tpu.memory_space<vmem_shared>>
          tpu.enqueue_indirect_dma source(%dma_start3A_94 : memref<128xf32, #tpu.memory_space<vmem>>) target(%dma_start3A_99 : memref<1052672xf32, #tpu.memory_space<vmem_shared>>) offsets(%dma_start3A_97 : memref<128xi32, #tpu.memory_space<vmem>>) semaphore(%run_scoped3A_92 : memref<!tpu.dma_semaphore, #tpu.memory_space<semaphore_mem>>) {add = true}
          %dma_wait3A = arith.constant 0 : i32
          %dma_wait3A_100 = tpu.memref_slice %arg12[%scan3A_82, %dma_wait3A] : memref<32x128xf32, #tpu.memory_space<vmem>> -> memref<1x128xf32, #tpu.memory_space<vmem>>
          %dma_wait3A_101 = tpu.memref_squeeze %dma_wait3A_100 : memref<1x128xf32, #tpu.memory_space<vmem>> -> memref<128xf32, #tpu.memory_space<vmem>>
          %dma_wait3A_102 = arith.constant 0 : i32
          %dma_wait3A_103 = tpu.memref_slice %arg15[%scan3A_82, %dma_wait3A_102] : memref<32x128xi32, #tpu.memory_space<vmem>> -> memref<1x128xi32, #tpu.memory_space<vmem>>
          %dma_wait3A_104 = tpu.memref_squeeze %dma_wait3A_103 : memref<1x128xi32, #tpu.memory_space<vmem>> -> memref<128xi32, #tpu.memory_space<vmem>>
          %dma_wait3A_105 = arith.constant 0 : i32
          %dma_wait3A_106 = tpu.memref_slice %arg19[%dma_wait3A_105] : memref<1052672xf32, #tpu.memory_space<vmem_shared>> -> memref<1052672xf32, #tpu.memory_space<vmem_shared>>
          tpu.wait_indirect_dma semaphore(%run_scoped3A_92 : memref<!tpu.dma_semaphore, #tpu.memory_space<semaphore_mem>>) src(%dma_wait3A_101 : memref<128xf32, #tpu.memory_space<vmem>>) dst(%dma_wait3A_106 : memref<1052672xf32, #tpu.memory_space<vmem_shared>>)
          tpu.yield
        }) : () -> ()
        %scan3A_91 = arith.constant 0 : i32
        scf.yield %scan3A_91 : i32
      }
      %scan3A_46 = arith.constant 32 : i32
      %mul3A_47 = arith.constant 16 : i32
      %mul3A_48 = arith.muli %arg1, %mul3A_47 : i32
      %add3A_49 = arith.addi %mul3A_32, %mul3A_48 : i32
      %run_scoped3A = arith.constant 0 : i32
      "tpu.region"() ({
        %run_scoped3A_82 = tpu.sem_alloc : memref<!tpu.dma_semaphore, #tpu.memory_space<semaphore_mem>>
        %dma_start3A = arith.constant 0 : i32
        %dma_start3A_83 = tpu.memref_slice %arg17[%run_scoped3A, %dma_start3A] : memref<1x16xi32, #tpu.memory_space<vmem>> -> memref<1x16xi32, #tpu.memory_space<vmem>>
        %dma_start3A_84 = tpu.memref_squeeze %dma_start3A_83 : memref<1x16xi32, #tpu.memory_space<vmem>> -> memref<16xi32, #tpu.memory_space<vmem>>
        %dma_start3A_85 = tpu.memref_slice %arg7[%add3A_49] : memref<2048xi32, #tpu.memory_space<hbm>> -> memref<16xi32, #tpu.memory_space<hbm>>
        %dma_start3A_86 = arith.constant 0 : i32
        %dma_start3A_87 = tpu.memref_slice %arg17[%run_scoped3A, %dma_start3A_86] : memref<1x16xi32, #tpu.memory_space<vmem>> -> memref<1x16xi32, #tpu.memory_space<vmem>>
        %dma_start3A_88 = tpu.memref_squeeze %dma_start3A_87 : memref<1x16xi32, #tpu.memory_space<vmem>> -> memref<16xi32, #tpu.memory_space<vmem>>
        %dma_start3A_89 = tpu.memref_slice %arg7[%add3A_49] : memref<2048xi32, #tpu.memory_space<hbm>> -> memref<16xi32, #tpu.memory_space<hbm>>
        tpu.enqueue_dma source(%dma_start3A_89 : memref<16xi32, #tpu.memory_space<hbm>>) target(%dma_start3A_88 : memref<16xi32, #tpu.memory_space<vmem>>) target_semaphore(%run_scoped3A_82 : memref<!tpu.dma_semaphore, #tpu.memory_space<semaphore_mem>>)
        %dma_wait3A = arith.constant 0 : i32
        %dma_wait3A_90 = tpu.memref_slice %arg17[%run_scoped3A, %dma_wait3A] : memref<1x16xi32, #tpu.memory_space<vmem>> -> memref<1x16xi32, #tpu.memory_space<vmem>>
        %dma_wait3A_91 = tpu.memref_squeeze %dma_wait3A_90 : memref<1x16xi32, #tpu.memory_space<vmem>> -> memref<16xi32, #tpu.memory_space<vmem>>
        %dma_wait3A_92 = tpu.memref_slice %arg7[%add3A_49] : memref<2048xi32, #tpu.memory_space<hbm>> -> memref<16xi32, #tpu.memory_space<hbm>>
        %dma_wait3A_93 = arith.constant 0 : i32
        %dma_wait3A_94 = tpu.memref_slice %arg17[%run_scoped3A, %dma_wait3A_93] : memref<1x16xi32, #tpu.memory_space<vmem>> -> memref<1x16xi32, #tpu.memory_space<vmem>>
        %dma_wait3A_95 = tpu.memref_squeeze %dma_wait3A_94 : memref<1x16xi32, #tpu.memory_space<vmem>> -> memref<16xi32, #tpu.memory_space<vmem>>
        %dma_wait3A_96 = tpu.memref_slice %arg7[%add3A_49] : memref<2048xi32, #tpu.memory_space<hbm>> -> memref<16xi32, #tpu.memory_space<hbm>>
        tpu.wait_dma2 semaphore(%run_scoped3A_82 : memref<!tpu.dma_semaphore, #tpu.memory_space<semaphore_mem>>) src(%dma_wait3A_96 : memref<16xi32, #tpu.memory_space<hbm>>) dst(%dma_wait3A_95 : memref<16xi32, #tpu.memory_space<vmem>>)
        tpu.yield
      }) : () -> ()
      %get3A = arith.constant 0 : i32
      %get3A_50 = arith.index_cast %get3A : i32 to index
      %get3A_51 = arith.constant 0 : index
      %get3A_52 = tpu.vector_load %arg17[%get3A_50, %get3A_51] {strides = array<i32>} : memref<1x16xi32, #tpu.memory_space<vmem>>, vector<1x16xi32>,
      %get3A_53 = vector.shape_cast %get3A_52 : vector<1x16xi32> to vector<16xi32>
      %iota3A = tpu.iota {dimensions = array<i32: 0>} : vector<16xi32>
      %mul3A_54 = arith.constant 16 : i32
      %mul3A_55 = arith.muli %arg1, %mul3A_54 : i32
      %add3A_56 = vector.broadcast %mul3A_55 : i32 to vector<16xi32>
      %add3A_57 = arith.addi %iota3A, %add3A_56 : vector<16xi32>
      %mul3A_58 = arith.constant 4096 : i32
      %mul3A_59 = vector.broadcast %mul3A_58 : i32 to vector<16xi32>
      %mul3A_60 = arith.muli %add3A_57, %mul3A_59 : vector<16xi32>
      %add3A_61 = arith.addi %mul3A_60, %get3A_53 : vector<16xi32>
      %swap3A_62 = arith.constant 0 : i32
      %swap3A_63 = arith.index_cast %swap3A_62 : i32 to index
      %swap3A_64 = arith.constant 0 : index
      %swap3A_65 = tpu.vector_load %arg17[%swap3A_63, %swap3A_64] {strides = array<i32>} : memref<1x16xi32, #tpu.memory_space<vmem>>, vector<1x16xi32>,
      %swap3A_66 = vector.shape_cast %swap3A_65 : vector<1x16xi32> to vector<16xi32>
      %swap3A_67 = vector.shape_cast %add3A_61 : vector<16xi32> to vector<1x16xi32>
      tpu.vector_store %arg17[%swap3A_63, %swap3A_64], %swap3A_67 {strides = array<i32>} : memref<1x16xi32, #tpu.memory_space<vmem>>, vector<1x16xi32>,
      %run_scoped3A_68 = arith.constant 0 : i32
      %run_scoped3A_69 = arith.constant 0 : i32
      "tpu.region"() ({
        %run_scoped3A_82 = tpu.sem_alloc : memref<!tpu.dma_semaphore, #tpu.memory_space<semaphore_mem>>
        %dma_start3A = arith.constant 0 : i32
        %dma_start3A_83 = tpu.memref_slice %arg18[%run_scoped3A_68, %dma_start3A] : memref<1x16xf32, #tpu.memory_space<vmem>> -> memref<1x16xf32, #tpu.memory_space<vmem>>
        %dma_start3A_84 = tpu.memref_squeeze %dma_start3A_83 : memref<1x16xf32, #tpu.memory_space<vmem>> -> memref<16xf32, #tpu.memory_space<vmem>>
        %dma_start3A_85 = arith.constant 0 : i32
        %dma_start3A_86 = tpu.memref_slice %arg17[%run_scoped3A_69, %dma_start3A_85] : memref<1x16xi32, #tpu.memory_space<vmem>> -> memref<1x16xi32, #tpu.memory_space<vmem>>
        %dma_start3A_87 = tpu.memref_squeeze %dma_start3A_86 : memref<1x16xi32, #tpu.memory_space<vmem>> -> memref<16xi32, #tpu.memory_space<vmem>>
        %dma_start3A_88 = arith.constant 0 : i32
        %dma_start3A_89 = tpu.memref_slice %arg19[%dma_start3A_88] : memref<1052672xf32, #tpu.memory_space<vmem_shared>> -> memref<1052672xf32, #tpu.memory_space<vmem_shared>>
        tpu.enqueue_indirect_dma source(%dma_start3A_84 : memref<16xf32, #tpu.memory_space<vmem>>) target(%dma_start3A_89 : memref<1052672xf32, #tpu.memory_space<vmem_shared>>) offsets(%dma_start3A_87 : memref<16xi32, #tpu.memory_space<vmem>>) semaphore(%run_scoped3A_82 : memref<!tpu.dma_semaphore, #tpu.memory_space<semaphore_mem>>) {add = true}
        %dma_wait3A = arith.constant 0 : i32
        %dma_wait3A_90 = tpu.memref_slice %arg18[%run_scoped3A_68, %dma_wait3A] : memref<1x16xf32, #tpu.memory_space<vmem>> -> memref<1x16xf32, #tpu.memory_space<vmem>>
        %dma_wait3A_91 = tpu.memref_squeeze %dma_wait3A_90 : memref<1x16xf32, #tpu.memory_space<vmem>> -> memref<16xf32, #tpu.memory_space<vmem>>
        %dma_wait3A_92 = arith.constant 0 : i32
        %dma_wait3A_93 = tpu.memref_slice %arg17[%run_scoped3A_69, %dma_wait3A_92] : memref<1x16xi32, #tpu.memory_space<vmem>> -> memref<1x16xi32, #tpu.memory_space<vmem>>
        %dma_wait3A_94 = tpu.memref_squeeze %dma_wait3A_93 : memref<1x16xi32, #tpu.memory_space<vmem>> -> memref<16xi32, #tpu.memory_space<vmem>>
        %dma_wait3A_95 = arith.constant 0 : i32
        %dma_wait3A_96 = tpu.memref_slice %arg19[%dma_wait3A_95] : memref<1052672xf32, #tpu.memory_space<vmem_shared>> -> memref<1052672xf32, #tpu.memory_space<vmem_shared>>
        tpu.wait_indirect_dma semaphore(%run_scoped3A_82 : memref<!tpu.dma_semaphore, #tpu.memory_space<semaphore_mem>>) src(%dma_wait3A_91 : memref<16xf32, #tpu.memory_space<vmem>>) dst(%dma_wait3A_96 : memref<1052672xf32, #tpu.memory_space<vmem_shared>>)
        tpu.yield
      }) : () -> ()
      %barrier3A_70 = arith.constant 0 : index
      tpu.barrier barrier_id(%barrier3A_70)
      %mul3A_71 = arith.constant 16 : i32
      %mul3A_72 = arith.muli %arg1, %mul3A_71 : i32
      %mul3A_73 = arith.constant 4096 : i32
      %mul3A_74 = arith.muli %mul3A_72, %mul3A_73 : i32
      %mul3A_75 = arith.constant 16 : i32
      %mul3A_76 = arith.muli %arg1, %mul3A_75 : i32
      %add3A_77 = arith.addi %mul3A_32, %mul3A_76 : i32
      %mul3A_78 = arith.constant 4096 : i32
      %mul3A_79 = arith.muli %add3A_77, %mul3A_78 : i32
      "tpu.region"() ({
        %run_scoped3A_82 = tpu.sem_alloc : memref<!tpu.dma_semaphore, #tpu.memory_space<semaphore_mem>>
        %dma_start3A = tpu.memref_slice %arg8[%mul3A_79] : memref<8388608xf32, #tpu.memory_space<hbm>> -> memref<65536xf32, #tpu.memory_space<hbm>>
        %dma_start3A_83 = tpu.memref_slice %arg19[%mul3A_74] : memref<1052672xf32, #tpu.memory_space<vmem_shared>> -> memref<65536xf32, #tpu.memory_space<vmem_shared>>
        tpu.enqueue_dma source(%dma_start3A_83 : memref<65536xf32, #tpu.memory_space<vmem_shared>>) target(%dma_start3A : memref<65536xf32, #tpu.memory_space<hbm>>) target_semaphore(%run_scoped3A_82 : memref<!tpu.dma_semaphore, #tpu.memory_space<semaphore_mem>>)
        %dma_wait3A = tpu.memref_slice %arg8[%mul3A_79] : memref<8388608xf32, #tpu.memory_space<hbm>> -> memref<65536xf32, #tpu.memory_space<hbm>>
        %dma_wait3A_84 = tpu.memref_slice %arg19[%mul3A_74] : memref<1052672xf32, #tpu.memory_space<vmem_shared>> -> memref<65536xf32, #tpu.memory_space<vmem_shared>>
        tpu.wait_dma2 semaphore(%run_scoped3A_82 : memref<!tpu.dma_semaphore, #tpu.memory_space<semaphore_mem>>) src(%dma_wait3A_84 : memref<65536xf32, #tpu.memory_space<vmem_shared>>) dst(%dma_wait3A : memref<65536xf32, #tpu.memory_space<hbm>>)
        tpu.yield
      }) : () -> ()
      %barrier3A_80 = arith.constant 0 : index
      tpu.barrier barrier_id(%barrier3A_80)
      %scan3A_81 = arith.constant 0 : i32
      scf.yield %scan3A_81 : i32
    }
    %scan3A_19 = arith.constant 4 : i32
    %scan3A_20 = arith.constant 0 : i32
    %scan3A_21 = arith.constant 0 : i32
    %scan3A_22 = arith.constant 4 : i32
    %scan3A_23 = arith.addi %scan3A_21, %scan3A_22 : i32
    %scan3A_24 = arith.constant 1 : i32
    %scan3A_25 = scf.for %scan3A_27 = %scan3A_21 to %scan3A_23 step %scan3A_24 iter_args(%scan3A_28 = %scan3A_20) -> (i32)  : i32 {
      %mul3A_29 = arith.constant 2 : i32
      %mul3A_30 = arith.muli %scan3A_27, %mul3A_29 : i32
      %add3A = arith.addi %mul3A_30, %arg0 : i32
      %mul3A_31 = arith.constant 256 : i32
      %mul3A_32 = arith.muli %add3A, %mul3A_31 : i32
      %scan3A_33 = arith.constant 0 : i32
      %scan3A_34 = arith.constant 0 : i32
      %scan3A_35 = arith.constant 16 : i32
      %scan3A_36 = arith.addi %scan3A_34, %scan3A_35 : i32
      %scan3A_37 = arith.constant 1 : i32
      %scan3A_38 = scf.for %scan3A_82 = %scan3A_34 to %scan3A_36 step %scan3A_37 iter_args(%scan3A_83 = %scan3A_33) -> (i32)  : i32 {
        %mul3A_84 = arith.constant 16 : i32
        %mul3A_85 = arith.muli %arg1, %mul3A_84 : i32
        %add3A_86 = arith.addi %mul3A_85, %scan3A_82 : i32
        %mul3A_87 = arith.constant 4096 : i32
        %mul3A_88 = arith.muli %add3A_86, %mul3A_87 : i32
        "tpu.region"() ({
          %run_scoped3A_90 = tpu.sem_alloc : memref<!tpu.dma_semaphore, #tpu.memory_space<semaphore_mem>>
          %dma_start3A = tpu.memref_slice %arg19[%mul3A_88] : memref<1052672xf32, #tpu.memory_space<vmem_shared>> -> memref<4096xf32, #tpu.memory_space<vmem_shared>>
          %dma_start3A_91 = tpu.memref_slice %arg19[%mul3A_88] : memref<1052672xf32, #tpu.memory_space<vmem_shared>> -> memref<4096xf32, #tpu.memory_space<vmem_shared>>
          tpu.enqueue_dma source(%arg16 : memref<4096xf32, #tpu.memory_space<vmem>>) target(%dma_start3A_91 : memref<4096xf32, #tpu.memory_space<vmem_shared>>) target_semaphore(%run_scoped3A_90 : memref<!tpu.dma_semaphore, #tpu.memory_space<semaphore_mem>>)
          %dma_wait3A = tpu.memref_slice %arg19[%mul3A_88] : memref<1052672xf32, #tpu.memory_space<vmem_shared>> -> memref<4096xf32, #tpu.memory_space<vmem_shared>>
          %dma_wait3A_92 = tpu.memref_slice %arg19[%mul3A_88] : memref<1052672xf32, #tpu.memory_space<vmem_shared>> -> memref<4096xf32, #tpu.memory_space<vmem_shared>>
          tpu.wait_dma2 semaphore(%run_scoped3A_90 : memref<!tpu.dma_semaphore, #tpu.memory_space<semaphore_mem>>) src(%arg16 : memref<4096xf32, #tpu.memory_space<vmem>>) dst(%dma_wait3A_92 : memref<4096xf32, #tpu.memory_space<vmem_shared>>)
          tpu.yield
        }) : () -> ()
        %scan3A_89 = arith.constant 0 : i32
        scf.yield %scan3A_89 : i32
      }
      %scan3A_39 = arith.constant 16 : i32
      %barrier3A = arith.constant 0 : index
      tpu.barrier barrier_id(%barrier3A)
      %scan3A_40 = arith.constant 0 : i32
      %scan3A_41 = arith.constant 0 : i32
      %scan3A_42 = arith.constant 32 : i32
      %scan3A_43 = arith.addi %scan3A_41, %scan3A_42 : i32
      %scan3A_44 = arith.constant 1 : i32
      %scan3A_45 = scf.for %scan3A_82 = %scan3A_41 to %scan3A_43 step %scan3A_44 iter_args(%scan3A_83 = %scan3A_40) -> (i32)  : i32 {
        %scan3A_84 = arith.constant 0 : i32
        %scan3A_85 = arith.constant 0 : i32
        %scan3A_86 = arith.constant 8 : i32
        %scan3A_87 = arith.addi %scan3A_85, %scan3A_86 : i32
        %scan3A_88 = arith.constant 1 : i32
        %scan3A_89 = scf.for %scan3A_92 = %scan3A_85 to %scan3A_87 step %scan3A_88 iter_args(%scan3A_93 = %scan3A_84) -> (i32)  : i32 {
          %mul3A_94 = arith.constant 16 : i32
          %mul3A_95 = arith.muli %scan3A_92, %mul3A_94 : i32
          %get3A_96 = arith.index_cast %scan3A_82 : i32 to index
          %get3A_97 = arith.index_cast %mul3A_95 : i32 to index
          %get3A_98 = tpu.vector_load %arg14[%get3A_96, %get3A_97] {strides = array<i32>} : memref<32x128xi32, #tpu.memory_space<vmem>>, vector<1x16xi32>,
          %get3A_99 = vector.shape_cast %get3A_98 : vector<1x16xi32> to vector<16xi32>
          %mul3A_100 = arith.constant 16 : i32
          %mul3A_101 = arith.muli %scan3A_92, %mul3A_100 : i32
          %get3A_102 = arith.index_cast %scan3A_82 : i32 to index
          %get3A_103 = arith.index_cast %mul3A_101 : i32 to index
          %get3A_104 = tpu.vector_load %arg11[%get3A_102, %get3A_103] {strides = array<i32>} : memref<32x128xi32, #tpu.memory_space<vmem>>, vector<1x16xi32>,
          %get3A_105 = vector.shape_cast %get3A_104 : vector<1x16xi32> to vector<16xi32>
          %mul3A_106 = arith.constant 16 : i32
          %mul3A_107 = arith.muli %scan3A_92, %mul3A_106 : i32
          %get3A_108 = arith.index_cast %scan3A_82 : i32 to index
          %get3A_109 = arith.index_cast %mul3A_107 : i32 to index
          %get3A_110 = tpu.vector_load %arg10[%get3A_108, %get3A_109] {strides = array<i32>} : memref<32x128xi32, #tpu.memory_space<vmem>>, vector<1x16xi32>,
          %get3A_111 = vector.shape_cast %get3A_110 : vector<1x16xi32> to vector<16xi32>
          %sub3A = vector.broadcast %mul3A_32 : i32 to vector<16xi32>
          %sub3A_112 = arith.subi %get3A_99, %sub3A : vector<16xi32>
          %ge3A = arith.constant 0 : i32
          %ge3A_113 = vector.broadcast %ge3A : i32 to vector<16xi32>
          %ge3A_114 = arith.cmpi sge, %get3A_99, %ge3A_113 : vector<16xi32>
          %ne3A = arith.cmpi ne, %get3A_105, %get3A_111 : vector<16xi32>
          %and3A = arith.andi %ge3A_114, %ne3A : vector<16xi1>
          %ge3A_115 = arith.constant 0 : i32
          %ge3A_116 = vector.broadcast %ge3A_115 : i32 to vector<16xi32>
          %ge3A_117 = arith.cmpi sge, %sub3A_112, %ge3A_116 : vector<16xi32>
          %and3A_118 = arith.andi %and3A, %ge3A_117 : vector<16xi1>
          %lt3A = arith.constant 256 : i32
          %lt3A_119 = vector.broadcast %lt3A : i32 to vector<16xi32>
          %lt3A_120 = arith.cmpi slt, %sub3A_112, %lt3A_119 : vector<16xi32>
          %and3A_121 = arith.andi %and3A_118, %lt3A_120 : vector<16xi1>
          %mul3A_122 = arith.constant 4096 : i32
          %mul3A_123 = vector.broadcast %mul3A_122 : i32 to vector<16xi32>
          %mul3A_124 = arith.muli %sub3A_112, %mul3A_123 : vector<16xi32>
          %add3A_125 = arith.addi %mul3A_124, %get3A_105 : vector<16xi32>
          %jit3A = arith.constant 1048576 : i32
          %broadcast_in_dim3A_126 = vector.broadcast %jit3A : i32 to vector<16xi32>
          %select_n3A = arith.select %and3A_121, %add3A_125, %broadcast_in_dim3A_126 : vector<16xi1>, vector<16xi32>
          %mul3A_127 = arith.constant 16 : i32
          %mul3A_128 = arith.muli %scan3A_92, %mul3A_127 : i32
          %swap3A_129 = arith.index_cast %scan3A_82 : i32 to index
          %swap3A_130 = arith.index_cast %mul3A_128 : i32 to index
          %swap3A_131 = tpu.vector_load %arg15[%swap3A_129, %swap3A_130] {strides = array<i32>} : memref<32x128xi32, #tpu.memory_space<vmem>>, vector<1x16xi32>,
          %swap3A_132 = vector.shape_cast %swap3A_131 : vector<1x16xi32> to vector<16xi32>
          %swap3A_133 = vector.shape_cast %select_n3A : vector<16xi32> to vector<1x16xi32>
          tpu.vector_store %arg15[%swap3A_129, %swap3A_130], %swap3A_133 {strides = array<i32>} : memref<32x128xi32, #tpu.memory_space<vmem>>, vector<1x16xi32>,
          %scan3A_134 = arith.constant 0 : i32
          scf.yield %scan3A_134 : i32
        }
        %scan3A_90 = arith.constant 8 : i32
        "tpu.region"() ({
          %run_scoped3A_92 = tpu.sem_alloc : memref<!tpu.dma_semaphore, #tpu.memory_space<semaphore_mem>>
          %dma_start3A = arith.constant 0 : i32
          %dma_start3A_93 = tpu.memref_slice %arg12[%scan3A_82, %dma_start3A] : memref<32x128xf32, #tpu.memory_space<vmem>> -> memref<1x128xf32, #tpu.memory_space<vmem>>
          %dma_start3A_94 = tpu.memref_squeeze %dma_start3A_93 : memref<1x128xf32, #tpu.memory_space<vmem>> -> memref<128xf32, #tpu.memory_space<vmem>>
          %dma_start3A_95 = arith.constant 0 : i32
          %dma_start3A_96 = tpu.memref_slice %arg15[%scan3A_82, %dma_start3A_95] : memref<32x128xi32, #tpu.memory_space<vmem>> -> memref<1x128xi32, #tpu.memory_space<vmem>>
          %dma_start3A_97 = tpu.memref_squeeze %dma_start3A_96 : memref<1x128xi32, #tpu.memory_space<vmem>> -> memref<128xi32, #tpu.memory_space<vmem>>
          %dma_start3A_98 = arith.constant 0 : i32
          %dma_start3A_99 = tpu.memref_slice %arg19[%dma_start3A_98] : memref<1052672xf32, #tpu.memory_space<vmem_shared>> -> memref<1052672xf32, #tpu.memory_space<vmem_shared>>
          tpu.enqueue_indirect_dma source(%dma_start3A_94 : memref<128xf32, #tpu.memory_space<vmem>>) target(%dma_start3A_99 : memref<1052672xf32, #tpu.memory_space<vmem_shared>>) offsets(%dma_start3A_97 : memref<128xi32, #tpu.memory_space<vmem>>) semaphore(%run_scoped3A_92 : memref<!tpu.dma_semaphore, #tpu.memory_space<semaphore_mem>>) {add = true}
          %dma_wait3A = arith.constant 0 : i32
          %dma_wait3A_100 = tpu.memref_slice %arg12[%scan3A_82, %dma_wait3A] : memref<32x128xf32, #tpu.memory_space<vmem>> -> memref<1x128xf32, #tpu.memory_space<vmem>>
          %dma_wait3A_101 = tpu.memref_squeeze %dma_wait3A_100 : memref<1x128xf32, #tpu.memory_space<vmem>> -> memref<128xf32, #tpu.memory_space<vmem>>
          %dma_wait3A_102 = arith.constant 0 : i32
          %dma_wait3A_103 = tpu.memref_slice %arg15[%scan3A_82, %dma_wait3A_102] : memref<32x128xi32, #tpu.memory_space<vmem>> -> memref<1x128xi32, #tpu.memory_space<vmem>>
          %dma_wait3A_104 = tpu.memref_squeeze %dma_wait3A_103 : memref<1x128xi32, #tpu.memory_space<vmem>> -> memref<128xi32, #tpu.memory_space<vmem>>
          %dma_wait3A_105 = arith.constant 0 : i32
          %dma_wait3A_106 = tpu.memref_slice %arg19[%dma_wait3A_105] : memref<1052672xf32, #tpu.memory_space<vmem_shared>> -> memref<1052672xf32, #tpu.memory_space<vmem_shared>>
          tpu.wait_indirect_dma semaphore(%run_scoped3A_92 : memref<!tpu.dma_semaphore, #tpu.memory_space<semaphore_mem>>) src(%dma_wait3A_101 : memref<128xf32, #tpu.memory_space<vmem>>) dst(%dma_wait3A_106 : memref<1052672xf32, #tpu.memory_space<vmem_shared>>)
          tpu.yield
        }) : () -> ()
        %scan3A_91 = arith.constant 0 : i32
        scf.yield %scan3A_91 : i32
      }
      %scan3A_46 = arith.constant 32 : i32
      %mul3A_47 = arith.constant 16 : i32
      %mul3A_48 = arith.muli %arg1, %mul3A_47 : i32
      %add3A_49 = arith.addi %mul3A_32, %mul3A_48 : i32
      %run_scoped3A = arith.constant 0 : i32
      "tpu.region"() ({
        %run_scoped3A_82 = tpu.sem_alloc : memref<!tpu.dma_semaphore, #tpu.memory_space<semaphore_mem>>
        %dma_start3A = arith.constant 0 : i32
        %dma_start3A_83 = tpu.memref_slice %arg17[%run_scoped3A, %dma_start3A] : memref<1x16xi32, #tpu.memory_space<vmem>> -> memref<1x16xi32, #tpu.memory_space<vmem>>
        %dma_start3A_84 = tpu.memref_squeeze %dma_start3A_83 : memref<1x16xi32, #tpu.memory_space<vmem>> -> memref<16xi32, #tpu.memory_space<vmem>>
        %dma_start3A_85 = tpu.memref_slice %arg7[%add3A_49] : memref<2048xi32, #tpu.memory_space<hbm>> -> memref<16xi32, #tpu.memory_space<hbm>>
        %dma_start3A_86 = arith.constant 0 : i32
        %dma_start3A_87 = tpu.memref_slice %arg17[%run_scoped3A, %dma_start3A_86] : memref<1x16xi32, #tpu.memory_space<vmem>> -> memref<1x16xi32, #tpu.memory_space<vmem>>
        %dma_start3A_88 = tpu.memref_squeeze %dma_start3A_87 : memref<1x16xi32, #tpu.memory_space<vmem>> -> memref<16xi32, #tpu.memory_space<vmem>>
        %dma_start3A_89 = tpu.memref_slice %arg7[%add3A_49] : memref<2048xi32, #tpu.memory_space<hbm>> -> memref<16xi32, #tpu.memory_space<hbm>>
        tpu.enqueue_dma source(%dma_start3A_89 : memref<16xi32, #tpu.memory_space<hbm>>) target(%dma_start3A_88 : memref<16xi32, #tpu.memory_space<vmem>>) target_semaphore(%run_scoped3A_82 : memref<!tpu.dma_semaphore, #tpu.memory_space<semaphore_mem>>)
        %dma_wait3A = arith.constant 0 : i32
        %dma_wait3A_90 = tpu.memref_slice %arg17[%run_scoped3A, %dma_wait3A] : memref<1x16xi32, #tpu.memory_space<vmem>> -> memref<1x16xi32, #tpu.memory_space<vmem>>
        %dma_wait3A_91 = tpu.memref_squeeze %dma_wait3A_90 : memref<1x16xi32, #tpu.memory_space<vmem>> -> memref<16xi32, #tpu.memory_space<vmem>>
        %dma_wait3A_92 = tpu.memref_slice %arg7[%add3A_49] : memref<2048xi32, #tpu.memory_space<hbm>> -> memref<16xi32, #tpu.memory_space<hbm>>
        %dma_wait3A_93 = arith.constant 0 : i32
        %dma_wait3A_94 = tpu.memref_slice %arg17[%run_scoped3A, %dma_wait3A_93] : memref<1x16xi32, #tpu.memory_space<vmem>> -> memref<1x16xi32, #tpu.memory_space<vmem>>
        %dma_wait3A_95 = tpu.memref_squeeze %dma_wait3A_94 : memref<1x16xi32, #tpu.memory_space<vmem>> -> memref<16xi32, #tpu.memory_space<vmem>>
        %dma_wait3A_96 = tpu.memref_slice %arg7[%add3A_49] : memref<2048xi32, #tpu.memory_space<hbm>> -> memref<16xi32, #tpu.memory_space<hbm>>
        tpu.wait_dma2 semaphore(%run_scoped3A_82 : memref<!tpu.dma_semaphore, #tpu.memory_space<semaphore_mem>>) src(%dma_wait3A_96 : memref<16xi32, #tpu.memory_space<hbm>>) dst(%dma_wait3A_95 : memref<16xi32, #tpu.memory_space<vmem>>)
        tpu.yield
      }) : () -> ()
      %get3A = arith.constant 0 : i32
      %get3A_50 = arith.index_cast %get3A : i32 to index
      %get3A_51 = arith.constant 0 : index
      %get3A_52 = tpu.vector_load %arg17[%get3A_50, %get3A_51] {strides = array<i32>} : memref<1x16xi32, #tpu.memory_space<vmem>>, vector<1x16xi32>,
      %get3A_53 = vector.shape_cast %get3A_52 : vector<1x16xi32> to vector<16xi32>
      %iota3A = tpu.iota {dimensions = array<i32: 0>} : vector<16xi32>
      %mul3A_54 = arith.constant 16 : i32
      %mul3A_55 = arith.muli %arg1, %mul3A_54 : i32
      %add3A_56 = vector.broadcast %mul3A_55 : i32 to vector<16xi32>
      %add3A_57 = arith.addi %iota3A, %add3A_56 : vector<16xi32>
      %mul3A_58 = arith.constant 4096 : i32
      %mul3A_59 = vector.broadcast %mul3A_58 : i32 to vector<16xi32>
      %mul3A_60 = arith.muli %add3A_57, %mul3A_59 : vector<16xi32>
      %add3A_61 = arith.addi %mul3A_60, %get3A_53 : vector<16xi32>
      %swap3A_62 = arith.constant 0 : i32
      %swap3A_63 = arith.index_cast %swap3A_62 : i32 to index
      %swap3A_64 = arith.constant 0 : index
      %swap3A_65 = tpu.vector_load %arg17[%swap3A_63, %swap3A_64] {strides = array<i32>} : memref<1x16xi32, #tpu.memory_space<vmem>>, vector<1x16xi32>,
      %swap3A_66 = vector.shape_cast %swap3A_65 : vector<1x16xi32> to vector<16xi32>
      %swap3A_67 = vector.shape_cast %add3A_61 : vector<16xi32> to vector<1x16xi32>
      tpu.vector_store %arg17[%swap3A_63, %swap3A_64], %swap3A_67 {strides = array<i32>} : memref<1x16xi32, #tpu.memory_space<vmem>>, vector<1x16xi32>,
      %run_scoped3A_68 = arith.constant 0 : i32
      %run_scoped3A_69 = arith.constant 0 : i32
      "tpu.region"() ({
        %run_scoped3A_82 = tpu.sem_alloc : memref<!tpu.dma_semaphore, #tpu.memory_space<semaphore_mem>>
        %dma_start3A = arith.constant 0 : i32
        %dma_start3A_83 = tpu.memref_slice %arg18[%run_scoped3A_68, %dma_start3A] : memref<1x16xf32, #tpu.memory_space<vmem>> -> memref<1x16xf32, #tpu.memory_space<vmem>>
        %dma_start3A_84 = tpu.memref_squeeze %dma_start3A_83 : memref<1x16xf32, #tpu.memory_space<vmem>> -> memref<16xf32, #tpu.memory_space<vmem>>
        %dma_start3A_85 = arith.constant 0 : i32
        %dma_start3A_86 = tpu.memref_slice %arg17[%run_scoped3A_69, %dma_start3A_85] : memref<1x16xi32, #tpu.memory_space<vmem>> -> memref<1x16xi32, #tpu.memory_space<vmem>>
        %dma_start3A_87 = tpu.memref_squeeze %dma_start3A_86 : memref<1x16xi32, #tpu.memory_space<vmem>> -> memref<16xi32, #tpu.memory_space<vmem>>
        %dma_start3A_88 = arith.constant 0 : i32
        %dma_start3A_89 = tpu.memref_slice %arg19[%dma_start3A_88] : memref<1052672xf32, #tpu.memory_space<vmem_shared>> -> memref<1052672xf32, #tpu.memory_space<vmem_shared>>
        tpu.enqueue_indirect_dma source(%dma_start3A_84 : memref<16xf32, #tpu.memory_space<vmem>>) target(%dma_start3A_89 : memref<1052672xf32, #tpu.memory_space<vmem_shared>>) offsets(%dma_start3A_87 : memref<16xi32, #tpu.memory_space<vmem>>) semaphore(%run_scoped3A_82 : memref<!tpu.dma_semaphore, #tpu.memory_space<semaphore_mem>>) {add = true}
        %dma_wait3A = arith.constant 0 : i32
        %dma_wait3A_90 = tpu.memref_slice %arg18[%run_scoped3A_68, %dma_wait3A] : memref<1x16xf32, #tpu.memory_space<vmem>> -> memref<1x16xf32, #tpu.memory_space<vmem>>
        %dma_wait3A_91 = tpu.memref_squeeze %dma_wait3A_90 : memref<1x16xf32, #tpu.memory_space<vmem>> -> memref<16xf32, #tpu.memory_space<vmem>>
        %dma_wait3A_92 = arith.constant 0 : i32
        %dma_wait3A_93 = tpu.memref_slice %arg17[%run_scoped3A_69, %dma_wait3A_92] : memref<1x16xi32, #tpu.memory_space<vmem>> -> memref<1x16xi32, #tpu.memory_space<vmem>>
        %dma_wait3A_94 = tpu.memref_squeeze %dma_wait3A_93 : memref<1x16xi32, #tpu.memory_space<vmem>> -> memref<16xi32, #tpu.memory_space<vmem>>
        %dma_wait3A_95 = arith.constant 0 : i32
        %dma_wait3A_96 = tpu.memref_slice %arg19[%dma_wait3A_95] : memref<1052672xf32, #tpu.memory_space<vmem_shared>> -> memref<1052672xf32, #tpu.memory_space<vmem_shared>>
        tpu.wait_indirect_dma semaphore(%run_scoped3A_82 : memref<!tpu.dma_semaphore, #tpu.memory_space<semaphore_mem>>) src(%dma_wait3A_91 : memref<16xf32, #tpu.memory_space<vmem>>) dst(%dma_wait3A_96 : memref<1052672xf32, #tpu.memory_space<vmem_shared>>)
        tpu.yield
      }) : () -> ()
      %barrier3A_70 = arith.constant 0 : index
      tpu.barrier barrier_id(%barrier3A_70)
      %mul3A_71 = arith.constant 16 : i32
      %mul3A_72 = arith.muli %arg1, %mul3A_71 : i32
      %mul3A_73 = arith.constant 4096 : i32
      %mul3A_74 = arith.muli %mul3A_72, %mul3A_73 : i32
      %mul3A_75 = arith.constant 16 : i32
      %mul3A_76 = arith.muli %arg1, %mul3A_75 : i32
      %add3A_77 = arith.addi %mul3A_32, %mul3A_76 : i32
      %mul3A_78 = arith.constant 4096 : i32
      %mul3A_79 = arith.muli %add3A_77, %mul3A_78 : i32
      "tpu.region"() ({
        %run_scoped3A_82 = tpu.sem_alloc : memref<!tpu.dma_semaphore, #tpu.memory_space<semaphore_mem>>
        %dma_start3A = tpu.memref_slice %arg9[%mul3A_79] : memref<8388608xf32, #tpu.memory_space<hbm>> -> memref<65536xf32, #tpu.memory_space<hbm>>
        %dma_start3A_83 = tpu.memref_slice %arg19[%mul3A_74] : memref<1052672xf32, #tpu.memory_space<vmem_shared>> -> memref<65536xf32, #tpu.memory_space<vmem_shared>>
        tpu.enqueue_dma source(%dma_start3A_83 : memref<65536xf32, #tpu.memory_space<vmem_shared>>) target(%dma_start3A : memref<65536xf32, #tpu.memory_space<hbm>>) target_semaphore(%run_scoped3A_82 : memref<!tpu.dma_semaphore, #tpu.memory_space<semaphore_mem>>)
        %dma_wait3A = tpu.memref_slice %arg9[%mul3A_79] : memref<8388608xf32, #tpu.memory_space<hbm>> -> memref<65536xf32, #tpu.memory_space<hbm>>
        %dma_wait3A_84 = tpu.memref_slice %arg19[%mul3A_74] : memref<1052672xf32, #tpu.memory_space<vmem_shared>> -> memref<65536xf32, #tpu.memory_space<vmem_shared>>
        tpu.wait_dma2 semaphore(%run_scoped3A_82 : memref<!tpu.dma_semaphore, #tpu.memory_space<semaphore_mem>>) src(%dma_wait3A_84 : memref<65536xf32, #tpu.memory_space<vmem_shared>>) dst(%dma_wait3A : memref<65536xf32, #tpu.memory_space<hbm>>)
        tpu.yield
      }) : () -> ()
      %barrier3A_80 = arith.constant 0 : index
      tpu.barrier barrier_id(%barrier3A_80)
      %scan3A_81 = arith.constant 0 : i32
      scf.yield %scan3A_81 : i32
    }
    %scan3A_26 = arith.constant 4 : i32
    return
  }
}

#map = affine_map<(d0, d1) -> (0)>
#map1 = affine_map<(d0, d1) -> (0, 0)>
module attributes {stable_mosaic.version = 14 : i64} {
  func.func @gk(%arg0: i32, %arg1: i32, %arg2: memref<1024xi32, #tpu.memory_space<hbm>>, %arg3: memref<2048x128xf32, #tpu.memory_space<hbm>>, %arg4: memref<2048xf32, #tpu.memory_space<hbm>>, %arg5: memref<1024x128xf32, #tpu.memory_space<hbm>>, %arg6: memref<1024xf32, #tpu.memory_space<hbm>>, %arg7: memref<32xi32, #tpu.memory_space<vmem>>, %arg8: memref<32x128xf32, #tpu.memory_space<vmem>>, %arg9: memref<32xf32, #tpu.memory_space<vmem>>, %arg10: memref<!tpu.dma_semaphore, #tpu.memory_space<semaphore_mem>>) attributes {dimension_semantics = [#tpu.dimension_semantics<core_parallel>, #tpu.dimension_semantics<subcore_parallel>], iteration_bounds = array<i64: 2, 16>, scalar_prefetch = 0 : i64, scratch_operands = 4 : i64, tpu.core_type = #tpu.core_type<sc_vector_subcore>, window_params = [{transform_indices = #map}, {transform_indices = #map1}, {transform_indices = #map}, {transform_indices = #map1}, {transform_indices = #map}]} {
    %mul3A = arith.constant 16 : i32
    %mul3A_0 = arith.muli %arg0, %mul3A : i32
    %add3A = arith.addi %mul3A_0, %arg1 : i32
    %mul3A_1 = arith.constant 32 : i32
    %mul3A_2 = arith.muli %add3A, %mul3A_1 : i32
    %scan3A = arith.constant 0 : i32
    %scan3A_3 = arith.constant 0 : i32
    %mul3A_4 = arith.constant 32 : i32
    %mul3A_5 = arith.muli %scan3A_3, %mul3A_4 : i32
    %add3A_6 = arith.addi %mul3A_2, %mul3A_5 : i32
    "tpu.region"() ({
      %run_scoped3A = tpu.sem_alloc : memref<!tpu.dma_semaphore, #tpu.memory_space<semaphore_mem>>
      %dma_start3A_17 = tpu.memref_slice %arg2[%add3A_6] : memref<1024xi32, #tpu.memory_space<hbm>> -> memref<32xi32, #tpu.memory_space<hbm>>
      %dma_start3A_18 = tpu.memref_slice %arg2[%add3A_6] : memref<1024xi32, #tpu.memory_space<hbm>> -> memref<32xi32, #tpu.memory_space<hbm>>
      tpu.enqueue_dma source(%dma_start3A_18 : memref<32xi32, #tpu.memory_space<hbm>>) target(%arg7 : memref<32xi32, #tpu.memory_space<vmem>>) target_semaphore(%run_scoped3A : memref<!tpu.dma_semaphore, #tpu.memory_space<semaphore_mem>>)
      %dma_wait3A_19 = tpu.memref_slice %arg2[%add3A_6] : memref<1024xi32, #tpu.memory_space<hbm>> -> memref<32xi32, #tpu.memory_space<hbm>>
      %dma_wait3A_20 = tpu.memref_slice %arg2[%add3A_6] : memref<1024xi32, #tpu.memory_space<hbm>> -> memref<32xi32, #tpu.memory_space<hbm>>
      tpu.wait_dma2 semaphore(%run_scoped3A : memref<!tpu.dma_semaphore, #tpu.memory_space<semaphore_mem>>) src(%dma_wait3A_20 : memref<32xi32, #tpu.memory_space<hbm>>) dst(%arg7 : memref<32xi32, #tpu.memory_space<vmem>>)
      tpu.yield
    }) : () -> ()
    %dma_start3A = arith.constant 0 : i32
    %dma_start3A_7 = arith.constant 0 : i32
    %dma_start3A_8 = tpu.memref_slice %arg3[%dma_start3A, %dma_start3A_7] : memref<2048x128xf32, #tpu.memory_space<hbm>> -> memref<2048x128xf32, #tpu.memory_space<hbm>>
    tpu.enqueue_indirect_dma source(%dma_start3A_8 : memref<2048x128xf32, #tpu.memory_space<hbm>>) target(%arg8 : memref<32x128xf32, #tpu.memory_space<vmem>>) offsets(%arg7 : memref<32xi32, #tpu.memory_space<vmem>>) semaphore(%arg10 : memref<!tpu.dma_semaphore, #tpu.memory_space<semaphore_mem>>)
    %dma_wait3A = arith.constant 0 : i32
    %dma_wait3A_9 = arith.constant 0 : i32
    %dma_wait3A_10 = tpu.memref_slice %arg3[%dma_wait3A, %dma_wait3A_9] : memref<2048x128xf32, #tpu.memory_space<hbm>> -> memref<2048x128xf32, #tpu.memory_space<hbm>>
    tpu.wait_indirect_dma semaphore(%arg10 : memref<!tpu.dma_semaphore, #tpu.memory_space<semaphore_mem>>) src(%dma_wait3A_10 : memref<2048x128xf32, #tpu.memory_space<hbm>>) dst(%arg8 : memref<32x128xf32, #tpu.memory_space<vmem>>)
    "tpu.region"() ({
      %run_scoped3A = tpu.sem_alloc : memref<!tpu.dma_semaphore, #tpu.memory_space<semaphore_mem>>
      %dma_start3A_17 = arith.constant 0 : i32
      %dma_start3A_18 = tpu.memref_slice %arg5[%add3A_6, %dma_start3A_17] : memref<1024x128xf32, #tpu.memory_space<hbm>> -> memref<32x128xf32, #tpu.memory_space<hbm>>
      %dma_start3A_19 = arith.constant 0 : i32
      %dma_start3A_20 = tpu.memref_slice %arg5[%add3A_6, %dma_start3A_19] : memref<1024x128xf32, #tpu.memory_space<hbm>> -> memref<32x128xf32, #tpu.memory_space<hbm>>
      tpu.enqueue_dma source(%arg8 : memref<32x128xf32, #tpu.memory_space<vmem>>) target(%dma_start3A_20 : memref<32x128xf32, #tpu.memory_space<hbm>>) target_semaphore(%run_scoped3A : memref<!tpu.dma_semaphore, #tpu.memory_space<semaphore_mem>>)
      %dma_wait3A_21 = arith.constant 0 : i32
      %dma_wait3A_22 = tpu.memref_slice %arg5[%add3A_6, %dma_wait3A_21] : memref<1024x128xf32, #tpu.memory_space<hbm>> -> memref<32x128xf32, #tpu.memory_space<hbm>>
      %dma_wait3A_23 = arith.constant 0 : i32
      %dma_wait3A_24 = tpu.memref_slice %arg5[%add3A_6, %dma_wait3A_23] : memref<1024x128xf32, #tpu.memory_space<hbm>> -> memref<32x128xf32, #tpu.memory_space<hbm>>
      tpu.wait_dma2 semaphore(%run_scoped3A : memref<!tpu.dma_semaphore, #tpu.memory_space<semaphore_mem>>) src(%arg8 : memref<32x128xf32, #tpu.memory_space<vmem>>) dst(%dma_wait3A_24 : memref<32x128xf32, #tpu.memory_space<hbm>>)
      tpu.yield
    }) : () -> ()
    %dma_start3A_11 = arith.constant 0 : i32
    %dma_start3A_12 = tpu.memref_slice %arg4[%dma_start3A_11] : memref<2048xf32, #tpu.memory_space<hbm>> -> memref<2048xf32, #tpu.memory_space<hbm>>
    tpu.enqueue_indirect_dma source(%dma_start3A_12 : memref<2048xf32, #tpu.memory_space<hbm>>) target(%arg9 : memref<32xf32, #tpu.memory_space<vmem>>) offsets(%arg7 : memref<32xi32, #tpu.memory_space<vmem>>) semaphore(%arg10 : memref<!tpu.dma_semaphore, #tpu.memory_space<semaphore_mem>>)
    %dma_wait3A_13 = arith.constant 0 : i32
    %dma_wait3A_14 = tpu.memref_slice %arg4[%dma_wait3A_13] : memref<2048xf32, #tpu.memory_space<hbm>> -> memref<2048xf32, #tpu.memory_space<hbm>>
    tpu.wait_indirect_dma semaphore(%arg10 : memref<!tpu.dma_semaphore, #tpu.memory_space<semaphore_mem>>) src(%dma_wait3A_14 : memref<2048xf32, #tpu.memory_space<hbm>>) dst(%arg9 : memref<32xf32, #tpu.memory_space<vmem>>)
    "tpu.region"() ({
      %run_scoped3A = tpu.sem_alloc : memref<!tpu.dma_semaphore, #tpu.memory_space<semaphore_mem>>
      %dma_start3A_17 = tpu.memref_slice %arg6[%add3A_6] : memref<1024xf32, #tpu.memory_space<hbm>> -> memref<32xf32, #tpu.memory_space<hbm>>
      %dma_start3A_18 = tpu.memref_slice %arg6[%add3A_6] : memref<1024xf32, #tpu.memory_space<hbm>> -> memref<32xf32, #tpu.memory_space<hbm>>
      tpu.enqueue_dma source(%arg9 : memref<32xf32, #tpu.memory_space<vmem>>) target(%dma_start3A_18 : memref<32xf32, #tpu.memory_space<hbm>>) target_semaphore(%run_scoped3A : memref<!tpu.dma_semaphore, #tpu.memory_space<semaphore_mem>>)
      %dma_wait3A_19 = tpu.memref_slice %arg6[%add3A_6] : memref<1024xf32, #tpu.memory_space<hbm>> -> memref<32xf32, #tpu.memory_space<hbm>>
      %dma_wait3A_20 = tpu.memref_slice %arg6[%add3A_6] : memref<1024xf32, #tpu.memory_space<hbm>> -> memref<32xf32, #tpu.memory_space<hbm>>
      tpu.wait_dma2 semaphore(%run_scoped3A : memref<!tpu.dma_semaphore, #tpu.memory_space<semaphore_mem>>) src(%arg9 : memref<32xf32, #tpu.memory_space<vmem>>) dst(%dma_wait3A_20 : memref<32xf32, #tpu.memory_space<hbm>>)
      tpu.yield
    }) : () -> ()
    %scan3A_15 = arith.constant 0 : i32
    %scan3A_16 = arith.constant 1 : i32
    return
  }
}

#map = affine_map<(d0, d1) -> (0)>
#map1 = affine_map<(d0, d1) -> (0, 0)>
module attributes {stable_mosaic.version = 14 : i64} {
  func.func @gk(%arg0: i32, %arg1: i32, %arg2: memref<2048xi32, #tpu.memory_space<hbm>>, %arg3: memref<4096x128xf32, #tpu.memory_space<hbm>>, %arg4: memref<4096xf32, #tpu.memory_space<hbm>>, %arg5: memref<4096xf32, #tpu.memory_space<hbm>>, %arg6: memref<2048x128xf32, #tpu.memory_space<hbm>>, %arg7: memref<2048xf32, #tpu.memory_space<hbm>>, %arg8: memref<2048xf32, #tpu.memory_space<hbm>>, %arg9: memref<64xi32, #tpu.memory_space<vmem>>, %arg10: memref<64x128xf32, #tpu.memory_space<vmem>>, %arg11: memref<64xf32, #tpu.memory_space<vmem>>, %arg12: memref<!tpu.dma_semaphore, #tpu.memory_space<semaphore_mem>>) attributes {dimension_semantics = [#tpu.dimension_semantics<core_parallel>, #tpu.dimension_semantics<subcore_parallel>], iteration_bounds = array<i64: 2, 16>, scalar_prefetch = 0 : i64, scratch_operands = 4 : i64, tpu.core_type = #tpu.core_type<sc_vector_subcore>, window_params = [{transform_indices = #map}, {transform_indices = #map1}, {transform_indices = #map}, {transform_indices = #map}, {transform_indices = #map1}, {transform_indices = #map}, {transform_indices = #map}]} {
    %mul3A = arith.constant 16 : i32
    %mul3A_0 = arith.muli %arg0, %mul3A : i32
    %add3A = arith.addi %mul3A_0, %arg1 : i32
    %mul3A_1 = arith.constant 64 : i32
    %mul3A_2 = arith.muli %add3A, %mul3A_1 : i32
    %scan3A = arith.constant 0 : i32
    %scan3A_3 = arith.constant 0 : i32
    %mul3A_4 = arith.constant 64 : i32
    %mul3A_5 = arith.muli %scan3A_3, %mul3A_4 : i32
    %add3A_6 = arith.addi %mul3A_2, %mul3A_5 : i32
    "tpu.region"() ({
      %run_scoped3A = tpu.sem_alloc : memref<!tpu.dma_semaphore, #tpu.memory_space<semaphore_mem>>
      %dma_start3A_21 = tpu.memref_slice %arg2[%add3A_6] : memref<2048xi32, #tpu.memory_space<hbm>> -> memref<64xi32, #tpu.memory_space<hbm>>
      %dma_start3A_22 = tpu.memref_slice %arg2[%add3A_6] : memref<2048xi32, #tpu.memory_space<hbm>> -> memref<64xi32, #tpu.memory_space<hbm>>
      tpu.enqueue_dma source(%dma_start3A_22 : memref<64xi32, #tpu.memory_space<hbm>>) target(%arg9 : memref<64xi32, #tpu.memory_space<vmem>>) target_semaphore(%run_scoped3A : memref<!tpu.dma_semaphore, #tpu.memory_space<semaphore_mem>>)
      %dma_wait3A_23 = tpu.memref_slice %arg2[%add3A_6] : memref<2048xi32, #tpu.memory_space<hbm>> -> memref<64xi32, #tpu.memory_space<hbm>>
      %dma_wait3A_24 = tpu.memref_slice %arg2[%add3A_6] : memref<2048xi32, #tpu.memory_space<hbm>> -> memref<64xi32, #tpu.memory_space<hbm>>
      tpu.wait_dma2 semaphore(%run_scoped3A : memref<!tpu.dma_semaphore, #tpu.memory_space<semaphore_mem>>) src(%dma_wait3A_24 : memref<64xi32, #tpu.memory_space<hbm>>) dst(%arg9 : memref<64xi32, #tpu.memory_space<vmem>>)
      tpu.yield
    }) : () -> ()
    %dma_start3A = arith.constant 0 : i32
    %dma_start3A_7 = arith.constant 0 : i32
    %dma_start3A_8 = tpu.memref_slice %arg3[%dma_start3A, %dma_start3A_7] : memref<4096x128xf32, #tpu.memory_space<hbm>> -> memref<4096x128xf32, #tpu.memory_space<hbm>>
    tpu.enqueue_indirect_dma source(%dma_start3A_8 : memref<4096x128xf32, #tpu.memory_space<hbm>>) target(%arg10 : memref<64x128xf32, #tpu.memory_space<vmem>>) offsets(%arg9 : memref<64xi32, #tpu.memory_space<vmem>>) semaphore(%arg12 : memref<!tpu.dma_semaphore, #tpu.memory_space<semaphore_mem>>)
    %dma_wait3A = arith.constant 0 : i32
    %dma_wait3A_9 = arith.constant 0 : i32
    %dma_wait3A_10 = tpu.memref_slice %arg3[%dma_wait3A, %dma_wait3A_9] : memref<4096x128xf32, #tpu.memory_space<hbm>> -> memref<4096x128xf32, #tpu.memory_space<hbm>>
    tpu.wait_indirect_dma semaphore(%arg12 : memref<!tpu.dma_semaphore, #tpu.memory_space<semaphore_mem>>) src(%dma_wait3A_10 : memref<4096x128xf32, #tpu.memory_space<hbm>>) dst(%arg10 : memref<64x128xf32, #tpu.memory_space<vmem>>)
    "tpu.region"() ({
      %run_scoped3A = tpu.sem_alloc : memref<!tpu.dma_semaphore, #tpu.memory_space<semaphore_mem>>
      %dma_start3A_21 = arith.constant 0 : i32
      %dma_start3A_22 = tpu.memref_slice %arg6[%add3A_6, %dma_start3A_21] : memref<2048x128xf32, #tpu.memory_space<hbm>> -> memref<64x128xf32, #tpu.memory_space<hbm>>
      %dma_start3A_23 = arith.constant 0 : i32
      %dma_start3A_24 = tpu.memref_slice %arg6[%add3A_6, %dma_start3A_23] : memref<2048x128xf32, #tpu.memory_space<hbm>> -> memref<64x128xf32, #tpu.memory_space<hbm>>
      tpu.enqueue_dma source(%arg10 : memref<64x128xf32, #tpu.memory_space<vmem>>) target(%dma_start3A_24 : memref<64x128xf32, #tpu.memory_space<hbm>>) target_semaphore(%run_scoped3A : memref<!tpu.dma_semaphore, #tpu.memory_space<semaphore_mem>>)
      %dma_wait3A_25 = arith.constant 0 : i32
      %dma_wait3A_26 = tpu.memref_slice %arg6[%add3A_6, %dma_wait3A_25] : memref<2048x128xf32, #tpu.memory_space<hbm>> -> memref<64x128xf32, #tpu.memory_space<hbm>>
      %dma_wait3A_27 = arith.constant 0 : i32
      %dma_wait3A_28 = tpu.memref_slice %arg6[%add3A_6, %dma_wait3A_27] : memref<2048x128xf32, #tpu.memory_space<hbm>> -> memref<64x128xf32, #tpu.memory_space<hbm>>
      tpu.wait_dma2 semaphore(%run_scoped3A : memref<!tpu.dma_semaphore, #tpu.memory_space<semaphore_mem>>) src(%arg10 : memref<64x128xf32, #tpu.memory_space<vmem>>) dst(%dma_wait3A_28 : memref<64x128xf32, #tpu.memory_space<hbm>>)
      tpu.yield
    }) : () -> ()
    %dma_start3A_11 = arith.constant 0 : i32
    %dma_start3A_12 = tpu.memref_slice %arg4[%dma_start3A_11] : memref<4096xf32, #tpu.memory_space<hbm>> -> memref<4096xf32, #tpu.memory_space<hbm>>
    tpu.enqueue_indirect_dma source(%dma_start3A_12 : memref<4096xf32, #tpu.memory_space<hbm>>) target(%arg11 : memref<64xf32, #tpu.memory_space<vmem>>) offsets(%arg9 : memref<64xi32, #tpu.memory_space<vmem>>) semaphore(%arg12 : memref<!tpu.dma_semaphore, #tpu.memory_space<semaphore_mem>>)
    %dma_wait3A_13 = arith.constant 0 : i32
    %dma_wait3A_14 = tpu.memref_slice %arg4[%dma_wait3A_13] : memref<4096xf32, #tpu.memory_space<hbm>> -> memref<4096xf32, #tpu.memory_space<hbm>>
    tpu.wait_indirect_dma semaphore(%arg12 : memref<!tpu.dma_semaphore, #tpu.memory_space<semaphore_mem>>) src(%dma_wait3A_14 : memref<4096xf32, #tpu.memory_space<hbm>>) dst(%arg11 : memref<64xf32, #tpu.memory_space<vmem>>)
    "tpu.region"() ({
      %run_scoped3A = tpu.sem_alloc : memref<!tpu.dma_semaphore, #tpu.memory_space<semaphore_mem>>
      %dma_start3A_21 = tpu.memref_slice %arg7[%add3A_6] : memref<2048xf32, #tpu.memory_space<hbm>> -> memref<64xf32, #tpu.memory_space<hbm>>
      %dma_start3A_22 = tpu.memref_slice %arg7[%add3A_6] : memref<2048xf32, #tpu.memory_space<hbm>> -> memref<64xf32, #tpu.memory_space<hbm>>
      tpu.enqueue_dma source(%arg11 : memref<64xf32, #tpu.memory_space<vmem>>) target(%dma_start3A_22 : memref<64xf32, #tpu.memory_space<hbm>>) target_semaphore(%run_scoped3A : memref<!tpu.dma_semaphore, #tpu.memory_space<semaphore_mem>>)
      %dma_wait3A_23 = tpu.memref_slice %arg7[%add3A_6] : memref<2048xf32, #tpu.memory_space<hbm>> -> memref<64xf32, #tpu.memory_space<hbm>>
      %dma_wait3A_24 = tpu.memref_slice %arg7[%add3A_6] : memref<2048xf32, #tpu.memory_space<hbm>> -> memref<64xf32, #tpu.memory_space<hbm>>
      tpu.wait_dma2 semaphore(%run_scoped3A : memref<!tpu.dma_semaphore, #tpu.memory_space<semaphore_mem>>) src(%arg11 : memref<64xf32, #tpu.memory_space<vmem>>) dst(%dma_wait3A_24 : memref<64xf32, #tpu.memory_space<hbm>>)
      tpu.yield
    }) : () -> ()
    %dma_start3A_15 = arith.constant 0 : i32
    %dma_start3A_16 = tpu.memref_slice %arg5[%dma_start3A_15] : memref<4096xf32, #tpu.memory_space<hbm>> -> memref<4096xf32, #tpu.memory_space<hbm>>
    tpu.enqueue_indirect_dma source(%dma_start3A_16 : memref<4096xf32, #tpu.memory_space<hbm>>) target(%arg11 : memref<64xf32, #tpu.memory_space<vmem>>) offsets(%arg9 : memref<64xi32, #tpu.memory_space<vmem>>) semaphore(%arg12 : memref<!tpu.dma_semaphore, #tpu.memory_space<semaphore_mem>>)
    %dma_wait3A_17 = arith.constant 0 : i32
    %dma_wait3A_18 = tpu.memref_slice %arg5[%dma_wait3A_17] : memref<4096xf32, #tpu.memory_space<hbm>> -> memref<4096xf32, #tpu.memory_space<hbm>>
    tpu.wait_indirect_dma semaphore(%arg12 : memref<!tpu.dma_semaphore, #tpu.memory_space<semaphore_mem>>) src(%dma_wait3A_18 : memref<4096xf32, #tpu.memory_space<hbm>>) dst(%arg11 : memref<64xf32, #tpu.memory_space<vmem>>)
    "tpu.region"() ({
      %run_scoped3A = tpu.sem_alloc : memref<!tpu.dma_semaphore, #tpu.memory_space<semaphore_mem>>
      %dma_start3A_21 = tpu.memref_slice %arg8[%add3A_6] : memref<2048xf32, #tpu.memory_space<hbm>> -> memref<64xf32, #tpu.memory_space<hbm>>
      %dma_start3A_22 = tpu.memref_slice %arg8[%add3A_6] : memref<2048xf32, #tpu.memory_space<hbm>> -> memref<64xf32, #tpu.memory_space<hbm>>
      tpu.enqueue_dma source(%arg11 : memref<64xf32, #tpu.memory_space<vmem>>) target(%dma_start3A_22 : memref<64xf32, #tpu.memory_space<hbm>>) target_semaphore(%run_scoped3A : memref<!tpu.dma_semaphore, #tpu.memory_space<semaphore_mem>>)
      %dma_wait3A_23 = tpu.memref_slice %arg8[%add3A_6] : memref<2048xf32, #tpu.memory_space<hbm>> -> memref<64xf32, #tpu.memory_space<hbm>>
      %dma_wait3A_24 = tpu.memref_slice %arg8[%add3A_6] : memref<2048xf32, #tpu.memory_space<hbm>> -> memref<64xf32, #tpu.memory_space<hbm>>
      tpu.wait_dma2 semaphore(%run_scoped3A : memref<!tpu.dma_semaphore, #tpu.memory_space<semaphore_mem>>) src(%arg11 : memref<64xf32, #tpu.memory_space<vmem>>) dst(%dma_wait3A_24 : memref<64xf32, #tpu.memory_space<hbm>>)
      tpu.yield
    }) : () -> ()
    %scan3A_19 = arith.constant 0 : i32
    %scan3A_20 = arith.constant 1 : i32
    return
  }
}

#map = affine_map<(d0, d1) -> (0)>
#map1 = affine_map<(d0, d1) -> (0, 0)>
module attributes {stable_mosaic.version = 14 : i64} {
  func.func @gk(%arg0: i32, %arg1: i32, %arg2: memref<1024xi32, #tpu.memory_space<hbm>>, %arg3: memref<2048x2048xf32, #tpu.memory_space<hbm>>, %arg4: memref<1024x2048xf32, #tpu.memory_space<hbm>>, %arg5: memref<32xi32, #tpu.memory_space<vmem>>, %arg6: memref<32x2048xf32, #tpu.memory_space<vmem>>, %arg7: memref<32xf32, #tpu.memory_space<vmem>>, %arg8: memref<!tpu.dma_semaphore, #tpu.memory_space<semaphore_mem>>) attributes {dimension_semantics = [#tpu.dimension_semantics<core_parallel>, #tpu.dimension_semantics<subcore_parallel>], iteration_bounds = array<i64: 2, 16>, scalar_prefetch = 0 : i64, scratch_operands = 4 : i64, tpu.core_type = #tpu.core_type<sc_vector_subcore>, window_params = [{transform_indices = #map}, {transform_indices = #map1}, {transform_indices = #map1}]} {
    %mul3A = arith.constant 16 : i32
    %mul3A_0 = arith.muli %arg0, %mul3A : i32
    %add3A = arith.addi %mul3A_0, %arg1 : i32
    %mul3A_1 = arith.constant 32 : i32
    %mul3A_2 = arith.muli %add3A, %mul3A_1 : i32
    %scan3A = arith.constant 0 : i32
    %scan3A_3 = arith.constant 0 : i32
    %mul3A_4 = arith.constant 32 : i32
    %mul3A_5 = arith.muli %scan3A_3, %mul3A_4 : i32
    %add3A_6 = arith.addi %mul3A_2, %mul3A_5 : i32
    "tpu.region"() ({
      %run_scoped3A = tpu.sem_alloc : memref<!tpu.dma_semaphore, #tpu.memory_space<semaphore_mem>>
      %dma_start3A_13 = tpu.memref_slice %arg2[%add3A_6] : memref<1024xi32, #tpu.memory_space<hbm>> -> memref<32xi32, #tpu.memory_space<hbm>>
      %dma_start3A_14 = tpu.memref_slice %arg2[%add3A_6] : memref<1024xi32, #tpu.memory_space<hbm>> -> memref<32xi32, #tpu.memory_space<hbm>>
      tpu.enqueue_dma source(%dma_start3A_14 : memref<32xi32, #tpu.memory_space<hbm>>) target(%arg5 : memref<32xi32, #tpu.memory_space<vmem>>) target_semaphore(%run_scoped3A : memref<!tpu.dma_semaphore, #tpu.memory_space<semaphore_mem>>)
      %dma_wait3A_15 = tpu.memref_slice %arg2[%add3A_6] : memref<1024xi32, #tpu.memory_space<hbm>> -> memref<32xi32, #tpu.memory_space<hbm>>
      %dma_wait3A_16 = tpu.memref_slice %arg2[%add3A_6] : memref<1024xi32, #tpu.memory_space<hbm>> -> memref<32xi32, #tpu.memory_space<hbm>>
      tpu.wait_dma2 semaphore(%run_scoped3A : memref<!tpu.dma_semaphore, #tpu.memory_space<semaphore_mem>>) src(%dma_wait3A_16 : memref<32xi32, #tpu.memory_space<hbm>>) dst(%arg5 : memref<32xi32, #tpu.memory_space<vmem>>)
      tpu.yield
    }) : () -> ()
    %dma_start3A = arith.constant 0 : i32
    %dma_start3A_7 = arith.constant 0 : i32
    %dma_start3A_8 = tpu.memref_slice %arg3[%dma_start3A, %dma_start3A_7] : memref<2048x2048xf32, #tpu.memory_space<hbm>> -> memref<2048x2048xf32, #tpu.memory_space<hbm>>
    tpu.enqueue_indirect_dma source(%dma_start3A_8 : memref<2048x2048xf32, #tpu.memory_space<hbm>>) target(%arg6 : memref<32x2048xf32, #tpu.memory_space<vmem>>) offsets(%arg5 : memref<32xi32, #tpu.memory_space<vmem>>) semaphore(%arg8 : memref<!tpu.dma_semaphore, #tpu.memory_space<semaphore_mem>>)
    %dma_wait3A = arith.constant 0 : i32
    %dma_wait3A_9 = arith.constant 0 : i32
    %dma_wait3A_10 = tpu.memref_slice %arg3[%dma_wait3A, %dma_wait3A_9] : memref<2048x2048xf32, #tpu.memory_space<hbm>> -> memref<2048x2048xf32, #tpu.memory_space<hbm>>
    tpu.wait_indirect_dma semaphore(%arg8 : memref<!tpu.dma_semaphore, #tpu.memory_space<semaphore_mem>>) src(%dma_wait3A_10 : memref<2048x2048xf32, #tpu.memory_space<hbm>>) dst(%arg6 : memref<32x2048xf32, #tpu.memory_space<vmem>>)
    "tpu.region"() ({
      %run_scoped3A = tpu.sem_alloc : memref<!tpu.dma_semaphore, #tpu.memory_space<semaphore_mem>>
      %dma_start3A_13 = arith.constant 0 : i32
      %dma_start3A_14 = tpu.memref_slice %arg4[%add3A_6, %dma_start3A_13] : memref<1024x2048xf32, #tpu.memory_space<hbm>> -> memref<32x2048xf32, #tpu.memory_space<hbm>>
      %dma_start3A_15 = arith.constant 0 : i32
      %dma_start3A_16 = tpu.memref_slice %arg4[%add3A_6, %dma_start3A_15] : memref<1024x2048xf32, #tpu.memory_space<hbm>> -> memref<32x2048xf32, #tpu.memory_space<hbm>>
      tpu.enqueue_dma source(%arg6 : memref<32x2048xf32, #tpu.memory_space<vmem>>) target(%dma_start3A_16 : memref<32x2048xf32, #tpu.memory_space<hbm>>) target_semaphore(%run_scoped3A : memref<!tpu.dma_semaphore, #tpu.memory_space<semaphore_mem>>)
      %dma_wait3A_17 = arith.constant 0 : i32
      %dma_wait3A_18 = tpu.memref_slice %arg4[%add3A_6, %dma_wait3A_17] : memref<1024x2048xf32, #tpu.memory_space<hbm>> -> memref<32x2048xf32, #tpu.memory_space<hbm>>
      %dma_wait3A_19 = arith.constant 0 : i32
      %dma_wait3A_20 = tpu.memref_slice %arg4[%add3A_6, %dma_wait3A_19] : memref<1024x2048xf32, #tpu.memory_space<hbm>> -> memref<32x2048xf32, #tpu.memory_space<hbm>>
      tpu.wait_dma2 semaphore(%run_scoped3A : memref<!tpu.dma_semaphore, #tpu.memory_space<semaphore_mem>>) src(%arg6 : memref<32x2048xf32, #tpu.memory_space<vmem>>) dst(%dma_wait3A_20 : memref<32x2048xf32, #tpu.memory_space<hbm>>)
      tpu.yield
    }) : () -> ()
    %scan3A_11 = arith.constant 0 : i32
    %scan3A_12 = arith.constant 1 : i32
    return
  }
}

#map = affine_map<(d0, d1) -> (0)>
#map1 = affine_map<(d0, d1) -> (0, 0)>
module attributes {stable_mosaic.version = 14 : i64} {
  func.func @gk(%arg0: i32, %arg1: i32, %arg2: memref<1024xi32, #tpu.memory_space<hbm>>, %arg3: memref<2048x2048xf32, #tpu.memory_space<hbm>>, %arg4: memref<1024x2048xf32, #tpu.memory_space<hbm>>, %arg5: memref<32xi32, #tpu.memory_space<vmem>>, %arg6: memref<32x2048xf32, #tpu.memory_space<vmem>>, %arg7: memref<32xf32, #tpu.memory_space<vmem>>, %arg8: memref<!tpu.dma_semaphore, #tpu.memory_space<semaphore_mem>>) attributes {dimension_semantics = [#tpu.dimension_semantics<core_parallel>, #tpu.dimension_semantics<subcore_parallel>], iteration_bounds = array<i64: 2, 16>, scalar_prefetch = 0 : i64, scratch_operands = 4 : i64, tpu.core_type = #tpu.core_type<sc_vector_subcore>, window_params = [{transform_indices = #map}, {transform_indices = #map1}, {transform_indices = #map1}]} {
    %mul3A = arith.constant 16 : i32
    %mul3A_0 = arith.muli %arg0, %mul3A : i32
    %add3A = arith.addi %mul3A_0, %arg1 : i32
    %mul3A_1 = arith.constant 32 : i32
    %mul3A_2 = arith.muli %add3A, %mul3A_1 : i32
    %scan3A = arith.constant 0 : i32
    %scan3A_3 = arith.constant 0 : i32
    %mul3A_4 = arith.constant 32 : i32
    %mul3A_5 = arith.muli %scan3A_3, %mul3A_4 : i32
    %add3A_6 = arith.addi %mul3A_2, %mul3A_5 : i32
    "tpu.region"() ({
      %run_scoped3A = tpu.sem_alloc : memref<!tpu.dma_semaphore, #tpu.memory_space<semaphore_mem>>
      %dma_start3A_13 = tpu.memref_slice %arg2[%add3A_6] : memref<1024xi32, #tpu.memory_space<hbm>> -> memref<32xi32, #tpu.memory_space<hbm>>
      %dma_start3A_14 = tpu.memref_slice %arg2[%add3A_6] : memref<1024xi32, #tpu.memory_space<hbm>> -> memref<32xi32, #tpu.memory_space<hbm>>
      tpu.enqueue_dma source(%dma_start3A_14 : memref<32xi32, #tpu.memory_space<hbm>>) target(%arg5 : memref<32xi32, #tpu.memory_space<vmem>>) target_semaphore(%run_scoped3A : memref<!tpu.dma_semaphore, #tpu.memory_space<semaphore_mem>>)
      %dma_wait3A_15 = tpu.memref_slice %arg2[%add3A_6] : memref<1024xi32, #tpu.memory_space<hbm>> -> memref<32xi32, #tpu.memory_space<hbm>>
      %dma_wait3A_16 = tpu.memref_slice %arg2[%add3A_6] : memref<1024xi32, #tpu.memory_space<hbm>> -> memref<32xi32, #tpu.memory_space<hbm>>
      tpu.wait_dma2 semaphore(%run_scoped3A : memref<!tpu.dma_semaphore, #tpu.memory_space<semaphore_mem>>) src(%dma_wait3A_16 : memref<32xi32, #tpu.memory_space<hbm>>) dst(%arg5 : memref<32xi32, #tpu.memory_space<vmem>>)
      tpu.yield
    }) : () -> ()
    %dma_start3A = arith.constant 0 : i32
    %dma_start3A_7 = arith.constant 0 : i32
    %dma_start3A_8 = tpu.memref_slice %arg3[%dma_start3A, %dma_start3A_7] : memref<2048x2048xf32, #tpu.memory_space<hbm>> -> memref<2048x2048xf32, #tpu.memory_space<hbm>>
    tpu.enqueue_indirect_dma source(%dma_start3A_8 : memref<2048x2048xf32, #tpu.memory_space<hbm>>) target(%arg6 : memref<32x2048xf32, #tpu.memory_space<vmem>>) offsets(%arg5 : memref<32xi32, #tpu.memory_space<vmem>>) semaphore(%arg8 : memref<!tpu.dma_semaphore, #tpu.memory_space<semaphore_mem>>)
    %dma_wait3A = arith.constant 0 : i32
    %dma_wait3A_9 = arith.constant 0 : i32
    %dma_wait3A_10 = tpu.memref_slice %arg3[%dma_wait3A, %dma_wait3A_9] : memref<2048x2048xf32, #tpu.memory_space<hbm>> -> memref<2048x2048xf32, #tpu.memory_space<hbm>>
    tpu.wait_indirect_dma semaphore(%arg8 : memref<!tpu.dma_semaphore, #tpu.memory_space<semaphore_mem>>) src(%dma_wait3A_10 : memref<2048x2048xf32, #tpu.memory_space<hbm>>) dst(%arg6 : memref<32x2048xf32, #tpu.memory_space<vmem>>)
    "tpu.region"() ({
      %run_scoped3A = tpu.sem_alloc : memref<!tpu.dma_semaphore, #tpu.memory_space<semaphore_mem>>
      %dma_start3A_13 = arith.constant 0 : i32
      %dma_start3A_14 = tpu.memref_slice %arg4[%add3A_6, %dma_start3A_13] : memref<1024x2048xf32, #tpu.memory_space<hbm>> -> memref<32x2048xf32, #tpu.memory_space<hbm>>
      %dma_start3A_15 = arith.constant 0 : i32
      %dma_start3A_16 = tpu.memref_slice %arg4[%add3A_6, %dma_start3A_15] : memref<1024x2048xf32, #tpu.memory_space<hbm>> -> memref<32x2048xf32, #tpu.memory_space<hbm>>
      tpu.enqueue_dma source(%arg6 : memref<32x2048xf32, #tpu.memory_space<vmem>>) target(%dma_start3A_16 : memref<32x2048xf32, #tpu.memory_space<hbm>>) target_semaphore(%run_scoped3A : memref<!tpu.dma_semaphore, #tpu.memory_space<semaphore_mem>>)
      %dma_wait3A_17 = arith.constant 0 : i32
      %dma_wait3A_18 = tpu.memref_slice %arg4[%add3A_6, %dma_wait3A_17] : memref<1024x2048xf32, #tpu.memory_space<hbm>> -> memref<32x2048xf32, #tpu.memory_space<hbm>>
      %dma_wait3A_19 = arith.constant 0 : i32
      %dma_wait3A_20 = tpu.memref_slice %arg4[%add3A_6, %dma_wait3A_19] : memref<1024x2048xf32, #tpu.memory_space<hbm>> -> memref<32x2048xf32, #tpu.memory_space<hbm>>
      tpu.wait_dma2 semaphore(%run_scoped3A : memref<!tpu.dma_semaphore, #tpu.memory_space<semaphore_mem>>) src(%arg6 : memref<32x2048xf32, #tpu.memory_space<vmem>>) dst(%dma_wait3A_20 : memref<32x2048xf32, #tpu.memory_space<hbm>>)
      tpu.yield
    }) : () -> ()
    %scan3A_11 = arith.constant 0 : i32
    %scan3A_12 = arith.constant 1 : i32
    return
  }
}

#map = affine_map<(d0, d1) -> (0, 0)>
#map1 = affine_map<(d0, d1) -> (0)>
module attributes {stable_mosaic.version = 14 : i64} {
  func.func @uk(%arg0: i32, %arg1: i32, %arg2: memref<2048x128xf32, #tpu.memory_space<hbm>>, %arg3: memref<1024x128xf32, #tpu.memory_space<hbm>>, %arg4: memref<1024xi32, #tpu.memory_space<hbm>>, %arg5: memref<2048x128xf32, #tpu.memory_space<hbm>>, %arg6: memref<64xi32, #tpu.memory_space<vmem>>, %arg7: memref<64x128xf32, #tpu.memory_space<vmem>>, %arg8: memref<1025x128xf32, #tpu.memory_space<vmem_shared>>, %arg9: memref<!tpu.dma_semaphore, #tpu.memory_space<semaphore_mem>>) attributes {dimension_semantics = [#tpu.dimension_semantics<core_parallel>, #tpu.dimension_semantics<subcore_parallel>], iteration_bounds = array<i64: 2, 16>, scalar_prefetch = 0 : i64, scratch_operands = 4 : i64, tpu.core_type = #tpu.core_type<sc_vector_subcore>, window_params = [{transform_indices = #map}, {transform_indices = #map}, {transform_indices = #map1}, {transform_indices = #map}]} {
    %mul3A = arith.constant 1024 : i32
    %mul3A_0 = arith.muli %arg0, %mul3A : i32
    %mul3A_1 = arith.constant 64 : i32
    %mul3A_2 = arith.muli %arg1, %mul3A_1 : i32
    %add3A = arith.addi %mul3A_0, %mul3A_2 : i32
    %mul3A_3 = arith.constant 64 : i32
    %mul3A_4 = arith.muli %arg1, %mul3A_3 : i32
    "tpu.region"() ({
      %run_scoped3A = tpu.sem_alloc : memref<!tpu.dma_semaphore, #tpu.memory_space<semaphore_mem>>
      %dma_start3A = arith.constant 0 : i32
      %dma_start3A_26 = tpu.memref_slice %arg8[%mul3A_4, %dma_start3A] : memref<1025x128xf32, #tpu.memory_space<vmem_shared>> -> memref<64x128xf32, #tpu.memory_space<vmem_shared>>
      %dma_start3A_27 = arith.constant 0 : i32
      %dma_start3A_28 = tpu.memref_slice %arg2[%add3A, %dma_start3A_27] : memref<2048x128xf32, #tpu.memory_space<hbm>> -> memref<64x128xf32, #tpu.memory_space<hbm>>
      tpu.enqueue_dma source(%dma_start3A_28 : memref<64x128xf32, #tpu.memory_space<hbm>>) target(%dma_start3A_26 : memref<64x128xf32, #tpu.memory_space<vmem_shared>>) target_semaphore(%run_scoped3A : memref<!tpu.dma_semaphore, #tpu.memory_space<semaphore_mem>>)
      %dma_wait3A = arith.constant 0 : i32
      %dma_wait3A_29 = tpu.memref_slice %arg8[%mul3A_4, %dma_wait3A] : memref<1025x128xf32, #tpu.memory_space<vmem_shared>> -> memref<64x128xf32, #tpu.memory_space<vmem_shared>>
      %dma_wait3A_30 = arith.constant 0 : i32
      %dma_wait3A_31 = tpu.memref_slice %arg2[%add3A, %dma_wait3A_30] : memref<2048x128xf32, #tpu.memory_space<hbm>> -> memref<64x128xf32, #tpu.memory_space<hbm>>
      tpu.wait_dma2 semaphore(%run_scoped3A : memref<!tpu.dma_semaphore, #tpu.memory_space<semaphore_mem>>) src(%dma_wait3A_31 : memref<64x128xf32, #tpu.memory_space<hbm>>) dst(%dma_wait3A_29 : memref<64x128xf32, #tpu.memory_space<vmem_shared>>)
      tpu.yield
    }) : () -> ()
    %barrier3A = arith.constant 0 : index
    tpu.barrier barrier_id(%barrier3A)
    %scan3A = arith.constant 0 : i32
    %scan3A_5 = arith.constant 0 : i32
    %mul3A_6 = arith.constant 64 : i32
    %mul3A_7 = arith.muli %arg1, %mul3A_6 : i32
    %mul3A_8 = arith.constant 64 : i32
    %mul3A_9 = arith.muli %scan3A_5, %mul3A_8 : i32
    %add3A_10 = arith.addi %mul3A_7, %mul3A_9 : i32
    "tpu.region"() ({
      %run_scoped3A = tpu.sem_alloc : memref<!tpu.dma_semaphore, #tpu.memory_space<semaphore_mem>>
      %dma_start3A = tpu.memref_slice %arg4[%add3A_10] : memref<1024xi32, #tpu.memory_space<hbm>> -> memref<64xi32, #tpu.memory_space<hbm>>
      %dma_start3A_26 = tpu.memref_slice %arg4[%add3A_10] : memref<1024xi32, #tpu.memory_space<hbm>> -> memref<64xi32, #tpu.memory_space<hbm>>
      tpu.enqueue_dma source(%dma_start3A_26 : memref<64xi32, #tpu.memory_space<hbm>>) target(%arg6 : memref<64xi32, #tpu.memory_space<vmem>>) target_semaphore(%run_scoped3A : memref<!tpu.dma_semaphore, #tpu.memory_space<semaphore_mem>>)
      %dma_wait3A = tpu.memref_slice %arg4[%add3A_10] : memref<1024xi32, #tpu.memory_space<hbm>> -> memref<64xi32, #tpu.memory_space<hbm>>
      %dma_wait3A_27 = tpu.memref_slice %arg4[%add3A_10] : memref<1024xi32, #tpu.memory_space<hbm>> -> memref<64xi32, #tpu.memory_space<hbm>>
      tpu.wait_dma2 semaphore(%run_scoped3A : memref<!tpu.dma_semaphore, #tpu.memory_space<semaphore_mem>>) src(%dma_wait3A_27 : memref<64xi32, #tpu.memory_space<hbm>>) dst(%arg6 : memref<64xi32, #tpu.memory_space<vmem>>)
      tpu.yield
    }) : () -> ()
    "tpu.region"() ({
      %run_scoped3A = tpu.sem_alloc : memref<!tpu.dma_semaphore, #tpu.memory_space<semaphore_mem>>
      %dma_start3A = arith.constant 0 : i32
      %dma_start3A_26 = tpu.memref_slice %arg3[%add3A_10, %dma_start3A] : memref<1024x128xf32, #tpu.memory_space<hbm>> -> memref<64x128xf32, #tpu.memory_space<hbm>>
      %dma_start3A_27 = arith.constant 0 : i32
      %dma_start3A_28 = tpu.memref_slice %arg3[%add3A_10, %dma_start3A_27] : memref<1024x128xf32, #tpu.memory_space<hbm>> -> memref<64x128xf32, #tpu.memory_space<hbm>>
      tpu.enqueue_dma source(%dma_start3A_28 : memref<64x128xf32, #tpu.memory_space<hbm>>) target(%arg7 : memref<64x128xf32, #tpu.memory_space<vmem>>) target_semaphore(%run_scoped3A : memref<!tpu.dma_semaphore, #tpu.memory_space<semaphore_mem>>)
      %dma_wait3A = arith.constant 0 : i32
      %dma_wait3A_29 = tpu.memref_slice %arg3[%add3A_10, %dma_wait3A] : memref<1024x128xf32, #tpu.memory_space<hbm>> -> memref<64x128xf32, #tpu.memory_space<hbm>>
      %dma_wait3A_30 = arith.constant 0 : i32
      %dma_wait3A_31 = tpu.memref_slice %arg3[%add3A_10, %dma_wait3A_30] : memref<1024x128xf32, #tpu.memory_space<hbm>> -> memref<64x128xf32, #tpu.memory_space<hbm>>
      tpu.wait_dma2 semaphore(%run_scoped3A : memref<!tpu.dma_semaphore, #tpu.memory_space<semaphore_mem>>) src(%dma_wait3A_31 : memref<64x128xf32, #tpu.memory_space<hbm>>) dst(%arg7 : memref<64x128xf32, #tpu.memory_space<vmem>>)
      tpu.yield
    }) : () -> ()
    %scan3A_11 = arith.constant 0 : i32
    %scan3A_12 = arith.constant 0 : i32
    %scan3A_13 = arith.constant 4 : i32
    %scan3A_14 = arith.addi %scan3A_12, %scan3A_13 : i32
    %scan3A_15 = arith.constant 1 : i32
    %scan3A_16 = scf.for %scan3A_26 = %scan3A_12 to %scan3A_14 step %scan3A_15 iter_args(%scan3A_27 = %scan3A_11) -> (i32)  : i32 {
      %mul3A_28 = arith.constant 16 : i32
      %mul3A_29 = arith.muli %scan3A_26, %mul3A_28 : i32
      %get3A = arith.index_cast %mul3A_29 : i32 to index
      %get3A_30 = tpu.vector_load %arg6[%get3A] {strides = array<i32>} : memref<64xi32, #tpu.memory_space<vmem>>, vector<16xi32>,
      %get3A_31 = vector.shape_cast %get3A_30 : vector<16xi32> to vector<16xi32>
      %sub3A = vector.broadcast %mul3A_0 : i32 to vector<16xi32>
      %sub3A_32 = arith.subi %get3A_31, %sub3A : vector<16xi32>
      %ge3A = arith.constant 0 : i32
      %ge3A_33 = vector.broadcast %ge3A : i32 to vector<16xi32>
      %ge3A_34 = arith.cmpi sge, %sub3A_32, %ge3A_33 : vector<16xi32>
      %lt3A = arith.constant 1024 : i32
      %lt3A_35 = vector.broadcast %lt3A : i32 to vector<16xi32>
      %lt3A_36 = arith.cmpi slt, %sub3A_32, %lt3A_35 : vector<16xi32>
      %and3A = arith.andi %ge3A_34, %lt3A_36 : vector<16xi1>
      %jit3A = arith.constant 1024 : i32
      %broadcast_in_dim3A = vector.broadcast %jit3A : i32 to vector<16xi32>
      %select_n3A = arith.select %and3A, %sub3A_32, %broadcast_in_dim3A : vector<16xi1>, vector<16xi32>
      %mul3A_37 = arith.constant 16 : i32
      %mul3A_38 = arith.muli %scan3A_26, %mul3A_37 : i32
      %swap3A = arith.index_cast %mul3A_38 : i32 to index
      %swap3A_39 = tpu.vector_load %arg6[%swap3A] {strides = array<i32>} : memref<64xi32, #tpu.memory_space<vmem>>, vector<16xi32>,
      %swap3A_40 = vector.shape_cast %swap3A_39 : vector<16xi32> to vector<16xi32>
      %swap3A_41 = vector.shape_cast %select_n3A : vector<16xi32> to vector<16xi32>
      tpu.vector_store %arg6[%swap3A], %swap3A_41 {strides = array<i32>} : memref<64xi32, #tpu.memory_space<vmem>>, vector<16xi32>,
      %scan3A_42 = arith.constant 0 : i32
      scf.yield %scan3A_42 : i32
    }
    %scan3A_17 = arith.constant 4 : i32
    "tpu.region"() ({
      %run_scoped3A = tpu.sem_alloc : memref<!tpu.dma_semaphore, #tpu.memory_space<semaphore_mem>>
      %dma_start3A = arith.constant 0 : i32
      %dma_start3A_26 = arith.constant 0 : i32
      %dma_start3A_27 = tpu.memref_slice %arg8[%dma_start3A, %dma_start3A_26] : memref<1025x128xf32, #tpu.memory_space<vmem_shared>> -> memref<1025x128xf32, #tpu.memory_space<vmem_shared>>
      tpu.enqueue_indirect_dma source(%arg7 : memref<64x128xf32, #tpu.memory_space<vmem>>) target(%dma_start3A_27 : memref<1025x128xf32, #tpu.memory_space<vmem_shared>>) offsets(%arg6 : memref<64xi32, #tpu.memory_space<vmem>>) semaphore(%run_scoped3A : memref<!tpu.dma_semaphore, #tpu.memory_space<semaphore_mem>>) {add = true}
      %dma_wait3A = arith.constant 0 : i32
      %dma_wait3A_28 = arith.constant 0 : i32
      %dma_wait3A_29 = tpu.memref_slice %arg8[%dma_wait3A, %dma_wait3A_28] : memref<1025x128xf32, #tpu.memory_space<vmem_shared>> -> memref<1025x128xf32, #tpu.memory_space<vmem_shared>>
      tpu.wait_indirect_dma semaphore(%run_scoped3A : memref<!tpu.dma_semaphore, #tpu.memory_space<semaphore_mem>>) src(%arg7 : memref<64x128xf32, #tpu.memory_space<vmem>>) dst(%dma_wait3A_29 : memref<1025x128xf32, #tpu.memory_space<vmem_shared>>)
      tpu.yield
    }) : () -> ()
    %scan3A_18 = arith.constant 0 : i32
    %scan3A_19 = arith.constant 1 : i32
    %barrier3A_20 = arith.constant 0 : index
    tpu.barrier barrier_id(%barrier3A_20)
    %mul3A_21 = arith.constant 64 : i32
    %mul3A_22 = arith.muli %arg1, %mul3A_21 : i32
    %mul3A_23 = arith.constant 64 : i32
    %mul3A_24 = arith.muli %arg1, %mul3A_23 : i32
    %add3A_25 = arith.addi %mul3A_0, %mul3A_24 : i32
    "tpu.region"() ({
      %run_scoped3A = tpu.sem_alloc : memref<!tpu.dma_semaphore, #tpu.memory_space<semaphore_mem>>
      %dma_start3A = arith.constant 0 : i32
      %dma_start3A_26 = tpu.memref_slice %arg5[%add3A_25, %dma_start3A] : memref<2048x128xf32, #tpu.memory_space<hbm>> -> memref<64x128xf32, #tpu.memory_space<hbm>>
      %dma_start3A_27 = arith.constant 0 : i32
      %dma_start3A_28 = tpu.memref_slice %arg8[%mul3A_22, %dma_start3A_27] : memref<1025x128xf32, #tpu.memory_space<vmem_shared>> -> memref<64x128xf32, #tpu.memory_space<vmem_shared>>
      tpu.enqueue_dma source(%dma_start3A_28 : memref<64x128xf32, #tpu.memory_space<vmem_shared>>) target(%dma_start3A_26 : memref<64x128xf32, #tpu.memory_space<hbm>>) target_semaphore(%run_scoped3A : memref<!tpu.dma_semaphore, #tpu.memory_space<semaphore_mem>>)
      %dma_wait3A = arith.constant 0 : i32
      %dma_wait3A_29 = tpu.memref_slice %arg5[%add3A_25, %dma_wait3A] : memref<2048x128xf32, #tpu.memory_space<hbm>> -> memref<64x128xf32, #tpu.memory_space<hbm>>
      %dma_wait3A_30 = arith.constant 0 : i32
      %dma_wait3A_31 = tpu.memref_slice %arg8[%mul3A_22, %dma_wait3A_30] : memref<1025x128xf32, #tpu.memory_space<vmem_shared>> -> memref<64x128xf32, #tpu.memory_space<vmem_shared>>
      tpu.wait_dma2 semaphore(%run_scoped3A : memref<!tpu.dma_semaphore, #tpu.memory_space<semaphore_mem>>) src(%dma_wait3A_31 : memref<64x128xf32, #tpu.memory_space<vmem_shared>>) dst(%dma_wait3A_29 : memref<64x128xf32, #tpu.memory_space<hbm>>)
      tpu.yield
    }) : () -> ()
    return
  }
}

#map = affine_map<(d0, d1) -> (0, 0)>
#map1 = affine_map<(d0, d1) -> (0)>
module attributes {stable_mosaic.version = 14 : i64} {
  func.func @uk(%arg0: i32, %arg1: i32, %arg2: memref<4096x128xf32, #tpu.memory_space<hbm>>, %arg3: memref<2048x128xf32, #tpu.memory_space<hbm>>, %arg4: memref<2048xi32, #tpu.memory_space<hbm>>, %arg5: memref<4096x128xf32, #tpu.memory_space<hbm>>, %arg6: memref<128xi32, #tpu.memory_space<vmem>>, %arg7: memref<128x128xf32, #tpu.memory_space<vmem>>, %arg8: memref<2049x128xf32, #tpu.memory_space<vmem_shared>>, %arg9: memref<!tpu.dma_semaphore, #tpu.memory_space<semaphore_mem>>) attributes {dimension_semantics = [#tpu.dimension_semantics<core_parallel>, #tpu.dimension_semantics<subcore_parallel>], iteration_bounds = array<i64: 2, 16>, scalar_prefetch = 0 : i64, scratch_operands = 4 : i64, tpu.core_type = #tpu.core_type<sc_vector_subcore>, window_params = [{transform_indices = #map}, {transform_indices = #map}, {transform_indices = #map1}, {transform_indices = #map}]} {
    %mul3A = arith.constant 2048 : i32
    %mul3A_0 = arith.muli %arg0, %mul3A : i32
    %mul3A_1 = arith.constant 128 : i32
    %mul3A_2 = arith.muli %arg1, %mul3A_1 : i32
    %add3A = arith.addi %mul3A_0, %mul3A_2 : i32
    %mul3A_3 = arith.constant 128 : i32
    %mul3A_4 = arith.muli %arg1, %mul3A_3 : i32
    "tpu.region"() ({
      %run_scoped3A = tpu.sem_alloc : memref<!tpu.dma_semaphore, #tpu.memory_space<semaphore_mem>>
      %dma_start3A = arith.constant 0 : i32
      %dma_start3A_26 = tpu.memref_slice %arg8[%mul3A_4, %dma_start3A] : memref<2049x128xf32, #tpu.memory_space<vmem_shared>> -> memref<128x128xf32, #tpu.memory_space<vmem_shared>>
      %dma_start3A_27 = arith.constant 0 : i32
      %dma_start3A_28 = tpu.memref_slice %arg2[%add3A, %dma_start3A_27] : memref<4096x128xf32, #tpu.memory_space<hbm>> -> memref<128x128xf32, #tpu.memory_space<hbm>>
      tpu.enqueue_dma source(%dma_start3A_28 : memref<128x128xf32, #tpu.memory_space<hbm>>) target(%dma_start3A_26 : memref<128x128xf32, #tpu.memory_space<vmem_shared>>) target_semaphore(%run_scoped3A : memref<!tpu.dma_semaphore, #tpu.memory_space<semaphore_mem>>)
      %dma_wait3A = arith.constant 0 : i32
      %dma_wait3A_29 = tpu.memref_slice %arg8[%mul3A_4, %dma_wait3A] : memref<2049x128xf32, #tpu.memory_space<vmem_shared>> -> memref<128x128xf32, #tpu.memory_space<vmem_shared>>
      %dma_wait3A_30 = arith.constant 0 : i32
      %dma_wait3A_31 = tpu.memref_slice %arg2[%add3A, %dma_wait3A_30] : memref<4096x128xf32, #tpu.memory_space<hbm>> -> memref<128x128xf32, #tpu.memory_space<hbm>>
      tpu.wait_dma2 semaphore(%run_scoped3A : memref<!tpu.dma_semaphore, #tpu.memory_space<semaphore_mem>>) src(%dma_wait3A_31 : memref<128x128xf32, #tpu.memory_space<hbm>>) dst(%dma_wait3A_29 : memref<128x128xf32, #tpu.memory_space<vmem_shared>>)
      tpu.yield
    }) : () -> ()
    %barrier3A = arith.constant 0 : index
    tpu.barrier barrier_id(%barrier3A)
    %scan3A = arith.constant 0 : i32
    %scan3A_5 = arith.constant 0 : i32
    %mul3A_6 = arith.constant 128 : i32
    %mul3A_7 = arith.muli %arg1, %mul3A_6 : i32
    %mul3A_8 = arith.constant 128 : i32
    %mul3A_9 = arith.muli %scan3A_5, %mul3A_8 : i32
    %add3A_10 = arith.addi %mul3A_7, %mul3A_9 : i32
    "tpu.region"() ({
      %run_scoped3A = tpu.sem_alloc : memref<!tpu.dma_semaphore, #tpu.memory_space<semaphore_mem>>
      %dma_start3A = tpu.memref_slice %arg4[%add3A_10] : memref<2048xi32, #tpu.memory_space<hbm>> -> memref<128xi32, #tpu.memory_space<hbm>>
      %dma_start3A_26 = tpu.memref_slice %arg4[%add3A_10] : memref<2048xi32, #tpu.memory_space<hbm>> -> memref<128xi32, #tpu.memory_space<hbm>>
      tpu.enqueue_dma source(%dma_start3A_26 : memref<128xi32, #tpu.memory_space<hbm>>) target(%arg6 : memref<128xi32, #tpu.memory_space<vmem>>) target_semaphore(%run_scoped3A : memref<!tpu.dma_semaphore, #tpu.memory_space<semaphore_mem>>)
      %dma_wait3A = tpu.memref_slice %arg4[%add3A_10] : memref<2048xi32, #tpu.memory_space<hbm>> -> memref<128xi32, #tpu.memory_space<hbm>>
      %dma_wait3A_27 = tpu.memref_slice %arg4[%add3A_10] : memref<2048xi32, #tpu.memory_space<hbm>> -> memref<128xi32, #tpu.memory_space<hbm>>
      tpu.wait_dma2 semaphore(%run_scoped3A : memref<!tpu.dma_semaphore, #tpu.memory_space<semaphore_mem>>) src(%dma_wait3A_27 : memref<128xi32, #tpu.memory_space<hbm>>) dst(%arg6 : memref<128xi32, #tpu.memory_space<vmem>>)
      tpu.yield
    }) : () -> ()
    "tpu.region"() ({
      %run_scoped3A = tpu.sem_alloc : memref<!tpu.dma_semaphore, #tpu.memory_space<semaphore_mem>>
      %dma_start3A = arith.constant 0 : i32
      %dma_start3A_26 = tpu.memref_slice %arg3[%add3A_10, %dma_start3A] : memref<2048x128xf32, #tpu.memory_space<hbm>> -> memref<128x128xf32, #tpu.memory_space<hbm>>
      %dma_start3A_27 = arith.constant 0 : i32
      %dma_start3A_28 = tpu.memref_slice %arg3[%add3A_10, %dma_start3A_27] : memref<2048x128xf32, #tpu.memory_space<hbm>> -> memref<128x128xf32, #tpu.memory_space<hbm>>
      tpu.enqueue_dma source(%dma_start3A_28 : memref<128x128xf32, #tpu.memory_space<hbm>>) target(%arg7 : memref<128x128xf32, #tpu.memory_space<vmem>>) target_semaphore(%run_scoped3A : memref<!tpu.dma_semaphore, #tpu.memory_space<semaphore_mem>>)
      %dma_wait3A = arith.constant 0 : i32
      %dma_wait3A_29 = tpu.memref_slice %arg3[%add3A_10, %dma_wait3A] : memref<2048x128xf32, #tpu.memory_space<hbm>> -> memref<128x128xf32, #tpu.memory_space<hbm>>
      %dma_wait3A_30 = arith.constant 0 : i32
      %dma_wait3A_31 = tpu.memref_slice %arg3[%add3A_10, %dma_wait3A_30] : memref<2048x128xf32, #tpu.memory_space<hbm>> -> memref<128x128xf32, #tpu.memory_space<hbm>>
      tpu.wait_dma2 semaphore(%run_scoped3A : memref<!tpu.dma_semaphore, #tpu.memory_space<semaphore_mem>>) src(%dma_wait3A_31 : memref<128x128xf32, #tpu.memory_space<hbm>>) dst(%arg7 : memref<128x128xf32, #tpu.memory_space<vmem>>)
      tpu.yield
    }) : () -> ()
    %scan3A_11 = arith.constant 0 : i32
    %scan3A_12 = arith.constant 0 : i32
    %scan3A_13 = arith.constant 8 : i32
    %scan3A_14 = arith.addi %scan3A_12, %scan3A_13 : i32
    %scan3A_15 = arith.constant 1 : i32
    %scan3A_16 = scf.for %scan3A_26 = %scan3A_12 to %scan3A_14 step %scan3A_15 iter_args(%scan3A_27 = %scan3A_11) -> (i32)  : i32 {
      %mul3A_28 = arith.constant 16 : i32
      %mul3A_29 = arith.muli %scan3A_26, %mul3A_28 : i32
      %get3A = arith.index_cast %mul3A_29 : i32 to index
      %get3A_30 = tpu.vector_load %arg6[%get3A] {strides = array<i32>} : memref<128xi32, #tpu.memory_space<vmem>>, vector<16xi32>,
      %get3A_31 = vector.shape_cast %get3A_30 : vector<16xi32> to vector<16xi32>
      %sub3A = vector.broadcast %mul3A_0 : i32 to vector<16xi32>
      %sub3A_32 = arith.subi %get3A_31, %sub3A : vector<16xi32>
      %ge3A = arith.constant 0 : i32
      %ge3A_33 = vector.broadcast %ge3A : i32 to vector<16xi32>
      %ge3A_34 = arith.cmpi sge, %sub3A_32, %ge3A_33 : vector<16xi32>
      %lt3A = arith.constant 2048 : i32
      %lt3A_35 = vector.broadcast %lt3A : i32 to vector<16xi32>
      %lt3A_36 = arith.cmpi slt, %sub3A_32, %lt3A_35 : vector<16xi32>
      %and3A = arith.andi %ge3A_34, %lt3A_36 : vector<16xi1>
      %jit3A = arith.constant 2048 : i32
      %broadcast_in_dim3A = vector.broadcast %jit3A : i32 to vector<16xi32>
      %select_n3A = arith.select %and3A, %sub3A_32, %broadcast_in_dim3A : vector<16xi1>, vector<16xi32>
      %mul3A_37 = arith.constant 16 : i32
      %mul3A_38 = arith.muli %scan3A_26, %mul3A_37 : i32
      %swap3A = arith.index_cast %mul3A_38 : i32 to index
      %swap3A_39 = tpu.vector_load %arg6[%swap3A] {strides = array<i32>} : memref<128xi32, #tpu.memory_space<vmem>>, vector<16xi32>,
      %swap3A_40 = vector.shape_cast %swap3A_39 : vector<16xi32> to vector<16xi32>
      %swap3A_41 = vector.shape_cast %select_n3A : vector<16xi32> to vector<16xi32>
      tpu.vector_store %arg6[%swap3A], %swap3A_41 {strides = array<i32>} : memref<128xi32, #tpu.memory_space<vmem>>, vector<16xi32>,
      %scan3A_42 = arith.constant 0 : i32
      scf.yield %scan3A_42 : i32
    }
    %scan3A_17 = arith.constant 8 : i32
    "tpu.region"() ({
      %run_scoped3A = tpu.sem_alloc : memref<!tpu.dma_semaphore, #tpu.memory_space<semaphore_mem>>
      %dma_start3A = arith.constant 0 : i32
      %dma_start3A_26 = arith.constant 0 : i32
      %dma_start3A_27 = tpu.memref_slice %arg8[%dma_start3A, %dma_start3A_26] : memref<2049x128xf32, #tpu.memory_space<vmem_shared>> -> memref<2049x128xf32, #tpu.memory_space<vmem_shared>>
      tpu.enqueue_indirect_dma source(%arg7 : memref<128x128xf32, #tpu.memory_space<vmem>>) target(%dma_start3A_27 : memref<2049x128xf32, #tpu.memory_space<vmem_shared>>) offsets(%arg6 : memref<128xi32, #tpu.memory_space<vmem>>) semaphore(%run_scoped3A : memref<!tpu.dma_semaphore, #tpu.memory_space<semaphore_mem>>) {add = true}
      %dma_wait3A = arith.constant 0 : i32
      %dma_wait3A_28 = arith.constant 0 : i32
      %dma_wait3A_29 = tpu.memref_slice %arg8[%dma_wait3A, %dma_wait3A_28] : memref<2049x128xf32, #tpu.memory_space<vmem_shared>> -> memref<2049x128xf32, #tpu.memory_space<vmem_shared>>
      tpu.wait_indirect_dma semaphore(%run_scoped3A : memref<!tpu.dma_semaphore, #tpu.memory_space<semaphore_mem>>) src(%arg7 : memref<128x128xf32, #tpu.memory_space<vmem>>) dst(%dma_wait3A_29 : memref<2049x128xf32, #tpu.memory_space<vmem_shared>>)
      tpu.yield
    }) : () -> ()
    %scan3A_18 = arith.constant 0 : i32
    %scan3A_19 = arith.constant 1 : i32
    %barrier3A_20 = arith.constant 0 : index
    tpu.barrier barrier_id(%barrier3A_20)
    %mul3A_21 = arith.constant 128 : i32
    %mul3A_22 = arith.muli %arg1, %mul3A_21 : i32
    %mul3A_23 = arith.constant 128 : i32
    %mul3A_24 = arith.muli %arg1, %mul3A_23 : i32
    %add3A_25 = arith.addi %mul3A_0, %mul3A_24 : i32
    "tpu.region"() ({
      %run_scoped3A = tpu.sem_alloc : memref<!tpu.dma_semaphore, #tpu.memory_space<semaphore_mem>>
      %dma_start3A = arith.constant 0 : i32
      %dma_start3A_26 = tpu.memref_slice %arg5[%add3A_25, %dma_start3A] : memref<4096x128xf32, #tpu.memory_space<hbm>> -> memref<128x128xf32, #tpu.memory_space<hbm>>
      %dma_start3A_27 = arith.constant 0 : i32
      %dma_start3A_28 = tpu.memref_slice %arg8[%mul3A_22, %dma_start3A_27] : memref<2049x128xf32, #tpu.memory_space<vmem_shared>> -> memref<128x128xf32, #tpu.memory_space<vmem_shared>>
      tpu.enqueue_dma source(%dma_start3A_28 : memref<128x128xf32, #tpu.memory_space<vmem_shared>>) target(%dma_start3A_26 : memref<128x128xf32, #tpu.memory_space<hbm>>) target_semaphore(%run_scoped3A : memref<!tpu.dma_semaphore, #tpu.memory_space<semaphore_mem>>)
      %dma_wait3A = arith.constant 0 : i32
      %dma_wait3A_29 = tpu.memref_slice %arg5[%add3A_25, %dma_wait3A] : memref<4096x128xf32, #tpu.memory_space<hbm>> -> memref<128x128xf32, #tpu.memory_space<hbm>>
      %dma_wait3A_30 = arith.constant 0 : i32
      %dma_wait3A_31 = tpu.memref_slice %arg8[%mul3A_22, %dma_wait3A_30] : memref<2049x128xf32, #tpu.memory_space<vmem_shared>> -> memref<128x128xf32, #tpu.memory_space<vmem_shared>>
      tpu.wait_dma2 semaphore(%run_scoped3A : memref<!tpu.dma_semaphore, #tpu.memory_space<semaphore_mem>>) src(%dma_wait3A_31 : memref<128x128xf32, #tpu.memory_space<vmem_shared>>) dst(%dma_wait3A_29 : memref<128x128xf32, #tpu.memory_space<hbm>>)
      tpu.yield
    }) : () -> ()
    return
  }
}

module attributes {stable_mosaic.version = 14 : i64} {
  func.func @_mm_body(%arg0: i32, %arg1: memref<1024x128xf32, #tpu.memory_space<vmem>>, %arg2: memref<128x128xf32, #tpu.memory_space<vmem>>, %arg3: memref<1024xf32, #tpu.memory_space<vmem>>, %arg4: memref<1024xf32, #tpu.memory_space<vmem>>, %arg5: memref<1024x128xf32, #tpu.memory_space<vmem>>) attributes {dimension_semantics = [#tpu.dimension_semantics<arbitrary>], iteration_bounds = array<i64: 4>, scalar_prefetch = 0 : i64, scratch_operands = 0 : i64, tpu.core_type = #tpu.core_type<tc>, window_params = [{transform_indices = @transform_0, window_bounds = array<i64: 1024, 128>}, {pipeline_mode = #tpu.pipeline_mode<synchronous>, transform_indices = @transform_1, window_bounds = array<i64: 128, 128>}, {transform_indices = @transform_2, window_bounds = array<i64: 1024>}, {transform_indices = @transform_3, window_bounds = array<i64: 1024>}, {transform_indices = @transform_4, window_bounds = array<i64: 1024, 128>}]} {
    %get3A = arith.constant 0 : index
    %get3A_0 = arith.constant 0 : index
    %get3A_1 = vector.load %arg1[%get3A, %get3A_0] : memref<1024x128xf32, #tpu.memory_space<vmem>>, vector<1024x128xf32>
    %get3A_2 = arith.constant 0 : index
    %get3A_3 = vector.load %arg3[%get3A_2] : memref<1024xf32, #tpu.memory_space<vmem>>, vector<1024xf32>
    %broadcast_in_dim3A = vector.shape_cast %get3A_3 : vector<1024xf32> to vector<1024x1xf32>
    %mul3A = vector.broadcast %broadcast_in_dim3A : vector<1024x1xf32> to vector<1024x128xf32>
    %mul3A_4 = arith.mulf %get3A_1, %mul3A : vector<1024x128xf32>
    %get3A_5 = arith.constant 0 : index
    %get3A_6 = arith.constant 0 : index
    %get3A_7 = vector.load %arg2[%get3A_5, %get3A_6] : memref<128x128xf32, #tpu.memory_space<vmem>>, vector<128x128xf32>
    %dot_general3A = arith.constant dense<0.000000e+00> : vector<1024x128xf32>
    %dot_general3A_8 = tpu.matmul %mul3A_4, %get3A_7, %dot_general3A {dimension_numbers = #tpu.dot_dimension_numbers<[1], [0], [0], [1], [0, 0, 1, 1], [], []>, transpose_lhs_hint = false} : vector<1024x128xf32>, vector<128x128xf32>, vector<1024x128xf32> -> vector<1024x128xf32>
    %get3A_9 = arith.constant 0 : index
    %get3A_10 = vector.load %arg4[%get3A_9] : memref<1024xf32, #tpu.memory_space<vmem>>, vector<1024xf32>
    %broadcast_in_dim3A_11 = vector.shape_cast %get3A_10 : vector<1024xf32> to vector<1024x1xf32>
    %mul3A_12 = vector.broadcast %broadcast_in_dim3A_11 : vector<1024x1xf32> to vector<1024x128xf32>
    %mul3A_13 = arith.mulf %dot_general3A_8, %mul3A_12 : vector<1024x128xf32>
    %swap3A = arith.constant 0 : index
    %swap3A_14 = arith.constant 0 : index
    %swap3A_15 = vector.load %arg5[%swap3A, %swap3A_14] : memref<1024x128xf32, #tpu.memory_space<vmem>>, vector<1024x128xf32>
    tpu.vector_store %arg5[%swap3A, %swap3A_14], %mul3A_13 {strides = array<i32>} : memref<1024x128xf32, #tpu.memory_space<vmem>>, vector<1024x128xf32>,
    return
  }
  func.func @transform_0(%arg0: i32) -> (i32, i32) {
    %c0_i32 = arith.constant 0 : i32
    %c0_i32_0 = arith.constant 0 : i32
    return %arg0, %c0_i32 : i32, i32
  }
  func.func @transform_1(%arg0: i32) -> (i32, i32) {
    %c0_i32 = arith.constant 0 : i32
    %c0_i32_0 = arith.constant 0 : i32
    %c0_i32_1 = arith.constant 0 : i32
    return %c0_i32, %c0_i32_0 : i32, i32
  }
  func.func @transform_2(%arg0: i32) -> i32 {
    %c0_i32 = arith.constant 0 : i32
    return %arg0 : i32
  }
  func.func @transform_3(%arg0: i32) -> i32 {
    %c0_i32 = arith.constant 0 : i32
    return %arg0 : i32
  }
  func.func @transform_4(%arg0: i32) -> (i32, i32) {
    %c0_i32 = arith.constant 0 : i32
    %c0_i32_0 = arith.constant 0 : i32
    return %arg0, %c0_i32 : i32, i32
  }
}

module attributes {stable_mosaic.version = 14 : i64} {
  func.func @_conv_body(%arg0: i32, %arg1: memref<512x4096xf32, #tpu.memory_space<vmem>>, %arg2: memref<4096x128xf32, #tpu.memory_space<vmem>>, %arg3: memref<4096xf32, #tpu.memory_space<vmem>>, %arg4: memref<512xf32, #tpu.memory_space<vmem>>, %arg5: memref<1x128xf32, #tpu.memory_space<vmem>>, %arg6: memref<1x128xf32, #tpu.memory_space<vmem>>, %arg7: memref<512x128xf32, #tpu.memory_space<vmem>>, %arg8: memref<512x1xf32, #tpu.memory_space<vmem>>, %arg9: memref<512x1xf32, #tpu.memory_space<vmem>>) attributes {dimension_semantics = [#tpu.dimension_semantics<arbitrary>], iteration_bounds = array<i64: 8>, scalar_prefetch = 0 : i64, scratch_operands = 0 : i64, tpu.core_type = #tpu.core_type<tc>, window_params = [{transform_indices = @transform_0, window_bounds = array<i64: 512, 4096>}, {pipeline_mode = #tpu.pipeline_mode<synchronous>, transform_indices = @transform_1, window_bounds = array<i64: 4096, 128>}, {pipeline_mode = #tpu.pipeline_mode<synchronous>, transform_indices = @transform_2, window_bounds = array<i64: 4096>}, {transform_indices = @transform_3, window_bounds = array<i64: 512>}, {pipeline_mode = #tpu.pipeline_mode<synchronous>, transform_indices = @transform_4, window_bounds = array<i64: 1, 128>}, {pipeline_mode = #tpu.pipeline_mode<synchronous>, transform_indices = @transform_5, window_bounds = array<i64: 1, 128>}, {transform_indices = @transform_6, window_bounds = array<i64: 512, 128>}, {transform_indices = @transform_7, window_bounds = array<i64: 512, 1>}, {transform_indices = @transform_8, window_bounds = array<i64: 512, 1>}]} {
    %get3A = arith.constant 0 : index
    %get3A_0 = vector.load %arg3[%get3A] : memref<4096xf32, #tpu.memory_space<vmem>>, vector<4096xf32>
    %gt3A = arith.constant 0.000000e+00 : f32
    %gt3A_1 = vector.broadcast %gt3A : f32 to vector<4096xf32>
    %gt3A_2 = arith.cmpf ogt, %get3A_0, %gt3A_1 : vector<4096xf32>
    %max3A = arith.constant 9.99999996E-13 : f32
    %max3A_3 = vector.broadcast %max3A : f32 to vector<4096xf32>
    %max3A_4 = arith.maximumf %get3A_0, %max3A_3 : vector<4096xf32>
    %rsqrt3A = math.rsqrt %max3A_4 : vector<4096xf32>
    %jit3A = arith.constant 0.000000e+00 : f32
    %broadcast_in_dim3A = vector.broadcast %jit3A : f32 to vector<4096xf32>
    %select_n3A = arith.select %gt3A_2, %rsqrt3A, %broadcast_in_dim3A : vector<4096xi1>, vector<4096xf32>
    %get3A_5 = arith.constant 0 : index
    %get3A_6 = arith.constant 0 : index
    %get3A_7 = vector.load %arg2[%get3A_5, %get3A_6] : memref<4096x128xf32, #tpu.memory_space<vmem>>, vector<4096x128xf32>
    %broadcast_in_dim3A_8 = vector.shape_cast %select_n3A : vector<4096xf32> to vector<4096x1xf32>
    %mul3A = vector.broadcast %broadcast_in_dim3A_8 : vector<4096x1xf32> to vector<4096x128xf32>
    %mul3A_9 = arith.mulf %get3A_7, %mul3A : vector<4096x128xf32>
    %get3A_10 = arith.constant 0 : index
    %get3A_11 = arith.constant 0 : index
    %get3A_12 = vector.load %arg1[%get3A_10, %get3A_11] : memref<512x4096xf32, #tpu.memory_space<vmem>>, vector<512x4096xf32>
    %dot_general3A = arith.constant dense<0.000000e+00> : vector<512x128xf32>
    %dot_general3A_13 = tpu.matmul %get3A_12, %mul3A_9, %dot_general3A {dimension_numbers = #tpu.dot_dimension_numbers<[1], [0], [0], [1], [0, 0, 1, 1], [], []>, transpose_lhs_hint = false} : vector<512x4096xf32>, vector<4096x128xf32>, vector<512x128xf32> -> vector<512x128xf32>
    %get3A_14 = arith.constant 0 : index
    %get3A_15 = vector.load %arg4[%get3A_14] : memref<512xf32, #tpu.memory_space<vmem>>, vector<512xf32>
    %gt3A_16 = arith.constant 0.000000e+00 : f32
    %gt3A_17 = vector.broadcast %gt3A_16 : f32 to vector<512xf32>
    %gt3A_18 = arith.cmpf ogt, %get3A_15, %gt3A_17 : vector<512xf32>
    %max3A_19 = arith.constant 9.99999996E-13 : f32
    %max3A_20 = vector.broadcast %max3A_19 : f32 to vector<512xf32>
    %max3A_21 = arith.maximumf %get3A_15, %max3A_20 : vector<512xf32>
    %rsqrt3A_22 = math.rsqrt %max3A_21 : vector<512xf32>
    %jit3A_23 = arith.constant 0.000000e+00 : f32
    %broadcast_in_dim3A_24 = vector.broadcast %jit3A_23 : f32 to vector<512xf32>
    %select_n3A_25 = arith.select %gt3A_18, %rsqrt3A_22, %broadcast_in_dim3A_24 : vector<512xi1>, vector<512xf32>
    %broadcast_in_dim3A_26 = vector.shape_cast %select_n3A_25 : vector<512xf32> to vector<512x1xf32>
    %mul3A_27 = vector.broadcast %broadcast_in_dim3A_26 : vector<512x1xf32> to vector<512x128xf32>
    %mul3A_28 = arith.mulf %dot_general3A_13, %mul3A_27 : vector<512x128xf32>
    %get3A_29 = arith.constant 0 : index
    %get3A_30 = arith.constant 0 : index
    %get3A_31 = vector.load %arg5[%get3A_29, %get3A_30] : memref<1x128xf32, #tpu.memory_space<vmem>>, vector<1x128xf32>
    %add3A = vector.broadcast %get3A_31 : vector<1x128xf32> to vector<512x128xf32>
    %add3A_32 = arith.addf %mul3A_28, %add3A : vector<512x128xf32>
    %max3A_33 = arith.constant 0.000000e+00 : f32
    %max3A_34 = vector.broadcast %max3A_33 : f32 to vector<512x128xf32>
    %max3A_35 = arith.maximumf %add3A_32, %max3A_34 : vector<512x128xf32>
    %swap3A = arith.constant 0 : index
    %swap3A_36 = arith.constant 0 : index
    %swap3A_37 = vector.load %arg7[%swap3A, %swap3A_36] : memref<512x128xf32, #tpu.memory_space<vmem>>, vector<512x128xf32>
    tpu.vector_store %arg7[%swap3A, %swap3A_36], %max3A_35 {strides = array<i32>} : memref<512x128xf32, #tpu.memory_space<vmem>>, vector<512x128xf32>,
    %get3A_38 = arith.constant 0 : index
    %get3A_39 = arith.constant 0 : index
    %get3A_40 = vector.load %arg6[%get3A_38, %get3A_39] : memref<1x128xf32, #tpu.memory_space<vmem>>, vector<1x128xf32>
    %mul3A_41 = arith.mulf %get3A_40, %get3A_40 : vector<1x128xf32>
    %reduce_sum3A = vector.shape_cast %mul3A_41 : vector<1x128xf32> to vector<1x1x128xf32>
    %reduce_sum3A_42 = arith.constant dense<0.000000e+00> : vector<1xf32>
    %reduce_sum3A_43 = vector.multi_reduction <add>, %reduce_sum3A, %reduce_sum3A_42 [1, 2] : vector<1x1x128xf32> to vector<1xf32>
    %reduce_sum3A_44 = vector.shape_cast %reduce_sum3A_43 : vector<1xf32> to vector<1x1x1xf32>
    %reduce_sum3A_45 = vector.extract %reduce_sum3A_44[0, 0, 0] : f32 from vector<1x1x1xf32>
    %sqrt3A = math.sqrt %reduce_sum3A_45 : f32
    %div3A = vector.broadcast %sqrt3A : f32 to vector<1x128xf32>
    %div3A_46 = arith.divf %get3A_40, %div3A : vector<1x128xf32>
    %reshape3A = vector.shape_cast %div3A_46 : vector<1x128xf32> to vector<128x1xf32>
    %dot_general3A_47 = arith.constant dense<0.000000e+00> : vector<512x1xf32>
    %dot_general3A_48 = tpu.matmul %max3A_35, %reshape3A, %dot_general3A_47 {dimension_numbers = #tpu.dot_dimension_numbers<[1], [0], [0], [1], [0, 0, 1, 1], [], []>, transpose_lhs_hint = false} : vector<512x128xf32>, vector<128x1xf32>, vector<512x1xf32> -> vector<512x1xf32>
    %swap3A_49 = arith.constant 0 : index
    %swap3A_50 = arith.constant 0 : index
    %swap3A_51 = vector.load %arg8[%swap3A_49, %swap3A_50] : memref<512x1xf32, #tpu.memory_space<vmem>>, vector<512x1xf32>
    tpu.vector_store %arg8[%swap3A_49, %swap3A_50], %dot_general3A_48 {strides = array<i32>} : memref<512x1xf32, #tpu.memory_space<vmem>>, vector<512x1xf32>,
    %tanh3A = math.tanh %dot_general3A_48 : vector<512x1xf32>
    %swap3A_52 = arith.constant 0 : index
    %swap3A_53 = arith.constant 0 : index
    %swap3A_54 = vector.load %arg9[%swap3A_52, %swap3A_53] : memref<512x1xf32, #tpu.memory_space<vmem>>, vector<512x1xf32>
    tpu.vector_store %arg9[%swap3A_52, %swap3A_53], %tanh3A {strides = array<i32>} : memref<512x1xf32, #tpu.memory_space<vmem>>, vector<512x1xf32>,
    return
  }
  func.func @transform_0(%arg0: i32) -> (i32, i32) {
    %c0_i32 = arith.constant 0 : i32
    %c0_i32_0 = arith.constant 0 : i32
    return %arg0, %c0_i32 : i32, i32
  }
  func.func @transform_1(%arg0: i32) -> (i32, i32) {
    %c0_i32 = arith.constant 0 : i32
    %c0_i32_0 = arith.constant 0 : i32
    %c0_i32_1 = arith.constant 0 : i32
    return %c0_i32, %c0_i32_0 : i32, i32
  }
  func.func @transform_2(%arg0: i32) -> i32 {
    %c0_i32 = arith.constant 0 : i32
    %c0_i32_0 = arith.constant 0 : i32
    return %c0_i32 : i32
  }
  func.func @transform_3(%arg0: i32) -> i32 {
    %c0_i32 = arith.constant 0 : i32
    return %arg0 : i32
  }
  func.func @transform_4(%arg0: i32) -> (i32, i32) {
    %c0_i32 = arith.constant 0 : i32
    %c0_i32_0 = arith.constant 0 : i32
    %c0_i32_1 = arith.constant 0 : i32
    return %c0_i32, %c0_i32_0 : i32, i32
  }
  func.func @transform_5(%arg0: i32) -> (i32, i32) {
    %c0_i32 = arith.constant 0 : i32
    %c0_i32_0 = arith.constant 0 : i32
    %c0_i32_1 = arith.constant 0 : i32
    return %c0_i32, %c0_i32_0 : i32, i32
  }
  func.func @transform_6(%arg0: i32) -> (i32, i32) {
    %c0_i32 = arith.constant 0 : i32
    %c0_i32_0 = arith.constant 0 : i32
    return %arg0, %c0_i32 : i32, i32
  }
  func.func @transform_7(%arg0: i32) -> (i32, i32) {
    %c0_i32 = arith.constant 0 : i32
    %c0_i32_0 = arith.constant 0 : i32
    return %arg0, %c0_i32 : i32, i32
  }
  func.func @transform_8(%arg0: i32) -> (i32, i32) {
    %c0_i32 = arith.constant 0 : i32
    %c0_i32_0 = arith.constant 0 : i32
    return %arg0, %c0_i32 : i32, i32
  }
}

module attributes {stable_mosaic.version = 14 : i64} {
  func.func @_sq_body(%arg0: i32, %arg1: i32, %arg2: i32, %arg3: memref<512x2048xf32, #tpu.memory_space<vmem>>, %arg4: memref<512x2048xf32, #tpu.memory_space<vmem>>, %arg5: memref<512xi32, #tpu.memory_space<vmem>>, %arg6: memref<512xi32, #tpu.memory_space<vmem>>, %arg7: memref<512x512xf32, #tpu.memory_space<vmem>>, %arg8: memref<512xf32, #tpu.memory_space<vmem>>, %arg9: memref<512x512xf32, #tpu.memory_space<vmem>>) attributes {dimension_semantics = [#tpu.dimension_semantics<arbitrary>, #tpu.dimension_semantics<arbitrary>, #tpu.dimension_semantics<arbitrary>], iteration_bounds = array<i64: 4, 4, 2>, scalar_prefetch = 0 : i64, scratch_operands = 0 : i64, tpu.core_type = #tpu.core_type<tc>, window_params = [{transform_indices = @transform_0, window_bounds = array<i64: 512, 2048>}, {transform_indices = @transform_1, window_bounds = array<i64: 512, 2048>}, {transform_indices = @transform_2, window_bounds = array<i64: 512>}, {transform_indices = @transform_3, window_bounds = array<i64: 512>}, {transform_indices = @transform_4, window_bounds = array<i64: 512, 512>}, {transform_indices = @transform_5, window_bounds = array<i64: 512>}, {transform_indices = @transform_6, window_bounds = array<i64: 512, 512>}]} {
    %eq3A = arith.constant 0 : i32
    %eq3A_0 = arith.cmpi eq, %arg2, %eq3A : i32
    %convert_element_type3A = arith.extui %eq3A_0 : i1 to i32
    %cond3A = arith.constant 0 : i32
    %cond3A_1 = arith.cmpi ne, %convert_element_type3A, %cond3A : i32
    scf.if %cond3A_1 {
      %broadcast_in_dim3A = arith.constant 0.000000e+00 : f32
      %broadcast_in_dim3A_18 = vector.broadcast %broadcast_in_dim3A : f32 to vector<512x512xf32>
      %swap3A_19 = arith.constant 0 : index
      %swap3A_20 = arith.constant 0 : index
      %swap3A_21 = vector.load %arg7[%swap3A_19, %swap3A_20] : memref<512x512xf32, #tpu.memory_space<vmem>>, vector<512x512xf32>
      tpu.vector_store %arg7[%swap3A_19, %swap3A_20], %broadcast_in_dim3A_18 {strides = array<i32>} : memref<512x512xf32, #tpu.memory_space<vmem>>, vector<512x512xf32>,
    } else {
    }
    %get3A = arith.constant 0 : index
    %get3A_2 = arith.constant 0 : index
    %get3A_3 = vector.load %arg3[%get3A, %get3A_2] : memref<512x2048xf32, #tpu.memory_space<vmem>>, vector<512x2048xf32>
    %get3A_4 = arith.constant 0 : index
    %get3A_5 = arith.constant 0 : index
    %get3A_6 = vector.load %arg4[%get3A_4, %get3A_5] : memref<512x2048xf32, #tpu.memory_space<vmem>>, vector<512x2048xf32>
    %get3A_7 = arith.constant 0 : index
    %get3A_8 = arith.constant 0 : index
    %get3A_9 = vector.load %arg7[%get3A_7, %get3A_8] : memref<512x512xf32, #tpu.memory_space<vmem>>, vector<512x512xf32>
    %dot_general3A = arith.constant dense<0.000000e+00> : vector<512x512xf32>
    %dot_general3A_10 = tpu.matmul %get3A_3, %get3A_6, %dot_general3A {dimension_numbers = #tpu.dot_dimension_numbers<[1], [1], [0], [0], [0, 0, 1, 0], [], []>, transpose_lhs_hint = false} : vector<512x2048xf32>, vector<512x2048xf32>, vector<512x512xf32> -> vector<512x512xf32>
    %add3A = arith.addf %get3A_9, %dot_general3A_10 : vector<512x512xf32>
    %swap3A = arith.constant 0 : index
    %swap3A_11 = arith.constant 0 : index
    %swap3A_12 = vector.load %arg7[%swap3A, %swap3A_11] : memref<512x512xf32, #tpu.memory_space<vmem>>, vector<512x512xf32>
    tpu.vector_store %arg7[%swap3A, %swap3A_11], %add3A {strides = array<i32>} : memref<512x512xf32, #tpu.memory_space<vmem>>, vector<512x512xf32>,
    %eq3A_13 = arith.constant 1 : i32
    %eq3A_14 = arith.cmpi eq, %arg2, %eq3A_13 : i32
    %convert_element_type3A_15 = arith.extui %eq3A_14 : i1 to i32
    %cond3A_16 = arith.constant 0 : i32
    %cond3A_17 = arith.cmpi ne, %convert_element_type3A_15, %cond3A_16 : i32
    scf.if %cond3A_17 {
      %get3A_18 = arith.constant 0 : index
      %get3A_19 = arith.constant 0 : index
      %get3A_20 = vector.load %arg7[%get3A_18, %get3A_19] : memref<512x512xf32, #tpu.memory_space<vmem>>, vector<512x512xf32>
      %iota3A = tpu.iota {dimensions = array<i32: 0>} : vector<512x512xi32>
      %mul3A = arith.constant 512 : i32
      %mul3A_21 = arith.muli %arg0, %mul3A : i32
      %add3A_22 = vector.broadcast %mul3A_21 : i32 to vector<512x512xi32>
      %add3A_23 = arith.addi %iota3A, %add3A_22 : vector<512x512xi32>
      %iota3A_24 = tpu.iota {dimensions = array<i32: 1>} : vector<512x512xi32>
      %mul3A_25 = arith.constant 512 : i32
      %mul3A_26 = arith.muli %arg1, %mul3A_25 : i32
      %add3A_27 = vector.broadcast %mul3A_26 : i32 to vector<512x512xi32>
      %add3A_28 = arith.addi %iota3A_24, %add3A_27 : vector<512x512xi32>
      %eq3A_29 = arith.cmpi eq, %add3A_23, %add3A_28 : vector<512x512xi32>
      %jit3A = arith.constant 0.000000e+00 : f32
      %broadcast_in_dim3A = vector.broadcast %jit3A : f32 to vector<512x512xf32>
      %select_n3A = arith.select %eq3A_29, %broadcast_in_dim3A, %get3A_20 : vector<512x512xi1>, vector<512x512xf32>
      %swap3A_30 = arith.constant 0 : index
      %swap3A_31 = arith.constant 0 : index
      %swap3A_32 = vector.load %arg7[%swap3A_30, %swap3A_31] : memref<512x512xf32, #tpu.memory_space<vmem>>, vector<512x512xf32>
      tpu.vector_store %arg7[%swap3A_30, %swap3A_31], %select_n3A {strides = array<i32>} : memref<512x512xf32, #tpu.memory_space<vmem>>, vector<512x512xf32>,
      %transpose3A = tpu.transpose %select_n3A, [1, 0] : vector<512x512xf32> -> vector<512x512xf32>
      %swap3A_33 = arith.constant 0 : index
      %swap3A_34 = arith.constant 0 : index
      %swap3A_35 = vector.load %arg9[%swap3A_33, %swap3A_34] : memref<512x512xf32, #tpu.memory_space<vmem>>, vector<512x512xf32>
      tpu.vector_store %arg9[%swap3A_33, %swap3A_34], %transpose3A {strides = array<i32>} : memref<512x512xf32, #tpu.memory_space<vmem>>, vector<512x512xf32>,
      %reduce_sum3A = arith.constant dense<0.000000e+00> : vector<512xf32>
      %reduce_sum3A_36 = vector.multi_reduction <add>, %select_n3A, %reduce_sum3A [1] : vector<512x512xf32> to vector<512xf32>
      %eq3A_37 = arith.constant 0 : i32
      %eq3A_38 = arith.cmpi eq, %arg1, %eq3A_37 : i32
      %convert_element_type3A_39 = arith.extui %eq3A_38 : i1 to i32
      %cond3A_40 = arith.constant 0 : i32
      %cond3A_41 = arith.cmpi ne, %convert_element_type3A_39, %cond3A_40 : i32
      scf.if %cond3A_41 {
        %swap3A_46 = arith.constant 0 : index
        %swap3A_47 = vector.load %arg8[%swap3A_46] : memref<512xf32, #tpu.memory_space<vmem>>, vector<512xf32>
        tpu.vector_store %arg8[%swap3A_46], %reduce_sum3A_36 {strides = array<i32>} : memref<512xf32, #tpu.memory_space<vmem>>, vector<512xf32>,
      } else {
      }
      %ne3A = arith.constant 0 : i32
      %ne3A_42 = arith.cmpi ne, %arg1, %ne3A : i32
      %convert_element_type3A_43 = arith.extui %ne3A_42 : i1 to i32
      %cond3A_44 = arith.constant 0 : i32
      %cond3A_45 = arith.cmpi ne, %convert_element_type3A_43, %cond3A_44 : i32
      scf.if %cond3A_45 {
        %get3A_46 = arith.constant 0 : index
        %get3A_47 = vector.load %arg8[%get3A_46] : memref<512xf32, #tpu.memory_space<vmem>>, vector<512xf32>
        %add3A_48 = arith.addf %get3A_47, %reduce_sum3A_36 : vector<512xf32>
        %swap3A_49 = arith.constant 0 : index
        %swap3A_50 = vector.load %arg8[%swap3A_49] : memref<512xf32, #tpu.memory_space<vmem>>, vector<512xf32>
        tpu.vector_store %arg8[%swap3A_49], %add3A_48 {strides = array<i32>} : memref<512xf32, #tpu.memory_space<vmem>>, vector<512xf32>,
      } else {
      }
    } else {
    }
    return
  }
  func.func @transform_0(%arg0: i32, %arg1: i32, %arg2: i32) -> (i32, i32) {
    %c0_i32 = arith.constant 0 : i32
    return %arg0, %arg2 : i32, i32
  }
  func.func @transform_1(%arg0: i32, %arg1: i32, %arg2: i32) -> (i32, i32) {
    %c0_i32 = arith.constant 0 : i32
    return %arg1, %arg2 : i32, i32
  }
  func.func @transform_2(%arg0: i32, %arg1: i32, %arg2: i32) -> i32 {
    %c0_i32 = arith.constant 0 : i32
    return %arg0 : i32
  }
  func.func @transform_3(%arg0: i32, %arg1: i32, %arg2: i32) -> i32 {
    %c0_i32 = arith.constant 0 : i32
    return %arg1 : i32
  }
  func.func @transform_4(%arg0: i32, %arg1: i32, %arg2: i32) -> (i32, i32) {
    %c0_i32 = arith.constant 0 : i32
    return %arg0, %arg1 : i32, i32
  }
  func.func @transform_5(%arg0: i32, %arg1: i32, %arg2: i32) -> i32 {
    %c0_i32 = arith.constant 0 : i32
    return %arg0 : i32
  }
  func.func @transform_6(%arg0: i32, %arg1: i32, %arg2: i32) -> (i32, i32) {
    %c0_i32 = arith.constant 0 : i32
    return %arg1, %arg0 : i32, i32
  }
}

module attributes {stable_mosaic.version = 14 : i64} {
  func.func @_mm_body(%arg0: i32, %arg1: memref<1024x128xf32, #tpu.memory_space<vmem>>, %arg2: memref<128x128xf32, #tpu.memory_space<vmem>>, %arg3: memref<1024xf32, #tpu.memory_space<vmem>>, %arg4: memref<1024xf32, #tpu.memory_space<vmem>>, %arg5: memref<1024x128xf32, #tpu.memory_space<vmem>>) attributes {dimension_semantics = [#tpu.dimension_semantics<arbitrary>], iteration_bounds = array<i64: 2>, scalar_prefetch = 0 : i64, scratch_operands = 0 : i64, tpu.core_type = #tpu.core_type<tc>, window_params = [{transform_indices = @transform_0, window_bounds = array<i64: 1024, 128>}, {pipeline_mode = #tpu.pipeline_mode<synchronous>, transform_indices = @transform_1, window_bounds = array<i64: 128, 128>}, {transform_indices = @transform_2, window_bounds = array<i64: 1024>}, {transform_indices = @transform_3, window_bounds = array<i64: 1024>}, {transform_indices = @transform_4, window_bounds = array<i64: 1024, 128>}]} {
    %get3A = arith.constant 0 : index
    %get3A_0 = arith.constant 0 : index
    %get3A_1 = vector.load %arg1[%get3A, %get3A_0] : memref<1024x128xf32, #tpu.memory_space<vmem>>, vector<1024x128xf32>
    %get3A_2 = arith.constant 0 : index
    %get3A_3 = vector.load %arg3[%get3A_2] : memref<1024xf32, #tpu.memory_space<vmem>>, vector<1024xf32>
    %broadcast_in_dim3A = vector.shape_cast %get3A_3 : vector<1024xf32> to vector<1024x1xf32>
    %mul3A = vector.broadcast %broadcast_in_dim3A : vector<1024x1xf32> to vector<1024x128xf32>
    %mul3A_4 = arith.mulf %get3A_1, %mul3A : vector<1024x128xf32>
    %get3A_5 = arith.constant 0 : index
    %get3A_6 = arith.constant 0 : index
    %get3A_7 = vector.load %arg2[%get3A_5, %get3A_6] : memref<128x128xf32, #tpu.memory_space<vmem>>, vector<128x128xf32>
    %dot_general3A = arith.constant dense<0.000000e+00> : vector<1024x128xf32>
    %dot_general3A_8 = tpu.matmul %mul3A_4, %get3A_7, %dot_general3A {dimension_numbers = #tpu.dot_dimension_numbers<[1], [0], [0], [1], [0, 0, 1, 1], [], []>, transpose_lhs_hint = false} : vector<1024x128xf32>, vector<128x128xf32>, vector<1024x128xf32> -> vector<1024x128xf32>
    %get3A_9 = arith.constant 0 : index
    %get3A_10 = vector.load %arg4[%get3A_9] : memref<1024xf32, #tpu.memory_space<vmem>>, vector<1024xf32>
    %broadcast_in_dim3A_11 = vector.shape_cast %get3A_10 : vector<1024xf32> to vector<1024x1xf32>
    %mul3A_12 = vector.broadcast %broadcast_in_dim3A_11 : vector<1024x1xf32> to vector<1024x128xf32>
    %mul3A_13 = arith.mulf %dot_general3A_8, %mul3A_12 : vector<1024x128xf32>
    %swap3A = arith.constant 0 : index
    %swap3A_14 = arith.constant 0 : index
    %swap3A_15 = vector.load %arg5[%swap3A, %swap3A_14] : memref<1024x128xf32, #tpu.memory_space<vmem>>, vector<1024x128xf32>
    tpu.vector_store %arg5[%swap3A, %swap3A_14], %mul3A_13 {strides = array<i32>} : memref<1024x128xf32, #tpu.memory_space<vmem>>, vector<1024x128xf32>,
    return
  }
  func.func @transform_0(%arg0: i32) -> (i32, i32) {
    %c0_i32 = arith.constant 0 : i32
    %c0_i32_0 = arith.constant 0 : i32
    return %arg0, %c0_i32 : i32, i32
  }
  func.func @transform_1(%arg0: i32) -> (i32, i32) {
    %c0_i32 = arith.constant 0 : i32
    %c0_i32_0 = arith.constant 0 : i32
    %c0_i32_1 = arith.constant 0 : i32
    return %c0_i32, %c0_i32_0 : i32, i32
  }
  func.func @transform_2(%arg0: i32) -> i32 {
    %c0_i32 = arith.constant 0 : i32
    return %arg0 : i32
  }
  func.func @transform_3(%arg0: i32) -> i32 {
    %c0_i32 = arith.constant 0 : i32
    return %arg0 : i32
  }
  func.func @transform_4(%arg0: i32) -> (i32, i32) {
    %c0_i32 = arith.constant 0 : i32
    %c0_i32_0 = arith.constant 0 : i32
    return %arg0, %c0_i32 : i32, i32
  }
}

module attributes {stable_mosaic.version = 14 : i64} {
  func.func @_conv_body(%arg0: i32, %arg1: memref<512x2048xf32, #tpu.memory_space<vmem>>, %arg2: memref<2048x128xf32, #tpu.memory_space<vmem>>, %arg3: memref<2048xf32, #tpu.memory_space<vmem>>, %arg4: memref<512xf32, #tpu.memory_space<vmem>>, %arg5: memref<1x128xf32, #tpu.memory_space<vmem>>, %arg6: memref<1x128xf32, #tpu.memory_space<vmem>>, %arg7: memref<512x128xf32, #tpu.memory_space<vmem>>, %arg8: memref<512x1xf32, #tpu.memory_space<vmem>>, %arg9: memref<512x1xf32, #tpu.memory_space<vmem>>) attributes {dimension_semantics = [#tpu.dimension_semantics<arbitrary>], iteration_bounds = array<i64: 4>, scalar_prefetch = 0 : i64, scratch_operands = 0 : i64, tpu.core_type = #tpu.core_type<tc>, window_params = [{transform_indices = @transform_0, window_bounds = array<i64: 512, 2048>}, {pipeline_mode = #tpu.pipeline_mode<synchronous>, transform_indices = @transform_1, window_bounds = array<i64: 2048, 128>}, {pipeline_mode = #tpu.pipeline_mode<synchronous>, transform_indices = @transform_2, window_bounds = array<i64: 2048>}, {transform_indices = @transform_3, window_bounds = array<i64: 512>}, {pipeline_mode = #tpu.pipeline_mode<synchronous>, transform_indices = @transform_4, window_bounds = array<i64: 1, 128>}, {pipeline_mode = #tpu.pipeline_mode<synchronous>, transform_indices = @transform_5, window_bounds = array<i64: 1, 128>}, {transform_indices = @transform_6, window_bounds = array<i64: 512, 128>}, {transform_indices = @transform_7, window_bounds = array<i64: 512, 1>}, {transform_indices = @transform_8, window_bounds = array<i64: 512, 1>}]} {
    %get3A = arith.constant 0 : index
    %get3A_0 = vector.load %arg3[%get3A] : memref<2048xf32, #tpu.memory_space<vmem>>, vector<2048xf32>
    %gt3A = arith.constant 0.000000e+00 : f32
    %gt3A_1 = vector.broadcast %gt3A : f32 to vector<2048xf32>
    %gt3A_2 = arith.cmpf ogt, %get3A_0, %gt3A_1 : vector<2048xf32>
    %max3A = arith.constant 9.99999996E-13 : f32
    %max3A_3 = vector.broadcast %max3A : f32 to vector<2048xf32>
    %max3A_4 = arith.maximumf %get3A_0, %max3A_3 : vector<2048xf32>
    %rsqrt3A = math.rsqrt %max3A_4 : vector<2048xf32>
    %jit3A = arith.constant 0.000000e+00 : f32
    %broadcast_in_dim3A = vector.broadcast %jit3A : f32 to vector<2048xf32>
    %select_n3A = arith.select %gt3A_2, %rsqrt3A, %broadcast_in_dim3A : vector<2048xi1>, vector<2048xf32>
    %get3A_5 = arith.constant 0 : index
    %get3A_6 = arith.constant 0 : index
    %get3A_7 = vector.load %arg2[%get3A_5, %get3A_6] : memref<2048x128xf32, #tpu.memory_space<vmem>>, vector<2048x128xf32>
    %broadcast_in_dim3A_8 = vector.shape_cast %select_n3A : vector<2048xf32> to vector<2048x1xf32>
    %mul3A = vector.broadcast %broadcast_in_dim3A_8 : vector<2048x1xf32> to vector<2048x128xf32>
    %mul3A_9 = arith.mulf %get3A_7, %mul3A : vector<2048x128xf32>
    %get3A_10 = arith.constant 0 : index
    %get3A_11 = arith.constant 0 : index
    %get3A_12 = vector.load %arg1[%get3A_10, %get3A_11] : memref<512x2048xf32, #tpu.memory_space<vmem>>, vector<512x2048xf32>
    %dot_general3A = arith.constant dense<0.000000e+00> : vector<512x128xf32>
    %dot_general3A_13 = tpu.matmul %get3A_12, %mul3A_9, %dot_general3A {dimension_numbers = #tpu.dot_dimension_numbers<[1], [0], [0], [1], [0, 0, 1, 1], [], []>, transpose_lhs_hint = false} : vector<512x2048xf32>, vector<2048x128xf32>, vector<512x128xf32> -> vector<512x128xf32>
    %get3A_14 = arith.constant 0 : index
    %get3A_15 = vector.load %arg4[%get3A_14] : memref<512xf32, #tpu.memory_space<vmem>>, vector<512xf32>
    %gt3A_16 = arith.constant 0.000000e+00 : f32
    %gt3A_17 = vector.broadcast %gt3A_16 : f32 to vector<512xf32>
    %gt3A_18 = arith.cmpf ogt, %get3A_15, %gt3A_17 : vector<512xf32>
    %max3A_19 = arith.constant 9.99999996E-13 : f32
    %max3A_20 = vector.broadcast %max3A_19 : f32 to vector<512xf32>
    %max3A_21 = arith.maximumf %get3A_15, %max3A_20 : vector<512xf32>
    %rsqrt3A_22 = math.rsqrt %max3A_21 : vector<512xf32>
    %jit3A_23 = arith.constant 0.000000e+00 : f32
    %broadcast_in_dim3A_24 = vector.broadcast %jit3A_23 : f32 to vector<512xf32>
    %select_n3A_25 = arith.select %gt3A_18, %rsqrt3A_22, %broadcast_in_dim3A_24 : vector<512xi1>, vector<512xf32>
    %broadcast_in_dim3A_26 = vector.shape_cast %select_n3A_25 : vector<512xf32> to vector<512x1xf32>
    %mul3A_27 = vector.broadcast %broadcast_in_dim3A_26 : vector<512x1xf32> to vector<512x128xf32>
    %mul3A_28 = arith.mulf %dot_general3A_13, %mul3A_27 : vector<512x128xf32>
    %get3A_29 = arith.constant 0 : index
    %get3A_30 = arith.constant 0 : index
    %get3A_31 = vector.load %arg5[%get3A_29, %get3A_30] : memref<1x128xf32, #tpu.memory_space<vmem>>, vector<1x128xf32>
    %add3A = vector.broadcast %get3A_31 : vector<1x128xf32> to vector<512x128xf32>
    %add3A_32 = arith.addf %mul3A_28, %add3A : vector<512x128xf32>
    %max3A_33 = arith.constant 0.000000e+00 : f32
    %max3A_34 = vector.broadcast %max3A_33 : f32 to vector<512x128xf32>
    %max3A_35 = arith.maximumf %add3A_32, %max3A_34 : vector<512x128xf32>
    %swap3A = arith.constant 0 : index
    %swap3A_36 = arith.constant 0 : index
    %swap3A_37 = vector.load %arg7[%swap3A, %swap3A_36] : memref<512x128xf32, #tpu.memory_space<vmem>>, vector<512x128xf32>
    tpu.vector_store %arg7[%swap3A, %swap3A_36], %max3A_35 {strides = array<i32>} : memref<512x128xf32, #tpu.memory_space<vmem>>, vector<512x128xf32>,
    %get3A_38 = arith.constant 0 : index
    %get3A_39 = arith.constant 0 : index
    %get3A_40 = vector.load %arg6[%get3A_38, %get3A_39] : memref<1x128xf32, #tpu.memory_space<vmem>>, vector<1x128xf32>
    %mul3A_41 = arith.mulf %get3A_40, %get3A_40 : vector<1x128xf32>
    %reduce_sum3A = vector.shape_cast %mul3A_41 : vector<1x128xf32> to vector<1x1x128xf32>
    %reduce_sum3A_42 = arith.constant dense<0.000000e+00> : vector<1xf32>
    %reduce_sum3A_43 = vector.multi_reduction <add>, %reduce_sum3A, %reduce_sum3A_42 [1, 2] : vector<1x1x128xf32> to vector<1xf32>
    %reduce_sum3A_44 = vector.shape_cast %reduce_sum3A_43 : vector<1xf32> to vector<1x1x1xf32>
    %reduce_sum3A_45 = vector.extract %reduce_sum3A_44[0, 0, 0] : f32 from vector<1x1x1xf32>
    %sqrt3A = math.sqrt %reduce_sum3A_45 : f32
    %div3A = vector.broadcast %sqrt3A : f32 to vector<1x128xf32>
    %div3A_46 = arith.divf %get3A_40, %div3A : vector<1x128xf32>
    %reshape3A = vector.shape_cast %div3A_46 : vector<1x128xf32> to vector<128x1xf32>
    %dot_general3A_47 = arith.constant dense<0.000000e+00> : vector<512x1xf32>
    %dot_general3A_48 = tpu.matmul %max3A_35, %reshape3A, %dot_general3A_47 {dimension_numbers = #tpu.dot_dimension_numbers<[1], [0], [0], [1], [0, 0, 1, 1], [], []>, transpose_lhs_hint = false} : vector<512x128xf32>, vector<128x1xf32>, vector<512x1xf32> -> vector<512x1xf32>
    %swap3A_49 = arith.constant 0 : index
    %swap3A_50 = arith.constant 0 : index
    %swap3A_51 = vector.load %arg8[%swap3A_49, %swap3A_50] : memref<512x1xf32, #tpu.memory_space<vmem>>, vector<512x1xf32>
    tpu.vector_store %arg8[%swap3A_49, %swap3A_50], %dot_general3A_48 {strides = array<i32>} : memref<512x1xf32, #tpu.memory_space<vmem>>, vector<512x1xf32>,
    %tanh3A = math.tanh %dot_general3A_48 : vector<512x1xf32>
    %swap3A_52 = arith.constant 0 : index
    %swap3A_53 = arith.constant 0 : index
    %swap3A_54 = vector.load %arg9[%swap3A_52, %swap3A_53] : memref<512x1xf32, #tpu.memory_space<vmem>>, vector<512x1xf32>
    tpu.vector_store %arg9[%swap3A_52, %swap3A_53], %tanh3A {strides = array<i32>} : memref<512x1xf32, #tpu.memory_space<vmem>>, vector<512x1xf32>,
    return
  }
  func.func @transform_0(%arg0: i32) -> (i32, i32) {
    %c0_i32 = arith.constant 0 : i32
    %c0_i32_0 = arith.constant 0 : i32
    return %arg0, %c0_i32 : i32, i32
  }
  func.func @transform_1(%arg0: i32) -> (i32, i32) {
    %c0_i32 = arith.constant 0 : i32
    %c0_i32_0 = arith.constant 0 : i32
    %c0_i32_1 = arith.constant 0 : i32
    return %c0_i32, %c0_i32_0 : i32, i32
  }
  func.func @transform_2(%arg0: i32) -> i32 {
    %c0_i32 = arith.constant 0 : i32
    %c0_i32_0 = arith.constant 0 : i32
    return %c0_i32 : i32
  }
  func.func @transform_3(%arg0: i32) -> i32 {
    %c0_i32 = arith.constant 0 : i32
    return %arg0 : i32
  }
  func.func @transform_4(%arg0: i32) -> (i32, i32) {
    %c0_i32 = arith.constant 0 : i32
    %c0_i32_0 = arith.constant 0 : i32
    %c0_i32_1 = arith.constant 0 : i32
    return %c0_i32, %c0_i32_0 : i32, i32
  }
  func.func @transform_5(%arg0: i32) -> (i32, i32) {
    %c0_i32 = arith.constant 0 : i32
    %c0_i32_0 = arith.constant 0 : i32
    %c0_i32_1 = arith.constant 0 : i32
    return %c0_i32, %c0_i32_0 : i32, i32
  }
  func.func @transform_6(%arg0: i32) -> (i32, i32) {
    %c0_i32 = arith.constant 0 : i32
    %c0_i32_0 = arith.constant 0 : i32
    return %arg0, %c0_i32 : i32, i32
  }
  func.func @transform_7(%arg0: i32) -> (i32, i32) {
    %c0_i32 = arith.constant 0 : i32
    %c0_i32_0 = arith.constant 0 : i32
    return %arg0, %c0_i32 : i32, i32
  }
  func.func @transform_8(%arg0: i32) -> (i32, i32) {
    %c0_i32 = arith.constant 0 : i32
    %c0_i32_0 = arith.constant 0 : i32
    return %arg0, %c0_i32 : i32, i32
  }
}

module attributes {stable_mosaic.version = 14 : i64} {
  func.func @_mm_body(%arg0: i32, %arg1: memref<512x128xf32, #tpu.memory_space<vmem>>, %arg2: memref<128x128xf32, #tpu.memory_space<vmem>>, %arg3: memref<512xf32, #tpu.memory_space<vmem>>, %arg4: memref<512xf32, #tpu.memory_space<vmem>>, %arg5: memref<512x128xf32, #tpu.memory_space<vmem>>) attributes {dimension_semantics = [#tpu.dimension_semantics<arbitrary>], iteration_bounds = array<i64: 2>, scalar_prefetch = 0 : i64, scratch_operands = 0 : i64, tpu.core_type = #tpu.core_type<tc>, window_params = [{transform_indices = @transform_0, window_bounds = array<i64: 512, 128>}, {pipeline_mode = #tpu.pipeline_mode<synchronous>, transform_indices = @transform_1, window_bounds = array<i64: 128, 128>}, {transform_indices = @transform_2, window_bounds = array<i64: 512>}, {transform_indices = @transform_3, window_bounds = array<i64: 512>}, {transform_indices = @transform_4, window_bounds = array<i64: 512, 128>}]} {
    %get3A = arith.constant 0 : index
    %get3A_0 = arith.constant 0 : index
    %get3A_1 = vector.load %arg1[%get3A, %get3A_0] : memref<512x128xf32, #tpu.memory_space<vmem>>, vector<512x128xf32>
    %get3A_2 = arith.constant 0 : index
    %get3A_3 = vector.load %arg3[%get3A_2] : memref<512xf32, #tpu.memory_space<vmem>>, vector<512xf32>
    %broadcast_in_dim3A = vector.shape_cast %get3A_3 : vector<512xf32> to vector<512x1xf32>
    %mul3A = vector.broadcast %broadcast_in_dim3A : vector<512x1xf32> to vector<512x128xf32>
    %mul3A_4 = arith.mulf %get3A_1, %mul3A : vector<512x128xf32>
    %get3A_5 = arith.constant 0 : index
    %get3A_6 = arith.constant 0 : index
    %get3A_7 = vector.load %arg2[%get3A_5, %get3A_6] : memref<128x128xf32, #tpu.memory_space<vmem>>, vector<128x128xf32>
    %dot_general3A = arith.constant dense<0.000000e+00> : vector<512x128xf32>
    %dot_general3A_8 = tpu.matmul %mul3A_4, %get3A_7, %dot_general3A {dimension_numbers = #tpu.dot_dimension_numbers<[1], [0], [0], [1], [0, 0, 1, 1], [], []>, transpose_lhs_hint = false} : vector<512x128xf32>, vector<128x128xf32>, vector<512x128xf32> -> vector<512x128xf32>
    %get3A_9 = arith.constant 0 : index
    %get3A_10 = vector.load %arg4[%get3A_9] : memref<512xf32, #tpu.memory_space<vmem>>, vector<512xf32>
    %broadcast_in_dim3A_11 = vector.shape_cast %get3A_10 : vector<512xf32> to vector<512x1xf32>
    %mul3A_12 = vector.broadcast %broadcast_in_dim3A_11 : vector<512x1xf32> to vector<512x128xf32>
    %mul3A_13 = arith.mulf %dot_general3A_8, %mul3A_12 : vector<512x128xf32>
    %swap3A = arith.constant 0 : index
    %swap3A_14 = arith.constant 0 : index
    %swap3A_15 = vector.load %arg5[%swap3A, %swap3A_14] : memref<512x128xf32, #tpu.memory_space<vmem>>, vector<512x128xf32>
    tpu.vector_store %arg5[%swap3A, %swap3A_14], %mul3A_13 {strides = array<i32>} : memref<512x128xf32, #tpu.memory_space<vmem>>, vector<512x128xf32>,
    return
  }
  func.func @transform_0(%arg0: i32) -> (i32, i32) {
    %c0_i32 = arith.constant 0 : i32
    %c0_i32_0 = arith.constant 0 : i32
    return %arg0, %c0_i32 : i32, i32
  }
  func.func @transform_1(%arg0: i32) -> (i32, i32) {
    %c0_i32 = arith.constant 0 : i32
    %c0_i32_0 = arith.constant 0 : i32
    %c0_i32_1 = arith.constant 0 : i32
    return %c0_i32, %c0_i32_0 : i32, i32
  }
  func.func @transform_2(%arg0: i32) -> i32 {
    %c0_i32 = arith.constant 0 : i32
    return %arg0 : i32
  }
  func.func @transform_3(%arg0: i32) -> i32 {
    %c0_i32 = arith.constant 0 : i32
    return %arg0 : i32
  }
  func.func @transform_4(%arg0: i32) -> (i32, i32) {
    %c0_i32 = arith.constant 0 : i32
    %c0_i32_0 = arith.constant 0 : i32
    return %arg0, %c0_i32 : i32, i32
  }
}

module attributes {stable_mosaic.version = 14 : i64} {
  func.func @_sq_body(%arg0: i32, %arg1: i32, %arg2: i32, %arg3: memref<512x2048xf32, #tpu.memory_space<vmem>>, %arg4: memref<512x2048xf32, #tpu.memory_space<vmem>>, %arg5: memref<512xi32, #tpu.memory_space<vmem>>, %arg6: memref<512xi32, #tpu.memory_space<vmem>>, %arg7: memref<512x512xf32, #tpu.memory_space<vmem>>, %arg8: memref<512xf32, #tpu.memory_space<vmem>>) attributes {dimension_semantics = [#tpu.dimension_semantics<arbitrary>, #tpu.dimension_semantics<arbitrary>, #tpu.dimension_semantics<arbitrary>], iteration_bounds = array<i64: 2, 2, 1>, scalar_prefetch = 0 : i64, scratch_operands = 0 : i64, tpu.core_type = #tpu.core_type<tc>, window_params = [{transform_indices = @transform_0, window_bounds = array<i64: 512, 2048>}, {transform_indices = @transform_1, window_bounds = array<i64: 512, 2048>}, {transform_indices = @transform_2, window_bounds = array<i64: 512>}, {transform_indices = @transform_3, window_bounds = array<i64: 512>}, {transform_indices = @transform_4, window_bounds = array<i64: 512, 512>}, {transform_indices = @transform_5, window_bounds = array<i64: 512>}]} {
    %eq3A = arith.constant 0 : i32
    %eq3A_0 = arith.cmpi eq, %arg2, %eq3A : i32
    %convert_element_type3A = arith.extui %eq3A_0 : i1 to i32
    %cond3A = arith.constant 0 : i32
    %cond3A_1 = arith.cmpi ne, %convert_element_type3A, %cond3A : i32
    scf.if %cond3A_1 {
      %broadcast_in_dim3A_45 = arith.constant 0.000000e+00 : f32
      %broadcast_in_dim3A_46 = vector.broadcast %broadcast_in_dim3A_45 : f32 to vector<512x512xf32>
      %swap3A_47 = arith.constant 0 : index
      %swap3A_48 = arith.constant 0 : index
      %swap3A_49 = vector.load %arg7[%swap3A_47, %swap3A_48] : memref<512x512xf32, #tpu.memory_space<vmem>>, vector<512x512xf32>
      tpu.vector_store %arg7[%swap3A_47, %swap3A_48], %broadcast_in_dim3A_46 {strides = array<i32>} : memref<512x512xf32, #tpu.memory_space<vmem>>, vector<512x512xf32>,
    } else {
    }
    %get3A = arith.constant 0 : index
    %get3A_2 = arith.constant 0 : index
    %get3A_3 = vector.load %arg3[%get3A, %get3A_2] : memref<512x2048xf32, #tpu.memory_space<vmem>>, vector<512x2048xf32>
    %get3A_4 = arith.constant 0 : index
    %get3A_5 = arith.constant 0 : index
    %get3A_6 = vector.load %arg4[%get3A_4, %get3A_5] : memref<512x2048xf32, #tpu.memory_space<vmem>>, vector<512x2048xf32>
    %iota3A = tpu.iota {dimensions = array<i32: 1>} : vector<512x2048xi32>
    %mul3A = arith.constant 2048 : i32
    %mul3A_7 = arith.muli %arg2, %mul3A : i32
    %add3A = vector.broadcast %mul3A_7 : i32 to vector<512x2048xi32>
    %add3A_8 = arith.addi %iota3A, %add3A : vector<512x2048xi32>
    %get3A_9 = arith.constant 0 : index
    %get3A_10 = vector.load %arg5[%get3A_9] : memref<512xi32, #tpu.memory_space<vmem>>, vector<512xi32>
    %broadcast_in_dim3A = vector.shape_cast %get3A_10 : vector<512xi32> to vector<512x1xi32>
    %eq3A_11 = vector.broadcast %broadcast_in_dim3A : vector<512x1xi32> to vector<512x2048xi32>
    %eq3A_12 = arith.cmpi eq, %add3A_8, %eq3A_11 : vector<512x2048xi32>
    %jit3A = arith.constant 1.000000e+00 : f32
    %jit3A_13 = arith.constant 0.000000e+00 : f32
    %broadcast_in_dim3A_14 = vector.broadcast %jit3A : f32 to vector<512x2048xf32>
    %broadcast_in_dim3A_15 = vector.broadcast %jit3A_13 : f32 to vector<512x2048xf32>
    %select_n3A = arith.select %eq3A_12, %broadcast_in_dim3A_14, %broadcast_in_dim3A_15 : vector<512x2048xi1>, vector<512x2048xf32>
    %add3A_16 = arith.addf %get3A_3, %select_n3A : vector<512x2048xf32>
    %iota3A_17 = tpu.iota {dimensions = array<i32: 1>} : vector<512x2048xi32>
    %mul3A_18 = arith.constant 2048 : i32
    %mul3A_19 = arith.muli %arg2, %mul3A_18 : i32
    %add3A_20 = vector.broadcast %mul3A_19 : i32 to vector<512x2048xi32>
    %add3A_21 = arith.addi %iota3A_17, %add3A_20 : vector<512x2048xi32>
    %get3A_22 = arith.constant 0 : index
    %get3A_23 = vector.load %arg6[%get3A_22] : memref<512xi32, #tpu.memory_space<vmem>>, vector<512xi32>
    %broadcast_in_dim3A_24 = vector.shape_cast %get3A_23 : vector<512xi32> to vector<512x1xi32>
    %eq3A_25 = vector.broadcast %broadcast_in_dim3A_24 : vector<512x1xi32> to vector<512x2048xi32>
    %eq3A_26 = arith.cmpi eq, %add3A_21, %eq3A_25 : vector<512x2048xi32>
    %jit3A_27 = arith.constant 1.000000e+00 : f32
    %jit3A_28 = arith.constant 0.000000e+00 : f32
    %broadcast_in_dim3A_29 = vector.broadcast %jit3A_27 : f32 to vector<512x2048xf32>
    %broadcast_in_dim3A_30 = vector.broadcast %jit3A_28 : f32 to vector<512x2048xf32>
    %select_n3A_31 = arith.select %eq3A_26, %broadcast_in_dim3A_29, %broadcast_in_dim3A_30 : vector<512x2048xi1>, vector<512x2048xf32>
    %add3A_32 = arith.addf %get3A_6, %select_n3A_31 : vector<512x2048xf32>
    %get3A_33 = arith.constant 0 : index
    %get3A_34 = arith.constant 0 : index
    %get3A_35 = vector.load %arg7[%get3A_33, %get3A_34] : memref<512x512xf32, #tpu.memory_space<vmem>>, vector<512x512xf32>
    %dot_general3A = arith.constant dense<0.000000e+00> : vector<512x512xf32>
    %dot_general3A_36 = tpu.matmul %add3A_16, %add3A_32, %dot_general3A {dimension_numbers = #tpu.dot_dimension_numbers<[1], [1], [0], [0], [0, 0, 1, 0], [], []>, transpose_lhs_hint = false} : vector<512x2048xf32>, vector<512x2048xf32>, vector<512x512xf32> -> vector<512x512xf32>
    %add3A_37 = arith.addf %get3A_35, %dot_general3A_36 : vector<512x512xf32>
    %swap3A = arith.constant 0 : index
    %swap3A_38 = arith.constant 0 : index
    %swap3A_39 = vector.load %arg7[%swap3A, %swap3A_38] : memref<512x512xf32, #tpu.memory_space<vmem>>, vector<512x512xf32>
    tpu.vector_store %arg7[%swap3A, %swap3A_38], %add3A_37 {strides = array<i32>} : memref<512x512xf32, #tpu.memory_space<vmem>>, vector<512x512xf32>,
    %eq3A_40 = arith.constant 0 : i32
    %eq3A_41 = arith.cmpi eq, %arg2, %eq3A_40 : i32
    %convert_element_type3A_42 = arith.extui %eq3A_41 : i1 to i32
    %cond3A_43 = arith.constant 0 : i32
    %cond3A_44 = arith.cmpi ne, %convert_element_type3A_42, %cond3A_43 : i32
    scf.if %cond3A_44 {
      %get3A_45 = arith.constant 0 : index
      %get3A_46 = arith.constant 0 : index
      %get3A_47 = vector.load %arg7[%get3A_45, %get3A_46] : memref<512x512xf32, #tpu.memory_space<vmem>>, vector<512x512xf32>
      %iota3A_48 = tpu.iota {dimensions = array<i32: 0>} : vector<512x512xi32>
      %mul3A_49 = arith.constant 512 : i32
      %mul3A_50 = arith.muli %arg0, %mul3A_49 : i32
      %add3A_51 = vector.broadcast %mul3A_50 : i32 to vector<512x512xi32>
      %add3A_52 = arith.addi %iota3A_48, %add3A_51 : vector<512x512xi32>
      %iota3A_53 = tpu.iota {dimensions = array<i32: 1>} : vector<512x512xi32>
      %mul3A_54 = arith.constant 512 : i32
      %mul3A_55 = arith.muli %arg1, %mul3A_54 : i32
      %add3A_56 = vector.broadcast %mul3A_55 : i32 to vector<512x512xi32>
      %add3A_57 = arith.addi %iota3A_53, %add3A_56 : vector<512x512xi32>
      %eq3A_58 = arith.cmpi eq, %add3A_52, %add3A_57 : vector<512x512xi32>
      %jit3A_59 = arith.constant 0.000000e+00 : f32
      %broadcast_in_dim3A_60 = vector.broadcast %jit3A_59 : f32 to vector<512x512xf32>
      %select_n3A_61 = arith.select %eq3A_58, %broadcast_in_dim3A_60, %get3A_47 : vector<512x512xi1>, vector<512x512xf32>
      %swap3A_62 = arith.constant 0 : index
      %swap3A_63 = arith.constant 0 : index
      %swap3A_64 = vector.load %arg7[%swap3A_62, %swap3A_63] : memref<512x512xf32, #tpu.memory_space<vmem>>, vector<512x512xf32>
      tpu.vector_store %arg7[%swap3A_62, %swap3A_63], %select_n3A_61 {strides = array<i32>} : memref<512x512xf32, #tpu.memory_space<vmem>>, vector<512x512xf32>,
      %reduce_sum3A = arith.constant dense<0.000000e+00> : vector<512xf32>
      %reduce_sum3A_65 = vector.multi_reduction <add>, %select_n3A_61, %reduce_sum3A [1] : vector<512x512xf32> to vector<512xf32>
      %eq3A_66 = arith.constant 0 : i32
      %eq3A_67 = arith.cmpi eq, %arg1, %eq3A_66 : i32
      %convert_element_type3A_68 = arith.extui %eq3A_67 : i1 to i32
      %cond3A_69 = arith.constant 0 : i32
      %cond3A_70 = arith.cmpi ne, %convert_element_type3A_68, %cond3A_69 : i32
      scf.if %cond3A_70 {
        %swap3A_75 = arith.constant 0 : index
        %swap3A_76 = vector.load %arg8[%swap3A_75] : memref<512xf32, #tpu.memory_space<vmem>>, vector<512xf32>
        tpu.vector_store %arg8[%swap3A_75], %reduce_sum3A_65 {strides = array<i32>} : memref<512xf32, #tpu.memory_space<vmem>>, vector<512xf32>,
      } else {
      }
      %ne3A = arith.constant 0 : i32
      %ne3A_71 = arith.cmpi ne, %arg1, %ne3A : i32
      %convert_element_type3A_72 = arith.extui %ne3A_71 : i1 to i32
      %cond3A_73 = arith.constant 0 : i32
      %cond3A_74 = arith.cmpi ne, %convert_element_type3A_72, %cond3A_73 : i32
      scf.if %cond3A_74 {
        %get3A_75 = arith.constant 0 : index
        %get3A_76 = vector.load %arg8[%get3A_75] : memref<512xf32, #tpu.memory_space<vmem>>, vector<512xf32>
        %add3A_77 = arith.addf %get3A_76, %reduce_sum3A_65 : vector<512xf32>
        %swap3A_78 = arith.constant 0 : index
        %swap3A_79 = vector.load %arg8[%swap3A_78] : memref<512xf32, #tpu.memory_space<vmem>>, vector<512xf32>
        tpu.vector_store %arg8[%swap3A_78], %add3A_77 {strides = array<i32>} : memref<512xf32, #tpu.memory_space<vmem>>, vector<512xf32>,
      } else {
      }
    } else {
    }
    return
  }
  func.func @transform_0(%arg0: i32, %arg1: i32, %arg2: i32) -> (i32, i32) {
    %c0_i32 = arith.constant 0 : i32
    return %arg0, %arg2 : i32, i32
  }
  func.func @transform_1(%arg0: i32, %arg1: i32, %arg2: i32) -> (i32, i32) {
    %c0_i32 = arith.constant 0 : i32
    return %arg1, %arg2 : i32, i32
  }
  func.func @transform_2(%arg0: i32, %arg1: i32, %arg2: i32) -> i32 {
    %c0_i32 = arith.constant 0 : i32
    return %arg0 : i32
  }
  func.func @transform_3(%arg0: i32, %arg1: i32, %arg2: i32) -> i32 {
    %c0_i32 = arith.constant 0 : i32
    return %arg1 : i32
  }
  func.func @transform_4(%arg0: i32, %arg1: i32, %arg2: i32) -> (i32, i32) {
    %c0_i32 = arith.constant 0 : i32
    return %arg0, %arg1 : i32, i32
  }
  func.func @transform_5(%arg0: i32, %arg1: i32, %arg2: i32) -> i32 {
    %c0_i32 = arith.constant 0 : i32
    return %arg0 : i32
  }
}

module attributes {stable_mosaic.version = 14 : i64} {
  func.func @_conv_body(%arg0: i32, %arg1: memref<512x1024xf32, #tpu.memory_space<vmem>>, %arg2: memref<1024x128xf32, #tpu.memory_space<vmem>>, %arg3: memref<1024xf32, #tpu.memory_space<vmem>>, %arg4: memref<512xf32, #tpu.memory_space<vmem>>, %arg5: memref<1x128xf32, #tpu.memory_space<vmem>>, %arg6: memref<1x128xf32, #tpu.memory_space<vmem>>, %arg7: memref<512x128xf32, #tpu.memory_space<vmem>>, %arg8: memref<512x1xf32, #tpu.memory_space<vmem>>, %arg9: memref<512x1xf32, #tpu.memory_space<vmem>>) attributes {dimension_semantics = [#tpu.dimension_semantics<arbitrary>], iteration_bounds = array<i64: 2>, scalar_prefetch = 0 : i64, scratch_operands = 0 : i64, tpu.core_type = #tpu.core_type<tc>, window_params = [{transform_indices = @transform_0, window_bounds = array<i64: 512, 1024>}, {pipeline_mode = #tpu.pipeline_mode<synchronous>, transform_indices = @transform_1, window_bounds = array<i64: 1024, 128>}, {pipeline_mode = #tpu.pipeline_mode<synchronous>, transform_indices = @transform_2, window_bounds = array<i64: 1024>}, {transform_indices = @transform_3, window_bounds = array<i64: 512>}, {pipeline_mode = #tpu.pipeline_mode<synchronous>, transform_indices = @transform_4, window_bounds = array<i64: 1, 128>}, {pipeline_mode = #tpu.pipeline_mode<synchronous>, transform_indices = @transform_5, window_bounds = array<i64: 1, 128>}, {transform_indices = @transform_6, window_bounds = array<i64: 512, 128>}, {transform_indices = @transform_7, window_bounds = array<i64: 512, 1>}, {transform_indices = @transform_8, window_bounds = array<i64: 512, 1>}]} {
    %get3A = arith.constant 0 : index
    %get3A_0 = vector.load %arg3[%get3A] : memref<1024xf32, #tpu.memory_space<vmem>>, vector<1024xf32>
    %gt3A = arith.constant 0.000000e+00 : f32
    %gt3A_1 = vector.broadcast %gt3A : f32 to vector<1024xf32>
    %gt3A_2 = arith.cmpf ogt, %get3A_0, %gt3A_1 : vector<1024xf32>
    %max3A = arith.constant 9.99999996E-13 : f32
    %max3A_3 = vector.broadcast %max3A : f32 to vector<1024xf32>
    %max3A_4 = arith.maximumf %get3A_0, %max3A_3 : vector<1024xf32>
    %rsqrt3A = math.rsqrt %max3A_4 : vector<1024xf32>
    %jit3A = arith.constant 0.000000e+00 : f32
    %broadcast_in_dim3A = vector.broadcast %jit3A : f32 to vector<1024xf32>
    %select_n3A = arith.select %gt3A_2, %rsqrt3A, %broadcast_in_dim3A : vector<1024xi1>, vector<1024xf32>
    %get3A_5 = arith.constant 0 : index
    %get3A_6 = arith.constant 0 : index
    %get3A_7 = vector.load %arg2[%get3A_5, %get3A_6] : memref<1024x128xf32, #tpu.memory_space<vmem>>, vector<1024x128xf32>
    %broadcast_in_dim3A_8 = vector.shape_cast %select_n3A : vector<1024xf32> to vector<1024x1xf32>
    %mul3A = vector.broadcast %broadcast_in_dim3A_8 : vector<1024x1xf32> to vector<1024x128xf32>
    %mul3A_9 = arith.mulf %get3A_7, %mul3A : vector<1024x128xf32>
    %get3A_10 = arith.constant 0 : index
    %get3A_11 = arith.constant 0 : index
    %get3A_12 = vector.load %arg1[%get3A_10, %get3A_11] : memref<512x1024xf32, #tpu.memory_space<vmem>>, vector<512x1024xf32>
    %dot_general3A = arith.constant dense<0.000000e+00> : vector<512x128xf32>
    %dot_general3A_13 = tpu.matmul %get3A_12, %mul3A_9, %dot_general3A {dimension_numbers = #tpu.dot_dimension_numbers<[1], [0], [0], [1], [0, 0, 1, 1], [], []>, transpose_lhs_hint = false} : vector<512x1024xf32>, vector<1024x128xf32>, vector<512x128xf32> -> vector<512x128xf32>
    %get3A_14 = arith.constant 0 : index
    %get3A_15 = vector.load %arg4[%get3A_14] : memref<512xf32, #tpu.memory_space<vmem>>, vector<512xf32>
    %gt3A_16 = arith.constant 0.000000e+00 : f32
    %gt3A_17 = vector.broadcast %gt3A_16 : f32 to vector<512xf32>
    %gt3A_18 = arith.cmpf ogt, %get3A_15, %gt3A_17 : vector<512xf32>
    %max3A_19 = arith.constant 9.99999996E-13 : f32
    %max3A_20 = vector.broadcast %max3A_19 : f32 to vector<512xf32>
    %max3A_21 = arith.maximumf %get3A_15, %max3A_20 : vector<512xf32>
    %rsqrt3A_22 = math.rsqrt %max3A_21 : vector<512xf32>
    %jit3A_23 = arith.constant 0.000000e+00 : f32
    %broadcast_in_dim3A_24 = vector.broadcast %jit3A_23 : f32 to vector<512xf32>
    %select_n3A_25 = arith.select %gt3A_18, %rsqrt3A_22, %broadcast_in_dim3A_24 : vector<512xi1>, vector<512xf32>
    %broadcast_in_dim3A_26 = vector.shape_cast %select_n3A_25 : vector<512xf32> to vector<512x1xf32>
    %mul3A_27 = vector.broadcast %broadcast_in_dim3A_26 : vector<512x1xf32> to vector<512x128xf32>
    %mul3A_28 = arith.mulf %dot_general3A_13, %mul3A_27 : vector<512x128xf32>
    %get3A_29 = arith.constant 0 : index
    %get3A_30 = arith.constant 0 : index
    %get3A_31 = vector.load %arg5[%get3A_29, %get3A_30] : memref<1x128xf32, #tpu.memory_space<vmem>>, vector<1x128xf32>
    %add3A = vector.broadcast %get3A_31 : vector<1x128xf32> to vector<512x128xf32>
    %add3A_32 = arith.addf %mul3A_28, %add3A : vector<512x128xf32>
    %max3A_33 = arith.constant 0.000000e+00 : f32
    %max3A_34 = vector.broadcast %max3A_33 : f32 to vector<512x128xf32>
    %max3A_35 = arith.maximumf %add3A_32, %max3A_34 : vector<512x128xf32>
    %swap3A = arith.constant 0 : index
    %swap3A_36 = arith.constant 0 : index
    %swap3A_37 = vector.load %arg7[%swap3A, %swap3A_36] : memref<512x128xf32, #tpu.memory_space<vmem>>, vector<512x128xf32>
    tpu.vector_store %arg7[%swap3A, %swap3A_36], %max3A_35 {strides = array<i32>} : memref<512x128xf32, #tpu.memory_space<vmem>>, vector<512x128xf32>,
    %get3A_38 = arith.constant 0 : index
    %get3A_39 = arith.constant 0 : index
    %get3A_40 = vector.load %arg6[%get3A_38, %get3A_39] : memref<1x128xf32, #tpu.memory_space<vmem>>, vector<1x128xf32>
    %mul3A_41 = arith.mulf %get3A_40, %get3A_40 : vector<1x128xf32>
    %reduce_sum3A = vector.shape_cast %mul3A_41 : vector<1x128xf32> to vector<1x1x128xf32>
    %reduce_sum3A_42 = arith.constant dense<0.000000e+00> : vector<1xf32>
    %reduce_sum3A_43 = vector.multi_reduction <add>, %reduce_sum3A, %reduce_sum3A_42 [1, 2] : vector<1x1x128xf32> to vector<1xf32>
    %reduce_sum3A_44 = vector.shape_cast %reduce_sum3A_43 : vector<1xf32> to vector<1x1x1xf32>
    %reduce_sum3A_45 = vector.extract %reduce_sum3A_44[0, 0, 0] : f32 from vector<1x1x1xf32>
    %sqrt3A = math.sqrt %reduce_sum3A_45 : f32
    %div3A = vector.broadcast %sqrt3A : f32 to vector<1x128xf32>
    %div3A_46 = arith.divf %get3A_40, %div3A : vector<1x128xf32>
    %reshape3A = vector.shape_cast %div3A_46 : vector<1x128xf32> to vector<128x1xf32>
    %dot_general3A_47 = arith.constant dense<0.000000e+00> : vector<512x1xf32>
    %dot_general3A_48 = tpu.matmul %max3A_35, %reshape3A, %dot_general3A_47 {dimension_numbers = #tpu.dot_dimension_numbers<[1], [0], [0], [1], [0, 0, 1, 1], [], []>, transpose_lhs_hint = false} : vector<512x128xf32>, vector<128x1xf32>, vector<512x1xf32> -> vector<512x1xf32>
    %swap3A_49 = arith.constant 0 : index
    %swap3A_50 = arith.constant 0 : index
    %swap3A_51 = vector.load %arg8[%swap3A_49, %swap3A_50] : memref<512x1xf32, #tpu.memory_space<vmem>>, vector<512x1xf32>
    tpu.vector_store %arg8[%swap3A_49, %swap3A_50], %dot_general3A_48 {strides = array<i32>} : memref<512x1xf32, #tpu.memory_space<vmem>>, vector<512x1xf32>,
    %tanh3A = math.tanh %dot_general3A_48 : vector<512x1xf32>
    %swap3A_52 = arith.constant 0 : index
    %swap3A_53 = arith.constant 0 : index
    %swap3A_54 = vector.load %arg9[%swap3A_52, %swap3A_53] : memref<512x1xf32, #tpu.memory_space<vmem>>, vector<512x1xf32>
    tpu.vector_store %arg9[%swap3A_52, %swap3A_53], %tanh3A {strides = array<i32>} : memref<512x1xf32, #tpu.memory_space<vmem>>, vector<512x1xf32>,
    return
  }
  func.func @transform_0(%arg0: i32) -> (i32, i32) {
    %c0_i32 = arith.constant 0 : i32
    %c0_i32_0 = arith.constant 0 : i32
    return %arg0, %c0_i32 : i32, i32
  }
  func.func @transform_1(%arg0: i32) -> (i32, i32) {
    %c0_i32 = arith.constant 0 : i32
    %c0_i32_0 = arith.constant 0 : i32
    %c0_i32_1 = arith.constant 0 : i32
    return %c0_i32, %c0_i32_0 : i32, i32
  }
  func.func @transform_2(%arg0: i32) -> i32 {
    %c0_i32 = arith.constant 0 : i32
    %c0_i32_0 = arith.constant 0 : i32
    return %c0_i32 : i32
  }
  func.func @transform_3(%arg0: i32) -> i32 {
    %c0_i32 = arith.constant 0 : i32
    return %arg0 : i32
  }
  func.func @transform_4(%arg0: i32) -> (i32, i32) {
    %c0_i32 = arith.constant 0 : i32
    %c0_i32_0 = arith.constant 0 : i32
    %c0_i32_1 = arith.constant 0 : i32
    return %c0_i32, %c0_i32_0 : i32, i32
  }
  func.func @transform_5(%arg0: i32) -> (i32, i32) {
    %c0_i32 = arith.constant 0 : i32
    %c0_i32_0 = arith.constant 0 : i32
    %c0_i32_1 = arith.constant 0 : i32
    return %c0_i32, %c0_i32_0 : i32, i32
  }
  func.func @transform_6(%arg0: i32) -> (i32, i32) {
    %c0_i32 = arith.constant 0 : i32
    %c0_i32_0 = arith.constant 0 : i32
    return %arg0, %c0_i32 : i32, i32
  }
  func.func @transform_7(%arg0: i32) -> (i32, i32) {
    %c0_i32 = arith.constant 0 : i32
    %c0_i32_0 = arith.constant 0 : i32
    return %arg0, %c0_i32 : i32, i32
  }
  func.func @transform_8(%arg0: i32) -> (i32, i32) {
    %c0_i32 = arith.constant 0 : i32
    %c0_i32_0 = arith.constant 0 : i32
    return %arg0, %c0_i32 : i32, i32
  }
}

module attributes {stable_mosaic.version = 14 : i64} {
  func.func @_mm_body(%arg0: i32, %arg1: memref<1024x128xf32, #tpu.memory_space<vmem>>, %arg2: memref<128x128xf32, #tpu.memory_space<vmem>>, %arg3: memref<1024xf32, #tpu.memory_space<vmem>>, %arg4: memref<1024xf32, #tpu.memory_space<vmem>>, %arg5: memref<1024x128xf32, #tpu.memory_space<vmem>>) attributes {dimension_semantics = [#tpu.dimension_semantics<arbitrary>], iteration_bounds = array<i64: 1>, scalar_prefetch = 0 : i64, scratch_operands = 0 : i64, tpu.core_type = #tpu.core_type<tc>, window_params = [{transform_indices = @transform_0, window_bounds = array<i64: 1024, 128>}, {pipeline_mode = #tpu.pipeline_mode<synchronous>, transform_indices = @transform_1, window_bounds = array<i64: 128, 128>}, {transform_indices = @transform_2, window_bounds = array<i64: 1024>}, {transform_indices = @transform_3, window_bounds = array<i64: 1024>}, {transform_indices = @transform_4, window_bounds = array<i64: 1024, 128>}]} {
    %get3A = arith.constant 0 : index
    %get3A_0 = arith.constant 0 : index
    %get3A_1 = vector.load %arg1[%get3A, %get3A_0] : memref<1024x128xf32, #tpu.memory_space<vmem>>, vector<1024x128xf32>
    %get3A_2 = arith.constant 0 : index
    %get3A_3 = vector.load %arg3[%get3A_2] : memref<1024xf32, #tpu.memory_space<vmem>>, vector<1024xf32>
    %broadcast_in_dim3A = vector.shape_cast %get3A_3 : vector<1024xf32> to vector<1024x1xf32>
    %mul3A = vector.broadcast %broadcast_in_dim3A : vector<1024x1xf32> to vector<1024x128xf32>
    %mul3A_4 = arith.mulf %get3A_1, %mul3A : vector<1024x128xf32>
    %get3A_5 = arith.constant 0 : index
    %get3A_6 = arith.constant 0 : index
    %get3A_7 = vector.load %arg2[%get3A_5, %get3A_6] : memref<128x128xf32, #tpu.memory_space<vmem>>, vector<128x128xf32>
    %dot_general3A = arith.constant dense<0.000000e+00> : vector<1024x128xf32>
    %dot_general3A_8 = tpu.matmul %mul3A_4, %get3A_7, %dot_general3A {dimension_numbers = #tpu.dot_dimension_numbers<[1], [0], [0], [1], [0, 0, 1, 1], [], []>, transpose_lhs_hint = false} : vector<1024x128xf32>, vector<128x128xf32>, vector<1024x128xf32> -> vector<1024x128xf32>
    %get3A_9 = arith.constant 0 : index
    %get3A_10 = vector.load %arg4[%get3A_9] : memref<1024xf32, #tpu.memory_space<vmem>>, vector<1024xf32>
    %broadcast_in_dim3A_11 = vector.shape_cast %get3A_10 : vector<1024xf32> to vector<1024x1xf32>
    %mul3A_12 = vector.broadcast %broadcast_in_dim3A_11 : vector<1024x1xf32> to vector<1024x128xf32>
    %mul3A_13 = arith.mulf %dot_general3A_8, %mul3A_12 : vector<1024x128xf32>
    %swap3A = arith.constant 0 : index
    %swap3A_14 = arith.constant 0 : index
    %swap3A_15 = vector.load %arg5[%swap3A, %swap3A_14] : memref<1024x128xf32, #tpu.memory_space<vmem>>, vector<1024x128xf32>
    tpu.vector_store %arg5[%swap3A, %swap3A_14], %mul3A_13 {strides = array<i32>} : memref<1024x128xf32, #tpu.memory_space<vmem>>, vector<1024x128xf32>,
    return
  }
  func.func @transform_0(%arg0: i32) -> (i32, i32) {
    %c0_i32 = arith.constant 0 : i32
    %c0_i32_0 = arith.constant 0 : i32
    return %arg0, %c0_i32 : i32, i32
  }
  func.func @transform_1(%arg0: i32) -> (i32, i32) {
    %c0_i32 = arith.constant 0 : i32
    %c0_i32_0 = arith.constant 0 : i32
    %c0_i32_1 = arith.constant 0 : i32
    return %c0_i32, %c0_i32_0 : i32, i32
  }
  func.func @transform_2(%arg0: i32) -> i32 {
    %c0_i32 = arith.constant 0 : i32
    return %arg0 : i32
  }
  func.func @transform_3(%arg0: i32) -> i32 {
    %c0_i32 = arith.constant 0 : i32
    return %arg0 : i32
  }
  func.func @transform_4(%arg0: i32) -> (i32, i32) {
    %c0_i32 = arith.constant 0 : i32
    %c0_i32_0 = arith.constant 0 : i32
    return %arg0, %c0_i32 : i32, i32
  }
}

module attributes {stable_mosaic.version = 14 : i64} {
  func.func @_conv_body(%arg0: i32, %arg1: memref<512x2048xf32, #tpu.memory_space<vmem>>, %arg2: memref<2048x128xf32, #tpu.memory_space<vmem>>, %arg3: memref<2048xf32, #tpu.memory_space<vmem>>, %arg4: memref<512xf32, #tpu.memory_space<vmem>>, %arg5: memref<1x128xf32, #tpu.memory_space<vmem>>, %arg6: memref<1x128xf32, #tpu.memory_space<vmem>>, %arg7: memref<512x128xf32, #tpu.memory_space<vmem>>, %arg8: memref<512x1xf32, #tpu.memory_space<vmem>>, %arg9: memref<512x1xf32, #tpu.memory_space<vmem>>) attributes {dimension_semantics = [#tpu.dimension_semantics<arbitrary>], iteration_bounds = array<i64: 4>, scalar_prefetch = 0 : i64, scratch_operands = 0 : i64, tpu.core_type = #tpu.core_type<tc>, window_params = [{transform_indices = @transform_0, window_bounds = array<i64: 512, 2048>}, {pipeline_mode = #tpu.pipeline_mode<synchronous>, transform_indices = @transform_1, window_bounds = array<i64: 2048, 128>}, {pipeline_mode = #tpu.pipeline_mode<synchronous>, transform_indices = @transform_2, window_bounds = array<i64: 2048>}, {transform_indices = @transform_3, window_bounds = array<i64: 512>}, {pipeline_mode = #tpu.pipeline_mode<synchronous>, transform_indices = @transform_4, window_bounds = array<i64: 1, 128>}, {pipeline_mode = #tpu.pipeline_mode<synchronous>, transform_indices = @transform_5, window_bounds = array<i64: 1, 128>}, {transform_indices = @transform_6, window_bounds = array<i64: 512, 128>}, {transform_indices = @transform_7, window_bounds = array<i64: 512, 1>}, {transform_indices = @transform_8, window_bounds = array<i64: 512, 1>}]} {
    %get3A = arith.constant 0 : index
    %get3A_0 = vector.load %arg3[%get3A] : memref<2048xf32, #tpu.memory_space<vmem>>, vector<2048xf32>
    %gt3A = arith.constant 0.000000e+00 : f32
    %gt3A_1 = vector.broadcast %gt3A : f32 to vector<2048xf32>
    %gt3A_2 = arith.cmpf ogt, %get3A_0, %gt3A_1 : vector<2048xf32>
    %max3A = arith.constant 9.99999996E-13 : f32
    %max3A_3 = vector.broadcast %max3A : f32 to vector<2048xf32>
    %max3A_4 = arith.maximumf %get3A_0, %max3A_3 : vector<2048xf32>
    %rsqrt3A = math.rsqrt %max3A_4 : vector<2048xf32>
    %jit3A = arith.constant 0.000000e+00 : f32
    %broadcast_in_dim3A = vector.broadcast %jit3A : f32 to vector<2048xf32>
    %select_n3A = arith.select %gt3A_2, %rsqrt3A, %broadcast_in_dim3A : vector<2048xi1>, vector<2048xf32>
    %get3A_5 = arith.constant 0 : index
    %get3A_6 = arith.constant 0 : index
    %get3A_7 = vector.load %arg2[%get3A_5, %get3A_6] : memref<2048x128xf32, #tpu.memory_space<vmem>>, vector<2048x128xf32>
    %broadcast_in_dim3A_8 = vector.shape_cast %select_n3A : vector<2048xf32> to vector<2048x1xf32>
    %mul3A = vector.broadcast %broadcast_in_dim3A_8 : vector<2048x1xf32> to vector<2048x128xf32>
    %mul3A_9 = arith.mulf %get3A_7, %mul3A : vector<2048x128xf32>
    %get3A_10 = arith.constant 0 : index
    %get3A_11 = arith.constant 0 : index
    %get3A_12 = vector.load %arg1[%get3A_10, %get3A_11] : memref<512x2048xf32, #tpu.memory_space<vmem>>, vector<512x2048xf32>
    %dot_general3A = arith.constant dense<0.000000e+00> : vector<512x128xf32>
    %dot_general3A_13 = tpu.matmul %get3A_12, %mul3A_9, %dot_general3A {dimension_numbers = #tpu.dot_dimension_numbers<[1], [0], [0], [1], [0, 0, 1, 1], [], []>, transpose_lhs_hint = false} : vector<512x2048xf32>, vector<2048x128xf32>, vector<512x128xf32> -> vector<512x128xf32>
    %get3A_14 = arith.constant 0 : index
    %get3A_15 = vector.load %arg4[%get3A_14] : memref<512xf32, #tpu.memory_space<vmem>>, vector<512xf32>
    %gt3A_16 = arith.constant 0.000000e+00 : f32
    %gt3A_17 = vector.broadcast %gt3A_16 : f32 to vector<512xf32>
    %gt3A_18 = arith.cmpf ogt, %get3A_15, %gt3A_17 : vector<512xf32>
    %max3A_19 = arith.constant 9.99999996E-13 : f32
    %max3A_20 = vector.broadcast %max3A_19 : f32 to vector<512xf32>
    %max3A_21 = arith.maximumf %get3A_15, %max3A_20 : vector<512xf32>
    %rsqrt3A_22 = math.rsqrt %max3A_21 : vector<512xf32>
    %jit3A_23 = arith.constant 0.000000e+00 : f32
    %broadcast_in_dim3A_24 = vector.broadcast %jit3A_23 : f32 to vector<512xf32>
    %select_n3A_25 = arith.select %gt3A_18, %rsqrt3A_22, %broadcast_in_dim3A_24 : vector<512xi1>, vector<512xf32>
    %broadcast_in_dim3A_26 = vector.shape_cast %select_n3A_25 : vector<512xf32> to vector<512x1xf32>
    %mul3A_27 = vector.broadcast %broadcast_in_dim3A_26 : vector<512x1xf32> to vector<512x128xf32>
    %mul3A_28 = arith.mulf %dot_general3A_13, %mul3A_27 : vector<512x128xf32>
    %get3A_29 = arith.constant 0 : index
    %get3A_30 = arith.constant 0 : index
    %get3A_31 = vector.load %arg5[%get3A_29, %get3A_30] : memref<1x128xf32, #tpu.memory_space<vmem>>, vector<1x128xf32>
    %add3A = vector.broadcast %get3A_31 : vector<1x128xf32> to vector<512x128xf32>
    %add3A_32 = arith.addf %mul3A_28, %add3A : vector<512x128xf32>
    %max3A_33 = arith.constant 0.000000e+00 : f32
    %max3A_34 = vector.broadcast %max3A_33 : f32 to vector<512x128xf32>
    %max3A_35 = arith.maximumf %add3A_32, %max3A_34 : vector<512x128xf32>
    %swap3A = arith.constant 0 : index
    %swap3A_36 = arith.constant 0 : index
    %swap3A_37 = vector.load %arg7[%swap3A, %swap3A_36] : memref<512x128xf32, #tpu.memory_space<vmem>>, vector<512x128xf32>
    tpu.vector_store %arg7[%swap3A, %swap3A_36], %max3A_35 {strides = array<i32>} : memref<512x128xf32, #tpu.memory_space<vmem>>, vector<512x128xf32>,
    %get3A_38 = arith.constant 0 : index
    %get3A_39 = arith.constant 0 : index
    %get3A_40 = vector.load %arg6[%get3A_38, %get3A_39] : memref<1x128xf32, #tpu.memory_space<vmem>>, vector<1x128xf32>
    %mul3A_41 = arith.mulf %get3A_40, %get3A_40 : vector<1x128xf32>
    %reduce_sum3A = vector.shape_cast %mul3A_41 : vector<1x128xf32> to vector<1x1x128xf32>
    %reduce_sum3A_42 = arith.constant dense<0.000000e+00> : vector<1xf32>
    %reduce_sum3A_43 = vector.multi_reduction <add>, %reduce_sum3A, %reduce_sum3A_42 [1, 2] : vector<1x1x128xf32> to vector<1xf32>
    %reduce_sum3A_44 = vector.shape_cast %reduce_sum3A_43 : vector<1xf32> to vector<1x1x1xf32>
    %reduce_sum3A_45 = vector.extract %reduce_sum3A_44[0, 0, 0] : f32 from vector<1x1x1xf32>
    %sqrt3A = math.sqrt %reduce_sum3A_45 : f32
    %div3A = vector.broadcast %sqrt3A : f32 to vector<1x128xf32>
    %div3A_46 = arith.divf %get3A_40, %div3A : vector<1x128xf32>
    %reshape3A = vector.shape_cast %div3A_46 : vector<1x128xf32> to vector<128x1xf32>
    %dot_general3A_47 = arith.constant dense<0.000000e+00> : vector<512x1xf32>
    %dot_general3A_48 = tpu.matmul %max3A_35, %reshape3A, %dot_general3A_47 {dimension_numbers = #tpu.dot_dimension_numbers<[1], [0], [0], [1], [0, 0, 1, 1], [], []>, transpose_lhs_hint = false} : vector<512x128xf32>, vector<128x1xf32>, vector<512x1xf32> -> vector<512x1xf32>
    %swap3A_49 = arith.constant 0 : index
    %swap3A_50 = arith.constant 0 : index
    %swap3A_51 = vector.load %arg8[%swap3A_49, %swap3A_50] : memref<512x1xf32, #tpu.memory_space<vmem>>, vector<512x1xf32>
    tpu.vector_store %arg8[%swap3A_49, %swap3A_50], %dot_general3A_48 {strides = array<i32>} : memref<512x1xf32, #tpu.memory_space<vmem>>, vector<512x1xf32>,
    %tanh3A = math.tanh %dot_general3A_48 : vector<512x1xf32>
    %swap3A_52 = arith.constant 0 : index
    %swap3A_53 = arith.constant 0 : index
    %swap3A_54 = vector.load %arg9[%swap3A_52, %swap3A_53] : memref<512x1xf32, #tpu.memory_space<vmem>>, vector<512x1xf32>
    tpu.vector_store %arg9[%swap3A_52, %swap3A_53], %tanh3A {strides = array<i32>} : memref<512x1xf32, #tpu.memory_space<vmem>>, vector<512x1xf32>,
    return
  }
  func.func @transform_0(%arg0: i32) -> (i32, i32) {
    %c0_i32 = arith.constant 0 : i32
    %c0_i32_0 = arith.constant 0 : i32
    return %arg0, %c0_i32 : i32, i32
  }
  func.func @transform_1(%arg0: i32) -> (i32, i32) {
    %c0_i32 = arith.constant 0 : i32
    %c0_i32_0 = arith.constant 0 : i32
    %c0_i32_1 = arith.constant 0 : i32
    return %c0_i32, %c0_i32_0 : i32, i32
  }
  func.func @transform_2(%arg0: i32) -> i32 {
    %c0_i32 = arith.constant 0 : i32
    %c0_i32_0 = arith.constant 0 : i32
    return %c0_i32 : i32
  }
  func.func @transform_3(%arg0: i32) -> i32 {
    %c0_i32 = arith.constant 0 : i32
    return %arg0 : i32
  }
  func.func @transform_4(%arg0: i32) -> (i32, i32) {
    %c0_i32 = arith.constant 0 : i32
    %c0_i32_0 = arith.constant 0 : i32
    %c0_i32_1 = arith.constant 0 : i32
    return %c0_i32, %c0_i32_0 : i32, i32
  }
  func.func @transform_5(%arg0: i32) -> (i32, i32) {
    %c0_i32 = arith.constant 0 : i32
    %c0_i32_0 = arith.constant 0 : i32
    %c0_i32_1 = arith.constant 0 : i32
    return %c0_i32, %c0_i32_0 : i32, i32
  }
  func.func @transform_6(%arg0: i32) -> (i32, i32) {
    %c0_i32 = arith.constant 0 : i32
    %c0_i32_0 = arith.constant 0 : i32
    return %arg0, %c0_i32 : i32, i32
  }
  func.func @transform_7(%arg0: i32) -> (i32, i32) {
    %c0_i32 = arith.constant 0 : i32
    %c0_i32_0 = arith.constant 0 : i32
    return %arg0, %c0_i32 : i32, i32
  }
  func.func @transform_8(%arg0: i32) -> (i32, i32) {
    %c0_i32 = arith.constant 0 : i32
    %c0_i32_0 = arith.constant 0 : i32
    return %arg0, %c0_i32 : i32, i32
  }
}

module attributes {stable_mosaic.version = 14 : i64} {
  func.func @_conv_body(%arg0: i32, %arg1: memref<512x4096xf32, #tpu.memory_space<vmem>>, %arg2: memref<4096x128xf32, #tpu.memory_space<vmem>>, %arg3: memref<4096xf32, #tpu.memory_space<vmem>>, %arg4: memref<512xf32, #tpu.memory_space<vmem>>, %arg5: memref<1x128xf32, #tpu.memory_space<vmem>>, %arg6: memref<1x128xf32, #tpu.memory_space<vmem>>, %arg7: memref<512x128xf32, #tpu.memory_space<vmem>>, %arg8: memref<512x1xf32, #tpu.memory_space<vmem>>, %arg9: memref<512x1xf32, #tpu.memory_space<vmem>>) attributes {dimension_semantics = [#tpu.dimension_semantics<arbitrary>], iteration_bounds = array<i64: 8>, scalar_prefetch = 0 : i64, scratch_operands = 0 : i64, tpu.core_type = #tpu.core_type<tc>, window_params = [{transform_indices = @transform_0, window_bounds = array<i64: 512, 4096>}, {pipeline_mode = #tpu.pipeline_mode<synchronous>, transform_indices = @transform_1, window_bounds = array<i64: 4096, 128>}, {pipeline_mode = #tpu.pipeline_mode<synchronous>, transform_indices = @transform_2, window_bounds = array<i64: 4096>}, {transform_indices = @transform_3, window_bounds = array<i64: 512>}, {pipeline_mode = #tpu.pipeline_mode<synchronous>, transform_indices = @transform_4, window_bounds = array<i64: 1, 128>}, {pipeline_mode = #tpu.pipeline_mode<synchronous>, transform_indices = @transform_5, window_bounds = array<i64: 1, 128>}, {transform_indices = @transform_6, window_bounds = array<i64: 512, 128>}, {transform_indices = @transform_7, window_bounds = array<i64: 512, 1>}, {transform_indices = @transform_8, window_bounds = array<i64: 512, 1>}]} {
    %get3A = arith.constant 0 : index
    %get3A_0 = vector.load %arg3[%get3A] : memref<4096xf32, #tpu.memory_space<vmem>>, vector<4096xf32>
    %gt3A = arith.constant 0.000000e+00 : f32
    %gt3A_1 = vector.broadcast %gt3A : f32 to vector<4096xf32>
    %gt3A_2 = arith.cmpf ogt, %get3A_0, %gt3A_1 : vector<4096xf32>
    %max3A = arith.constant 9.99999996E-13 : f32
    %max3A_3 = vector.broadcast %max3A : f32 to vector<4096xf32>
    %max3A_4 = arith.maximumf %get3A_0, %max3A_3 : vector<4096xf32>
    %rsqrt3A = math.rsqrt %max3A_4 : vector<4096xf32>
    %jit3A = arith.constant 0.000000e+00 : f32
    %broadcast_in_dim3A = vector.broadcast %jit3A : f32 to vector<4096xf32>
    %select_n3A = arith.select %gt3A_2, %rsqrt3A, %broadcast_in_dim3A : vector<4096xi1>, vector<4096xf32>
    %get3A_5 = arith.constant 0 : index
    %get3A_6 = arith.constant 0 : index
    %get3A_7 = vector.load %arg2[%get3A_5, %get3A_6] : memref<4096x128xf32, #tpu.memory_space<vmem>>, vector<4096x128xf32>
    %broadcast_in_dim3A_8 = vector.shape_cast %select_n3A : vector<4096xf32> to vector<4096x1xf32>
    %mul3A = vector.broadcast %broadcast_in_dim3A_8 : vector<4096x1xf32> to vector<4096x128xf32>
    %mul3A_9 = arith.mulf %get3A_7, %mul3A : vector<4096x128xf32>
    %get3A_10 = arith.constant 0 : index
    %get3A_11 = arith.constant 0 : index
    %get3A_12 = vector.load %arg1[%get3A_10, %get3A_11] : memref<512x4096xf32, #tpu.memory_space<vmem>>, vector<512x4096xf32>
    %dot_general3A = arith.constant dense<0.000000e+00> : vector<512x128xf32>
    %dot_general3A_13 = tpu.matmul %get3A_12, %mul3A_9, %dot_general3A {dimension_numbers = #tpu.dot_dimension_numbers<[1], [0], [0], [1], [0, 0, 1, 1], [], []>, transpose_lhs_hint = false} : vector<512x4096xf32>, vector<4096x128xf32>, vector<512x128xf32> -> vector<512x128xf32>
    %get3A_14 = arith.constant 0 : index
    %get3A_15 = vector.load %arg4[%get3A_14] : memref<512xf32, #tpu.memory_space<vmem>>, vector<512xf32>
    %gt3A_16 = arith.constant 0.000000e+00 : f32
    %gt3A_17 = vector.broadcast %gt3A_16 : f32 to vector<512xf32>
    %gt3A_18 = arith.cmpf ogt, %get3A_15, %gt3A_17 : vector<512xf32>
    %max3A_19 = arith.constant 9.99999996E-13 : f32
    %max3A_20 = vector.broadcast %max3A_19 : f32 to vector<512xf32>
    %max3A_21 = arith.maximumf %get3A_15, %max3A_20 : vector<512xf32>
    %rsqrt3A_22 = math.rsqrt %max3A_21 : vector<512xf32>
    %jit3A_23 = arith.constant 0.000000e+00 : f32
    %broadcast_in_dim3A_24 = vector.broadcast %jit3A_23 : f32 to vector<512xf32>
    %select_n3A_25 = arith.select %gt3A_18, %rsqrt3A_22, %broadcast_in_dim3A_24 : vector<512xi1>, vector<512xf32>
    %broadcast_in_dim3A_26 = vector.shape_cast %select_n3A_25 : vector<512xf32> to vector<512x1xf32>
    %mul3A_27 = vector.broadcast %broadcast_in_dim3A_26 : vector<512x1xf32> to vector<512x128xf32>
    %mul3A_28 = arith.mulf %dot_general3A_13, %mul3A_27 : vector<512x128xf32>
    %get3A_29 = arith.constant 0 : index
    %get3A_30 = arith.constant 0 : index
    %get3A_31 = vector.load %arg5[%get3A_29, %get3A_30] : memref<1x128xf32, #tpu.memory_space<vmem>>, vector<1x128xf32>
    %add3A = vector.broadcast %get3A_31 : vector<1x128xf32> to vector<512x128xf32>
    %add3A_32 = arith.addf %mul3A_28, %add3A : vector<512x128xf32>
    %max3A_33 = arith.constant 0.000000e+00 : f32
    %max3A_34 = vector.broadcast %max3A_33 : f32 to vector<512x128xf32>
    %max3A_35 = arith.maximumf %add3A_32, %max3A_34 : vector<512x128xf32>
    %swap3A = arith.constant 0 : index
    %swap3A_36 = arith.constant 0 : index
    %swap3A_37 = vector.load %arg7[%swap3A, %swap3A_36] : memref<512x128xf32, #tpu.memory_space<vmem>>, vector<512x128xf32>
    tpu.vector_store %arg7[%swap3A, %swap3A_36], %max3A_35 {strides = array<i32>} : memref<512x128xf32, #tpu.memory_space<vmem>>, vector<512x128xf32>,
    %get3A_38 = arith.constant 0 : index
    %get3A_39 = arith.constant 0 : index
    %get3A_40 = vector.load %arg6[%get3A_38, %get3A_39] : memref<1x128xf32, #tpu.memory_space<vmem>>, vector<1x128xf32>
    %mul3A_41 = arith.mulf %get3A_40, %get3A_40 : vector<1x128xf32>
    %reduce_sum3A = vector.shape_cast %mul3A_41 : vector<1x128xf32> to vector<1x1x128xf32>
    %reduce_sum3A_42 = arith.constant dense<0.000000e+00> : vector<1xf32>
    %reduce_sum3A_43 = vector.multi_reduction <add>, %reduce_sum3A, %reduce_sum3A_42 [1, 2] : vector<1x1x128xf32> to vector<1xf32>
    %reduce_sum3A_44 = vector.shape_cast %reduce_sum3A_43 : vector<1xf32> to vector<1x1x1xf32>
    %reduce_sum3A_45 = vector.extract %reduce_sum3A_44[0, 0, 0] : f32 from vector<1x1x1xf32>
    %sqrt3A = math.sqrt %reduce_sum3A_45 : f32
    %div3A = vector.broadcast %sqrt3A : f32 to vector<1x128xf32>
    %div3A_46 = arith.divf %get3A_40, %div3A : vector<1x128xf32>
    %reshape3A = vector.shape_cast %div3A_46 : vector<1x128xf32> to vector<128x1xf32>
    %dot_general3A_47 = arith.constant dense<0.000000e+00> : vector<512x1xf32>
    %dot_general3A_48 = tpu.matmul %max3A_35, %reshape3A, %dot_general3A_47 {dimension_numbers = #tpu.dot_dimension_numbers<[1], [0], [0], [1], [0, 0, 1, 1], [], []>, transpose_lhs_hint = false} : vector<512x128xf32>, vector<128x1xf32>, vector<512x1xf32> -> vector<512x1xf32>
    %swap3A_49 = arith.constant 0 : index
    %swap3A_50 = arith.constant 0 : index
    %swap3A_51 = vector.load %arg8[%swap3A_49, %swap3A_50] : memref<512x1xf32, #tpu.memory_space<vmem>>, vector<512x1xf32>
    tpu.vector_store %arg8[%swap3A_49, %swap3A_50], %dot_general3A_48 {strides = array<i32>} : memref<512x1xf32, #tpu.memory_space<vmem>>, vector<512x1xf32>,
    %tanh3A = math.tanh %dot_general3A_48 : vector<512x1xf32>
    %swap3A_52 = arith.constant 0 : index
    %swap3A_53 = arith.constant 0 : index
    %swap3A_54 = vector.load %arg9[%swap3A_52, %swap3A_53] : memref<512x1xf32, #tpu.memory_space<vmem>>, vector<512x1xf32>
    tpu.vector_store %arg9[%swap3A_52, %swap3A_53], %tanh3A {strides = array<i32>} : memref<512x1xf32, #tpu.memory_space<vmem>>, vector<512x1xf32>,
    return
  }
  func.func @transform_0(%arg0: i32) -> (i32, i32) {
    %c0_i32 = arith.constant 0 : i32
    %c0_i32_0 = arith.constant 0 : i32
    return %arg0, %c0_i32 : i32, i32
  }
  func.func @transform_1(%arg0: i32) -> (i32, i32) {
    %c0_i32 = arith.constant 0 : i32
    %c0_i32_0 = arith.constant 0 : i32
    %c0_i32_1 = arith.constant 0 : i32
    return %c0_i32, %c0_i32_0 : i32, i32
  }
  func.func @transform_2(%arg0: i32) -> i32 {
    %c0_i32 = arith.constant 0 : i32
    %c0_i32_0 = arith.constant 0 : i32
    return %c0_i32 : i32
  }
  func.func @transform_3(%arg0: i32) -> i32 {
    %c0_i32 = arith.constant 0 : i32
    return %arg0 : i32
  }
  func.func @transform_4(%arg0: i32) -> (i32, i32) {
    %c0_i32 = arith.constant 0 : i32
    %c0_i32_0 = arith.constant 0 : i32
    %c0_i32_1 = arith.constant 0 : i32
    return %c0_i32, %c0_i32_0 : i32, i32
  }
  func.func @transform_5(%arg0: i32) -> (i32, i32) {
    %c0_i32 = arith.constant 0 : i32
    %c0_i32_0 = arith.constant 0 : i32
    %c0_i32_1 = arith.constant 0 : i32
    return %c0_i32, %c0_i32_0 : i32, i32
  }
  func.func @transform_6(%arg0: i32) -> (i32, i32) {
    %c0_i32 = arith.constant 0 : i32
    %c0_i32_0 = arith.constant 0 : i32
    return %arg0, %c0_i32 : i32, i32
  }
  func.func @transform_7(%arg0: i32) -> (i32, i32) {
    %c0_i32 = arith.constant 0 : i32
    %c0_i32_0 = arith.constant 0 : i32
    return %arg0, %c0_i32 : i32, i32
  }
  func.func @transform_8(%arg0: i32) -> (i32, i32) {
    %c0_i32 = arith.constant 0 : i32
    %c0_i32_0 = arith.constant 0 : i32
    return %arg0, %c0_i32 : i32, i32
  }
}

</mosaic_0001>

<sc_bundles>
// kernel: kernel.24.cloned.1.call-start
scs
__scs_entry_jumppad:
0x0: {  	(pc) =	sbr.rel $0x88, $3  }
0x1: {  	(tag) =	ssettag $0x0;
	lr =	simm.s32 $0x1  }
0x2: {  	[smem:$0x3F92] =	sst lr;
	_ =	strace $0xD0000000  }
0x3: {  	_ = 	snop  }
0x4: {  	_ = 	snop  }
0x5: {  	_ = 	snop  }
0x6: {  	_ = 	snop  }
0x7: {  	_ = 	snop  }
__scs_overlays_trampoline_lowered:
0x8: {  	[smem:$0x3FA1] =	sst s0  }
0x9: {  	[smem:$0x3FA2] =	sst s1  }
0xa: {  	[smem:$0x3FA3] =	sst s2  }
0xb: {  	[smem:$0x3FA4] =	sst s3  }
0xc: {  	[smem:$0x3FA5] =	sst s4  }
0xd: {  	[smem:$0x3FA6] =	sst s5  }
0xe: {  	[smem:$0x3FA7] =	sst s6  }
0xf: {  	[smem:$0x3FA8] =	sst s7  }
0x10: {  	[smem:$0x3FA9] =	sst s8  }
0x11: {  	[smem:$0x3FAA] =	sst s9;
	s0 =	simm.s32 @!p0 $0x0  }
0x12: {  	s1 =	sld [smem:$0x3F90];
	s0 =	simm.s32 @p0 $0x1  }
0x13: {  	[smem:$0x3FAB] =	sst s0;
	s0 =	simm.s32 @!p1 $0x0  }
0x14: {  	s2 =	sld [smem:$0x3F8F];
	s0 =	simm.s32 @p1 $0x1  }
0x15: {  	[smem:$0x3FAC] =	sst s0;
	s0 =	simm.s32 @!p2 $0x0  }
0x16: {  	s3 =	sld [smem:$0x3FDB];
	s0 =	simm.s32 @p2 $0x1  }
0x17: {  	s4 =	simm.s32 $0x1BF5;
	[smem:$0x3FAE] =	sst s0  }
0x18: {  	s0 =	sld [smem:$0x3F91];
	_ =	swait.ge [sflag:s4], $0x0  }
0x19: {  	s7 =	sld [smem:$0x3F92]  }
0x1a: {  	s8 =	sadd.s32 $0xFFFFE003, lr  }
0x1b: {  	s9 =	sadd.s32 $0xFFFFFEF7, lr;
	s5 =	simm.s32 $0xFFFFFFFF;
	p2 =	slt.u32 s8, $0xFFFFF086  }
0x1c: {  	p1 =	slt.u32 s9, $0xF7A;
	s5 =	simm.s32 @!p2 $0x0  }
0x1d: {  	s5 =	simm.s32 @p1 $0x1;
	p0 =	seq.s32 s7, s2  }
0x1e: {  	s7 =	smul.u32 @!p0 $0xF7A, s2;
	p2 =	seq.s32 @!p0 s5, $0x0  }
0x1f: {  	s9 =	smul.u32 $0xF7A, s1;
	s8 =	simm.s32 @!p0 $0x1BF5;
	p2 =	por !p2, p0  }
0x20: {  	[sflag:s8] =	ssyncset.s32 @!p0 $0xFFFFF086;
	s6 =	sadd.s32 @!p0 s3, s7;
	s7 =	simm.s32 @!p0 $0x108  }
0x21: {  	s3 =	sadd.s32 s3, s9;
	s6 =	sadd.s32 @!p0 $0x88, s6;
	s7 =	simm.s32 @p2 $0x1082  }
0x22: {  	[simem:s7], [sflag:s8] =	dma.local @!p0 [hbm:s6], $0xF7A  }
0x23: {  	s9 =	sor.u32 $0xD0000000, s2;
	s6 =	simm.s32 $0x108;
	_ =	swait.ge @!p0 [sflag:s8], $0x0  }
0x24: {  	s3 =	sadd.s32 $0x88, s3;
	s6 =	simm.s32 @!p1 $0x1082;
	[sflag:s4] =	ssyncset.s32 $0xFFFFF086  }
0x25: {  	[simem:s6], [sflag:s4] =	dma.local [hbm:s3], $0xF7A  }
0x26: {  	[smem:$0x3F92] =	sst s1;
	(tag) =	ssettag s2;
	_ =	strace s9  }
0x27: {  	s1 =	sld [smem:$0x3FA2]  }
0x28: {  	s2 =	sld [smem:$0x3FA3]  }
0x29: {  	s4 =	sld [smem:$0x3FA5]  }
0x2a: {  	p0 =	seq.s32 s5, $0x0;
	s5 =	sld [smem:$0x3FA6]  }
0x2b: {  	s6 =	sld [smem:$0x3FA7]  }
0x2c: {  	s7 =	sld [smem:$0x3FA8]  }
0x2d: {  	s3 =	simm.s32 $0x108;
	s8 =	sld [smem:$0x3FA9]  }
0x2e: {  	s3 =	simm.s32 @!p0 $0x1082;
	s9 =	sld [smem:$0x3FAA]  }
0x2f: {  	lr =	sadd.s32 s0, s3;
	s0 =	sld [smem:$0x3FA1]  }
0x30: {  	s3 =	sld [smem:$0x3FA4]  }
0x31: {  	[smem:$0x3FAD] =	sst s10  }
0x32: {  	s10 =	sld [smem:$0x3FAB];
	_ =	sdelay $0x3  }
0x33: {  	p0 =	seq.s32 s10, $0x1;
	s10 =	sld [smem:$0x3FAD];
	_ =	sdelay $0x3  }
0x34: {  	[smem:$0x3FAD] =	sst s10  }
0x35: {  	s10 =	sld [smem:$0x3FAC];
	_ =	sdelay $0x3  }
0x36: {  	p1 =	seq.s32 s10, $0x1;
	s10 =	sld [smem:$0x3FAD];
	_ =	sdelay $0x3  }
0x37: {  	[smem:$0x3FAD] =	sst s10  }
0x38: {  	s10 =	sld [smem:$0x3FAE]  }
0x39: {  	_ = 	snop;
	(pc) =	sbr.ind lr, $3  }
0x3a: {  	_ = 	snop  }
0x3b: {  	_ = 	snop  }
0x3c: {  	p2 =	seq.s32 s10, $0x1;
	s10 =	sld [smem:$0x3FAD]  }
0x3d: {  	_ =	shalt  }
0x3e: {  	_ =	shalt  }
0x3f: {  	_ =	shalt  }
0x40: {  	_ =	shalt  }
0x41: {  	_ =	shalt  }
0x42: {  	_ =	shalt  }
0x43: {  	_ =	shalt  }
0x44: {  	_ =	shalt  }
0x45: {  	_ =	shalt  }
0x46: {  	_ =	shalt  }
0x47: {  	_ =	shalt  }
0x48: {  	_ =	shalt  }
0x49: {  	_ =	shalt  }
0x4a: {  	_ =	shalt  }
0x4b: {  	_ =	shalt  }
0x4c: {  	_ =	shalt  }
0x4d: {  	_ =	shalt  }
0x4e: {  	_ =	shalt  }
0x4f: {  	_ =	shalt  }
0x50: {  	_ =	shalt  }
0x51: {  	_ =	shalt  }
0x52: {  	_ =	shalt  }
0x53: {  	_ =	shalt  }
0x54: {  	_ =	shalt  }
0x55: {  	_ =	shalt  }
0x56: {  	_ =	shalt  }
0x57: {  	_ =	shalt  }
0x58: {  	_ =	shalt  }
0x59: {  	_ =	shalt  }
0x5a: {  	_ =	shalt  }
0x5b: {  	_ =	shalt  }
0x5c: {  	_ =	shalt  }
0x5d: {  	_ =	shalt  }
0x5e: {  	_ =	shalt  }
0x5f: {  	_ =	shalt  }
0x60: {  	_ =	shalt  }
0x61: {  	_ =	shalt  }
0x62: {  	_ =	shalt  }
0x63: {  	_ =	shalt  }
0x64: {  	_ =	shalt  }
0x65: {  	_ =	shalt  }
0x66: {  	_ =	shalt  }
0x67: {  	_ =	shalt  }
0x68: {  	_ =	shalt  }
0x69: {  	_ =	shalt  }
0x6a: {  	_ =	shalt  }
0x6b: {  	_ =	shalt  }
0x6c: {  	_ =	shalt  }
0x6d: {  	_ =	shalt  }
0x6e: {  	_ =	shalt  }
0x6f: {  	_ =	shalt  }
0x70: {  	_ =	shalt  }
0x71: {  	_ =	shalt  }
0x72: {  	_ =	shalt  }
0x73: {  	_ =	shalt  }
0x74: {  	_ =	shalt  }
0x75: {  	_ =	shalt  }
0x76: {  	_ =	shalt  }
0x77: {  	_ =	shalt  }
0x78: {  	_ =	shalt  }
0x79: {  	_ =	shalt  }
0x7a: {  	_ =	shalt  }
0x7b: {  	_ =	shalt  }
0x7c: {  	_ =	shalt  }
0x7d: {  	_ =	shalt  }
0x7e: {  	_ =	shalt  }
0x7f: {  	_ =	shalt  }
0x80: {  	_ =	shalt  }
0x81: {  	_ =	shalt  }
0x82: {  	_ =	shalt  }
0x83: {  	_ =	shalt  }
0x84: {  	_ =	shalt  }
0x85: {  	_ =	shalt  }
0x86: {  	_ =	shalt  }
0x87: {  	_ =	shalt  }
.Lfunc_end0:
.L_simem_size_0:
called_computation.1_lowered:
.L_overlay_start_0:
0x88: {  	s2 =	sld [smem:$0x3FD9]  }
0x89: {  	s3 =	sld [smem:$0x3FFE];
	_ =	sdelay $0x1  }
0x8a: {  	s1 =	srdreg.scid  }
0x8b: {  	s0 =	sand.u32 $0x1, s1  }
0x8c: {  	s17 =	sshll.u32 s0, $0xA;
	s2 =	sadd.s32 s3, s2  }
0x8d: {  	s2 =	sadd.s32 s2, s17  }
0x8e: {  	[smem:$0x3FB9] =	sst s2  }
0x8f: {  	_ = 	snop  }
0x90: {  	s18 =	sld [smem:$0x3FC7];
	(tm) =	ssettm $0x1  }
0x91: {  	s19 =	sld [smem:$0x3FFB];
	_ =	sdelay $0x3  }
0x92: {  	_ =	strace s19  }
0x93: {  	s2 =	sld [smem:$0x3FFC];
	_ =	sdelay $0x3  }
0x94: {  	_ =	strace s2  }
0x95: {  	s2 =	sld [smem:$0x3FFD];
	_ =	sdelay $0x3  }
0x96: {  	_ =	strace s2  }
0x97: {  	_ =	strace $0x8FFFFFFF  }
0x98: {  	s20 =	sld [smem:$0x3FDB];
	_ =	sdelay $0x1  }
0x99: {  	s4 =	simm.s32 $_scs_section_size  }
0x9a: {  	s5 =	simm.s32 $_size__tile_overlayer_lowered;
	s6 =	simm.s32 $_tile_overlayer_lowered  }
0x9b: {  	s7 =	simm.s32 $0x1BFF;
	s21 =	sshll.u32 s6, $0x1;
	s4 =	sadd.s32 s4, s20  }
0x9c: {  	s22 =	simm.s32 $0x0;
	s5 =	sshll.u32 s5, $0x1;
	s6 =	sadd.s32 s21, s4  }
0x9d: {  	[timem:s22], [sflag:s7] =	dma.local [hbm:s6], s5  }
0x9e: {  	_ =	swait.ge [sflag:s7], s5  }
0x9f: {  	s5 =	ssub.s32 $0x0, s5;
	[sflag:s7] =	ssyncset.done $0x0  }
0xa0: {  	[sflag:s7] =	ssyncadd.s32 s5;
	_ =	sdelay $0x1  }
0xa1: {  	s23 =	simm.s32 $0x1B8B  }
0xa2: {  	_ =	swait.ge [sflag:s23], $0x1  }
0xa3: {  	[sflag:s23] =	ssyncset.done $0x0  }
0xa4: {  	[sflag:s23] =	ssyncadd.s32 $0xFFFFFFFF  }
0xa5: {  	s5 =	sld [smem:$0x0]  }
0xa6: {  	s6 =	sand.u32 $0xFFFFFFFE, s1  }
0xa7: {  	p0 =	sne.s32 s1, s6  }
0xa8: {  	s6 =	sshll.u32 @p0 s6, $0xE  }
0xa9: {  	s6 =	sadd.s32 @p0 $0x11B8D, s6;
	s7 =	sshll.u32 @p0 s5, $0x11  }
0xaa: {  	s6 =	sor.u32 @p0 s7, s6  }
0xab: {  	[sflag:s6] =	ssyncadd.remote.s32 @p0 $0x1;
	_ =	sdelay $0x1  }
0xac: {  	s6 =	simm.s32 @p0 $0x1B8D  }
0xad: {  	_ =	swait.eq @p0 [sflag:s6], $0x1  }
0xae: {  	[sflag:s6] =	ssyncadd.s32 @p0 $0xFFFFFFFF  }
0xaf: {  	s7 =	sshll.u32 @!p0 s1, $0xE  }
0xb0: {  	s7 =	sor.u32 @!p0 $0x4000, s7;
	s6 =	simm.s32 @!p0 $0x1B8D  }
0xb1: {  	s5 =	sshll.u32 @!p0 s5, $0x11;
	s7 =	sadd.s32 @!p0 $0x11B8D, s7;
	_ =	swait.eq @!p0 [sflag:s6], $0x1  }
0xb2: {  	s5 =	sor.u32 @!p0 s5, s7;
	[sflag:s6] =	ssyncadd.s32 @!p0 $0xFFFFFFFF  }
0xb3: {  	s25 =	simm.s32 $0x1B8E;
	s24 =	sld [smem:$0x3FFE];
	[sflag:s5] =	ssyncadd.remote.s32 @!p0 $0x1  }
0xb4: {  	s26 =	simm.s32 $execute0_lowered;
	[smem:$0x3FD2] =	sst s25  }
0xb5: {  	s6 =	sshll.u32 s26, $0x1;
	_ =	strace $0x80000049;
	[dreg:$0x1] =	wrdreg $0xFFFFFFFF  }
0xb6: {  	s28 =	simm.s32 $_size_execute0_lowered;
	s4 =	sadd.s32 s4, s6;
	[dreg:$0x0] =	wrdreg $0x0  }
0xb7: {  	s6 =	sshll.u32 s28, $0x1;
	[dreg:$0x2] =	wrdreg s4  }
0xb8: {  	[dreg:$0x3] =	wrdreg s6  }
0xb9: {  	[dreg:$0x4] =	wrdreg $0xC0  }
0xba: {  	_ =	task [dreg:s22], $0x5FFFF  }
0xbb: {  	[dreg:$0x1] =	wrdreg $0xFFFFFFFF  }
0xbc: {  	[dreg:$0x0] =	wrdreg $0x60  }
0xbd: {  	[dreg:$0x2] =	wrdreg s24  }
0xbe: {  	[dreg:$0x3] =	wrdreg s18  }
0xbf: {  	[dreg:$0x4] =	wrdreg $0x2000  }
0xc0: {  	[dreg:$0x5] =	wrdreg $0xA  }
0xc1: {  	_ =	task.clear_ibuf [dreg:s22], $0x6FFFF;
	_ =	strace $0x90000049  }
0xc2: {  	s29 =	simm.s32 $0xA;
	_ =	strace $0x8000004B  }
0xc3: {  	_ =	swait.ge [sflag:s29], $0x1  }
0xc4: {  	[sflag:s29] =	ssyncadd.s32 $0xFFFFFFFF  }
0xc5: {  	_ =	strace $0x9000004B  }
0xc6: {  	_ =	sfence  }
0xc7: {  	s30 =	sld [smem:$0x0];
	_ =	sdelay $0x2  }
0xc8: {  	s31 =	sshll.u32 s1, $0xD;
	s1 =	sshrl.u32 s1, $0x2  }
0xc9: {  	s4 =	sand.u32 $0x4000, s31;
	s1 =	sadd.s32 s1, s30  }
0xca: {  	s0 =	sor.u32 s4, s0;
	s1 =	sshll.u32 s1, $0x11  }
0xcb: {  	s0 =	sor.u32 s1, s0  }
0xcc: {  	s0 =	sadd.s32 $0x8F2B, s0  }
0xcd: {  	[sflag:s0] =	ssyncadd.remote.s32 $0x1  }
0xce: {  	_ =	sfence.sel $0xFFFF  }
0xcf: {  	[dreg:$0x0] =	wrdreg $0xFFFFFFFF;
	(pc) =	sbr.abs _section_cstart, $3  }
0xd0: {  	[dreg:$0x1] =	wrdreg $0xFFFFFFFF  }
0xd1: {  	_ =	task.clear_ibuf [dreg:s22], $0x2FFFF;
	_ =	strace $0x9FFFFFFF  }
0xd2: {  	(tm) =	ssettm $0x7FFFFFFF  }
0xd3: {  	_ =	shalt  }
tec
execute0_lowered:
.L_overlay_start_1:
0x0: {  	(tag) =	ssettag $0x1  }
0x1: {  	s4 =	rddreg [dreg:$0x0]  }
0x2: {  	s6 =	rddreg [dreg:$0x1]  }
0x3: {  	s1 =	rddreg [dreg:$0x2]  }
0x4: {  	s3 =	srdreg.scid;
	s0 =	rddreg [dreg:$0x3]  }
0x5: {  	s2 =	simm.s32 $0x0;
	s11 =	simm.s32 $0x80;
	s14 =	simm.s32 $0x20  }
0x6: {  	s15 =	simm.s32 $0x10;
	s16 =	simm.s32 $0x0;
	s5 =	sand.u32 $0x1, s3  }
0x7: {  	[smem:$0x7FF] =	sst s2;
	s3 =	stileid.u32;
	s7 =	sshll.u32 s5, $0xC  }
0x8: {  	_ =	strace $0x8000004A;
	s9 =	sshll.u32 s5, $0x4;
	s5 =	ssub.s32 $0x2, s5  }
0x9: {  	s12 =	sshll.u32 s3, $0x6;
	s10 =	sshll.u32 s3, $0x8;
	s8 =	sadd.s32 s7, s4  }
0xa: {  	s4 =	sadd.s32 s9, s4;
	s30 =	sshrl.u32 s5, $0x1;
	s7 =	sadd.s32 s7, s6  }
0xb: {  	s9 =	ssub.s32 s5, s30;
	s31 =	sadd.s32 s12, s4;
	s4 =	sadd.s32 s10, s1  }
0xc: {  	s7 =	sadd.s32 s10, s7;
	s8 =	sadd.s32 s10, s8;
	s10 =	simm.s32 $0x1  }
0xd: {  	s12 =	sor.u32 $0x1C01, s12;
	s5 =	sadd.s32 $0x20A000, s31;
	s6 =	smax.u32 s9, $0x1  }
0xe: {  	v0 =	vimm.f32 $0.0e+00;
	s8 =	sadd.s32 $0x6000, s8;
	s9 =	simm.s32 $0x100;
	s13 =	sshrl.u32 s4, $0x3  }
.LBB2_1:
0xf: {  	[tilespmem:$0x100] =	vst v0  }
0x10: {  	[tilespmem:$0x110] =	vst v0  }
0x11: {  	[tilespmem:$0x120] =	vst v0  }
0x12: {  	[tilespmem:$0x130] =	vst v0  }
0x13: {  	[tilespmem:$0x140] =	vst v0  }
0x14: {  	[tilespmem:$0x150] =	vst v0  }
0x15: {  	[tilespmem:$0x160] =	vst v0  }
0x16: {  	[tilespmem:$0x170] =	vst v0  }
0x17: {  	[tilespmem:$0x180] =	vst v0  }
0x18: {  	[tilespmem:$0x190] =	vst v0  }
0x19: {  	[tilespmem:$0x1A0] =	vst v0  }
0x1a: {  	[tilespmem:$0x1B0] =	vst v0  }
0x1b: {  	[tilespmem:$0x1C0] =	vst v0  }
0x1c: {  	[tilespmem:$0x1D0] =	vst v0  }
0x1d: {  	[tilespmem:$0x1E0] =	vst v0  }
0x1e: {  	[tilespmem:$0x1F0] =	vst v0  }
0x1f: {  	[spmem:s4] =	stream.linear.scatter [tilespmem:s9], [sflag:$0x1], $0x100, $0x38;
	[tilespmem:$0x300] =	vst v63  }
0x20: {  	_ =	swait.ge [sflag:s10], $0x100  }
0x21: {  	[sflag:s10] =	ssyncset.done $0x0  }
0x22: {  	[sflag:s10] =	ssyncadd.s32 $0xFFFFFF00  }
0x23: {  	s17 =	sadd.s32 $0x0, s8;
	[bflag:$0x0] =	sbarrier.arrive $0xFFFF  }
0x24: {  	[tilespmem:s2], [sflag:$0x1] =	stream.linear.gather [hbm4b:s17+s2], $0x80, $0x38;
	[tilespmem:$0x300] =	vst v63  }
0x25: {  	_ =	swait.ge [sflag:s10], $0x80  }
0x26: {  	[sflag:s10] =	ssyncset.done $0x0  }
0x27: {  	s31 =	sadd.s32 $0x0, s7;
	[sflag:s10] =	ssyncadd.s32 $0xFFFFFF80  }
0x28: {  	[tilespmem:s11], [sflag:$0x1] =	stream.linear.gather [hbm4b:s31+s2], $0x80, $0x38;
	[tilespmem:$0x300] =	vst v63  }
0x29: {  	_ =	swait.ge [sflag:s10], $0x80  }
0x2a: {  	[sflag:s10] =	ssyncset.done $0x0  }
0x2b: {  	[sflag:s10] =	ssyncadd.s32 $0xFFFFFF80  }
0x2c: {  	[spmem:s1] =	stream.indirect.scatter.add.f32 [tilespmem:s11], [sflag:$0x1], $0x1, s2, s11, $0xb8;
	[tilespmem:$0x300] =	vst v63  }
0x2d: {  	_ =	swait.ge [sflag:s10], $0x80  }
0x2e: {  	s18 =	simm.s32 $0x20;
	s17 =	simm.s32 $0x10;
	[sflag:s10] =	ssyncset.done $0x0  }
.LBB2_2:
0x2f: {  	s19 =	sadd.s32 s17, s8  }
0x30: {  	[sflag:s10] =	ssyncadd.s32 $0xFFFFFF80;
	s20 =	smov.u32 s18;
	s21 =	sadd.s32 $0x10, s18  }
0x31: {  	[tilespmem:s2], [sflag:$0x1] =	stream.linear.gather [hbm4b:s19+s2], $0x80, $0x38;
	[tilespmem:$0x300] =	vst v63  }
0x32: {  	p0 =	sne.s32 s18, $0xF0;
	_ =	swait.ge [sflag:s10], $0x80  }
0x33: {  	[sflag:s10] =	ssyncset.done $0x0  }
0x34: {  	s18 =	sadd.s32 s17, s7;
	s17 =	smov.u32 s20;
	[sflag:s10] =	ssyncadd.s32 $0xFFFFFF80  }
0x35: {  	[tilespmem:s11], [sflag:$0x1] =	stream.linear.gather [hbm4b:s18+s2], $0x80, $0x38;
	[tilespmem:$0x300] =	vst v63  }
0x36: {  	_ =	swait.ge [sflag:s10], $0x80  }
.Ltmp0:
0x37: {  	[sflag:s10] =	ssyncset.done $0x0;
	(pc) =	sbr.rel @p0 .LBB2_2-.Ltmp0, $4  }
0x38: {  	[sflag:s10] =	ssyncadd.s32 $0xFFFFFF80  }
0x39: {  	[spmem:s1] =	stream.indirect.scatter.add.f32 [tilespmem:s11], [sflag:$0x1], $0x1, s2, s11, $0xb8;
	[tilespmem:$0x300] =	vst v63  }
0x3a: {  	_ =	swait.ge [sflag:s10], $0x80  }
0x3b: {  	s18 =	smov.u32 s21;
	[sflag:s10] =	ssyncset.done $0x0  }
0x3c: {  	s18 =	sadd.s32 s17, s8;
	[sflag:s10] =	ssyncadd.s32 $0xFFFFFF80  }
0x3d: {  	[tilespmem:s2], [sflag:$0x1] =	stream.linear.gather [hbm4b:s18+s2], $0x80, $0x38;
	[tilespmem:$0x300] =	vst v63  }
0x3e: {  	_ =	swait.ge [sflag:s10], $0x80  }
0x3f: {  	[sflag:s10] =	ssyncset.done $0x0  }
0x40: {  	s31 =	sadd.s32 s17, s7;
	[sflag:s10] =	ssyncadd.s32 $0xFFFFFF80  }
0x41: {  	[tilespmem:s11], [sflag:$0x1] =	stream.linear.gather [hbm4b:s31+s2], $0x80, $0x38;
	[tilespmem:$0x300] =	vst v63  }
0x42: {  	_ =	swait.ge [sflag:s10], $0x80  }
0x43: {  	[sflag:s10] =	ssyncset.done $0x0  }
0x44: {  	[sflag:s10] =	ssyncadd.s32 $0xFFFFFF80  }
0x45: {  	[spmem:s1] =	stream.indirect.scatter.add.f32 [tilespmem:s11], [sflag:$0x1], $0x1, s2, s11, $0xb8;
	[tilespmem:$0x300] =	vst v63  }
0x46: {  	_ =	swait.ge [sflag:s10], $0x80  }
0x47: {  	s16 =	sadd.s32 $0x1, s16;
	[sflag:s10] =	ssyncset.done $0x0  }
0x48: {  	p0 =	sne.s32 s16, s6;
	[sflag:s10] =	ssyncadd.s32 $0xFFFFFF80  }
.Ltmp1:
0x49: {  	[bflag:$0x0] =	sbarrier.arrive $0xFFFF;
	(pc) =	sbr.rel @p0 .LBB2_1-.Ltmp1, $4  }
0x4a: {  	[hbm:s5@s14], [sflag:s12] =	dma.strided [spmem:s13@s15], $0x20, s10, $0x10   }
0x4b: {  	_ =	swait.ge [sflag:s10], $0x20  }
0x4c: {  	[sflag:s10] =	ssyncset.done $0x0  }
0x4d: {  	[sflag:s10] =	ssyncadd.s32 $0xFFFFFFE0  }
0x4e: {  	_ =	sfence.sel $0x180000  }
0x4f: {  	[bflag:$0x0] =	sbarrier.arrive $0xFFFF  }
0x50: {  	p0 =	sne.s32 s3, $0x0;
	_ =	strace $0x9000004A  }
0x51: {  	s0 =	sadd.s32 @!p0 $0x100000, s0;
	[bflag:$0x2] =	sbarrier.arrive $0xFFFF  }
0x52: {  	[sflag:s0] =	ssyncadd.tile.s32 @!p0 $0x1;
	_ =	shalt  }
.Lfunc_end2:
_tile_overlayer_lowered:
.L_overlay_start_2:
0x53: {  	(tag) =	ssettag $0x2  }
0x54: {  	s0 =	rddreg [dreg:$0x0];
	s2 =	stileid.u32  }
0x55: {  	s1 =	rddreg [dreg:$0x1];
	p0 =	sne.s32 s2, $0x0  }
0x56: {  	s3 =	rddreg [dreg:$0x2];
	[bflag:$0x3] =	sbarrier.arrive $0xFFFF;
	s2 =	simm.s32 @!p0 $0x1C01  }
0x57: {  	[timem:s3], [sflag:s2] =	dma.local @!p0 [hbm:s0], s1  }
0x58: {  	s0 =	simm.s32 @!p0 $0x1  }
0x59: {  	_ =	swait.ge @!p0 [sflag:s0], s1  }
0x5a: {  	s1 =	ssub.s32 @!p0 $0x0, s1;
	[sflag:s0] =	ssyncset.done @!p0 $0x0  }
0x5b: {  	[sflag:s0] =	ssyncadd.s32 @!p0 s1  }
0x5c: {  	[bflag:$0x3] =	sbarrier.arrive $0xFFFF  }
0x5d: {  	_ =	shalt  }

// kernel: kernel.27.cloned.1.call-start
scs
__scs_entry_jumppad:
0x0: {  	(pc) =	sbr.rel $0x88, $3  }
0x1: {  	(tag) =	ssettag $0x0;
	lr =	simm.s32 $0x1  }
0x2: {  	[smem:$0x3F92] =	sst lr;
	_ =	strace $0xD0000000  }
0x3: {  	_ = 	snop  }
0x4: {  	_ = 	snop  }
0x5: {  	_ = 	snop  }
0x6: {  	_ = 	snop  }
0x7: {  	_ = 	snop  }
__scs_overlays_trampoline_lowered:
0x8: {  	[smem:$0x3FA1] =	sst s0  }
0x9: {  	[smem:$0x3FA2] =	sst s1  }
0xa: {  	[smem:$0x3FA3] =	sst s2  }
0xb: {  	[smem:$0x3FA4] =	sst s3  }
0xc: {  	[smem:$0x3FA5] =	sst s4  }
0xd: {  	[smem:$0x3FA6] =	sst s5  }
0xe: {  	[smem:$0x3FA7] =	sst s6  }
0xf: {  	[smem:$0x3FA8] =	sst s7  }
0x10: {  	[smem:$0x3FA9] =	sst s8  }
0x11: {  	[smem:$0x3FAA] =	sst s9;
	s0 =	simm.s32 @!p0 $0x0  }
0x12: {  	s1 =	sld [smem:$0x3F90];
	s0 =	simm.s32 @p0 $0x1  }
0x13: {  	[smem:$0x3FAB] =	sst s0;
	s0 =	simm.s32 @!p1 $0x0  }
0x14: {  	s2 =	sld [smem:$0x3F8F];
	s0 =	simm.s32 @p1 $0x1  }
0x15: {  	[smem:$0x3FAC] =	sst s0;
	s0 =	simm.s32 @!p2 $0x0  }
0x16: {  	s3 =	sld [smem:$0x3FDB];
	s0 =	simm.s32 @p2 $0x1  }
0x17: {  	s4 =	simm.s32 $0x1BF5;
	[smem:$0x3FAE] =	sst s0  }
0x18: {  	s0 =	sld [smem:$0x3F91];
	_ =	swait.ge [sflag:s4], $0x0  }
0x19: {  	s7 =	sld [smem:$0x3F92]  }
0x1a: {  	s8 =	sadd.s32 $0xFFFFE003, lr  }
0x1b: {  	s9 =	sadd.s32 $0xFFFFFEF7, lr;
	s5 =	simm.s32 $0xFFFFFFFF;
	p2 =	slt.u32 s8, $0xFFFFF086  }
0x1c: {  	p1 =	slt.u32 s9, $0xF7A;
	s5 =	simm.s32 @!p2 $0x0  }
0x1d: {  	s5 =	simm.s32 @p1 $0x1;
	p0 =	seq.s32 s7, s2  }
0x1e: {  	s7 =	smul.u32 @!p0 $0xF7A, s2;
	p2 =	seq.s32 @!p0 s5, $0x0  }
0x1f: {  	s9 =	smul.u32 $0xF7A, s1;
	s8 =	simm.s32 @!p0 $0x1BF5;
	p2 =	por !p2, p0  }
0x20: {  	[sflag:s8] =	ssyncset.s32 @!p0 $0xFFFFF086;
	s6 =	sadd.s32 @!p0 s3, s7;
	s7 =	simm.s32 @!p0 $0x108  }
0x21: {  	s3 =	sadd.s32 s3, s9;
	s6 =	sadd.s32 @!p0 $0x88, s6;
	s7 =	simm.s32 @p2 $0x1082  }
0x22: {  	[simem:s7], [sflag:s8] =	dma.local @!p0 [hbm:s6], $0xF7A  }
0x23: {  	s9 =	sor.u32 $0xD0000000, s2;
	s6 =	simm.s32 $0x108;
	_ =	swait.ge @!p0 [sflag:s8], $0x0  }
0x24: {  	s3 =	sadd.s32 $0x88, s3;
	s6 =	simm.s32 @!p1 $0x1082;
	[sflag:s4] =	ssyncset.s32 $0xFFFFF086  }
0x25: {  	[simem:s6], [sflag:s4] =	dma.local [hbm:s3], $0xF7A  }
0x26: {  	[smem:$0x3F92] =	sst s1;
	(tag) =	ssettag s2;
	_ =	strace s9  }
0x27: {  	s1 =	sld [smem:$0x3FA2]  }
0x28: {  	s2 =	sld [smem:$0x3FA3]  }
0x29: {  	s4 =	sld [smem:$0x3FA5]  }
0x2a: {  	p0 =	seq.s32 s5, $0x0;
	s5 =	sld [smem:$0x3FA6]  }
0x2b: {  	s6 =	sld [smem:$0x3FA7]  }
0x2c: {  	s7 =	sld [smem:$0x3FA8]  }
0x2d: {  	s3 =	simm.s32 $0x108;
	s8 =	sld [smem:$0x3FA9]  }
0x2e: {  	s3 =	simm.s32 @!p0 $0x1082;
	s9 =	sld [smem:$0x3FAA]  }
0x2f: {  	lr =	sadd.s32 s0, s3;
	s0 =	sld [smem:$0x3FA1]  }
0x30: {  	s3 =	sld [smem:$0x3FA4]  }
0x31: {  	[smem:$0x3FAD] =	sst s10  }
0x32: {  	s10 =	sld [smem:$0x3FAB];
	_ =	sdelay $0x3  }
0x33: {  	p0 =	seq.s32 s10, $0x1;
	s10 =	sld [smem:$0x3FAD];
	_ =	sdelay $0x3  }
0x34: {  	[smem:$0x3FAD] =	sst s10  }
0x35: {  	s10 =	sld [smem:$0x3FAC];
	_ =	sdelay $0x3  }
0x36: {  	p1 =	seq.s32 s10, $0x1;
	s10 =	sld [smem:$0x3FAD];
	_ =	sdelay $0x3  }
0x37: {  	[smem:$0x3FAD] =	sst s10  }
0x38: {  	s10 =	sld [smem:$0x3FAE]  }
0x39: {  	_ = 	snop;
	(pc) =	sbr.ind lr, $3  }
0x3a: {  	_ = 	snop  }
0x3b: {  	_ = 	snop  }
0x3c: {  	p2 =	seq.s32 s10, $0x1;
	s10 =	sld [smem:$0x3FAD]  }
0x3d: {  	_ =	shalt  }
0x3e: {  	_ =	shalt  }
0x3f: {  	_ =	shalt  }
0x40: {  	_ =	shalt  }
0x41: {  	_ =	shalt  }
0x42: {  	_ =	shalt  }
0x43: {  	_ =	shalt  }
0x44: {  	_ =	shalt  }
0x45: {  	_ =	shalt  }
0x46: {  	_ =	shalt  }
0x47: {  	_ =	shalt  }
0x48: {  	_ =	shalt  }
0x49: {  	_ =	shalt  }
0x4a: {  	_ =	shalt  }
0x4b: {  	_ =	shalt  }
0x4c: {  	_ =	shalt  }
0x4d: {  	_ =	shalt  }
0x4e: {  	_ =	shalt  }
0x4f: {  	_ =	shalt  }
0x50: {  	_ =	shalt  }
0x51: {  	_ =	shalt  }
0x52: {  	_ =	shalt  }
0x53: {  	_ =	shalt  }
0x54: {  	_ =	shalt  }
0x55: {  	_ =	shalt  }
0x56: {  	_ =	shalt  }
0x57: {  	_ =	shalt  }
0x58: {  	_ =	shalt  }
0x59: {  	_ =	shalt  }
0x5a: {  	_ =	shalt  }
0x5b: {  	_ =	shalt  }
0x5c: {  	_ =	shalt  }
0x5d: {  	_ =	shalt  }
0x5e: {  	_ =	shalt  }
0x5f: {  	_ =	shalt  }
0x60: {  	_ =	shalt  }
0x61: {  	_ =	shalt  }
0x62: {  	_ =	shalt  }
0x63: {  	_ =	shalt  }
0x64: {  	_ =	shalt  }
0x65: {  	_ =	shalt  }
0x66: {  	_ =	shalt  }
0x67: {  	_ =	shalt  }
0x68: {  	_ =	shalt  }
0x69: {  	_ =	shalt  }
0x6a: {  	_ =	shalt  }
0x6b: {  	_ =	shalt  }
0x6c: {  	_ =	shalt  }
0x6d: {  	_ =	shalt  }
0x6e: {  	_ =	shalt  }
0x6f: {  	_ =	shalt  }
0x70: {  	_ =	shalt  }
0x71: {  	_ =	shalt  }
0x72: {  	_ =	shalt  }
0x73: {  	_ =	shalt  }
0x74: {  	_ =	shalt  }
0x75: {  	_ =	shalt  }
0x76: {  	_ =	shalt  }
0x77: {  	_ =	shalt  }
0x78: {  	_ =	shalt  }
0x79: {  	_ =	shalt  }
0x7a: {  	_ =	shalt  }
0x7b: {  	_ =	shalt  }
0x7c: {  	_ =	shalt  }
0x7d: {  	_ =	shalt  }
0x7e: {  	_ =	shalt  }
0x7f: {  	_ =	shalt  }
0x80: {  	_ =	shalt  }
0x81: {  	_ =	shalt  }
0x82: {  	_ =	shalt  }
0x83: {  	_ =	shalt  }
0x84: {  	_ =	shalt  }
0x85: {  	_ =	shalt  }
0x86: {  	_ =	shalt  }
0x87: {  	_ =	shalt  }
.Lfunc_end0:
.L_simem_size_0:
called_computation.2_lowered:
.L_overlay_start_0:
0x88: {  	s2 =	sld [smem:$0x3FD9]  }
0x89: {  	s3 =	sld [smem:$0x3FFE];
	_ =	sdelay $0x1  }
0x8a: {  	s1 =	srdreg.scid  }
0x8b: {  	s0 =	sand.u32 $0x1, s1  }
0x8c: {  	s17 =	sshll.u32 s0, $0xA;
	s2 =	sadd.s32 s3, s2  }
0x8d: {  	s2 =	sadd.s32 s2, s17  }
0x8e: {  	[smem:$0x3FB9] =	sst s2  }
0x8f: {  	_ = 	snop  }
0x90: {  	s2 =	sld [smem:$0x3FC7];
	(tm) =	ssettm $0x1  }
0x91: {  	s18 =	sld [smem:$0x3FFB];
	_ =	sdelay $0x3  }
0x92: {  	_ =	strace s18  }
0x93: {  	s3 =	sld [smem:$0x3FFC];
	_ =	sdelay $0x3  }
0x94: {  	_ =	strace s3  }
0x95: {  	s3 =	sld [smem:$0x3FFD];
	_ =	sdelay $0x3  }
0x96: {  	_ =	strace s3  }
0x97: {  	_ =	strace $0x8FFFFFFF  }
0x98: {  	s19 =	sld [smem:$0x3FDB];
	_ =	sdelay $0x1  }
0x99: {  	s4 =	simm.s32 $_scs_section_size  }
0x9a: {  	s5 =	simm.s32 $_size__tile_overlayer_lowered;
	s6 =	simm.s32 $_tile_overlayer_lowered  }
0x9b: {  	s22 =	simm.s32 $0x1BFF;
	s21 =	sshll.u32 s6, $0x1;
	s3 =	sadd.s32 s4, s19  }
0x9c: {  	s7 =	simm.s32 $0x0;
	s20 =	sshll.u32 s5, $0x1;
	s5 =	sadd.s32 s21, s3  }
0x9d: {  	[timem:s7], [sflag:s22] =	dma.local [hbm:s5], s20  }
0x9e: {  	_ =	swait.ge [sflag:s22], s20  }
0x9f: {  	s4 =	ssub.s32 $0x0, s20;
	[sflag:s22] =	ssyncset.done $0x0  }
0xa0: {  	[sflag:s22] =	ssyncadd.s32 s4;
	_ =	sdelay $0x1  }
0xa1: {  	s23 =	simm.s32 $0x1B8B  }
0xa2: {  	_ =	swait.ge [sflag:s23], $0x1  }
0xa3: {  	[sflag:s23] =	ssyncset.done $0x0  }
0xa4: {  	s25 =	simm.s32 $0x1B8E;
	s24 =	sld [smem:$0x3FFE];
	[sflag:s23] =	ssyncadd.s32 $0xFFFFFFFF  }
0xa5: {  	s26 =	simm.s32 $execute0_lowered;
	[smem:$0x3FD2] =	sst s25  }
0xa6: {  	s5 =	sshll.u32 s26, $0x1;
	_ =	strace $0x8000004C;
	[dreg:$0x1] =	wrdreg $0xFFFFFFFF  }
0xa7: {  	s28 =	simm.s32 $_size_execute0_lowered;
	s3 =	sadd.s32 s3, s5;
	[dreg:$0x0] =	wrdreg $0x0  }
0xa8: {  	s5 =	sshll.u32 s28, $0x1;
	[dreg:$0x2] =	wrdreg s3  }
0xa9: {  	[dreg:$0x3] =	wrdreg s5  }
0xaa: {  	[dreg:$0x4] =	wrdreg $0xC0  }
0xab: {  	_ =	task [dreg:s7], $0x5FFFF  }
0xac: {  	[dreg:$0x1] =	wrdreg $0xFFFFFFFF  }
0xad: {  	[dreg:$0x0] =	wrdreg $0x60  }
0xae: {  	[dreg:$0x2] =	wrdreg s24  }
0xaf: {  	[dreg:$0x3] =	wrdreg s2  }
0xb0: {  	[dreg:$0x4] =	wrdreg $0x71000  }
0xb1: {  	[dreg:$0x5] =	wrdreg $0x9  }
0xb2: {  	_ =	task.clear_ibuf [dreg:s7], $0x6FFFF;
	_ =	strace $0x9000004C  }
0xb3: {  	s29 =	simm.s32 $0x9;
	_ =	strace $0x8000004E  }
0xb4: {  	_ =	swait.ge [sflag:s29], $0x1  }
0xb5: {  	[sflag:s29] =	ssyncadd.s32 $0xFFFFFFFF  }
0xb6: {  	_ =	strace $0x9000004E  }
0xb7: {  	_ =	sfence  }
0xb8: {  	s30 =	sld [smem:$0x0];
	_ =	sdelay $0x2  }
0xb9: {  	s31 =	sshll.u32 s1, $0xD;
	s1 =	sshrl.u32 s1, $0x2  }
0xba: {  	s3 =	sand.u32 $0x4000, s31;
	s1 =	sadd.s32 s1, s30  }
0xbb: {  	s0 =	sor.u32 s3, s0;
	s1 =	sshll.u32 s1, $0x11  }
0xbc: {  	s0 =	sor.u32 s1, s0  }
0xbd: {  	s0 =	sadd.s32 $0x8F2B, s0  }
0xbe: {  	[sflag:s0] =	ssyncadd.remote.s32 $0x1  }
0xbf: {  	_ =	sfence.sel $0xFFFF  }
0xc0: {  	[dreg:$0x0] =	wrdreg $0xFFFFFFFF;
	(pc) =	sbr.abs _section_cstart, $3  }
0xc1: {  	[dreg:$0x1] =	wrdreg $0xFFFFFFFF  }
0xc2: {  	_ =	task.clear_ibuf [dreg:s7], $0x2FFFF;
	_ =	strace $0x9FFFFFFF  }
0xc3: {  	(tm) =	ssettm $0x7FFFFFFF  }
tec
execute0_lowered:
.L_overlay_start_1:
0x0: {  	(tag) =	ssettag $0x1  }
0x1: {  	s0 =	rddreg [dreg:$0x0]  }
0x2: {  	s2 =	rddreg [dreg:$0x1]  }
0x3: {  	s1 =	rddreg [dreg:$0x2];
	s4 =	simm.s32 $0x0;
	s3 =	srdreg.scid  }
0x4: {  	s19 =	stileid.u32;
	[smem:$0x7FF] =	sst s4;
	s3 =	sand.u32 $0x1, s3  }
0x5: {  	s5 =	sshll.u32 s19, $0x9;
	s8 =	sadd.s32 $0x200, s0;
	s9 =	sadd.s32 $0x1A000, s0  }
0x6: {  	s26 =	sshll.u32 s19, $0x10;
	s14 =	sshll.u32 s19, $0x4;
	_ =	strace $0x8000004D  }
0x7: {  	s6 =	ssub.s32 $0x2, s3;
	s7 =	sadd.s32 s5, s0;
	[dreg:$0x4] =	wrdreg s8  }
0x8: {  	[dreg:$0x5] =	wrdreg s9;
	s0 =	sadd.s32 $0x40A600, s0;
	s2 =	sadd.s32 s2, s5  }
0x9: {  	s12 =	sshll.u32 s3, $0x8;
	s13 =	sadd.s32 s26, s1;
	s8 =	simm.s32 $0x80  }
0xa: {  	s9 =	simm.s32 $0x7000;
	s3 =	simm.s32 $0x0;
	s20 =	sshrl.u32 s6, $0x1  }
0xb: {  	[dreg:$0x6] =	wrdreg s0;
	s22 =	sadd.s32 $0x4000, s7;
	s23 =	sadd.s32 $0x6000, s7  }
0xc: {  	[dreg:$0x9] =	wrdreg s2;
	s24 =	sadd.s32 $0x400, s7;
	s25 =	sadd.s32 $0x18000, s7  }
0xd: {  	s16 =	sadd.s32 $0x1000, s13;
	s17 =	sadd.s32 $0x2000, s13;
	s18 =	sadd.s32 $0x3000, s13  }
0xe: {  	s19 =	sadd.s32 $0x4000, s13;
	s26 =	sadd.s32 $0xB000, s13;
	[dreg:$0x7] =	wrdreg s22  }
0xf: {  	s28 =	sadd.s32 $0xC000, s13;
	s29 =	sadd.s32 $0xD000, s13;
	[dreg:$0x8] =	wrdreg s23  }
0x10: {  	s30 =	sadd.s32 $0xE000, s13;
	s31 =	sadd.s32 $0xF000, s13;
	[dreg:$0xa] =	wrdreg s24  }
0x11: {  	v0 =	vlaneseq.u32;
	s7 =	simm.s32 $0x6000;
	s21 =	ssub.s32 s6, s20;
	[dreg:$0xb] =	wrdreg s25  }
0x12: {  	v0 =	vmul.u32 $0x1000, v0;
	v1 =	vmov s14;
	s20 =	sadd.s32 $0x5000, s13;
	s22 =	sadd.s32 $0x7000, s13;
	s23 =	sadd.s32 $0x8000, s13  }
0x13: {  	v1 =	vshll.u32 v1, $0xC;
	s24 =	sadd.s32 $0x9000, s13;
	s25 =	sadd.s32 $0xA000, s13;
	s0 =	smax.u32 s21, $0x1  }
0x14: {  	v2 =	vimm.f32 $1.000000000e+00;
	v0 =	vor.u32 v0, v1;
	v1 =	vimm.f32 $0.0e+00;
	s21 =	sadd.s32 $0x6000, s13;
	[dreg:$0xc] =	wrdreg s0;
	s0 =	simm.s32 $0x1  }
.LBB2_1:
0x15: {  	[dreg:$0xd] =	wrdreg s3  }
0x16: {  	s2 =	simm.s32 $0x0;
	s11 =	rddreg [dreg:$0x7]  }
0x17: {  	[tilespmem:s2], [sflag:$0x1] =	stream.linear.gather [hbm4b:s11+s2], $0x1000, $0x38;
	[tilespmem:$0x17200] =	vst v63  }
0x18: {  	_ =	swait.ge [sflag:s0], $0x1000  }
0x19: {  	[sflag:s0] =	ssyncset.done $0x0  }
0x1a: {  	s4 =	simm.s32 $0x1000;
	s15 =	rddreg [dreg:$0x8];
	[sflag:s0] =	ssyncadd.s32 $0xFFFFF000  }
0x1b: {  	[tilespmem:s4], [sflag:$0x1] =	stream.linear.gather [hbm4b:s15+s2], $0x1000, $0x38;
	[tilespmem:$0x17200] =	vst v63  }
0x1c: {  	_ =	swait.ge [sflag:s0], $0x1000  }
0x1d: {  	[sflag:s0] =	ssyncset.done $0x0  }
0x1e: {  	s5 =	simm.s32 $0x2000;
	s4 =	rddreg [dreg:$0x9];
	[sflag:s0] =	ssyncadd.s32 $0xFFFFF000  }
0x1f: {  	[tilespmem:s5], [sflag:$0x1] =	stream.linear.gather [hbm4b:s4+s2], $0x1000, $0x38;
	[tilespmem:$0x17200] =	vst v63  }
0x20: {  	_ =	swait.ge [sflag:s0], $0x1000  }
0x21: {  	[sflag:s0] =	ssyncset.done $0x0  }
0x22: {  	s10 =	simm.s32 $0x3000;
	s6 =	rddreg [dreg:$0xa];
	[sflag:s0] =	ssyncadd.s32 $0xFFFFF000  }
0x23: {  	[tilespmem:s10], [sflag:$0x1] =	stream.linear.gather [hbm4b:s6+s2], $0x1000, $0x38;
	[tilespmem:$0x17200] =	vst v63  }
0x24: {  	_ =	swait.ge [sflag:s0], $0x1000  }
0x25: {  	[sflag:s0] =	ssyncset.done $0x0  }
0x26: {  	s15 =	simm.s32 $0x4000;
	s11 =	rddreg [dreg:$0xb];
	[sflag:s0] =	ssyncadd.s32 $0xFFFFF000  }
0x27: {  	[tilespmem:s15], [sflag:$0x1] =	stream.linear.gather [hbm4b:s11+s2], $0x1000, $0x38;
	[tilespmem:$0x17200] =	vst v63  }
0x28: {  	_ =	swait.ge [sflag:s0], $0x1000  }
0x29: {  	[sflag:s0] =	ssyncset.done $0x0  }
0x2a: {  	s3 =	simm.s32 $0x0;
	s2 =	simm.s32 $0x40;
	[sflag:s0] =	ssyncadd.s32 $0xFFFFF000  }
.LBB2_2:
0x2b: {  	p0 =	sne.s32 s2, $0x3FC0;
	[tilespmem:s3+$0x6000] =	vst v1;
	s3 =	smov.u32 s2;
	s2 =	sadd.s32 $0x40, s2  }
.Ltmp0:
0x2c: {  	(pc) =	sbr.rel @p0 .LBB2_2-.Ltmp0, $2  }
0x2d: {  	_ =	sdelay $0x2  }
0x2e: {  	s3 =	sshra.s32 s3, $0x2  }
0x2f: {  	[tilespmem:s3+$0x6000] =	vst v1  }
0x30: {  	s5 =	simm.s32 $0x0;
	[tilespmem:$0x7080] =	vst v2  }
.LBB2_4:
0x31: {  	[spmem:s13] =	stream.linear.scatter [tilespmem:s7], [sflag:$0x1], $0x1000, $0x38;
	[tilespmem:$0x17200] =	vst v63  }
0x32: {  	_ =	swait.ge [sflag:s0], $0x1000  }
0x33: {  	[sflag:s0] =	ssyncset.done $0x0  }
0x34: {  	[sflag:s0] =	ssyncadd.s32 $0xFFFFF000  }
0x35: {  	[spmem:s16] =	stream.linear.scatter [tilespmem:s7], [sflag:$0x1], $0x1000, $0x38;
	[tilespmem:$0x17200] =	vst v63  }
0x36: {  	_ =	swait.ge [sflag:s0], $0x1000  }
0x37: {  	[sflag:s0] =	ssyncset.done $0x0  }
0x38: {  	[sflag:s0] =	ssyncadd.s32 $0xFFFFF000  }
0x39: {  	[spmem:s17] =	stream.linear.scatter [tilespmem:s7], [sflag:$0x1], $0x1000, $0x38;
	[tilespmem:$0x17200] =	vst v63  }
0x3a: {  	_ =	swait.ge [sflag:s0], $0x1000  }
0x3b: {  	[sflag:s0] =	ssyncset.done $0x0  }
0x3c: {  	[sflag:s0] =	ssyncadd.s32 $0xFFFFF000  }
0x3d: {  	[spmem:s18] =	stream.linear.scatter [tilespmem:s7], [sflag:$0x1], $0x1000, $0x38;
	[tilespmem:$0x17200] =	vst v63  }
0x3e: {  	_ =	swait.ge [sflag:s0], $0x1000  }
0x3f: {  	[sflag:s0] =	ssyncset.done $0x0  }
0x40: {  	[sflag:s0] =	ssyncadd.s32 $0xFFFFF000  }
0x41: {  	[spmem:s19] =	stream.linear.scatter [tilespmem:s7], [sflag:$0x1], $0x1000, $0x38;
	[tilespmem:$0x17200] =	vst v63  }
0x42: {  	_ =	swait.ge [sflag:s0], $0x1000  }
0x43: {  	[sflag:s0] =	ssyncset.done $0x0  }
0x44: {  	[sflag:s0] =	ssyncadd.s32 $0xFFFFF000  }
0x45: {  	[spmem:s20] =	stream.linear.scatter [tilespmem:s7], [sflag:$0x1], $0x1000, $0x38;
	[tilespmem:$0x17200] =	vst v63  }
0x46: {  	_ =	swait.ge [sflag:s0], $0x1000  }
0x47: {  	[sflag:s0] =	ssyncset.done $0x0  }
0x48: {  	[sflag:s0] =	ssyncadd.s32 $0xFFFFF000  }
0x49: {  	[spmem:s21] =	stream.linear.scatter [tilespmem:s7], [sflag:$0x1], $0x1000, $0x38;
	[tilespmem:$0x17200] =	vst v63  }
0x4a: {  	_ =	swait.ge [sflag:s0], $0x1000  }
0x4b: {  	[sflag:s0] =	ssyncset.done $0x0  }
0x4c: {  	[sflag:s0] =	ssyncadd.s32 $0xFFFFF000  }
0x4d: {  	[spmem:s22] =	stream.linear.scatter [tilespmem:s7], [sflag:$0x1], $0x1000, $0x38;
	[tilespmem:$0x17200] =	vst v63  }
0x4e: {  	_ =	swait.ge [sflag:s0], $0x1000  }
0x4f: {  	[sflag:s0] =	ssyncset.done $0x0  }
0x50: {  	[sflag:s0] =	ssyncadd.s32 $0xFFFFF000  }
0x51: {  	[spmem:s23] =	stream.linear.scatter [tilespmem:s7], [sflag:$0x1], $0x1000, $0x38;
	[tilespmem:$0x17200] =	vst v63  }
0x52: {  	_ =	swait.ge [sflag:s0], $0x1000  }
0x53: {  	[sflag:s0] =	ssyncset.done $0x0  }
0x54: {  	[sflag:s0] =	ssyncadd.s32 $0xFFFFF000  }
0x55: {  	[spmem:s24] =	stream.linear.scatter [tilespmem:s7], [sflag:$0x1], $0x1000, $0x38;
	[tilespmem:$0x17200] =	vst v63  }
0x56: {  	_ =	swait.ge [sflag:s0], $0x1000  }
0x57: {  	[sflag:s0] =	ssyncset.done $0x0  }
0x58: {  	[sflag:s0] =	ssyncadd.s32 $0xFFFFF000  }
0x59: {  	[spmem:s25] =	stream.linear.scatter [tilespmem:s7], [sflag:$0x1], $0x1000, $0x38;
	[tilespmem:$0x17200] =	vst v63  }
0x5a: {  	_ =	swait.ge [sflag:s0], $0x1000  }
0x5b: {  	[sflag:s0] =	ssyncset.done $0x0  }
0x5c: {  	[sflag:s0] =	ssyncadd.s32 $0xFFFFF000  }
0x5d: {  	[spmem:s26] =	stream.linear.scatter [tilespmem:s7], [sflag:$0x1], $0x1000, $0x38;
	[tilespmem:$0x17200] =	vst v63  }
0x5e: {  	_ =	swait.ge [sflag:s0], $0x1000  }
0x5f: {  	[sflag:s0] =	ssyncset.done $0x0  }
0x60: {  	[sflag:s0] =	ssyncadd.s32 $0xFFFFF000  }
0x61: {  	[spmem:s28] =	stream.linear.scatter [tilespmem:s7], [sflag:$0x1], $0x1000, $0x38;
	[tilespmem:$0x17200] =	vst v63  }
0x62: {  	_ =	swait.ge [sflag:s0], $0x1000  }
0x63: {  	[sflag:s0] =	ssyncset.done $0x0  }
0x64: {  	[sflag:s0] =	ssyncadd.s32 $0xFFFFF000  }
0x65: {  	[spmem:s29] =	stream.linear.scatter [tilespmem:s7], [sflag:$0x1], $0x1000, $0x38;
	[tilespmem:$0x17200] =	vst v63  }
0x66: {  	_ =	swait.ge [sflag:s0], $0x1000  }
0x67: {  	[sflag:s0] =	ssyncset.done $0x0  }
0x68: {  	[sflag:s0] =	ssyncadd.s32 $0xFFFFF000  }
0x69: {  	[spmem:s30] =	stream.linear.scatter [tilespmem:s7], [sflag:$0x1], $0x1000, $0x38;
	[tilespmem:$0x17200] =	vst v63  }
0x6a: {  	_ =	swait.ge [sflag:s0], $0x1000  }
0x6b: {  	[sflag:s0] =	ssyncset.done $0x0  }
0x6c: {  	[sflag:s0] =	ssyncadd.s32 $0xFFFFF000  }
0x6d: {  	[spmem:s31] =	stream.linear.scatter [tilespmem:s7], [sflag:$0x1], $0x1000, $0x38;
	[tilespmem:$0x17200] =	vst v63  }
0x6e: {  	_ =	swait.ge [sflag:s0], $0x1000  }
0x6f: {  	[sflag:s0] =	ssyncset.done $0x0  }
0x70: {  	[sflag:s0] =	ssyncadd.s32 $0xFFFFF000  }
0x71: {  	s3 =	simm.s32 $0x0;
	[bflag:$0x0] =	sbarrier.arrive $0xFFFF  }
0x72: {  	v4 =	vld [tilespmem:s3+$0x40]  }
0x73: {  	v5 =	vld [tilespmem:s3+$0x1060]  }
0x74: {  	v7 =	vld [tilespmem:s3+$0x3010]  }
0x75: {  	s2 =	sshll.u32 s5, $0x9;
	v6 =	vld [tilespmem:s3+$0x10]  }
0x76: {  	s2 =	sor.u32 s12, s2;
	v8 =	vld [tilespmem:s3+$0x3040]  }
0x77: {  	s6 =	simm.s32 $0x200;
	v3 =	vmov s2;
	v9 =	vld [tilespmem:s3+$0x1040]  }
.LBB2_5:
0x78: {  	p0 =	sne.s32 s6, $0x3E00;
	v10 =	vld [tilespmem:s3+$0x1010];
	s10 =	smov.u32 s6;
	s6 =	sadd.s32 $0x200, s6  }
0x79: {  	v11 =	vld [tilespmem:s3+$0x3060]  }
0x7a: {  	v12 =	vsub.s32 v7, v3;
	v13 =	vld [tilespmem:s3+$0x60]  }
0x7b: {  	v14 =	vshll.u32 v12, $0xC;
	v15 =	vld [tilespmem:s3+$0x3030];
	v16 =	vsub.s32 v8, v3  }
0x7c: {  	vm0 =	vlt.s32 v12, $0x100;
	v17 =	vld [tilespmem:s3+$0x3020];
	vm1 =	vne.s32 v4, v9;
	v8 =	vor.u32 v8, v16  }
0x7d: {  	v7 =	vor.u32 v7, v12;
	vm3 =	vlt.s32 v16, $0x100;
	vm2 =	vne.s32 v6, v10  }
0x7e: {  	vm4 =	vgt.s32 v7, $0xFFFFFFFF;
	vm5 =	vgt.s32 v8, $0xFFFFFFFF;
	v9 =	vld [tilespmem:s3+$0x3000];
	v7 =	vsub.s32 v11, v3  }
0x7f: {  	v10 =	vshll.u32 v16, $0xC;
	vm2 =	vmand vm4, vm2;
	v8 =	vld [tilespmem:s3+$0x1030];
	v11 =	vor.u32 v11, v7  }
0x80: {  	vm0 =	vmand vm0, vm2;
	v12 =	vld [tilespmem:s3+$0x30];
	vm2 =	vgt.s32 v11, $0xFFFFFFFF;
	v11 =	vshll.u32 v7, $0xC  }
0x81: {  	v6 =	vadd.s32 v6, v14;
	vm6 =	vne.s32 v13, v5;
	v14 =	vsub.s32 v15, v3  }
0x82: {  	vm4 =	vmand vm5, vm1;
	vm1 =	vlt.s32 v7, $0x100;
	v16 =	vshll.u32 v14, $0xC;
	v5 =	vld [tilespmem:s3+$0x1020]  }
0x83: {  	vm4 =	vmand vm3, vm4;
	vm2 =	vmand vm2, vm6;
	v7 =	vsub.s32 v9, v3;
	v18 =	vld [tilespmem:s3+$0x20]  }
0x84: {  	v4 =	vadd.s32 v4, v10;
	vm3 =	vlt.s32 v14, $0x100;
	v19 =	vshll.u32 v7, $0xC  }
0x85: {  	v10 =	vor.u32 v15, v14;
	v11 =	vadd.s32 v13, v11;
	v14 =	vadd.s32 v12, v16;
	v13 =	vld [tilespmem:s3+$0x3070]  }
0x86: {  	v9 =	vor.u32 v9, v7;
	v16 =	vsub.s32 v17, v3;
	vm5 =	vne.s32 v12, v8;
	v15 =	vld [tilespmem:s3+$0x1000]  }
0x87: {  	vm6 =	vgt.s32 v10, $0xFFFFFFFF;
	v12 =	vor.u32 v17, v16;
	v17 =	vshll.u32 v16, $0xC;
	v8 =	vld [tilespmem:s3+$0x0]  }
0x88: {  	vm5 =	vmand vm6, vm5;
	vm8 =	vgt.s32 v12, $0xFFFFFFFF;
	vm7 =	vne.s32 v18, v5;
	v5 =	vld [tilespmem:s3+$0x3050]  }
0x89: {  	v10 =	vadd.s32 v18, v17;
	vm6 =	vmand vm8, vm7;
	vm7 =	vlt.s32 v16, $0x100;
	v12 =	vld [tilespmem:s3+$0x1070]  }
0x8a: {  	v4 =	vnsel vm4, $0x100000, v4;
	vm6 =	vmand vm7, vm6;
	v16 =	vld [tilespmem:s3+$0x70];
	v17 =	vsub.s32 v13, v3  }
0x8b: {  	vm1 =	vmand vm1, vm2;
	vm3 =	vmand vm3, vm5;
	v10 =	vnsel vm6, $0x100000, v10;
	v18 =	vld [tilespmem:s3+$0x1050]  }
0x8c: {  	vm4 =	vgt.s32 v9, $0xFFFFFFFF;
	vm5 =	vlt.s32 v7, $0x100;
	vm2 =	vne.s32 v8, v15;
	v7 =	vld [tilespmem:s3+$0x50]  }
0x8d: {  	v8 =	vadd.s32 v8, v19;
	vm2 =	vmand vm4, vm2;
	[tilespmem:s3+$0x5020] =	vst v10;
	v9 =	vsub.s32 v5, v3  }
0x8e: {  	v10 =	vnsel vm1, $0x100000, v11;
	v11 =	vshll.u32 v17, $0xC;
	vm2 =	vmand vm5, vm2  }
0x8f: {  	v14 =	vnsel vm3, $0x100000, v14;
	v8 =	vnsel vm2, $0x100000, v8;
	vm1 =	vne.s32 v16, v12  }
0x90: {  	vm3 =	vlt.s32 v17, $0x100;
	v5 =	vor.u32 v5, v9;
	vm2 =	vlt.s32 v9, $0x100  }
0x91: {  	vm4 =	vgt.s32 v5, $0xFFFFFFFF;
	v5 =	vshll.u32 v9, $0xC;
	[tilespmem:s3+$0x5000] =	vst v8;
	v8 =	vor.u32 v13, v17  }
0x92: {  	vm5 =	vne.s32 v7, v18;
	[tilespmem:s3+$0x5030] =	vst v14;
	vm6 =	vgt.s32 v8, $0xFFFFFFFF;
	v8 =	vadd.s32 v16, v11  }
0x93: {  	vm4 =	vmand vm4, vm5;
	[tilespmem:s3+$0x5040] =	vst v4;
	v4 =	vadd.s32 v7, v5;
	vm1 =	vmand vm6, vm1  }
0x94: {  	v5 =	vnsel vm0, $0x100000, v6;
	vm0 =	vmand vm2, vm4;
	[tilespmem:s3+$0x5060] =	vst v10;
	vm1 =	vmand vm3, vm1  }
0x95: {  	v4 =	vnsel vm0, $0x100000, v4;
	[tilespmem:s3+$0x5010] =	vst v5;
	v5 =	vnsel vm1, $0x100000, v8  }
0x96: {  	[tilespmem:s3+$0x5070] =	vst v5  }
0x97: {  	s11 =	sadd.s32 $0x5000, s3;
	[tilespmem:s3+$0x5050] =	vst v4;
	s3 =	sadd.s32 $0x2000, s3  }
0x98: {  	[spmem:s1] =	stream.indirect.scatter.add.f32 [tilespmem:s3], [sflag:$0x1], $0x1, s11, s8, $0xb8;
	[tilespmem:$0x17200] =	vst v63  }
0x99: {  	_ =	swait.ge [sflag:s0], $0x80  }
0x9a: {  	[sflag:s0] =	ssyncset.done $0x0  }
0x9b: {  	s3 =	sshra.s32 s10, $0x2;
	[sflag:s0] =	ssyncadd.s32 $0xFFFFFF80  }
0x9c: {  	v4 =	vld [tilespmem:s3+$0x40]  }
.Ltmp1:
0x9d: {  	v5 =	vld [tilespmem:s3+$0x1060];
	(pc) =	sbr.rel @p0 .LBB2_5-.Ltmp1, $4  }
0x9e: {  	v7 =	vld [tilespmem:s3+$0x3010]  }
0x9f: {  	v6 =	vld [tilespmem:s3+$0x10]  }
0xa0: {  	v8 =	vld [tilespmem:s3+$0x3040]  }
0xa1: {  	v9 =	vld [tilespmem:s3+$0x1040]  }
0xa2: {  	v10 =	vld [tilespmem:s3+$0x1010]  }
0xa3: {  	v11 =	vld [tilespmem:s3+$0x3060]  }
0xa4: {  	v14 =	vld [tilespmem:s3+$0x3030]  }
0xa5: {  	v16 =	vld [tilespmem:s3+$0x60]  }
0xa6: {  	v33 =	vld [tilespmem:s3+$0x3000]  }
0xa7: {  	v34 =	vld [tilespmem:s3+$0x3020]  }
0xa8: {  	v36 =	vld [tilespmem:s3+$0x1030]  }
0xa9: {  	v38 =	vld [tilespmem:s3+$0x30]  }
0xaa: {  	v41 =	vld [tilespmem:s3+$0x1020];
	v12 =	vsub.s32 v7, v3  }
0xab: {  	v18 =	vld [tilespmem:s3+$0x20];
	v13 =	vshll.u32 v12, $0xC;
	vm0 =	vlt.s32 v12, $0x100;
	v7 =	vor.u32 v7, v12  }
0xac: {  	v46 =	vld [tilespmem:s3+$0x3070];
	v15 =	vsub.s32 v8, v3;
	vm4 =	vgt.s32 v7, $0xFFFFFFFF;
	v40 =	vadd.s32 v6, v13  }
0xad: {  	v51 =	vld [tilespmem:s3+$0x3050];
	vm1 =	vne.s32 v4, v9;
	v8 =	vor.u32 v8, v15;
	vm3 =	vlt.s32 v15, $0x100  }
0xae: {  	v37 =	vshll.u32 v15, $0xC;
	vm2 =	vne.s32 v6, v10;
	vm5 =	vgt.s32 v8, $0xFFFFFFFF  }
0xaf: {  	v35 =	vsub.s32 v11, v3;
	v17 =	vsub.s32 v14, v3;
	vm13 =	vne.s32 v16, v5  }
0xb0: {  	v43 =	vsub.s32 v33, v3;
	v44 =	vadd.s32 v4, v37;
	v48 =	vsub.s32 v34, v3  }
0xb1: {  	vm15 =	vne.s32 v38, v36;
	vm6 =	vne.s32 v18, v41;
	v55 =	vsub.s32 v46, v3  }
0xb2: {  	v3 =	vsub.s32 v51, v3;
	vm2 =	vmand vm4, vm2;
	v11 =	vor.u32 v11, v35  }
0xb3: {  	v39 =	vshll.u32 v35, $0xC;
	v42 =	vshll.u32 v17, $0xC;
	vm5 =	vmand vm5, vm1  }
0xb4: {  	vm1 =	vlt.s32 v35, $0x100;
	v19 =	vshll.u32 v43, $0xC;
	vm14 =	vlt.s32 v17, $0x100  }
0xb5: {  	v49 =	vld [tilespmem:s3+$0x0];
	v45 =	vor.u32 v14, v17;
	v9 =	vor.u32 v33, v43;
	v7 =	vor.u32 v34, v48  }
0xb6: {  	v54 =	vld [tilespmem:s3+$0x70];
	v50 =	vshll.u32 v48, $0xC;
	vm10 =	vlt.s32 v48, $0x100;
	v58 =	vshll.u32 v55, $0xC  }
0xb7: {  	v47 =	vld [tilespmem:s3+$0x1000];
	v5 =	vor.u32 v51, v3;
	vm9 =	vlt.s32 v3, $0x100;
	v60 =	vor.u32 v46, v55  }
0xb8: {  	v53 =	vld [tilespmem:s3+$0x1070];
	v3 =	vshll.u32 v3, $0xC;
	vm0 =	vmand vm0, vm2;
	vm12 =	vgt.s32 v11, $0xFFFFFFFF  }
0xb9: {  	vm3 =	vmand vm3, vm5;
	v13 =	vadd.s32 v38, v42;
	v11 =	vadd.s32 v16, v39  }
0xba: {  	vm7 =	vgt.s32 v7, $0xFFFFFFFF;
	vm8 =	vgt.s32 v45, $0xFFFFFFFF;
	v52 =	vadd.s32 v18, v50  }
0xbb: {  	v56 =	vld [tilespmem:s3+$0x1050];
	v10 =	vadd.s32 v49, v19;
	v61 =	vadd.s32 v54, v58;
	vm2 =	vmand vm12, vm13  }
0xbc: {  	v57 =	vld [tilespmem:s3+$0x50];
	vm6 =	vmand vm7, vm6;
	vm5 =	vmand vm8, vm15;
	v4 =	vnsel vm3, $0x100000, v44  }
0xbd: {  	vm12 =	vne.s32 v49, v47;
	vm13 =	vgt.s32 v9, $0xFFFFFFFF;
	vm15 =	vne.s32 v54, v53  }
0xbe: {  	v62 =	vnsel vm0, $0x100000, v40;
	vm6 =	vmand vm10, vm6;
	vm11 =	vmand vm14, vm5  }
0xbf: {  	vm1 =	vmand vm1, vm2;
	vm14 =	vlt.s32 v43, $0x100;
	vm4 =	vmand vm13, vm12;
	[tilespmem:s3+$0x5040] =	vst v4  }
0xc0: {  	vm10 =	vlt.s32 v55, $0x100;
	vm12 =	vgt.s32 v60, $0xFFFFFFFF;
	[tilespmem:s3+$0x5010] =	vst v62;
	v7 =	vnsel vm6, $0x100000, v52  }
0xc1: {  	vm13 =	vne.s32 v57, v56;
	vm2 =	vmand vm14, vm4;
	v59 =	vnsel vm11, $0x100000, v13;
	[tilespmem:s3+$0x5020] =	vst v7  }
0xc2: {  	v11 =	vnsel vm1, $0x100000, v11;
	vm11 =	vgt.s32 v5, $0xFFFFFFFF;
	vm1 =	vmand vm12, vm15;
	[tilespmem:s3+$0x5030] =	vst v59  }
0xc3: {  	v10 =	vnsel vm2, $0x100000, v10;
	vm4 =	vmand vm11, vm13;
	[tilespmem:s3+$0x5060] =	vst v11;
	vm14 =	vmand vm10, vm1  }
0xc4: {  	v3 =	vadd.s32 v57, v3;
	[tilespmem:s3+$0x5000] =	vst v10;
	vm15 =	vmand vm9, vm4;
	v63 =	vnsel vm14, $0x100000, v61  }
0xc5: {  	v3 =	vnsel vm15, $0x100000, v3;
	[tilespmem:s3+$0x5070] =	vst v63  }
0xc6: {  	s6 =	sadd.s32 $0x5000, s3;
	s4 =	sadd.s32 $0x2000, s3;
	[tilespmem:s3+$0x5050] =	vst v3  }
0xc7: {  	[spmem:s1] =	stream.indirect.scatter.add.f32 [tilespmem:s4], [sflag:$0x1], $0x1, s6, s8, $0xb8;
	[tilespmem:$0x17200] =	vst v63  }
0xc8: {  	s2 =	sor.u32 s14, s2;
	_ =	swait.ge [sflag:s0], $0x80  }
0xc9: {  	s6 =	sshrl.u32 s2, $0x3;
	[sflag:s0] =	ssyncset.done $0x0;
	s4 =	rddreg [dreg:$0x4]  }
0xca: {  	s15 =	simm.s32 $0x0;
	[sflag:s0] =	ssyncadd.s32 $0xFFFFFF80;
	s3 =	sadd.s32 s4, s6  }
0xcb: {  	[tilespmem:s9], [sflag:$0x1] =	stream.linear.gather [hbm4b:s3+s15], $0x10, $0x38;
	[tilespmem:$0x17200] =	vst v63  }
0xcc: {  	_ =	swait.ge [sflag:s0], $0x10  }
0xcd: {  	[sflag:s0] =	ssyncset.done $0x0  }
0xce: {  	[sflag:s0] =	ssyncadd.s32 $0xFFFFFFF0  }
0xcf: {  	v3 =	vld [tilespmem:$0x7000];
	_ =	sdelay $0x4  }
0xd0: {  	v3 =	vadd.s32 v0, v3  }
0xd1: {  	s10 =	simm.s32 $0x10;
	s11 =	simm.s32 $0x7080;
	[tilespmem:$0x7000] =	vst v3  }
0xd2: {  	[spmem:s1] =	stream.indirect.scatter.add.f32 [tilespmem:s11], [sflag:$0x1], $0x1, s9, s10, $0xb8;
	[tilespmem:$0x17200] =	vst v63  }
0xd3: {  	_ =	swait.ge [sflag:s0], $0x10  }
0xd4: {  	[sflag:s0] =	ssyncset.done $0x0  }
0xd5: {  	s5 =	sadd.s32 $0x1, s5;
	[sflag:s0] =	ssyncadd.s32 $0xFFFFFFF0  }
0xd6: {  	p0 =	sne.s32 s5, $0x4;
	s6 =	stileid.u32;
	[bflag:$0x0] =	sbarrier.arrive $0xFFFF  }
0xd7: {  	s2 =	sshll.u32 s2, $0x9;
	s3 =	sshll.u32 s6, $0x6;
	s10 =	rddreg [dreg:$0x5]  }
0xd8: {  	s11 =	sadd.s32 s10, s2;
	s2 =	sor.u32 $0x1C01, s3;
	s3 =	sshrl.u32 s13, $0x3  }
0xd9: {  	[hbm:s11], [sflag:s2] =	dma.local [spmem:s3], $0x2000  }
.Ltmp2:
0xda: {  	_ =	swait.ge [sflag:s0], $0x2000;
	(pc) =	sbr.rel @p0 .LBB2_4-.Ltmp2, $3  }
0xdb: {  	[sflag:s0] =	ssyncset.done $0x0  }
0xdc: {  	[sflag:s0] =	ssyncadd.s32 $0xFFFFE000  }
0xdd: {  	[bflag:$0x0] =	sbarrier.arrive $0xFFFF;
	_ =	sdelay $0x1  }
.LBB2_7:
0xde: {  	[spmem:s13] =	stream.linear.scatter [tilespmem:s7], [sflag:$0x1], $0x1000, $0x38;
	[tilespmem:$0x17200] =	vst v63  }
0xdf: {  	_ =	swait.ge [sflag:s0], $0x1000  }
0xe0: {  	[sflag:s0] =	ssyncset.done $0x0  }
0xe1: {  	[sflag:s0] =	ssyncadd.s32 $0xFFFFF000  }
0xe2: {  	[spmem:s16] =	stream.linear.scatter [tilespmem:s7], [sflag:$0x1], $0x1000, $0x38;
	[tilespmem:$0x17200] =	vst v63  }
0xe3: {  	_ =	swait.ge [sflag:s0], $0x1000  }
0xe4: {  	[sflag:s0] =	ssyncset.done $0x0  }
0xe5: {  	[sflag:s0] =	ssyncadd.s32 $0xFFFFF000  }
0xe6: {  	[spmem:s17] =	stream.linear.scatter [tilespmem:s7], [sflag:$0x1], $0x1000, $0x38;
	[tilespmem:$0x17200] =	vst v63  }
0xe7: {  	_ =	swait.ge [sflag:s0], $0x1000  }
0xe8: {  	[sflag:s0] =	ssyncset.done $0x0  }
0xe9: {  	[sflag:s0] =	ssyncadd.s32 $0xFFFFF000  }
0xea: {  	[spmem:s18] =	stream.linear.scatter [tilespmem:s7], [sflag:$0x1], $0x1000, $0x38;
	[tilespmem:$0x17200] =	vst v63  }
0xeb: {  	_ =	swait.ge [sflag:s0], $0x1000  }
0xec: {  	[sflag:s0] =	ssyncset.done $0x0  }
0xed: {  	[sflag:s0] =	ssyncadd.s32 $0xFFFFF000  }
0xee: {  	[spmem:s19] =	stream.linear.scatter [tilespmem:s7], [sflag:$0x1], $0x1000, $0x38;
	[tilespmem:$0x17200] =	vst v63  }
0xef: {  	_ =	swait.ge [sflag:s0], $0x1000  }
0xf0: {  	[sflag:s0] =	ssyncset.done $0x0  }
0xf1: {  	[sflag:s0] =	ssyncadd.s32 $0xFFFFF000  }
0xf2: {  	[spmem:s20] =	stream.linear.scatter [tilespmem:s7], [sflag:$0x1], $0x1000, $0x38;
	[tilespmem:$0x17200] =	vst v63  }
0xf3: {  	_ =	swait.ge [sflag:s0], $0x1000  }
0xf4: {  	[sflag:s0] =	ssyncset.done $0x0  }
0xf5: {  	[sflag:s0] =	ssyncadd.s32 $0xFFFFF000  }
0xf6: {  	[spmem:s21] =	stream.linear.scatter [tilespmem:s7], [sflag:$0x1], $0x1000, $0x38;
	[tilespmem:$0x17200] =	vst v63  }
0xf7: {  	_ =	swait.ge [sflag:s0], $0x1000  }
0xf8: {  	[sflag:s0] =	ssyncset.done $0x0  }
0xf9: {  	[sflag:s0] =	ssyncadd.s32 $0xFFFFF000  }
0xfa: {  	[spmem:s22] =	stream.linear.scatter [tilespmem:s7], [sflag:$0x1], $0x1000, $0x38;
	[tilespmem:$0x17200] =	vst v63  }
0xfb: {  	_ =	swait.ge [sflag:s0], $0x1000  }
0xfc: {  	[sflag:s0] =	ssyncset.done $0x0  }
0xfd: {  	[sflag:s0] =	ssyncadd.s32 $0xFFFFF000  }
0xfe: {  	[spmem:s23] =	stream.linear.scatter [tilespmem:s7], [sflag:$0x1], $0x1000, $0x38;
	[tilespmem:$0x17200] =	vst v63  }
0xff: {  	_ =	swait.ge [sflag:s0], $0x1000  }
0x100: {  	[sflag:s0] =	ssyncset.done $0x0  }
0x101: {  	[sflag:s0] =	ssyncadd.s32 $0xFFFFF000  }
0x102: {  	[spmem:s24] =	stream.linear.scatter [tilespmem:s7], [sflag:$0x1], $0x1000, $0x38;
	[tilespmem:$0x17200] =	vst v63  }
0x103: {  	_ =	swait.ge [sflag:s0], $0x1000  }
0x104: {  	[sflag:s0] =	ssyncset.done $0x0  }
0x105: {  	[sflag:s0] =	ssyncadd.s32 $0xFFFFF000  }
0x106: {  	[spmem:s25] =	stream.linear.scatter [tilespmem:s7], [sflag:$0x1], $0x1000, $0x38;
	[tilespmem:$0x17200] =	vst v63  }
0x107: {  	_ =	swait.ge [sflag:s0], $0x1000  }
0x108: {  	[sflag:s0] =	ssyncset.done $0x0  }
0x109: {  	[sflag:s0] =	ssyncadd.s32 $0xFFFFF000  }
0x10a: {  	[spmem:s26] =	stream.linear.scatter [tilespmem:s7], [sflag:$0x1], $0x1000, $0x38;
	[tilespmem:$0x17200] =	vst v63  }
0x10b: {  	_ =	swait.ge [sflag:s0], $0x1000  }
0x10c: {  	[sflag:s0] =	ssyncset.done $0x0  }
0x10d: {  	[sflag:s0] =	ssyncadd.s32 $0xFFFFF000  }
0x10e: {  	[spmem:s28] =	stream.linear.scatter [tilespmem:s7], [sflag:$0x1], $0x1000, $0x38;
	[tilespmem:$0x17200] =	vst v63  }
0x10f: {  	_ =	swait.ge [sflag:s0], $0x1000  }
0x110: {  	[sflag:s0] =	ssyncset.done $0x0  }
0x111: {  	[sflag:s0] =	ssyncadd.s32 $0xFFFFF000  }
0x112: {  	[spmem:s29] =	stream.linear.scatter [tilespmem:s7], [sflag:$0x1], $0x1000, $0x38;
	[tilespmem:$0x17200] =	vst v63  }
0x113: {  	_ =	swait.ge [sflag:s0], $0x1000  }
0x114: {  	[sflag:s0] =	ssyncset.done $0x0  }
0x115: {  	[sflag:s0] =	ssyncadd.s32 $0xFFFFF000  }
0x116: {  	[spmem:s30] =	stream.linear.scatter [tilespmem:s7], [sflag:$0x1], $0x1000, $0x38;
	[tilespmem:$0x17200] =	vst v63  }
0x117: {  	_ =	swait.ge [sflag:s0], $0x1000  }
0x118: {  	[sflag:s0] =	ssyncset.done $0x0  }
0x119: {  	[sflag:s0] =	ssyncadd.s32 $0xFFFFF000  }
0x11a: {  	[spmem:s31] =	stream.linear.scatter [tilespmem:s7], [sflag:$0x1], $0x1000, $0x38;
	[tilespmem:$0x17200] =	vst v63  }
0x11b: {  	_ =	swait.ge [sflag:s0], $0x1000  }
0x11c: {  	[sflag:s0] =	ssyncset.done $0x0  }
0x11d: {  	[sflag:s0] =	ssyncadd.s32 $0xFFFFF000  }
0x11e: {  	s6 =	simm.s32 $0x0;
	[bflag:$0x0] =	sbarrier.arrive $0xFFFF  }
0x11f: {  	v4 =	vld [tilespmem:s6+$0x1040]  }
0x120: {  	v5 =	vld [tilespmem:s6+$0x60]  }
0x121: {  	v7 =	vld [tilespmem:s6+$0x4010]  }
0x122: {  	s5 =	sshll.u32 s15, $0x9;
	v6 =	vld [tilespmem:s6+$0x1010]  }
0x123: {  	s5 =	sor.u32 s12, s5;
	v8 =	vld [tilespmem:s6+$0x4040]  }
0x124: {  	s10 =	simm.s32 $0x200;
	v3 =	vmov s5;
	v9 =	vld [tilespmem:s6+$0x40]  }
.LBB2_8:
0x125: {  	p0 =	sne.s32 s10, $0x3E00;
	v10 =	vld [tilespmem:s6+$0x10];
	s11 =	smov.u32 s10;
	s10 =	sadd.s32 $0x200, s10  }
0x126: {  	v11 =	vld [tilespmem:s6+$0x4060]  }
0x127: {  	v12 =	vsub.s32 v7, v3;
	v13 =	vld [tilespmem:s6+$0x1060]  }
0x128: {  	v14 =	vshll.u32 v12, $0xC;
	v15 =	vld [tilespmem:s6+$0x4030];
	v16 =	vsub.s32 v8, v3  }
0x129: {  	vm0 =	vlt.s32 v12, $0x100;
	v17 =	vld [tilespmem:s6+$0x4020];
	vm1 =	vne.s32 v4, v9;
	v8 =	vor.u32 v8, v16  }
0x12a: {  	v7 =	vor.u32 v7, v12;
	vm3 =	vlt.s32 v16, $0x100;
	vm2 =	vne.s32 v6, v10  }
0x12b: {  	vm4 =	vgt.s32 v7, $0xFFFFFFFF;
	vm5 =	vgt.s32 v8, $0xFFFFFFFF;
	v9 =	vld [tilespmem:s6+$0x4000];
	v7 =	vsub.s32 v11, v3  }
0x12c: {  	v10 =	vshll.u32 v16, $0xC;
	vm2 =	vmand vm4, vm2;
	v8 =	vld [tilespmem:s6+$0x30];
	v11 =	vor.u32 v11, v7  }
0x12d: {  	vm0 =	vmand vm0, vm2;
	v12 =	vld [tilespmem:s6+$0x1030];
	vm2 =	vgt.s32 v11, $0xFFFFFFFF;
	v11 =	vshll.u32 v7, $0xC  }
0x12e: {  	v6 =	vadd.s32 v6, v14;
	vm6 =	vne.s32 v13, v5;
	v14 =	vsub.s32 v15, v3  }
0x12f: {  	vm4 =	vmand vm5, vm1;
	vm1 =	vlt.s32 v7, $0x100;
	v16 =	vshll.u32 v14, $0xC;
	v5 =	vld [tilespmem:s6+$0x20]  }
0x130: {  	vm4 =	vmand vm3, vm4;
	vm2 =	vmand vm2, vm6;
	v7 =	vsub.s32 v9, v3;
	v18 =	vld [tilespmem:s6+$0x1020]  }
0x131: {  	v4 =	vadd.s32 v4, v10;
	vm3 =	vlt.s32 v14, $0x100;
	v19 =	vshll.u32 v7, $0xC  }
0x132: {  	v10 =	vor.u32 v15, v14;
	v11 =	vadd.s32 v13, v11;
	v14 =	vadd.s32 v12, v16;
	v13 =	vld [tilespmem:s6+$0x4070]  }
0x133: {  	v9 =	vor.u32 v9, v7;
	v16 =	vsub.s32 v17, v3;
	vm5 =	vne.s32 v12, v8;
	v15 =	vld [tilespmem:s6+$0x0]  }
0x134: {  	vm6 =	vgt.s32 v10, $0xFFFFFFFF;
	v12 =	vor.u32 v17, v16;
	v17 =	vshll.u32 v16, $0xC;
	v8 =	vld [tilespmem:s6+$0x1000]  }
0x135: {  	vm5 =	vmand vm6, vm5;
	vm8 =	vgt.s32 v12, $0xFFFFFFFF;
	vm7 =	vne.s32 v18, v5;
	v5 =	vld [tilespmem:s6+$0x4050]  }
0x136: {  	v10 =	vadd.s32 v18, v17;
	vm6 =	vmand vm8, vm7;
	vm7 =	vlt.s32 v16, $0x100;
	v12 =	vld [tilespmem:s6+$0x70]  }
0x137: {  	v4 =	vnsel vm4, $0x100000, v4;
	vm6 =	vmand vm7, vm6;
	v16 =	vld [tilespmem:s6+$0x1070];
	v17 =	vsub.s32 v13, v3  }
0x138: {  	vm1 =	vmand vm1, vm2;
	vm3 =	vmand vm3, vm5;
	v10 =	vnsel vm6, $0x100000, v10;
	v18 =	vld [tilespmem:s6+$0x50]  }
0x139: {  	vm4 =	vgt.s32 v9, $0xFFFFFFFF;
	vm5 =	vlt.s32 v7, $0x100;
	vm2 =	vne.s32 v8, v15;
	v7 =	vld [tilespmem:s6+$0x1050]  }
0x13a: {  	v8 =	vadd.s32 v8, v19;
	vm2 =	vmand vm4, vm2;
	[tilespmem:s6+$0x5020] =	vst v10;
	v9 =	vsub.s32 v5, v3  }
0x13b: {  	v10 =	vnsel vm1, $0x100000, v11;
	v11 =	vshll.u32 v17, $0xC;
	vm2 =	vmand vm5, vm2  }
0x13c: {  	v14 =	vnsel vm3, $0x100000, v14;
	v8 =	vnsel vm2, $0x100000, v8;
	vm1 =	vne.s32 v16, v12  }
0x13d: {  	vm3 =	vlt.s32 v17, $0x100;
	v5 =	vor.u32 v5, v9;
	vm2 =	vlt.s32 v9, $0x100  }
0x13e: {  	vm4 =	vgt.s32 v5, $0xFFFFFFFF;
	v5 =	vshll.u32 v9, $0xC;
	[tilespmem:s6+$0x5000] =	vst v8;
	v8 =	vor.u32 v13, v17  }
0x13f: {  	vm5 =	vne.s32 v7, v18;
	[tilespmem:s6+$0x5030] =	vst v14;
	vm6 =	vgt.s32 v8, $0xFFFFFFFF;
	v8 =	vadd.s32 v16, v11  }
0x140: {  	vm4 =	vmand vm4, vm5;
	[tilespmem:s6+$0x5040] =	vst v4;
	v4 =	vadd.s32 v7, v5;
	vm1 =	vmand vm6, vm1  }
0x141: {  	v5 =	vnsel vm0, $0x100000, v6;
	vm0 =	vmand vm2, vm4;
	[tilespmem:s6+$0x5060] =	vst v10;
	vm1 =	vmand vm3, vm1  }
0x142: {  	v4 =	vnsel vm0, $0x100000, v4;
	[tilespmem:s6+$0x5010] =	vst v5;
	v5 =	vnsel vm1, $0x100000, v8  }
0x143: {  	[tilespmem:s6+$0x5070] =	vst v5  }
0x144: {  	s4 =	sadd.s32 $0x5000, s6;
	[tilespmem:s6+$0x5050] =	vst v4;
	s6 =	sadd.s32 $0x2000, s6  }
0x145: {  	[spmem:s1] =	stream.indirect.scatter.add.f32 [tilespmem:s6], [sflag:$0x1], $0x1, s4, s8, $0xb8;
	[tilespmem:$0x17200] =	vst v63  }
0x146: {  	_ =	swait.ge [sflag:s0], $0x80  }
0x147: {  	[sflag:s0] =	ssyncset.done $0x0  }
0x148: {  	s6 =	sshra.s32 s11, $0x2;
	[sflag:s0] =	ssyncadd.s32 $0xFFFFFF80  }
0x149: {  	v4 =	vld [tilespmem:s6+$0x1040]  }
.Ltmp3:
0x14a: {  	v5 =	vld [tilespmem:s6+$0x60];
	(pc) =	sbr.rel @p0 .LBB2_8-.Ltmp3, $4  }
0x14b: {  	v7 =	vld [tilespmem:s6+$0x4010]  }
0x14c: {  	v6 =	vld [tilespmem:s6+$0x1010]  }
0x14d: {  	v8 =	vld [tilespmem:s6+$0x4040]  }
0x14e: {  	v9 =	vld [tilespmem:s6+$0x40]  }
0x14f: {  	v10 =	vld [tilespmem:s6+$0x10]  }
0x150: {  	v11 =	vld [tilespmem:s6+$0x4060]  }
0x151: {  	v14 =	vld [tilespmem:s6+$0x4030]  }
0x152: {  	v16 =	vld [tilespmem:s6+$0x1060]  }
0x153: {  	v33 =	vld [tilespmem:s6+$0x4000]  }
0x154: {  	v34 =	vld [tilespmem:s6+$0x4020]  }
0x155: {  	v36 =	vld [tilespmem:s6+$0x30]  }
0x156: {  	v38 =	vld [tilespmem:s6+$0x1030]  }
0x157: {  	v41 =	vld [tilespmem:s6+$0x20];
	v12 =	vsub.s32 v7, v3  }
0x158: {  	v18 =	vld [tilespmem:s6+$0x1020];
	v13 =	vshll.u32 v12, $0xC;
	vm0 =	vlt.s32 v12, $0x100;
	v7 =	vor.u32 v7, v12  }
0x159: {  	v46 =	vld [tilespmem:s6+$0x4070];
	v15 =	vsub.s32 v8, v3;
	vm4 =	vgt.s32 v7, $0xFFFFFFFF;
	v40 =	vadd.s32 v6, v13  }
0x15a: {  	v51 =	vld [tilespmem:s6+$0x4050];
	vm1 =	vne.s32 v4, v9;
	v8 =	vor.u32 v8, v15;
	vm3 =	vlt.s32 v15, $0x100  }
0x15b: {  	v37 =	vshll.u32 v15, $0xC;
	vm2 =	vne.s32 v6, v10;
	vm5 =	vgt.s32 v8, $0xFFFFFFFF  }
0x15c: {  	v35 =	vsub.s32 v11, v3;
	v17 =	vsub.s32 v14, v3;
	vm13 =	vne.s32 v16, v5  }
0x15d: {  	v43 =	vsub.s32 v33, v3;
	v44 =	vadd.s32 v4, v37;
	v48 =	vsub.s32 v34, v3  }
0x15e: {  	vm15 =	vne.s32 v38, v36;
	vm6 =	vne.s32 v18, v41;
	v55 =	vsub.s32 v46, v3  }
0x15f: {  	v3 =	vsub.s32 v51, v3;
	vm2 =	vmand vm4, vm2;
	v11 =	vor.u32 v11, v35  }
0x160: {  	v39 =	vshll.u32 v35, $0xC;
	v42 =	vshll.u32 v17, $0xC;
	vm5 =	vmand vm5, vm1  }
0x161: {  	vm1 =	vlt.s32 v35, $0x100;
	v19 =	vshll.u32 v43, $0xC;
	vm14 =	vlt.s32 v17, $0x100  }
0x162: {  	v49 =	vld [tilespmem:s6+$0x1000];
	v45 =	vor.u32 v14, v17;
	v9 =	vor.u32 v33, v43;
	v7 =	vor.u32 v34, v48  }
0x163: {  	v54 =	vld [tilespmem:s6+$0x1070];
	v50 =	vshll.u32 v48, $0xC;
	vm10 =	vlt.s32 v48, $0x100;
	v58 =	vshll.u32 v55, $0xC  }
0x164: {  	v47 =	vld [tilespmem:s6+$0x0];
	v5 =	vor.u32 v51, v3;
	vm9 =	vlt.s32 v3, $0x100;
	v60 =	vor.u32 v46, v55  }
0x165: {  	v53 =	vld [tilespmem:s6+$0x70];
	v3 =	vshll.u32 v3, $0xC;
	vm0 =	vmand vm0, vm2;
	vm12 =	vgt.s32 v11, $0xFFFFFFFF  }
0x166: {  	vm3 =	vmand vm3, vm5;
	v13 =	vadd.s32 v38, v42;
	v11 =	vadd.s32 v16, v39  }
0x167: {  	vm7 =	vgt.s32 v7, $0xFFFFFFFF;
	vm8 =	vgt.s32 v45, $0xFFFFFFFF;
	v52 =	vadd.s32 v18, v50  }
0x168: {  	v56 =	vld [tilespmem:s6+$0x50];
	v10 =	vadd.s32 v49, v19;
	v61 =	vadd.s32 v54, v58;
	vm2 =	vmand vm12, vm13  }
0x169: {  	v57 =	vld [tilespmem:s6+$0x1050];
	vm6 =	vmand vm7, vm6;
	vm5 =	vmand vm8, vm15;
	v4 =	vnsel vm3, $0x100000, v44  }
0x16a: {  	vm12 =	vne.s32 v49, v47;
	vm13 =	vgt.s32 v9, $0xFFFFFFFF;
	vm15 =	vne.s32 v54, v53  }
0x16b: {  	v62 =	vnsel vm0, $0x100000, v40;
	vm6 =	vmand vm10, vm6;
	vm11 =	vmand vm14, vm5  }
0x16c: {  	vm1 =	vmand vm1, vm2;
	vm14 =	vlt.s32 v43, $0x100;
	vm4 =	vmand vm13, vm12;
	[tilespmem:s6+$0x5040] =	vst v4  }
0x16d: {  	vm10 =	vlt.s32 v55, $0x100;
	vm12 =	vgt.s32 v60, $0xFFFFFFFF;
	[tilespmem:s6+$0x5010] =	vst v62;
	v7 =	vnsel vm6, $0x100000, v52  }
0x16e: {  	vm13 =	vne.s32 v57, v56;
	vm2 =	vmand vm14, vm4;
	v59 =	vnsel vm11, $0x100000, v13;
	[tilespmem:s6+$0x5020] =	vst v7  }
0x16f: {  	v11 =	vnsel vm1, $0x100000, v11;
	vm11 =	vgt.s32 v5, $0xFFFFFFFF;
	vm1 =	vmand vm12, vm15;
	[tilespmem:s6+$0x5030] =	vst v59  }
0x170: {  	v10 =	vnsel vm2, $0x100000, v10;
	vm4 =	vmand vm11, vm13;
	[tilespmem:s6+$0x5060] =	vst v11;
	vm14 =	vmand vm10, vm1  }
0x171: {  	v3 =	vadd.s32 v57, v3;
	[tilespmem:s6+$0x5000] =	vst v10;
	vm15 =	vmand vm9, vm4;
	v63 =	vnsel vm14, $0x100000, v61  }
0x172: {  	v3 =	vnsel vm15, $0x100000, v3;
	[tilespmem:s6+$0x5070] =	vst v63  }
0x173: {  	s4 =	sadd.s32 $0x5000, s6;
	s11 =	sadd.s32 $0x2000, s6;
	[tilespmem:s6+$0x5050] =	vst v3  }
0x174: {  	[spmem:s1] =	stream.indirect.scatter.add.f32 [tilespmem:s11], [sflag:$0x1], $0x1, s4, s8, $0xb8;
	[tilespmem:$0x17200] =	vst v63  }
0x175: {  	s4 =	sor.u32 s14, s5;
	_ =	swait.ge [sflag:s0], $0x80  }
0x176: {  	s5 =	sshrl.u32 s4, $0x3;
	[sflag:s0] =	ssyncset.done $0x0;
	s10 =	rddreg [dreg:$0x4]  }
0x177: {  	s11 =	simm.s32 $0x0;
	[sflag:s0] =	ssyncadd.s32 $0xFFFFFF80;
	s5 =	sadd.s32 s10, s5  }
0x178: {  	[tilespmem:s9], [sflag:$0x1] =	stream.linear.gather [hbm4b:s5+s11], $0x10, $0x38;
	[tilespmem:$0x17200] =	vst v63  }
0x179: {  	_ =	swait.ge [sflag:s0], $0x10  }
0x17a: {  	[sflag:s0] =	ssyncset.done $0x0  }
0x17b: {  	[sflag:s0] =	ssyncadd.s32 $0xFFFFFFF0  }
0x17c: {  	v3 =	vld [tilespmem:$0x7000];
	_ =	sdelay $0x4  }
0x17d: {  	v3 =	vadd.s32 v0, v3  }
0x17e: {  	s6 =	simm.s32 $0x10;
	s10 =	simm.s32 $0x7080;
	[tilespmem:$0x7000] =	vst v3  }
0x17f: {  	[spmem:s1] =	stream.indirect.scatter.add.f32 [tilespmem:s10], [sflag:$0x1], $0x1, s9, s6, $0xb8;
	[tilespmem:$0x17200] =	vst v63  }
0x180: {  	_ =	swait.ge [sflag:s0], $0x10  }
0x181: {  	[sflag:s0] =	ssyncset.done $0x0  }
0x182: {  	[sflag:s0] =	ssyncadd.s32 $0xFFFFFFF0  }
0x183: {  	[bflag:$0x0] =	sbarrier.arrive $0xFFFF  }
0x184: {  	s15 =	sadd.s32 $0x1, s15;
	s4 =	sshll.u32 s4, $0x9;
	s11 =	rddreg [dreg:$0x6]  }
0x185: {  	p0 =	sne.s32 s15, $0x4;
	s4 =	sadd.s32 s11, s4  }
0x186: {  	[hbm:s4], [sflag:s2] =	dma.local [spmem:s3], $0x2000  }
.Ltmp4:
0x187: {  	_ =	swait.ge [sflag:s0], $0x2000;
	(pc) =	sbr.rel @p0 .LBB2_7-.Ltmp4, $3  }
0x188: {  	[sflag:s0] =	ssyncset.done $0x0  }
0x189: {  	[sflag:s0] =	ssyncadd.s32 $0xFFFFE000  }
0x18a: {  	[bflag:$0x0] =	sbarrier.arrive $0xFFFF;
	_ =	sdelay $0x1  }
0x18b: {  	s3 =	rddreg [dreg:$0xd]  }
0x18c: {  	s2 =	rddreg [dreg:$0xc];
	s3 =	sadd.s32 $0x1, s3  }
0x18d: {  	p0 =	sne.s32 s3, s2  }
.Ltmp5:
0x18e: {  	_ = 	snop;
	(pc) =	sbr.rel @p0 .LBB2_1-.Ltmp5, $1  }
0x18f: {  	_ =	sdelay $0x3  }
0x190: {  	_ =	sfence.sel $0x180000  }
0x191: {  	[bflag:$0x0] =	sbarrier.arrive $0xFFFF  }
0x192: {  	_ =	strace $0x9000004D  }
0x193: {  	s0 =	stileid.u32;
	[bflag:$0x2] =	sbarrier.arrive $0xFFFF  }
0x194: {  	p0 =	sne.s32 s0, $0x0;
	s0 =	rddreg [dreg:$0x3]  }
0x195: {  	s0 =	sadd.s32 @!p0 $0x100000, s0  }
0x196: {  	[sflag:s0] =	ssyncadd.tile.s32 @!p0 $0x1;
	_ =	shalt  }
.Lfunc_end2:
_tile_overlayer_lowered:
.L_overlay_start_2:
0x197: {  	(tag) =	ssettag $0x2  }
0x198: {  	s0 =	rddreg [dreg:$0x0];
	s2 =	stileid.u32  }
0x199: {  	s1 =	rddreg [dreg:$0x1];
	p0 =	sne.s32 s2, $0x0  }
0x19a: {  	s3 =	rddreg [dreg:$0x2];
	[bflag:$0x3] =	sbarrier.arrive $0xFFFF;
	s2 =	simm.s32 @!p0 $0x1C01  }
0x19b: {  	[timem:s3], [sflag:s2] =	dma.local @!p0 [hbm:s0], s1  }
0x19c: {  	s0 =	simm.s32 @!p0 $0x1  }
0x19d: {  	_ =	swait.ge @!p0 [sflag:s0], s1  }
0x19e: {  	s1 =	ssub.s32 @!p0 $0x0, s1;
	[sflag:s0] =	ssyncset.done @!p0 $0x0  }
0x19f: {  	[sflag:s0] =	ssyncadd.s32 @!p0 s1  }
0x1a0: {  	[bflag:$0x3] =	sbarrier.arrive $0xFFFF  }
0x1a1: {  	_ =	shalt  }

// kernel: kernel.30.cloned.1.call-start
scs
__scs_entry_jumppad:
0x0: {  	(pc) =	sbr.rel $0x88, $3  }
0x1: {  	(tag) =	ssettag $0x0;
	lr =	simm.s32 $0x1  }
0x2: {  	[smem:$0x3F92] =	sst lr;
	_ =	strace $0xD0000000  }
0x3: {  	_ = 	snop  }
0x4: {  	_ = 	snop  }
0x5: {  	_ = 	snop  }
0x6: {  	_ = 	snop  }
0x7: {  	_ = 	snop  }
__scs_overlays_trampoline_lowered:
0x8: {  	[smem:$0x3FA1] =	sst s0  }
0x9: {  	[smem:$0x3FA2] =	sst s1  }
0xa: {  	[smem:$0x3FA3] =	sst s2  }
0xb: {  	[smem:$0x3FA4] =	sst s3  }
0xc: {  	[smem:$0x3FA5] =	sst s4  }
0xd: {  	[smem:$0x3FA6] =	sst s5  }
0xe: {  	[smem:$0x3FA7] =	sst s6  }
0xf: {  	[smem:$0x3FA8] =	sst s7  }
0x10: {  	[smem:$0x3FA9] =	sst s8  }
0x11: {  	[smem:$0x3FAA] =	sst s9;
	s0 =	simm.s32 @!p0 $0x0  }
0x12: {  	s1 =	sld [smem:$0x3F90];
	s0 =	simm.s32 @p0 $0x1  }
0x13: {  	[smem:$0x3FAB] =	sst s0;
	s0 =	simm.s32 @!p1 $0x0  }
0x14: {  	s2 =	sld [smem:$0x3F8F];
	s0 =	simm.s32 @p1 $0x1  }
0x15: {  	[smem:$0x3FAC] =	sst s0;
	s0 =	simm.s32 @!p2 $0x0  }
0x16: {  	s3 =	sld [smem:$0x3FDB];
	s0 =	simm.s32 @p2 $0x1  }
0x17: {  	s4 =	simm.s32 $0x1BF5;
	[smem:$0x3FAE] =	sst s0  }
0x18: {  	s0 =	sld [smem:$0x3F91];
	_ =	swait.ge [sflag:s4], $0x0  }
0x19: {  	s7 =	sld [smem:$0x3F92]  }
0x1a: {  	s8 =	sadd.s32 $0xFFFFE003, lr  }
0x1b: {  	s9 =	sadd.s32 $0xFFFFFEF7, lr;
	s5 =	simm.s32 $0xFFFFFFFF;
	p2 =	slt.u32 s8, $0xFFFFF086  }
0x1c: {  	p1 =	slt.u32 s9, $0xF7A;
	s5 =	simm.s32 @!p2 $0x0  }
0x1d: {  	s5 =	simm.s32 @p1 $0x1;
	p0 =	seq.s32 s7, s2  }
0x1e: {  	s7 =	smul.u32 @!p0 $0xF7A, s2;
	p2 =	seq.s32 @!p0 s5, $0x0  }
0x1f: {  	s9 =	smul.u32 $0xF7A, s1;
	s8 =	simm.s32 @!p0 $0x1BF5;
	p2 =	por !p2, p0  }
0x20: {  	[sflag:s8] =	ssyncset.s32 @!p0 $0xFFFFF086;
	s6 =	sadd.s32 @!p0 s3, s7;
	s7 =	simm.s32 @!p0 $0x108  }
0x21: {  	s3 =	sadd.s32 s3, s9;
	s6 =	sadd.s32 @!p0 $0x88, s6;
	s7 =	simm.s32 @p2 $0x1082  }
0x22: {  	[simem:s7], [sflag:s8] =	dma.local @!p0 [hbm:s6], $0xF7A  }
0x23: {  	s9 =	sor.u32 $0xD0000000, s2;
	s6 =	simm.s32 $0x108;
	_ =	swait.ge @!p0 [sflag:s8], $0x0  }
0x24: {  	s3 =	sadd.s32 $0x88, s3;
	s6 =	simm.s32 @!p1 $0x1082;
	[sflag:s4] =	ssyncset.s32 $0xFFFFF086  }
0x25: {  	[simem:s6], [sflag:s4] =	dma.local [hbm:s3], $0xF7A  }
0x26: {  	[smem:$0x3F92] =	sst s1;
	(tag) =	ssettag s2;
	_ =	strace s9  }
0x27: {  	s1 =	sld [smem:$0x3FA2]  }
0x28: {  	s2 =	sld [smem:$0x3FA3]  }
0x29: {  	s4 =	sld [smem:$0x3FA5]  }
0x2a: {  	p0 =	seq.s32 s5, $0x0;
	s5 =	sld [smem:$0x3FA6]  }
0x2b: {  	s6 =	sld [smem:$0x3FA7]  }
0x2c: {  	s7 =	sld [smem:$0x3FA8]  }
0x2d: {  	s3 =	simm.s32 $0x108;
	s8 =	sld [smem:$0x3FA9]  }
0x2e: {  	s3 =	simm.s32 @!p0 $0x1082;
	s9 =	sld [smem:$0x3FAA]  }
0x2f: {  	lr =	sadd.s32 s0, s3;
	s0 =	sld [smem:$0x3FA1]  }
0x30: {  	s3 =	sld [smem:$0x3FA4]  }
0x31: {  	[smem:$0x3FAD] =	sst s10  }
0x32: {  	s10 =	sld [smem:$0x3FAB];
	_ =	sdelay $0x3  }
0x33: {  	p0 =	seq.s32 s10, $0x1;
	s10 =	sld [smem:$0x3FAD];
	_ =	sdelay $0x3  }
0x34: {  	[smem:$0x3FAD] =	sst s10  }
0x35: {  	s10 =	sld [smem:$0x3FAC];
	_ =	sdelay $0x3  }
0x36: {  	p1 =	seq.s32 s10, $0x1;
	s10 =	sld [smem:$0x3FAD];
	_ =	sdelay $0x3  }
0x37: {  	[smem:$0x3FAD] =	sst s10  }
0x38: {  	s10 =	sld [smem:$0x3FAE]  }
0x39: {  	_ = 	snop;
	(pc) =	sbr.ind lr, $3  }
0x3a: {  	_ = 	snop  }
0x3b: {  	_ = 	snop  }
0x3c: {  	p2 =	seq.s32 s10, $0x1;
	s10 =	sld [smem:$0x3FAD]  }
0x3d: {  	_ =	shalt  }
0x3e: {  	_ =	shalt  }
0x3f: {  	_ =	shalt  }
0x40: {  	_ =	shalt  }
0x41: {  	_ =	shalt  }
0x42: {  	_ =	shalt  }
0x43: {  	_ =	shalt  }
0x44: {  	_ =	shalt  }
0x45: {  	_ =	shalt  }
0x46: {  	_ =	shalt  }
0x47: {  	_ =	shalt  }
0x48: {  	_ =	shalt  }
0x49: {  	_ =	shalt  }
0x4a: {  	_ =	shalt  }
0x4b: {  	_ =	shalt  }
0x4c: {  	_ =	shalt  }
0x4d: {  	_ =	shalt  }
0x4e: {  	_ =	shalt  }
0x4f: {  	_ =	shalt  }
0x50: {  	_ =	shalt  }
0x51: {  	_ =	shalt  }
0x52: {  	_ =	shalt  }
0x53: {  	_ =	shalt  }
0x54: {  	_ =	shalt  }
0x55: {  	_ =	shalt  }
0x56: {  	_ =	shalt  }
0x57: {  	_ =	shalt  }
0x58: {  	_ =	shalt  }
0x59: {  	_ =	shalt  }
0x5a: {  	_ =	shalt  }
0x5b: {  	_ =	shalt  }
0x5c: {  	_ =	shalt  }
0x5d: {  	_ =	shalt  }
0x5e: {  	_ =	shalt  }
0x5f: {  	_ =	shalt  }
0x60: {  	_ =	shalt  }
0x61: {  	_ =	shalt  }
0x62: {  	_ =	shalt  }
0x63: {  	_ =	shalt  }
0x64: {  	_ =	shalt  }
0x65: {  	_ =	shalt  }
0x66: {  	_ =	shalt  }
0x67: {  	_ =	shalt  }
0x68: {  	_ =	shalt  }
0x69: {  	_ =	shalt  }
0x6a: {  	_ =	shalt  }
0x6b: {  	_ =	shalt  }
0x6c: {  	_ =	shalt  }
0x6d: {  	_ =	shalt  }
0x6e: {  	_ =	shalt  }
0x6f: {  	_ =	shalt  }
0x70: {  	_ =	shalt  }
0x71: {  	_ =	shalt  }
0x72: {  	_ =	shalt  }
0x73: {  	_ =	shalt  }
0x74: {  	_ =	shalt  }
0x75: {  	_ =	shalt  }
0x76: {  	_ =	shalt  }
0x77: {  	_ =	shalt  }
0x78: {  	_ =	shalt  }
0x79: {  	_ =	shalt  }
0x7a: {  	_ =	shalt  }
0x7b: {  	_ =	shalt  }
0x7c: {  	_ =	shalt  }
0x7d: {  	_ =	shalt  }
0x7e: {  	_ =	shalt  }
0x7f: {  	_ =	shalt  }
0x80: {  	_ =	shalt  }
0x81: {  	_ =	shalt  }
0x82: {  	_ =	shalt  }
0x83: {  	_ =	shalt  }
0x84: {  	_ =	shalt  }
0x85: {  	_ =	shalt  }
0x86: {  	_ =	shalt  }
0x87: {  	_ =	shalt  }
.Lfunc_end0:
.L_simem_size_0:
called_computation.3_lowered:
.L_overlay_start_0:
0x88: {  	s2 =	sld [smem:$0x3FD9]  }
0x89: {  	s3 =	sld [smem:$0x3FFE];
	_ =	sdelay $0x1  }
0x8a: {  	s1 =	srdreg.scid  }
0x8b: {  	s0 =	sand.u32 $0x1, s1  }
0x8c: {  	s17 =	sshll.u32 s0, $0xA;
	s2 =	sadd.s32 s3, s2  }
0x8d: {  	s2 =	sadd.s32 s2, s17  }
0x8e: {  	[smem:$0x3FB9] =	sst s2  }
0x8f: {  	_ = 	snop  }
0x90: {  	s18 =	sld [smem:$0x3FD0];
	(tm) =	ssettm $0x1  }
0x91: {  	s19 =	sld [smem:$0x3FFB];
	_ =	sdelay $0x3  }
0x92: {  	_ =	strace s19  }
0x93: {  	s2 =	sld [smem:$0x3FFC];
	_ =	sdelay $0x3  }
0x94: {  	_ =	strace s2  }
0x95: {  	s2 =	sld [smem:$0x3FFD];
	_ =	sdelay $0x3  }
0x96: {  	_ =	strace s2  }
0x97: {  	_ =	strace $0x8FFFFFFF  }
0x98: {  	s20 =	sld [smem:$0x3FDB];
	_ =	sdelay $0x1  }
0x99: {  	s4 =	simm.s32 $_scs_section_size  }
0x9a: {  	s5 =	simm.s32 $_size__tile_overlayer_lowered;
	s6 =	simm.s32 $_tile_overlayer_lowered  }
0x9b: {  	s7 =	simm.s32 $0x1BFF;
	s21 =	sshll.u32 s6, $0x1;
	s4 =	sadd.s32 s4, s20  }
0x9c: {  	s22 =	simm.s32 $0x0;
	s5 =	sshll.u32 s5, $0x1;
	s6 =	sadd.s32 s21, s4  }
0x9d: {  	[timem:s22], [sflag:s7] =	dma.local [hbm:s6], s5  }
0x9e: {  	_ =	swait.ge [sflag:s7], s5  }
0x9f: {  	s5 =	ssub.s32 $0x0, s5;
	[sflag:s7] =	ssyncset.done $0x0  }
0xa0: {  	[sflag:s7] =	ssyncadd.s32 s5;
	_ =	sdelay $0x1  }
0xa1: {  	s23 =	simm.s32 $0x1B8B  }
0xa2: {  	_ =	swait.ge [sflag:s23], $0x1  }
0xa3: {  	[sflag:s23] =	ssyncset.done $0x0  }
0xa4: {  	[sflag:s23] =	ssyncadd.s32 $0xFFFFFFFF  }
0xa5: {  	s5 =	sld [smem:$0x0]  }
0xa6: {  	s6 =	sand.u32 $0xFFFFFFFE, s1  }
0xa7: {  	p0 =	sne.s32 s1, s6  }
0xa8: {  	s6 =	sshll.u32 @p0 s6, $0xE  }
0xa9: {  	s6 =	sadd.s32 @p0 $0x11B8D, s6;
	s7 =	sshll.u32 @p0 s5, $0x11  }
0xaa: {  	s6 =	sor.u32 @p0 s7, s6  }
0xab: {  	[sflag:s6] =	ssyncadd.remote.s32 @p0 $0x1;
	_ =	sdelay $0x1  }
0xac: {  	s6 =	simm.s32 @p0 $0x1B8D  }
0xad: {  	_ =	swait.eq @p0 [sflag:s6], $0x1  }
0xae: {  	[sflag:s6] =	ssyncadd.s32 @p0 $0xFFFFFFFF  }
0xaf: {  	s7 =	sshll.u32 @!p0 s1, $0xE  }
0xb0: {  	s7 =	sor.u32 @!p0 $0x4000, s7;
	s6 =	simm.s32 @!p0 $0x1B8D  }
0xb1: {  	s5 =	sshll.u32 @!p0 s5, $0x11;
	s7 =	sadd.s32 @!p0 $0x11B8D, s7;
	_ =	swait.eq @!p0 [sflag:s6], $0x1  }
0xb2: {  	s5 =	sor.u32 @!p0 s5, s7;
	[sflag:s6] =	ssyncadd.s32 @!p0 $0xFFFFFFFF  }
0xb3: {  	s25 =	simm.s32 $0x1B8E;
	s24 =	sld [smem:$0x3FFE];
	[sflag:s5] =	ssyncadd.remote.s32 @!p0 $0x1  }
0xb4: {  	s26 =	simm.s32 $execute0_lowered;
	[smem:$0x3FD2] =	sst s25  }
0xb5: {  	s6 =	sshll.u32 s26, $0x1;
	_ =	strace $0x8000004F;
	[dreg:$0x1] =	wrdreg $0xFFFFFFFF  }
0xb6: {  	s28 =	simm.s32 $_size_execute0_lowered;
	s4 =	sadd.s32 s4, s6;
	[dreg:$0x0] =	wrdreg $0x0  }
0xb7: {  	s6 =	sshll.u32 s28, $0x1;
	[dreg:$0x2] =	wrdreg s4  }
0xb8: {  	[dreg:$0x3] =	wrdreg s6  }
0xb9: {  	[dreg:$0x4] =	wrdreg $0xC0  }
0xba: {  	_ =	task [dreg:s22], $0x5FFFF  }
0xbb: {  	[dreg:$0x1] =	wrdreg $0xFFFFFFFF  }
0xbc: {  	[dreg:$0x0] =	wrdreg $0x60  }
0xbd: {  	[dreg:$0x2] =	wrdreg s24  }
0xbe: {  	[dreg:$0x3] =	wrdreg s18  }
0xbf: {  	[dreg:$0x4] =	wrdreg $0xA  }
0xc0: {  	_ =	task.clear_ibuf [dreg:s22], $0x5FFFF;
	_ =	strace $0x9000004F  }
0xc1: {  	s29 =	simm.s32 $0xA;
	_ =	strace $0x80000051  }
0xc2: {  	_ =	swait.ge [sflag:s29], $0x1  }
0xc3: {  	[sflag:s29] =	ssyncadd.s32 $0xFFFFFFFF  }
0xc4: {  	_ =	strace $0x90000051  }
0xc5: {  	_ =	sfence  }
0xc6: {  	s30 =	sld [smem:$0x0];
	_ =	sdelay $0x2  }
0xc7: {  	s31 =	sshll.u32 s1, $0xD;
	s1 =	sshrl.u32 s1, $0x2  }
0xc8: {  	s4 =	sand.u32 $0x4000, s31;
	s1 =	sadd.s32 s1, s30  }
0xc9: {  	s0 =	sor.u32 s4, s0;
	s1 =	sshll.u32 s1, $0x11  }
0xca: {  	s0 =	sor.u32 s1, s0  }
0xcb: {  	s0 =	sadd.s32 $0x8F2B, s0  }
0xcc: {  	[sflag:s0] =	ssyncadd.remote.s32 $0x1  }
0xcd: {  	_ =	sfence.sel $0xFFFF  }
0xce: {  	[dreg:$0x0] =	wrdreg $0xFFFFFFFF;
	(pc) =	sbr.abs _section_cstart, $3  }
0xcf: {  	[dreg:$0x1] =	wrdreg $0xFFFFFFFF  }
0xd0: {  	_ =	task.clear_ibuf [dreg:s22], $0x2FFFF;
	_ =	strace $0x9FFFFFFF  }
0xd1: {  	(tm) =	ssettm $0x7FFFFFFF  }
tec
execute0_lowered:
.L_overlay_start_1:
0x0: {  	(tag) =	ssettag $0x1  }
0x1: {  	s1 =	srdreg.scid  }
0x2: {  	s0 =	stileid.u32;
	s14 =	sand.u32 $0x1, s1  }
0x3: {  	s2 =	rddreg [dreg:$0x0];
	s4 =	sshll.u32 s0, $0x6;
	s1 =	sshll.u32 s14, $0xA  }
0x4: {  	s3 =	rddreg [dreg:$0x1];
	s10 =	sor.u32 s4, s1  }
0x5: {  	s1 =	rddreg [dreg:$0x2];
	s4 =	simm.s32 $0x0;
	s5 =	sshrl.u32 s10, $0x3  }
0x6: {  	[smem:$0x7FF] =	sst s4;
	s15 =	sadd.s32 s5, s2  }
0x7: {  	_ =	strace $0x80000050;
	s5 =	simm.s32 $0x2;
	s6 =	sadd.s32 $0x200, s15  }
0x8: {  	[tilespmem:s4], [sflag:$0x2] =	stream.linear.gather [hbm4b:s6+s4], $0x40, $0x38;
	[tilespmem:$0x2100] =	vst v63  }
0x9: {  	_ =	swait.ge [sflag:s5], $0x40  }
0xa: {  	s7 =	simm.s32 $0x40;
	[sflag:s5] =	ssyncset.done $0x0  }
0xb: {  	s8 =	simm.s32 $0x80;
	s9 =	simm.s32 $0x1;
	[sflag:s5] =	ssyncadd.s32 $0xFFFFFFC0  }
0xc: {  	[tilespmem:s8], [sflag:$0x1] =	stream.indirect.gather [hbm4b:s3+s7], $0x80, s4, s7, $0xb8;
	[tilespmem:$0x2100] =	vst v63  }
0xd: {  	s10 =	sshll.u32 s10, $0x4;
	_ =	swait.ge [sflag:s9], $0x2000  }
0xe: {  	s10 =	sadd.s32 s10, s2;
	[sflag:s9] =	ssyncset.done $0x0  }
0xf: {  	s10 =	sadd.s32 $0x8000, s10;
	[sflag:s9] =	ssyncadd.s32 $0xFFFFE000  }
0x10: {  	[hbm4b:s10+s4] =	stream.linear.scatter [tilespmem:s8], [sflag:$0x2], $0x2000, $0x38;
	[tilespmem:$0x2100] =	vst v63  }
0x11: {  	_ =	swait.ge [sflag:s5], $0x2000  }
0x12: {  	[sflag:s5] =	ssyncset.done $0x0  }
0x13: {  	s12 =	simm.s32 $0x2080;
	s11 =	sadd.s32 $0x2400, s2;
	[sflag:s5] =	ssyncadd.s32 $0xFFFFE000  }
0x14: {  	[tilespmem:s12], [sflag:$0x1] =	stream.indirect.gather [hbm4b:s11+s7], $0x1, s4, s7, $0xb8;
	[tilespmem:$0x2100] =	vst v63  }
0x15: {  	_ =	swait.ge [sflag:s9], $0x40  }
0x16: {  	[sflag:s9] =	ssyncset.done $0x0  }
0x17: {  	s14 =	ssub.s32 $0x2, s14;
	s13 =	sadd.s32 $0x2800, s15;
	[sflag:s9] =	ssyncadd.s32 $0xFFFFFFC0  }
0x18: {  	[hbm4b:s13+s4] =	stream.linear.scatter [tilespmem:s12], [sflag:$0x2], $0x40, $0x38;
	[tilespmem:$0x2100] =	vst v63  }
0x19: {  	s16 =	sshrl.u32 s14, $0x1;
	_ =	swait.ge [sflag:s5], $0x40  }
0x1a: {  	s16 =	ssub.s32 s14, s16;
	[sflag:s5] =	ssyncset.done $0x0  }
0x1b: {  	s31 =	smax.u32 s16, $0x1;
	[sflag:s5] =	ssyncadd.s32 $0xFFFFFFC0  }
0x1c: {  	[tilespmem:s12], [sflag:$0x1] =	stream.indirect.gather [hbm4b:s2+s7], $0x1, s4, s7, $0xb8;
	[tilespmem:$0x2100] =	vst v63  }
0x1d: {  	p0 =	sne.s32 s31, $0x1;
	_ =	swait.ge [sflag:s9], $0x40  }
.Ltmp0:
0x1e: {  	[sflag:s9] =	ssyncset.done $0x0;
	(pc) =	sbr.rel @!p0 .LBB2_2-.Ltmp0, $4  }
0x1f: {  	s14 =	sadd.s32 $0x2600, s15;
	[sflag:s9] =	ssyncadd.s32 $0xFFFFFFC0  }
0x20: {  	[hbm4b:s14+s4] =	stream.linear.scatter [tilespmem:s12], [sflag:$0x2], $0x40, $0x38;
	[tilespmem:$0x2100] =	vst v63  }
0x21: {  	_ =	swait.ge [sflag:s5], $0x40  }
0x22: {  	s15 =	sadd.s32 $0xFFFFFFFF, s31;
	[sflag:s5] =	ssyncset.done $0x0  }
.LBB2_1:
0x23: {  	p0 =	sne.s32 s15, $0x1;
	s15 =	sadd.s32 $0xFFFFFFFF, s15;
	[sflag:s5] =	ssyncadd.s32 $0xFFFFFFC0  }
0x24: {  	[tilespmem:s4], [sflag:$0x2] =	stream.linear.gather [hbm4b:s6+s4], $0x40, $0x38;
	[tilespmem:$0x2100] =	vst v63  }
0x25: {  	_ =	swait.ge [sflag:s5], $0x40  }
0x26: {  	[sflag:s5] =	ssyncset.done $0x0  }
0x27: {  	[sflag:s5] =	ssyncadd.s32 $0xFFFFFFC0  }
0x28: {  	[tilespmem:s8], [sflag:$0x1] =	stream.indirect.gather [hbm4b:s3+s7], $0x80, s4, s7, $0xb8;
	[tilespmem:$0x2100] =	vst v63  }
0x29: {  	_ =	swait.ge [sflag:s9], $0x2000  }
0x2a: {  	[sflag:s9] =	ssyncset.done $0x0  }
0x2b: {  	[sflag:s9] =	ssyncadd.s32 $0xFFFFE000  }
0x2c: {  	[hbm4b:s10+s4] =	stream.linear.scatter [tilespmem:s8], [sflag:$0x2], $0x2000, $0x38;
	[tilespmem:$0x2100] =	vst v63  }
0x2d: {  	_ =	swait.ge [sflag:s5], $0x2000  }
0x2e: {  	[sflag:s5] =	ssyncset.done $0x0  }
0x2f: {  	[sflag:s5] =	ssyncadd.s32 $0xFFFFE000  }
0x30: {  	[tilespmem:s12], [sflag:$0x1] =	stream.indirect.gather [hbm4b:s11+s7], $0x1, s4, s7, $0xb8;
	[tilespmem:$0x2100] =	vst v63  }
0x31: {  	_ =	swait.ge [sflag:s9], $0x40  }
0x32: {  	[sflag:s9] =	ssyncset.done $0x0  }
0x33: {  	[sflag:s9] =	ssyncadd.s32 $0xFFFFFFC0  }
0x34: {  	[hbm4b:s13+s4] =	stream.linear.scatter [tilespmem:s12], [sflag:$0x2], $0x40, $0x38;
	[tilespmem:$0x2100] =	vst v63  }
0x35: {  	_ =	swait.ge [sflag:s5], $0x40  }
0x36: {  	[sflag:s5] =	ssyncset.done $0x0  }
0x37: {  	[sflag:s5] =	ssyncadd.s32 $0xFFFFFFC0  }
0x38: {  	[tilespmem:s12], [sflag:$0x1] =	stream.indirect.gather [hbm4b:s2+s7], $0x1, s4, s7, $0xb8;
	[tilespmem:$0x2100] =	vst v63  }
0x39: {  	_ =	swait.ge [sflag:s9], $0x40  }
.Ltmp1:
0x3a: {  	[sflag:s9] =	ssyncset.done $0x0;
	(pc) =	sbr.rel @p0 .LBB2_1-.Ltmp1, $4  }
0x3b: {  	[sflag:s9] =	ssyncadd.s32 $0xFFFFFFC0  }
0x3c: {  	[hbm4b:s14+s4] =	stream.linear.scatter [tilespmem:s12], [sflag:$0x2], $0x40, $0x38;
	[tilespmem:$0x2100] =	vst v63  }
0x3d: {  	_ =	swait.ge [sflag:s5], $0x40  }
0x3e: {  	[sflag:s5] =	ssyncset.done $0x0  }
.LBB2_2:
0x3f: {  	[sflag:s5] =	ssyncadd.s32 $0xFFFFFFC0  }
0x40: {  	_ =	sfence.sel $0x180000  }
0x41: {  	[bflag:$0x0] =	sbarrier.arrive $0xFFFF  }
0x42: {  	p0 =	sne.s32 s0, $0x0;
	_ =	strace $0x90000050  }
0x43: {  	s0 =	sadd.s32 @!p0 $0x100000, s1;
	[bflag:$0x2] =	sbarrier.arrive $0xFFFF  }
0x44: {  	[sflag:s0] =	ssyncadd.tile.s32 @!p0 $0x1;
	_ =	shalt  }
.Lfunc_end2:
_tile_overlayer_lowered:
.L_overlay_start_2:
0x45: {  	(tag) =	ssettag $0x2  }
0x46: {  	s0 =	rddreg [dreg:$0x0];
	s2 =	stileid.u32  }
0x47: {  	s1 =	rddreg [dreg:$0x1];
	p0 =	sne.s32 s2, $0x0  }
0x48: {  	s3 =	rddreg [dreg:$0x2];
	[bflag:$0x3] =	sbarrier.arrive $0xFFFF;
	s2 =	simm.s32 @!p0 $0x1C02  }
0x49: {  	[timem:s3], [sflag:s2] =	dma.local @!p0 [hbm:s0], s1  }
0x4a: {  	s0 =	simm.s32 @!p0 $0x2  }
0x4b: {  	_ =	swait.ge @!p0 [sflag:s0], s1  }
0x4c: {  	s1 =	ssub.s32 @!p0 $0x0, s1;
	[sflag:s0] =	ssyncset.done @!p0 $0x0  }
0x4d: {  	[sflag:s0] =	ssyncadd.s32 @!p0 s1  }
0x4e: {  	[bflag:$0x3] =	sbarrier.arrive $0xFFFF  }
0x4f: {  	_ =	shalt  }

// kernel: kernel.33.cloned.1.call-start
scs
__scs_entry_jumppad:
0x0: {  	(pc) =	sbr.rel $0x88, $3  }
0x1: {  	(tag) =	ssettag $0x0;
	lr =	simm.s32 $0x1  }
0x2: {  	[smem:$0x3F92] =	sst lr;
	_ =	strace $0xD0000000  }
0x3: {  	_ = 	snop  }
0x4: {  	_ = 	snop  }
0x5: {  	_ = 	snop  }
0x6: {  	_ = 	snop  }
0x7: {  	_ = 	snop  }
__scs_overlays_trampoline_lowered:
0x8: {  	[smem:$0x3FA1] =	sst s0  }
0x9: {  	[smem:$0x3FA2] =	sst s1  }
0xa: {  	[smem:$0x3FA3] =	sst s2  }
0xb: {  	[smem:$0x3FA4] =	sst s3  }
0xc: {  	[smem:$0x3FA5] =	sst s4  }
0xd: {  	[smem:$0x3FA6] =	sst s5  }
0xe: {  	[smem:$0x3FA7] =	sst s6  }
0xf: {  	[smem:$0x3FA8] =	sst s7  }
0x10: {  	[smem:$0x3FA9] =	sst s8  }
0x11: {  	[smem:$0x3FAA] =	sst s9;
	s0 =	simm.s32 @!p0 $0x0  }
0x12: {  	s1 =	sld [smem:$0x3F90];
	s0 =	simm.s32 @p0 $0x1  }
0x13: {  	[smem:$0x3FAB] =	sst s0;
	s0 =	simm.s32 @!p1 $0x0  }
0x14: {  	s2 =	sld [smem:$0x3F8F];
	s0 =	simm.s32 @p1 $0x1  }
0x15: {  	[smem:$0x3FAC] =	sst s0;
	s0 =	simm.s32 @!p2 $0x0  }
0x16: {  	s3 =	sld [smem:$0x3FDB];
	s0 =	simm.s32 @p2 $0x1  }
0x17: {  	s4 =	simm.s32 $0x1BF5;
	[smem:$0x3FAE] =	sst s0  }
0x18: {  	s0 =	sld [smem:$0x3F91];
	_ =	swait.ge [sflag:s4], $0x0  }
0x19: {  	s7 =	sld [smem:$0x3F92]  }
0x1a: {  	s8 =	sadd.s32 $0xFFFFE003, lr  }
0x1b: {  	s9 =	sadd.s32 $0xFFFFFEF7, lr;
	s5 =	simm.s32 $0xFFFFFFFF;
	p2 =	slt.u32 s8, $0xFFFFF086  }
0x1c: {  	p1 =	slt.u32 s9, $0xF7A;
	s5 =	simm.s32 @!p2 $0x0  }
0x1d: {  	s5 =	simm.s32 @p1 $0x1;
	p0 =	seq.s32 s7, s2  }
0x1e: {  	s7 =	smul.u32 @!p0 $0xF7A, s2;
	p2 =	seq.s32 @!p0 s5, $0x0  }
0x1f: {  	s9 =	smul.u32 $0xF7A, s1;
	s8 =	simm.s32 @!p0 $0x1BF5;
	p2 =	por !p2, p0  }
0x20: {  	[sflag:s8] =	ssyncset.s32 @!p0 $0xFFFFF086;
	s6 =	sadd.s32 @!p0 s3, s7;
	s7 =	simm.s32 @!p0 $0x108  }
0x21: {  	s3 =	sadd.s32 s3, s9;
	s6 =	sadd.s32 @!p0 $0x88, s6;
	s7 =	simm.s32 @p2 $0x1082  }
0x22: {  	[simem:s7], [sflag:s8] =	dma.local @!p0 [hbm:s6], $0xF7A  }
0x23: {  	s9 =	sor.u32 $0xD0000000, s2;
	s6 =	simm.s32 $0x108;
	_ =	swait.ge @!p0 [sflag:s8], $0x0  }
0x24: {  	s3 =	sadd.s32 $0x88, s3;
	s6 =	simm.s32 @!p1 $0x1082;
	[sflag:s4] =	ssyncset.s32 $0xFFFFF086  }
0x25: {  	[simem:s6], [sflag:s4] =	dma.local [hbm:s3], $0xF7A  }
0x26: {  	[smem:$0x3F92] =	sst s1;
	(tag) =	ssettag s2;
	_ =	strace s9  }
0x27: {  	s1 =	sld [smem:$0x3FA2]  }
0x28: {  	s2 =	sld [smem:$0x3FA3]  }
0x29: {  	s4 =	sld [smem:$0x3FA5]  }
0x2a: {  	p0 =	seq.s32 s5, $0x0;
	s5 =	sld [smem:$0x3FA6]  }
0x2b: {  	s6 =	sld [smem:$0x3FA7]  }
0x2c: {  	s7 =	sld [smem:$0x3FA8]  }
0x2d: {  	s3 =	simm.s32 $0x108;
	s8 =	sld [smem:$0x3FA9]  }
0x2e: {  	s3 =	simm.s32 @!p0 $0x1082;
	s9 =	sld [smem:$0x3FAA]  }
0x2f: {  	lr =	sadd.s32 s0, s3;
	s0 =	sld [smem:$0x3FA1]  }
0x30: {  	s3 =	sld [smem:$0x3FA4]  }
0x31: {  	[smem:$0x3FAD] =	sst s10  }
0x32: {  	s10 =	sld [smem:$0x3FAB];
	_ =	sdelay $0x3  }
0x33: {  	p0 =	seq.s32 s10, $0x1;
	s10 =	sld [smem:$0x3FAD];
	_ =	sdelay $0x3  }
0x34: {  	[smem:$0x3FAD] =	sst s10  }
0x35: {  	s10 =	sld [smem:$0x3FAC];
	_ =	sdelay $0x3  }
0x36: {  	p1 =	seq.s32 s10, $0x1;
	s10 =	sld [smem:$0x3FAD];
	_ =	sdelay $0x3  }
0x37: {  	[smem:$0x3FAD] =	sst s10  }
0x38: {  	s10 =	sld [smem:$0x3FAE]  }
0x39: {  	_ = 	snop;
	(pc) =	sbr.ind lr, $3  }
0x3a: {  	_ = 	snop  }
0x3b: {  	_ = 	snop  }
0x3c: {  	p2 =	seq.s32 s10, $0x1;
	s10 =	sld [smem:$0x3FAD]  }
0x3d: {  	_ =	shalt  }
0x3e: {  	_ =	shalt  }
0x3f: {  	_ =	shalt  }
0x40: {  	_ =	shalt  }
0x41: {  	_ =	shalt  }
0x42: {  	_ =	shalt  }
0x43: {  	_ =	shalt  }
0x44: {  	_ =	shalt  }
0x45: {  	_ =	shalt  }
0x46: {  	_ =	shalt  }
0x47: {  	_ =	shalt  }
0x48: {  	_ =	shalt  }
0x49: {  	_ =	shalt  }
0x4a: {  	_ =	shalt  }
0x4b: {  	_ =	shalt  }
0x4c: {  	_ =	shalt  }
0x4d: {  	_ =	shalt  }
0x4e: {  	_ =	shalt  }
0x4f: {  	_ =	shalt  }
0x50: {  	_ =	shalt  }
0x51: {  	_ =	shalt  }
0x52: {  	_ =	shalt  }
0x53: {  	_ =	shalt  }
0x54: {  	_ =	shalt  }
0x55: {  	_ =	shalt  }
0x56: {  	_ =	shalt  }
0x57: {  	_ =	shalt  }
0x58: {  	_ =	shalt  }
0x59: {  	_ =	shalt  }
0x5a: {  	_ =	shalt  }
0x5b: {  	_ =	shalt  }
0x5c: {  	_ =	shalt  }
0x5d: {  	_ =	shalt  }
0x5e: {  	_ =	shalt  }
0x5f: {  	_ =	shalt  }
0x60: {  	_ =	shalt  }
0x61: {  	_ =	shalt  }
0x62: {  	_ =	shalt  }
0x63: {  	_ =	shalt  }
0x64: {  	_ =	shalt  }
0x65: {  	_ =	shalt  }
0x66: {  	_ =	shalt  }
0x67: {  	_ =	shalt  }
0x68: {  	_ =	shalt  }
0x69: {  	_ =	shalt  }
0x6a: {  	_ =	shalt  }
0x6b: {  	_ =	shalt  }
0x6c: {  	_ =	shalt  }
0x6d: {  	_ =	shalt  }
0x6e: {  	_ =	shalt  }
0x6f: {  	_ =	shalt  }
0x70: {  	_ =	shalt  }
0x71: {  	_ =	shalt  }
0x72: {  	_ =	shalt  }
0x73: {  	_ =	shalt  }
0x74: {  	_ =	shalt  }
0x75: {  	_ =	shalt  }
0x76: {  	_ =	shalt  }
0x77: {  	_ =	shalt  }
0x78: {  	_ =	shalt  }
0x79: {  	_ =	shalt  }
0x7a: {  	_ =	shalt  }
0x7b: {  	_ =	shalt  }
0x7c: {  	_ =	shalt  }
0x7d: {  	_ =	shalt  }
0x7e: {  	_ =	shalt  }
0x7f: {  	_ =	shalt  }
0x80: {  	_ =	shalt  }
0x81: {  	_ =	shalt  }
0x82: {  	_ =	shalt  }
0x83: {  	_ =	shalt  }
0x84: {  	_ =	shalt  }
0x85: {  	_ =	shalt  }
0x86: {  	_ =	shalt  }
0x87: {  	_ =	shalt  }
.Lfunc_end0:
.L_simem_size_0:
called_computation.4_lowered:
.L_overlay_start_0:
0x88: {  	s2 =	sld [smem:$0x3FD9]  }
0x89: {  	s3 =	sld [smem:$0x3FFE];
	_ =	sdelay $0x1  }
0x8a: {  	s1 =	srdreg.scid  }
0x8b: {  	s0 =	sand.u32 $0x1, s1  }
0x8c: {  	s16 =	sshll.u32 s0, $0xA;
	s2 =	sadd.s32 s3, s2  }
0x8d: {  	s2 =	sadd.s32 s2, s16  }
0x8e: {  	[smem:$0x3FB9] =	sst s2  }
0x8f: {  	_ = 	snop  }
0x90: {  	(tm) =	ssettm $0x1  }
0x91: {  	s17 =	sld [smem:$0x3FFB];
	_ =	sdelay $0x3  }
0x92: {  	_ =	strace s17  }
0x93: {  	s2 =	sld [smem:$0x3FFC];
	_ =	sdelay $0x3  }
0x94: {  	_ =	strace s2  }
0x95: {  	s2 =	sld [smem:$0x3FFD];
	_ =	sdelay $0x3  }
0x96: {  	_ =	strace s2  }
0x97: {  	_ =	strace $0x8FFFFFFF  }
0x98: {  	s18 =	sld [smem:$0x3FDB];
	_ =	sdelay $0x1  }
0x99: {  	s19 =	simm.s32 $_scs_section_size  }
0x9a: {  	s4 =	simm.s32 $_size__tile_overlayer_lowered;
	s5 =	simm.s32 $_tile_overlayer_lowered  }
0x9b: {  	s22 =	simm.s32 $0x1BFF;
	s21 =	sshll.u32 s5, $0x1;
	s2 =	sadd.s32 s19, s18  }
0x9c: {  	s6 =	simm.s32 $0x0;
	s20 =	sshll.u32 s4, $0x1;
	s4 =	sadd.s32 s21, s2  }
0x9d: {  	[timem:s6], [sflag:s22] =	dma.local [hbm:s4], s20  }
0x9e: {  	_ =	swait.ge [sflag:s22], s20  }
0x9f: {  	s3 =	ssub.s32 $0x0, s20;
	[sflag:s22] =	ssyncset.done $0x0  }
0xa0: {  	[sflag:s22] =	ssyncadd.s32 s3;
	_ =	sdelay $0x1  }
0xa1: {  	s23 =	simm.s32 $0x1B8B  }
0xa2: {  	_ =	swait.ge [sflag:s23], $0x1  }
0xa3: {  	[sflag:s23] =	ssyncset.done $0x0  }
0xa4: {  	s25 =	simm.s32 $0x1B8E;
	s24 =	sld [smem:$0x3FFE];
	[sflag:s23] =	ssyncadd.s32 $0xFFFFFFFF  }
0xa5: {  	s26 =	simm.s32 $execute0_lowered;
	[smem:$0x3FD2] =	sst s25  }
0xa6: {  	s4 =	sshll.u32 s26, $0x1;
	_ =	strace $0x80000052;
	[dreg:$0x1] =	wrdreg $0xFFFFFFFF  }
0xa7: {  	s28 =	simm.s32 $_size_execute0_lowered;
	s2 =	sadd.s32 s2, s4;
	[dreg:$0x0] =	wrdreg $0x0  }
0xa8: {  	s4 =	sshll.u32 s28, $0x1;
	[dreg:$0x2] =	wrdreg s2  }
0xa9: {  	[dreg:$0x3] =	wrdreg s4  }
0xaa: {  	[dreg:$0x4] =	wrdreg $0xC0  }
0xab: {  	_ =	task [dreg:s6], $0x5FFFF  }
0xac: {  	[dreg:$0x1] =	wrdreg $0xFFFFFFFF  }
0xad: {  	[dreg:$0x0] =	wrdreg $0x60  }
0xae: {  	[dreg:$0x2] =	wrdreg s24  }
0xaf: {  	[dreg:$0x3] =	wrdreg $0x9  }
0xb0: {  	_ =	task.clear_ibuf [dreg:s6], $0x4FFFF;
	_ =	strace $0x90000052  }
0xb1: {  	s29 =	simm.s32 $0x9;
	_ =	strace $0x80000054  }
0xb2: {  	_ =	swait.ge [sflag:s29], $0x1  }
0xb3: {  	[sflag:s29] =	ssyncadd.s32 $0xFFFFFFFF  }
0xb4: {  	_ =	strace $0x90000054  }
0xb5: {  	_ =	sfence  }
0xb6: {  	s30 =	sld [smem:$0x0];
	_ =	sdelay $0x2  }
0xb7: {  	s31 =	sshll.u32 s1, $0xD;
	s1 =	sshrl.u32 s1, $0x2  }
0xb8: {  	s3 =	sand.u32 $0x4000, s31;
	s1 =	sadd.s32 s1, s30  }
0xb9: {  	s0 =	sor.u32 s3, s0;
	s1 =	sshll.u32 s1, $0x11  }
0xba: {  	s0 =	sor.u32 s1, s0  }
0xbb: {  	s0 =	sadd.s32 $0x8F2B, s0  }
0xbc: {  	[sflag:s0] =	ssyncadd.remote.s32 $0x1  }
0xbd: {  	_ =	sfence.sel $0xFFFF  }
0xbe: {  	[dreg:$0x0] =	wrdreg $0xFFFFFFFF;
	(pc) =	sbr.abs _section_cstart, $3  }
0xbf: {  	[dreg:$0x1] =	wrdreg $0xFFFFFFFF  }
0xc0: {  	_ =	task.clear_ibuf [dreg:s6], $0x2FFFF;
	_ =	strace $0x9FFFFFFF  }
0xc1: {  	(tm) =	ssettm $0x7FFFFFFF  }
tec
execute0_lowered:
.L_overlay_start_1:
0x0: {  	(tag) =	ssettag $0x1  }
0x1: {  	s1 =	srdreg.scid  }
0x2: {  	s0 =	stileid.u32;
	s11 =	sand.u32 $0x1, s1  }
0x3: {  	s3 =	sshll.u32 s0, $0x5;
	s1 =	sshll.u32 s11, $0x9  }
0x4: {  	s2 =	rddreg [dreg:$0x0];
	s10 =	sor.u32 s3, s1  }
0x5: {  	s1 =	rddreg [dreg:$0x1];
	s3 =	simm.s32 $0x0;
	s4 =	sshrl.u32 s10, $0x3  }
0x6: {  	[smem:$0x7FF] =	sst s3;
	s12 =	sadd.s32 s4, s2  }
0x7: {  	_ =	strace $0x80000053;
	s4 =	simm.s32 $0x2;
	s5 =	sadd.s32 $0x8600, s12  }
0x8: {  	[tilespmem:s3], [sflag:$0x2] =	stream.linear.gather [hbm4b:s5+s3], $0x20, $0x38;
	[tilespmem:$0x1100] =	vst v63  }
0x9: {  	_ =	swait.ge [sflag:s4], $0x20  }
0xa: {  	s7 =	simm.s32 $0x20;
	s8 =	simm.s32 $0x80;
	[sflag:s4] =	ssyncset.done $0x0  }
0xb: {  	s9 =	simm.s32 $0x1;
	s6 =	sadd.s32 $0x400, s2;
	[sflag:s4] =	ssyncadd.s32 $0xFFFFFFE0  }
0xc: {  	[tilespmem:s8], [sflag:$0x1] =	stream.indirect.gather [hbm4b:s6+s7], $0x80, s3, s7, $0xb8;
	[tilespmem:$0x1100] =	vst v63  }
0xd: {  	s10 =	sshll.u32 s10, $0x4;
	_ =	swait.ge [sflag:s9], $0x1000  }
0xe: {  	s10 =	sadd.s32 s10, s2;
	[sflag:s9] =	ssyncset.done $0x0  }
0xf: {  	s13 =	ssub.s32 $0x2, s11;
	s10 =	sadd.s32 $0x8800, s10;
	[sflag:s9] =	ssyncadd.s32 $0xFFFFF000  }
0x10: {  	[hbm4b:s10+s3] =	stream.linear.scatter [tilespmem:s8], [sflag:$0x2], $0x1000, $0x38;
	[tilespmem:$0x1100] =	vst v63  }
0x11: {  	s14 =	sshrl.u32 s13, $0x1;
	_ =	swait.ge [sflag:s4], $0x1000  }
0x12: {  	s13 =	ssub.s32 s13, s14;
	[sflag:s4] =	ssyncset.done $0x0  }
0x13: {  	s11 =	simm.s32 $0x1080;
	s13 =	smax.u32 s13, $0x1;
	[sflag:s4] =	ssyncadd.s32 $0xFFFFF000  }
0x14: {  	[tilespmem:s11], [sflag:$0x1] =	stream.indirect.gather [hbm4b:s2+s7], $0x1, s3, s7, $0xb8;
	[tilespmem:$0x1100] =	vst v63  }
0x15: {  	p0 =	sne.s32 s13, $0x1;
	_ =	swait.ge [sflag:s9], $0x20  }
.Ltmp0:
0x16: {  	[sflag:s9] =	ssyncset.done $0x0;
	(pc) =	sbr.rel @!p0 .LBB2_2-.Ltmp0, $4  }
0x17: {  	s12 =	sadd.s32 $0x8400, s12;
	[sflag:s9] =	ssyncadd.s32 $0xFFFFFFE0  }
0x18: {  	[hbm4b:s12+s3] =	stream.linear.scatter [tilespmem:s11], [sflag:$0x2], $0x20, $0x38;
	[tilespmem:$0x1100] =	vst v63  }
0x19: {  	_ =	swait.ge [sflag:s4], $0x20  }
0x1a: {  	s13 =	sadd.s32 $0xFFFFFFFF, s13;
	[sflag:s4] =	ssyncset.done $0x0  }
.LBB2_1:
0x1b: {  	p0 =	sne.s32 s13, $0x1;
	s13 =	sadd.s32 $0xFFFFFFFF, s13;
	[sflag:s4] =	ssyncadd.s32 $0xFFFFFFE0  }
0x1c: {  	[tilespmem:s3], [sflag:$0x2] =	stream.linear.gather [hbm4b:s5+s3], $0x20, $0x38;
	[tilespmem:$0x1100] =	vst v63  }
0x1d: {  	_ =	swait.ge [sflag:s4], $0x20  }
0x1e: {  	[sflag:s4] =	ssyncset.done $0x0  }
0x1f: {  	[sflag:s4] =	ssyncadd.s32 $0xFFFFFFE0  }
0x20: {  	[tilespmem:s8], [sflag:$0x1] =	stream.indirect.gather [hbm4b:s6+s7], $0x80, s3, s7, $0xb8;
	[tilespmem:$0x1100] =	vst v63  }
0x21: {  	_ =	swait.ge [sflag:s9], $0x1000  }
0x22: {  	[sflag:s9] =	ssyncset.done $0x0  }
0x23: {  	[sflag:s9] =	ssyncadd.s32 $0xFFFFF000  }
0x24: {  	[hbm4b:s10+s3] =	stream.linear.scatter [tilespmem:s8], [sflag:$0x2], $0x1000, $0x38;
	[tilespmem:$0x1100] =	vst v63  }
0x25: {  	_ =	swait.ge [sflag:s4], $0x1000  }
0x26: {  	[sflag:s4] =	ssyncset.done $0x0  }
0x27: {  	[sflag:s4] =	ssyncadd.s32 $0xFFFFF000  }
0x28: {  	[tilespmem:s11], [sflag:$0x1] =	stream.indirect.gather [hbm4b:s2+s7], $0x1, s3, s7, $0xb8;
	[tilespmem:$0x1100] =	vst v63  }
0x29: {  	_ =	swait.ge [sflag:s9], $0x20  }
.Ltmp1:
0x2a: {  	[sflag:s9] =	ssyncset.done $0x0;
	(pc) =	sbr.rel @p0 .LBB2_1-.Ltmp1, $4  }
0x2b: {  	[sflag:s9] =	ssyncadd.s32 $0xFFFFFFE0  }
0x2c: {  	[hbm4b:s12+s3] =	stream.linear.scatter [tilespmem:s11], [sflag:$0x2], $0x20, $0x38;
	[tilespmem:$0x1100] =	vst v63  }
0x2d: {  	_ =	swait.ge [sflag:s4], $0x20  }
0x2e: {  	[sflag:s4] =	ssyncset.done $0x0  }
.LBB2_2:
0x2f: {  	[sflag:s4] =	ssyncadd.s32 $0xFFFFFFE0  }
0x30: {  	_ =	sfence.sel $0x180000  }
0x31: {  	[bflag:$0x0] =	sbarrier.arrive $0xFFFF  }
0x32: {  	p0 =	sne.s32 s0, $0x0;
	_ =	strace $0x90000053  }
0x33: {  	s0 =	sadd.s32 @!p0 $0x100000, s1;
	[bflag:$0x2] =	sbarrier.arrive $0xFFFF  }
0x34: {  	[sflag:s0] =	ssyncadd.tile.s32 @!p0 $0x1;
	_ =	shalt  }
.Lfunc_end2:
_tile_overlayer_lowered:
.L_overlay_start_2:
0x35: {  	(tag) =	ssettag $0x2  }
0x36: {  	s0 =	rddreg [dreg:$0x0];
	s2 =	stileid.u32  }
0x37: {  	s1 =	rddreg [dreg:$0x1];
	p0 =	sne.s32 s2, $0x0  }
0x38: {  	s3 =	rddreg [dreg:$0x2];
	[bflag:$0x3] =	sbarrier.arrive $0xFFFF;
	s2 =	simm.s32 @!p0 $0x1C02  }
0x39: {  	[timem:s3], [sflag:s2] =	dma.local @!p0 [hbm:s0], s1  }
0x3a: {  	s0 =	simm.s32 @!p0 $0x2  }
0x3b: {  	_ =	swait.ge @!p0 [sflag:s0], s1  }
0x3c: {  	s1 =	ssub.s32 @!p0 $0x0, s1;
	[sflag:s0] =	ssyncset.done @!p0 $0x0  }
0x3d: {  	[sflag:s0] =	ssyncadd.s32 @!p0 s1  }
0x3e: {  	[bflag:$0x3] =	sbarrier.arrive $0xFFFF  }
0x3f: {  	_ =	shalt  }

// kernel: kernel.36.cloned.1.call-start
scs
__scs_entry_jumppad:
0x0: {  	(pc) =	sbr.rel $0x88, $3  }
0x1: {  	(tag) =	ssettag $0x0;
	lr =	simm.s32 $0x1  }
0x2: {  	[smem:$0x3F92] =	sst lr;
	_ =	strace $0xD0000000  }
0x3: {  	_ = 	snop  }
0x4: {  	_ = 	snop  }
0x5: {  	_ = 	snop  }
0x6: {  	_ = 	snop  }
0x7: {  	_ = 	snop  }
__scs_overlays_trampoline_lowered:
0x8: {  	[smem:$0x3FA1] =	sst s0  }
0x9: {  	[smem:$0x3FA2] =	sst s1  }
0xa: {  	[smem:$0x3FA3] =	sst s2  }
0xb: {  	[smem:$0x3FA4] =	sst s3  }
0xc: {  	[smem:$0x3FA5] =	sst s4  }
0xd: {  	[smem:$0x3FA6] =	sst s5  }
0xe: {  	[smem:$0x3FA7] =	sst s6  }
0xf: {  	[smem:$0x3FA8] =	sst s7  }
0x10: {  	[smem:$0x3FA9] =	sst s8  }
0x11: {  	[smem:$0x3FAA] =	sst s9;
	s0 =	simm.s32 @!p0 $0x0  }
0x12: {  	s1 =	sld [smem:$0x3F90];
	s0 =	simm.s32 @p0 $0x1  }
0x13: {  	[smem:$0x3FAB] =	sst s0;
	s0 =	simm.s32 @!p1 $0x0  }
0x14: {  	s2 =	sld [smem:$0x3F8F];
	s0 =	simm.s32 @p1 $0x1  }
0x15: {  	[smem:$0x3FAC] =	sst s0;
	s0 =	simm.s32 @!p2 $0x0  }
0x16: {  	s3 =	sld [smem:$0x3FDB];
	s0 =	simm.s32 @p2 $0x1  }
0x17: {  	s4 =	simm.s32 $0x1BF5;
	[smem:$0x3FAE] =	sst s0  }
0x18: {  	s0 =	sld [smem:$0x3F91];
	_ =	swait.ge [sflag:s4], $0x0  }
0x19: {  	s7 =	sld [smem:$0x3F92]  }
0x1a: {  	s8 =	sadd.s32 $0xFFFFE003, lr  }
0x1b: {  	s9 =	sadd.s32 $0xFFFFFEF7, lr;
	s5 =	simm.s32 $0xFFFFFFFF;
	p2 =	slt.u32 s8, $0xFFFFF086  }
0x1c: {  	p1 =	slt.u32 s9, $0xF7A;
	s5 =	simm.s32 @!p2 $0x0  }
0x1d: {  	s5 =	simm.s32 @p1 $0x1;
	p0 =	seq.s32 s7, s2  }
0x1e: {  	s7 =	smul.u32 @!p0 $0xF7A, s2;
	p2 =	seq.s32 @!p0 s5, $0x0  }
0x1f: {  	s9 =	smul.u32 $0xF7A, s1;
	s8 =	simm.s32 @!p0 $0x1BF5;
	p2 =	por !p2, p0  }
0x20: {  	[sflag:s8] =	ssyncset.s32 @!p0 $0xFFFFF086;
	s6 =	sadd.s32 @!p0 s3, s7;
	s7 =	simm.s32 @!p0 $0x108  }
0x21: {  	s3 =	sadd.s32 s3, s9;
	s6 =	sadd.s32 @!p0 $0x88, s6;
	s7 =	simm.s32 @p2 $0x1082  }
0x22: {  	[simem:s7], [sflag:s8] =	dma.local @!p0 [hbm:s6], $0xF7A  }
0x23: {  	s9 =	sor.u32 $0xD0000000, s2;
	s6 =	simm.s32 $0x108;
	_ =	swait.ge @!p0 [sflag:s8], $0x0  }
0x24: {  	s3 =	sadd.s32 $0x88, s3;
	s6 =	simm.s32 @!p1 $0x1082;
	[sflag:s4] =	ssyncset.s32 $0xFFFFF086  }
0x25: {  	[simem:s6], [sflag:s4] =	dma.local [hbm:s3], $0xF7A  }
0x26: {  	[smem:$0x3F92] =	sst s1;
	(tag) =	ssettag s2;
	_ =	strace s9  }
0x27: {  	s1 =	sld [smem:$0x3FA2]  }
0x28: {  	s2 =	sld [smem:$0x3FA3]  }
0x29: {  	s4 =	sld [smem:$0x3FA5]  }
0x2a: {  	p0 =	seq.s32 s5, $0x0;
	s5 =	sld [smem:$0x3FA6]  }
0x2b: {  	s6 =	sld [smem:$0x3FA7]  }
0x2c: {  	s7 =	sld [smem:$0x3FA8]  }
0x2d: {  	s3 =	simm.s32 $0x108;
	s8 =	sld [smem:$0x3FA9]  }
0x2e: {  	s3 =	simm.s32 @!p0 $0x1082;
	s9 =	sld [smem:$0x3FAA]  }
0x2f: {  	lr =	sadd.s32 s0, s3;
	s0 =	sld [smem:$0x3FA1]  }
0x30: {  	s3 =	sld [smem:$0x3FA4]  }
0x31: {  	[smem:$0x3FAD] =	sst s10  }
0x32: {  	s10 =	sld [smem:$0x3FAB];
	_ =	sdelay $0x3  }
0x33: {  	p0 =	seq.s32 s10, $0x1;
	s10 =	sld [smem:$0x3FAD];
	_ =	sdelay $0x3  }
0x34: {  	[smem:$0x3FAD] =	sst s10  }
0x35: {  	s10 =	sld [smem:$0x3FAC];
	_ =	sdelay $0x3  }
0x36: {  	p1 =	seq.s32 s10, $0x1;
	s10 =	sld [smem:$0x3FAD];
	_ =	sdelay $0x3  }
0x37: {  	[smem:$0x3FAD] =	sst s10  }
0x38: {  	s10 =	sld [smem:$0x3FAE]  }
0x39: {  	_ = 	snop;
	(pc) =	sbr.ind lr, $3  }
0x3a: {  	_ = 	snop  }
0x3b: {  	_ = 	snop  }
0x3c: {  	p2 =	seq.s32 s10, $0x1;
	s10 =	sld [smem:$0x3FAD]  }
0x3d: {  	_ =	shalt  }
0x3e: {  	_ =	shalt  }
0x3f: {  	_ =	shalt  }
0x40: {  	_ =	shalt  }
0x41: {  	_ =	shalt  }
0x42: {  	_ =	shalt  }
0x43: {  	_ =	shalt  }
0x44: {  	_ =	shalt  }
0x45: {  	_ =	shalt  }
0x46: {  	_ =	shalt  }
0x47: {  	_ =	shalt  }
0x48: {  	_ =	shalt  }
0x49: {  	_ =	shalt  }
0x4a: {  	_ =	shalt  }
0x4b: {  	_ =	shalt  }
0x4c: {  	_ =	shalt  }
0x4d: {  	_ =	shalt  }
0x4e: {  	_ =	shalt  }
0x4f: {  	_ =	shalt  }
0x50: {  	_ =	shalt  }
0x51: {  	_ =	shalt  }
0x52: {  	_ =	shalt  }
0x53: {  	_ =	shalt  }
0x54: {  	_ =	shalt  }
0x55: {  	_ =	shalt  }
0x56: {  	_ =	shalt  }
0x57: {  	_ =	shalt  }
0x58: {  	_ =	shalt  }
0x59: {  	_ =	shalt  }
0x5a: {  	_ =	shalt  }
0x5b: {  	_ =	shalt  }
0x5c: {  	_ =	shalt  }
0x5d: {  	_ =	shalt  }
0x5e: {  	_ =	shalt  }
0x5f: {  	_ =	shalt  }
0x60: {  	_ =	shalt  }
0x61: {  	_ =	shalt  }
0x62: {  	_ =	shalt  }
0x63: {  	_ =	shalt  }
0x64: {  	_ =	shalt  }
0x65: {  	_ =	shalt  }
0x66: {  	_ =	shalt  }
0x67: {  	_ =	shalt  }
0x68: {  	_ =	shalt  }
0x69: {  	_ =	shalt  }
0x6a: {  	_ =	shalt  }
0x6b: {  	_ =	shalt  }
0x6c: {  	_ =	shalt  }
0x6d: {  	_ =	shalt  }
0x6e: {  	_ =	shalt  }
0x6f: {  	_ =	shalt  }
0x70: {  	_ =	shalt  }
0x71: {  	_ =	shalt  }
0x72: {  	_ =	shalt  }
0x73: {  	_ =	shalt  }
0x74: {  	_ =	shalt  }
0x75: {  	_ =	shalt  }
0x76: {  	_ =	shalt  }
0x77: {  	_ =	shalt  }
0x78: {  	_ =	shalt  }
0x79: {  	_ =	shalt  }
0x7a: {  	_ =	shalt  }
0x7b: {  	_ =	shalt  }
0x7c: {  	_ =	shalt  }
0x7d: {  	_ =	shalt  }
0x7e: {  	_ =	shalt  }
0x7f: {  	_ =	shalt  }
0x80: {  	_ =	shalt  }
0x81: {  	_ =	shalt  }
0x82: {  	_ =	shalt  }
0x83: {  	_ =	shalt  }
0x84: {  	_ =	shalt  }
0x85: {  	_ =	shalt  }
0x86: {  	_ =	shalt  }
0x87: {  	_ =	shalt  }
.Lfunc_end0:
.L_simem_size_0:
called_computation.5_lowered:
.L_overlay_start_0:
0x88: {  	s2 =	sld [smem:$0x3FD9]  }
0x89: {  	s3 =	sld [smem:$0x3FFE];
	_ =	sdelay $0x1  }
0x8a: {  	s1 =	srdreg.scid  }
0x8b: {  	s0 =	sand.u32 $0x1, s1  }
0x8c: {  	s17 =	sshll.u32 s0, $0xA;
	s2 =	sadd.s32 s3, s2  }
0x8d: {  	s2 =	sadd.s32 s2, s17  }
0x8e: {  	[smem:$0x3FB9] =	sst s2  }
0x8f: {  	_ = 	snop  }
0x90: {  	(tm) =	ssettm $0x1  }
0x91: {  	s18 =	sld [smem:$0x3FFB];
	_ =	sdelay $0x3  }
0x92: {  	_ =	strace s18  }
0x93: {  	s2 =	sld [smem:$0x3FFC];
	_ =	sdelay $0x3  }
0x94: {  	_ =	strace s2  }
0x95: {  	s2 =	sld [smem:$0x3FFD];
	_ =	sdelay $0x3  }
0x96: {  	_ =	strace s2  }
0x97: {  	_ =	strace $0x8FFFFFFF  }
0x98: {  	s19 =	sld [smem:$0x3FDB];
	_ =	sdelay $0x1  }
0x99: {  	s20 =	simm.s32 $_scs_section_size  }
0x9a: {  	s4 =	simm.s32 $_size__tile_overlayer_lowered;
	s5 =	simm.s32 $_tile_overlayer_lowered  }
0x9b: {  	s6 =	simm.s32 $0x1BFF;
	s21 =	sshll.u32 s5, $0x1;
	s3 =	sadd.s32 s20, s19  }
0x9c: {  	s22 =	simm.s32 $0x0;
	s4 =	sshll.u32 s4, $0x1;
	s5 =	sadd.s32 s21, s3  }
0x9d: {  	[timem:s22], [sflag:s6] =	dma.local [hbm:s5], s4  }
0x9e: {  	_ =	swait.ge [sflag:s6], s4  }
0x9f: {  	s4 =	ssub.s32 $0x0, s4;
	[sflag:s6] =	ssyncset.done $0x0  }
0xa0: {  	[sflag:s6] =	ssyncadd.s32 s4;
	_ =	sdelay $0x1  }
0xa1: {  	s23 =	simm.s32 $0x1B8B  }
0xa2: {  	_ =	swait.ge [sflag:s23], $0x1  }
0xa3: {  	[sflag:s23] =	ssyncset.done $0x0  }
0xa4: {  	[sflag:s23] =	ssyncadd.s32 $0xFFFFFFFF  }
0xa5: {  	s4 =	sld [smem:$0x0]  }
0xa6: {  	s5 =	sand.u32 $0xFFFFFFFE, s1  }
0xa7: {  	p0 =	sne.s32 s1, s5  }
0xa8: {  	s5 =	sshll.u32 @p0 s5, $0xE  }
0xa9: {  	s5 =	sadd.s32 @p0 $0x11B8D, s5;
	s6 =	sshll.u32 @p0 s4, $0x11  }
0xaa: {  	s5 =	sor.u32 @p0 s6, s5  }
0xab: {  	[sflag:s5] =	ssyncadd.remote.s32 @p0 $0x1;
	_ =	sdelay $0x1  }
0xac: {  	s5 =	simm.s32 @p0 $0x1B8D  }
0xad: {  	_ =	swait.eq @p0 [sflag:s5], $0x1  }
0xae: {  	[sflag:s5] =	ssyncadd.s32 @p0 $0xFFFFFFFF  }
0xaf: {  	s6 =	sshll.u32 @!p0 s1, $0xE  }
0xb0: {  	s6 =	sor.u32 @!p0 $0x4000, s6;
	s5 =	simm.s32 @!p0 $0x1B8D  }
0xb1: {  	s4 =	sshll.u32 @!p0 s4, $0x11;
	s6 =	sadd.s32 @!p0 $0x11B8D, s6;
	_ =	swait.eq @!p0 [sflag:s5], $0x1  }
0xb2: {  	s4 =	sor.u32 @!p0 s4, s6;
	[sflag:s5] =	ssyncadd.s32 @!p0 $0xFFFFFFFF  }
0xb3: {  	s25 =	simm.s32 $0x1B8E;
	s24 =	sld [smem:$0x3FFE];
	[sflag:s4] =	ssyncadd.remote.s32 @!p0 $0x1  }
0xb4: {  	s26 =	simm.s32 $execute0_lowered;
	[smem:$0x3FD2] =	sst s25  }
0xb5: {  	s5 =	sshll.u32 s26, $0x1;
	_ =	strace $0x80000058;
	[dreg:$0x1] =	wrdreg $0xFFFFFFFF  }
0xb6: {  	s28 =	simm.s32 $_size_execute0_lowered;
	s3 =	sadd.s32 s3, s5;
	[dreg:$0x0] =	wrdreg $0x0  }
0xb7: {  	s5 =	sshll.u32 s28, $0x1;
	[dreg:$0x2] =	wrdreg s3  }
0xb8: {  	[dreg:$0x3] =	wrdreg s5  }
0xb9: {  	[dreg:$0x4] =	wrdreg $0xC0  }
0xba: {  	_ =	task [dreg:s22], $0x5FFFF  }
0xbb: {  	[dreg:$0x1] =	wrdreg $0xFFFFFFFF  }
0xbc: {  	[dreg:$0x0] =	wrdreg $0x60  }
0xbd: {  	[dreg:$0x2] =	wrdreg s24  }
0xbe: {  	[dreg:$0x3] =	wrdreg $0xA  }
0xbf: {  	_ =	task.clear_ibuf [dreg:s22], $0x4FFFF;
	_ =	strace $0x90000058  }
0xc0: {  	s29 =	simm.s32 $0xA;
	_ =	strace $0x8000005A  }
0xc1: {  	_ =	swait.ge [sflag:s29], $0x1  }
0xc2: {  	[sflag:s29] =	ssyncadd.s32 $0xFFFFFFFF  }
0xc3: {  	_ =	strace $0x9000005A  }
0xc4: {  	_ =	sfence  }
0xc5: {  	s30 =	sld [smem:$0x0];
	_ =	sdelay $0x2  }
0xc6: {  	s31 =	sshll.u32 s1, $0xD;
	s1 =	sshrl.u32 s1, $0x2  }
0xc7: {  	s4 =	sand.u32 $0x4000, s31;
	s1 =	sadd.s32 s1, s30  }
0xc8: {  	s0 =	sor.u32 s4, s0;
	s1 =	sshll.u32 s1, $0x11  }
0xc9: {  	s0 =	sor.u32 s1, s0  }
0xca: {  	s0 =	sadd.s32 $0x8F2B, s0  }
0xcb: {  	[sflag:s0] =	ssyncadd.remote.s32 $0x1  }
0xcc: {  	_ =	sfence.sel $0xFFFF  }
0xcd: {  	[dreg:$0x0] =	wrdreg $0xFFFFFFFF;
	(pc) =	sbr.abs _section_cstart, $3  }
0xce: {  	[dreg:$0x1] =	wrdreg $0xFFFFFFFF  }
0xcf: {  	_ =	task.clear_ibuf [dreg:s22], $0x2FFFF;
	_ =	strace $0x9FFFFFFF  }
0xd0: {  	(tm) =	ssettm $0x7FFFFFFF  }
0xd1: {  	_ =	shalt  }
tec
execute0_lowered:
.L_overlay_start_1:
0x0: {  	(tag) =	ssettag $0x1  }
0x1: {  	s1 =	srdreg.scid;
	s0 =	stileid.u32  }
0x2: {  	s10 =	rddreg [dreg:$0x0];
	s19 =	simm.s32 $0x880;
	s20 =	simm.s32 $0x1080  }
0x3: {  	s21 =	simm.s32 $0x1880;
	s22 =	simm.s32 $0x2080;
	s23 =	simm.s32 $0x2880  }
0x4: {  	s24 =	simm.s32 $0x3080;
	s6 =	simm.s32 $0x3880;
	s1 =	sand.u32 $0x1, s1  }
0x5: {  	s7 =	simm.s32 $0x4080;
	s3 =	sshll.u32 s0, $0x5;
	s2 =	sshll.u32 s1, $0x9  }
0x6: {  	s8 =	simm.s32 $0x4880;
	s3 =	sor.u32 s3, s2;
	s2 =	simm.s32 $0x0  }
0x7: {  	s9 =	simm.s32 $0x5080;
	s11 =	simm.s32 $0x5880;
	[smem:$0x7FF] =	sst s2  }
0x8: {  	s25 =	simm.s32 $0x6080;
	_ =	strace $0x80000059;
	[dreg:$0x4] =	wrdreg s19  }
0x9: {  	s12 =	simm.s32 $0x6880;
	s26 =	simm.s32 $0x7080;
	[dreg:$0x5] =	wrdreg s20  }
0xa: {  	s13 =	simm.s32 $0x80;
	s15 =	simm.s32 $0x8080;
	[dreg:$0x6] =	wrdreg s21  }
0xb: {  	s16 =	simm.s32 $0x8880;
	s17 =	simm.s32 $0x9080;
	[dreg:$0x7] =	wrdreg s22  }
0xc: {  	s18 =	simm.s32 $0x9880;
	s28 =	simm.s32 $0xE080;
	[dreg:$0x8] =	wrdreg s23  }
0xd: {  	s29 =	simm.s32 $0xE880;
	s30 =	simm.s32 $0xF080;
	[dreg:$0x9] =	wrdreg s24  }
0xe: {  	s31 =	simm.s32 $0xF880;
	s1 =	ssub.s32 $0x2, s1;
	[dreg:$0xa] =	wrdreg s6  }
0xf: {  	s5 =	sshrl.u32 s1, $0x1;
	s4 =	sshrl.u32 s3, $0x3;
	[dreg:$0xb] =	wrdreg s7  }
0x10: {  	s3 =	sshll.u32 s3, $0x8;
	s1 =	ssub.s32 s1, s5;
	[dreg:$0xc] =	wrdreg s8  }
0x11: {  	s5 =	sadd.s32 $0x10200, s10;
	s4 =	sadd.s32 s4, s10;
	[dreg:$0xd] =	wrdreg s9  }
0x12: {  	s3 =	sadd.s32 s3, s10;
	s6 =	sadd.s32 $0x10300, s10;
	[dreg:$0xe] =	wrdreg s11  }
0x13: {  	s7 =	sadd.s32 $0x10400, s10;
	s8 =	sadd.s32 $0x10500, s10;
	[dreg:$0xf] =	wrdreg s25  }
0x14: {  	s9 =	sadd.s32 $0x10600, s10;
	s11 =	smax.u32 s1, $0x1;
	[dreg:$0x10] =	wrdreg s12  }
0x15: {  	s12 =	simm.s32 $0x2;
	[dreg:$0x11] =	wrdreg s26;
	s19 =	simm.s32 $0xA080  }
0x16: {  	s20 =	simm.s32 $0xA880;
	s21 =	simm.s32 $0xB080;
	s22 =	simm.s32 $0xB880  }
0x17: {  	s23 =	simm.s32 $0xC080;
	s24 =	simm.s32 $0xC880;
	s4 =	sadd.s32 $0x8600, s4  }
0x18: {  	v2 =	vlaneseq.u32;
	s25 =	simm.s32 $0xD080;
	s3 =	sadd.s32 $0x90000, s3;
	[dreg:$0x2] =	wrdreg s4  }
0x19: {  	vm0 =	vmmov $0xffff;
	v1 =	vshrl.u32 v2, $0x3;
	s26 =	simm.s32 $0xD880;
	s1 =	simm.s32 $0x1;
	[dreg:$0x3] =	wrdreg s3  }
0x1a: {  	v0 =	vand.u32 $0x7, v2;
	v2 =	vor.u32 $0x8, v2;
	v1 =	vmul.u32 $0x8, v1;
	s3 =	sadd.s32 $0x10000, s10;
	s4 =	sadd.s32 $0x10100, s10;
	s10 =	sadd.s32 $0x10700, s10  }
.LBB2_1:
0x1b: {  	s0 =	rddreg [dreg:$0x2]  }
0x1c: {  	[tilespmem:s2], [sflag:$0x2] =	stream.linear.gather [hbm4b:s0+s2], $0x20, $0x38;
	[tilespmem:$0x10080] =	vst v63  }
0x1d: {  	_ =	swait.ge [sflag:s12], $0x20  }
0x1e: {  	[sflag:s12] =	ssyncset.done $0x0  }
0x1f: {  	[sflag:s12] =	ssyncadd.s32 $0xFFFFFFE0  }
0x20: {  	v3 =	vld [tilespmem:$0x0];
	_ =	sdelay $0x4  }
0x21: {  	v4 =	vshll.u32 v3, $0x4  }
0x22: {  	v3 =	vand.u32 $0x7, v3;
	v4 =	vand.u32 $0xFFFFFF80, v4  }
0x23: {  	v3 =	vor.u32 v3, v4  }
0x24: {  	v4 =	vperm.xlane v3, v0;
	_ =	sdelay $0x1  }
0x25: {  	v4 =	vadd.s32 v1, v4;
	_ =	sdelay $0x4  }
0x26: {  	[tilespmem:s13], [sflag:$0x1] =	stream.indirect_vreg.gather [hbm4b:s3+s2], $0x80, v4, vm0, $0xb8;
	[tilespmem:$0x10080] =	vst v63  }
0x27: {  	s0 =	rddreg [dreg:$0x4]  }
0x28: {  	[tilespmem:s0], [sflag:$0x1] =	stream.indirect_vreg.gather [hbm4b:s4+s2], $0x80, v4, vm0, $0xb8;
	[tilespmem:$0x10080] =	vst v63  }
0x29: {  	s14 =	rddreg [dreg:$0x5]  }
0x2a: {  	[tilespmem:s14], [sflag:$0x1] =	stream.indirect_vreg.gather [hbm4b:s5+s2], $0x80, v4, vm0, $0xb8;
	[tilespmem:$0x10080] =	vst v63  }
0x2b: {  	s0 =	rddreg [dreg:$0x6]  }
0x2c: {  	[tilespmem:s0], [sflag:$0x1] =	stream.indirect_vreg.gather [hbm4b:s6+s2], $0x80, v4, vm0, $0xb8;
	[tilespmem:$0x10080] =	vst v63  }
0x2d: {  	s14 =	rddreg [dreg:$0x7]  }
0x2e: {  	[tilespmem:s14], [sflag:$0x1] =	stream.indirect_vreg.gather [hbm4b:s7+s2], $0x80, v4, vm0, $0xb8;
	[tilespmem:$0x10080] =	vst v63  }
0x2f: {  	v3 =	vperm.xlane v3, v2;
	s0 =	rddreg [dreg:$0x8]  }
0x30: {  	[tilespmem:s0], [sflag:$0x1] =	stream.indirect_vreg.gather [hbm4b:s8+s2], $0x80, v4, vm0, $0xb8;
	[tilespmem:$0x10080] =	vst v63  }
0x31: {  	v3 =	vadd.s32 v1, v3;
	s14 =	rddreg [dreg:$0x9]  }
0x32: {  	[tilespmem:s14], [sflag:$0x1] =	stream.indirect_vreg.gather [hbm4b:s9+s2], $0x80, v4, vm0, $0xb8;
	[tilespmem:$0x10080] =	vst v63  }
0x33: {  	s0 =	rddreg [dreg:$0xa]  }
0x34: {  	[tilespmem:s0], [sflag:$0x1] =	stream.indirect_vreg.gather [hbm4b:s10+s2], $0x80, v4, vm0, $0xb8;
	[tilespmem:$0x10080] =	vst v63  }
0x35: {  	s14 =	rddreg [dreg:$0xb]  }
0x36: {  	[tilespmem:s14], [sflag:$0x1] =	stream.indirect_vreg.gather [hbm4b:s3+s2], $0x80, v3, vm0, $0xb8;
	[tilespmem:$0x10080] =	vst v63  }
0x37: {  	s0 =	rddreg [dreg:$0xc]  }
0x38: {  	[tilespmem:s0], [sflag:$0x1] =	stream.indirect_vreg.gather [hbm4b:s4+s2], $0x80, v3, vm0, $0xb8;
	[tilespmem:$0x10080] =	vst v63  }
0x39: {  	s14 =	rddreg [dreg:$0xd]  }
0x3a: {  	[tilespmem:s14], [sflag:$0x1] =	stream.indirect_vreg.gather [hbm4b:s5+s2], $0x80, v3, vm0, $0xb8;
	[tilespmem:$0x10080] =	vst v63  }
0x3b: {  	s0 =	rddreg [dreg:$0xe]  }
0x3c: {  	[tilespmem:s0], [sflag:$0x1] =	stream.indirect_vreg.gather [hbm4b:s6+s2], $0x80, v3, vm0, $0xb8;
	[tilespmem:$0x10080] =	vst v63  }
0x3d: {  	s14 =	rddreg [dreg:$0xf]  }
0x3e: {  	[tilespmem:s14], [sflag:$0x1] =	stream.indirect_vreg.gather [hbm4b:s7+s2], $0x80, v3, vm0, $0xb8;
	[tilespmem:$0x10080] =	vst v63  }
0x3f: {  	s0 =	rddreg [dreg:$0x10]  }
0x40: {  	[tilespmem:s0], [sflag:$0x1] =	stream.indirect_vreg.gather [hbm4b:s8+s2], $0x80, v3, vm0, $0xb8;
	[tilespmem:$0x10080] =	vst v63  }
0x41: {  	s14 =	rddreg [dreg:$0x11]  }
0x42: {  	[tilespmem:s14], [sflag:$0x1] =	stream.indirect_vreg.gather [hbm4b:s9+s2], $0x80, v3, vm0, $0xb8;
	[tilespmem:$0x10080] =	vst v63  }
0x43: {  	s14 =	simm.s32 $0x7880  }
0x44: {  	[tilespmem:s14], [sflag:$0x1] =	stream.indirect_vreg.gather [hbm4b:s10+s2], $0x80, v3, vm0, $0xb8;
	[tilespmem:$0x10080] =	vst v63  }
0x45: {  	v3 =	vld [tilespmem:$0x10];
	_ =	sdelay $0x4  }
0x46: {  	v63 =	vshll.u32 v3, $0x4  }
0x47: {  	v3 =	vand.u32 $0x7, v3;
	v4 =	vand.u32 $0xFFFFFF80, v63  }
0x48: {  	v3 =	vor.u32 v3, v4  }
0x49: {  	v4 =	vperm.xlane v3, v0;
	_ =	sdelay $0x1  }
0x4a: {  	v4 =	vadd.s32 v1, v4;
	_ =	sdelay $0x4  }
0x4b: {  	[tilespmem:s15], [sflag:$0x1] =	stream.indirect_vreg.gather [hbm4b:s3+s2], $0x80, v4, vm0, $0xb8;
	[tilespmem:$0x10080] =	vst v63  }
0x4c: {  	_ = 	snop  }
0x4d: {  	[tilespmem:s16], [sflag:$0x1] =	stream.indirect_vreg.gather [hbm4b:s4+s2], $0x80, v4, vm0, $0xb8;
	[tilespmem:$0x10080] =	vst v63  }
0x4e: {  	_ = 	snop  }
0x4f: {  	[tilespmem:s17], [sflag:$0x1] =	stream.indirect_vreg.gather [hbm4b:s5+s2], $0x80, v4, vm0, $0xb8;
	[tilespmem:$0x10080] =	vst v63  }
0x50: {  	_ = 	snop  }
0x51: {  	[tilespmem:s18], [sflag:$0x1] =	stream.indirect_vreg.gather [hbm4b:s6+s2], $0x80, v4, vm0, $0xb8;
	[tilespmem:$0x10080] =	vst v63  }
0x52: {  	_ = 	snop  }
0x53: {  	[tilespmem:s19], [sflag:$0x1] =	stream.indirect_vreg.gather [hbm4b:s7+s2], $0x80, v4, vm0, $0xb8;
	[tilespmem:$0x10080] =	vst v63  }
0x54: {  	v3 =	vperm.xlane v3, v2  }
0x55: {  	[tilespmem:s20], [sflag:$0x1] =	stream.indirect_vreg.gather [hbm4b:s8+s2], $0x80, v4, vm0, $0xb8;
	[tilespmem:$0x10080] =	vst v63  }
0x56: {  	v3 =	vadd.s32 v1, v3  }
0x57: {  	[tilespmem:s21], [sflag:$0x1] =	stream.indirect_vreg.gather [hbm4b:s9+s2], $0x80, v4, vm0, $0xb8;
	[tilespmem:$0x10080] =	vst v63  }
0x58: {  	_ = 	snop  }
0x59: {  	[tilespmem:s22], [sflag:$0x1] =	stream.indirect_vreg.gather [hbm4b:s10+s2], $0x80, v4, vm0, $0xb8;
	[tilespmem:$0x10080] =	vst v63  }
0x5a: {  	_ = 	snop  }
0x5b: {  	[tilespmem:s23], [sflag:$0x1] =	stream.indirect_vreg.gather [hbm4b:s3+s2], $0x80, v3, vm0, $0xb8;
	[tilespmem:$0x10080] =	vst v63  }
0x5c: {  	_ = 	snop  }
0x5d: {  	[tilespmem:s24], [sflag:$0x1] =	stream.indirect_vreg.gather [hbm4b:s4+s2], $0x80, v3, vm0, $0xb8;
	[tilespmem:$0x10080] =	vst v63  }
0x5e: {  	_ = 	snop  }
0x5f: {  	[tilespmem:s25], [sflag:$0x1] =	stream.indirect_vreg.gather [hbm4b:s5+s2], $0x80, v3, vm0, $0xb8;
	[tilespmem:$0x10080] =	vst v63  }
0x60: {  	_ = 	snop  }
0x61: {  	[tilespmem:s26], [sflag:$0x1] =	stream.indirect_vreg.gather [hbm4b:s6+s2], $0x80, v3, vm0, $0xb8;
	[tilespmem:$0x10080] =	vst v63  }
0x62: {  	_ = 	snop  }
0x63: {  	[tilespmem:s28], [sflag:$0x1] =	stream.indirect_vreg.gather [hbm4b:s7+s2], $0x80, v3, vm0, $0xb8;
	[tilespmem:$0x10080] =	vst v63  }
0x64: {  	_ = 	snop  }
0x65: {  	[tilespmem:s29], [sflag:$0x1] =	stream.indirect_vreg.gather [hbm4b:s8+s2], $0x80, v3, vm0, $0xb8;
	[tilespmem:$0x10080] =	vst v63  }
0x66: {  	_ = 	snop  }
0x67: {  	[tilespmem:s30], [sflag:$0x1] =	stream.indirect_vreg.gather [hbm4b:s9+s2], $0x80, v3, vm0, $0xb8;
	[tilespmem:$0x10080] =	vst v63  }
0x68: {  	_ = 	snop  }
0x69: {  	[tilespmem:s31], [sflag:$0x1] =	stream.indirect_vreg.gather [hbm4b:s10+s2], $0x80, v3, vm0, $0xb8;
	[tilespmem:$0x10080] =	vst v63  }
0x6a: {  	_ =	swait.ge [sflag:s1], $0x10000  }
0x6b: {  	p0 =	sne.s32 s11, $0x1;
	[sflag:s1] =	ssyncset.done $0x0  }
.Ltmp0:
0x6c: {  	s14 =	rddreg [dreg:$0x3];
	[sflag:s1] =	ssyncadd.s32 $0xFFFF0000;
	(pc) =	sbr.rel @p0 .LBB2_1-.Ltmp0, $4  }
0x6d: {  	[hbm4b:s14+s2] =	stream.linear.scatter [tilespmem:s13], [sflag:$0x2], $0x10000, $0x38;
	[tilespmem:$0x10080] =	vst v63  }
0x6e: {  	_ =	swait.ge [sflag:s12], $0x10000  }
0x6f: {  	[sflag:s12] =	ssyncset.done $0x0  }
0x70: {  	s11 =	sadd.s32 $0xFFFFFFFF, s11;
	[sflag:s12] =	ssyncadd.s32 $0xFFFF0000  }
0x71: {  	_ =	sfence.sel $0x180000  }
0x72: {  	[bflag:$0x0] =	sbarrier.arrive $0xFFFF  }
0x73: {  	_ =	strace $0x90000059  }
0x74: {  	s0 =	stileid.u32;
	[bflag:$0x2] =	sbarrier.arrive $0xFFFF  }
0x75: {  	p0 =	sne.s32 s0, $0x0;
	s0 =	rddreg [dreg:$0x1]  }
0x76: {  	s0 =	sadd.s32 @!p0 $0x100000, s0  }
0x77: {  	[sflag:s0] =	ssyncadd.tile.s32 @!p0 $0x1;
	_ =	shalt  }
.Lfunc_end2:
_tile_overlayer_lowered:
.L_overlay_start_2:
0x78: {  	(tag) =	ssettag $0x2  }
0x79: {  	s0 =	rddreg [dreg:$0x0];
	s2 =	stileid.u32  }
0x7a: {  	s1 =	rddreg [dreg:$0x1];
	p0 =	sne.s32 s2, $0x0  }
0x7b: {  	s3 =	rddreg [dreg:$0x2];
	[bflag:$0x3] =	sbarrier.arrive $0xFFFF;
	s2 =	simm.s32 @!p0 $0x1C02  }
0x7c: {  	[timem:s3], [sflag:s2] =	dma.local @!p0 [hbm:s0], s1  }
0x7d: {  	s0 =	simm.s32 @!p0 $0x2  }
0x7e: {  	_ =	swait.ge @!p0 [sflag:s0], s1  }
0x7f: {  	s1 =	ssub.s32 @!p0 $0x0, s1;
	[sflag:s0] =	ssyncset.done @!p0 $0x0  }
0x80: {  	[sflag:s0] =	ssyncadd.s32 @!p0 s1  }
0x81: {  	[bflag:$0x3] =	sbarrier.arrive $0xFFFF  }
0x82: {  	_ =	shalt  }

// kernel: kernel.39.cloned.1.call-start
scs
__scs_entry_jumppad:
0x0: {  	(pc) =	sbr.rel $0x88, $3  }
0x1: {  	(tag) =	ssettag $0x0;
	lr =	simm.s32 $0x1  }
0x2: {  	[smem:$0x3F92] =	sst lr;
	_ =	strace $0xD0000000  }
0x3: {  	_ = 	snop  }
0x4: {  	_ = 	snop  }
0x5: {  	_ = 	snop  }
0x6: {  	_ = 	snop  }
0x7: {  	_ = 	snop  }
__scs_overlays_trampoline_lowered:
0x8: {  	[smem:$0x3FA1] =	sst s0  }
0x9: {  	[smem:$0x3FA2] =	sst s1  }
0xa: {  	[smem:$0x3FA3] =	sst s2  }
0xb: {  	[smem:$0x3FA4] =	sst s3  }
0xc: {  	[smem:$0x3FA5] =	sst s4  }
0xd: {  	[smem:$0x3FA6] =	sst s5  }
0xe: {  	[smem:$0x3FA7] =	sst s6  }
0xf: {  	[smem:$0x3FA8] =	sst s7  }
0x10: {  	[smem:$0x3FA9] =	sst s8  }
0x11: {  	[smem:$0x3FAA] =	sst s9;
	s0 =	simm.s32 @!p0 $0x0  }
0x12: {  	s1 =	sld [smem:$0x3F90];
	s0 =	simm.s32 @p0 $0x1  }
0x13: {  	[smem:$0x3FAB] =	sst s0;
	s0 =	simm.s32 @!p1 $0x0  }
0x14: {  	s2 =	sld [smem:$0x3F8F];
	s0 =	simm.s32 @p1 $0x1  }
0x15: {  	[smem:$0x3FAC] =	sst s0;
	s0 =	simm.s32 @!p2 $0x0  }
0x16: {  	s3 =	sld [smem:$0x3FDB];
	s0 =	simm.s32 @p2 $0x1  }
0x17: {  	s4 =	simm.s32 $0x1BF5;
	[smem:$0x3FAE] =	sst s0  }
0x18: {  	s0 =	sld [smem:$0x3F91];
	_ =	swait.ge [sflag:s4], $0x0  }
0x19: {  	s7 =	sld [smem:$0x3F92]  }
0x1a: {  	s8 =	sadd.s32 $0xFFFFE003, lr  }
0x1b: {  	s9 =	sadd.s32 $0xFFFFFEF7, lr;
	s5 =	simm.s32 $0xFFFFFFFF;
	p2 =	slt.u32 s8, $0xFFFFF086  }
0x1c: {  	p1 =	slt.u32 s9, $0xF7A;
	s5 =	simm.s32 @!p2 $0x0  }
0x1d: {  	s5 =	simm.s32 @p1 $0x1;
	p0 =	seq.s32 s7, s2  }
0x1e: {  	s7 =	smul.u32 @!p0 $0xF7A, s2;
	p2 =	seq.s32 @!p0 s5, $0x0  }
0x1f: {  	s9 =	smul.u32 $0xF7A, s1;
	s8 =	simm.s32 @!p0 $0x1BF5;
	p2 =	por !p2, p0  }
0x20: {  	[sflag:s8] =	ssyncset.s32 @!p0 $0xFFFFF086;
	s6 =	sadd.s32 @!p0 s3, s7;
	s7 =	simm.s32 @!p0 $0x108  }
0x21: {  	s3 =	sadd.s32 s3, s9;
	s6 =	sadd.s32 @!p0 $0x88, s6;
	s7 =	simm.s32 @p2 $0x1082  }
0x22: {  	[simem:s7], [sflag:s8] =	dma.local @!p0 [hbm:s6], $0xF7A  }
0x23: {  	s9 =	sor.u32 $0xD0000000, s2;
	s6 =	simm.s32 $0x108;
	_ =	swait.ge @!p0 [sflag:s8], $0x0  }
0x24: {  	s3 =	sadd.s32 $0x88, s3;
	s6 =	simm.s32 @!p1 $0x1082;
	[sflag:s4] =	ssyncset.s32 $0xFFFFF086  }
0x25: {  	[simem:s6], [sflag:s4] =	dma.local [hbm:s3], $0xF7A  }
0x26: {  	[smem:$0x3F92] =	sst s1;
	(tag) =	ssettag s2;
	_ =	strace s9  }
0x27: {  	s1 =	sld [smem:$0x3FA2]  }
0x28: {  	s2 =	sld [smem:$0x3FA3]  }
0x29: {  	s4 =	sld [smem:$0x3FA5]  }
0x2a: {  	p0 =	seq.s32 s5, $0x0;
	s5 =	sld [smem:$0x3FA6]  }
0x2b: {  	s6 =	sld [smem:$0x3FA7]  }
0x2c: {  	s7 =	sld [smem:$0x3FA8]  }
0x2d: {  	s3 =	simm.s32 $0x108;
	s8 =	sld [smem:$0x3FA9]  }
0x2e: {  	s3 =	simm.s32 @!p0 $0x1082;
	s9 =	sld [smem:$0x3FAA]  }
0x2f: {  	lr =	sadd.s32 s0, s3;
	s0 =	sld [smem:$0x3FA1]  }
0x30: {  	s3 =	sld [smem:$0x3FA4]  }
0x31: {  	[smem:$0x3FAD] =	sst s10  }
0x32: {  	s10 =	sld [smem:$0x3FAB];
	_ =	sdelay $0x3  }
0x33: {  	p0 =	seq.s32 s10, $0x1;
	s10 =	sld [smem:$0x3FAD];
	_ =	sdelay $0x3  }
0x34: {  	[smem:$0x3FAD] =	sst s10  }
0x35: {  	s10 =	sld [smem:$0x3FAC];
	_ =	sdelay $0x3  }
0x36: {  	p1 =	seq.s32 s10, $0x1;
	s10 =	sld [smem:$0x3FAD];
	_ =	sdelay $0x3  }
0x37: {  	[smem:$0x3FAD] =	sst s10  }
0x38: {  	s10 =	sld [smem:$0x3FAE]  }
0x39: {  	_ = 	snop;
	(pc) =	sbr.ind lr, $3  }
0x3a: {  	_ = 	snop  }
0x3b: {  	_ = 	snop  }
0x3c: {  	p2 =	seq.s32 s10, $0x1;
	s10 =	sld [smem:$0x3FAD]  }
0x3d: {  	_ =	shalt  }
0x3e: {  	_ =	shalt  }
0x3f: {  	_ =	shalt  }
0x40: {  	_ =	shalt  }
0x41: {  	_ =	shalt  }
0x42: {  	_ =	shalt  }
0x43: {  	_ =	shalt  }
0x44: {  	_ =	shalt  }
0x45: {  	_ =	shalt  }
0x46: {  	_ =	shalt  }
0x47: {  	_ =	shalt  }
0x48: {  	_ =	shalt  }
0x49: {  	_ =	shalt  }
0x4a: {  	_ =	shalt  }
0x4b: {  	_ =	shalt  }
0x4c: {  	_ =	shalt  }
0x4d: {  	_ =	shalt  }
0x4e: {  	_ =	shalt  }
0x4f: {  	_ =	shalt  }
0x50: {  	_ =	shalt  }
0x51: {  	_ =	shalt  }
0x52: {  	_ =	shalt  }
0x53: {  	_ =	shalt  }
0x54: {  	_ =	shalt  }
0x55: {  	_ =	shalt  }
0x56: {  	_ =	shalt  }
0x57: {  	_ =	shalt  }
0x58: {  	_ =	shalt  }
0x59: {  	_ =	shalt  }
0x5a: {  	_ =	shalt  }
0x5b: {  	_ =	shalt  }
0x5c: {  	_ =	shalt  }
0x5d: {  	_ =	shalt  }
0x5e: {  	_ =	shalt  }
0x5f: {  	_ =	shalt  }
0x60: {  	_ =	shalt  }
0x61: {  	_ =	shalt  }
0x62: {  	_ =	shalt  }
0x63: {  	_ =	shalt  }
0x64: {  	_ =	shalt  }
0x65: {  	_ =	shalt  }
0x66: {  	_ =	shalt  }
0x67: {  	_ =	shalt  }
0x68: {  	_ =	shalt  }
0x69: {  	_ =	shalt  }
0x6a: {  	_ =	shalt  }
0x6b: {  	_ =	shalt  }
0x6c: {  	_ =	shalt  }
0x6d: {  	_ =	shalt  }
0x6e: {  	_ =	shalt  }
0x6f: {  	_ =	shalt  }
0x70: {  	_ =	shalt  }
0x71: {  	_ =	shalt  }
0x72: {  	_ =	shalt  }
0x73: {  	_ =	shalt  }
0x74: {  	_ =	shalt  }
0x75: {  	_ =	shalt  }
0x76: {  	_ =	shalt  }
0x77: {  	_ =	shalt  }
0x78: {  	_ =	shalt  }
0x79: {  	_ =	shalt  }
0x7a: {  	_ =	shalt  }
0x7b: {  	_ =	shalt  }
0x7c: {  	_ =	shalt  }
0x7d: {  	_ =	shalt  }
0x7e: {  	_ =	shalt  }
0x7f: {  	_ =	shalt  }
0x80: {  	_ =	shalt  }
0x81: {  	_ =	shalt  }
0x82: {  	_ =	shalt  }
0x83: {  	_ =	shalt  }
0x84: {  	_ =	shalt  }
0x85: {  	_ =	shalt  }
0x86: {  	_ =	shalt  }
0x87: {  	_ =	shalt  }
.Lfunc_end0:
.L_simem_size_0:
called_computation.6_lowered:
.L_overlay_start_0:
0x88: {  	s2 =	sld [smem:$0x3FD9]  }
0x89: {  	s3 =	sld [smem:$0x3FFE];
	_ =	sdelay $0x1  }
0x8a: {  	s1 =	srdreg.scid  }
0x8b: {  	s0 =	sand.u32 $0x1, s1  }
0x8c: {  	s17 =	sshll.u32 s0, $0xA;
	s2 =	sadd.s32 s3, s2  }
0x8d: {  	s2 =	sadd.s32 s2, s17  }
0x8e: {  	[smem:$0x3FB9] =	sst s2  }
0x8f: {  	_ = 	snop  }
0x90: {  	(tm) =	ssettm $0x1  }
0x91: {  	s18 =	sld [smem:$0x3FFB];
	_ =	sdelay $0x3  }
0x92: {  	_ =	strace s18  }
0x93: {  	s2 =	sld [smem:$0x3FFC];
	_ =	sdelay $0x3  }
0x94: {  	_ =	strace s2  }
0x95: {  	s2 =	sld [smem:$0x3FFD];
	_ =	sdelay $0x3  }
0x96: {  	_ =	strace s2  }
0x97: {  	_ =	strace $0x8FFFFFFF  }
0x98: {  	s19 =	sld [smem:$0x3FDB];
	_ =	sdelay $0x1  }
0x99: {  	s20 =	simm.s32 $_scs_section_size  }
0x9a: {  	s4 =	simm.s32 $_size__tile_overlayer_lowered;
	s5 =	simm.s32 $_tile_overlayer_lowered  }
0x9b: {  	s6 =	simm.s32 $0x1BFF;
	s21 =	sshll.u32 s5, $0x1;
	s3 =	sadd.s32 s20, s19  }
0x9c: {  	s22 =	simm.s32 $0x0;
	s4 =	sshll.u32 s4, $0x1;
	s5 =	sadd.s32 s21, s3  }
0x9d: {  	[timem:s22], [sflag:s6] =	dma.local [hbm:s5], s4  }
0x9e: {  	_ =	swait.ge [sflag:s6], s4  }
0x9f: {  	s4 =	ssub.s32 $0x0, s4;
	[sflag:s6] =	ssyncset.done $0x0  }
0xa0: {  	[sflag:s6] =	ssyncadd.s32 s4;
	_ =	sdelay $0x1  }
0xa1: {  	s23 =	simm.s32 $0x1B8B  }
0xa2: {  	_ =	swait.ge [sflag:s23], $0x1  }
0xa3: {  	[sflag:s23] =	ssyncset.done $0x0  }
0xa4: {  	[sflag:s23] =	ssyncadd.s32 $0xFFFFFFFF  }
0xa5: {  	s4 =	sld [smem:$0x0]  }
0xa6: {  	s5 =	sand.u32 $0xFFFFFFFE, s1  }
0xa7: {  	p0 =	sne.s32 s1, s5  }
0xa8: {  	s5 =	sshll.u32 @p0 s5, $0xE  }
0xa9: {  	s5 =	sadd.s32 @p0 $0x11B8D, s5;
	s6 =	sshll.u32 @p0 s4, $0x11  }
0xaa: {  	s5 =	sor.u32 @p0 s6, s5  }
0xab: {  	[sflag:s5] =	ssyncadd.remote.s32 @p0 $0x1;
	_ =	sdelay $0x1  }
0xac: {  	s5 =	simm.s32 @p0 $0x1B8D  }
0xad: {  	_ =	swait.eq @p0 [sflag:s5], $0x1  }
0xae: {  	[sflag:s5] =	ssyncadd.s32 @p0 $0xFFFFFFFF  }
0xaf: {  	s6 =	sshll.u32 @!p0 s1, $0xE  }
0xb0: {  	s6 =	sor.u32 @!p0 $0x4000, s6;
	s5 =	simm.s32 @!p0 $0x1B8D  }
0xb1: {  	s4 =	sshll.u32 @!p0 s4, $0x11;
	s6 =	sadd.s32 @!p0 $0x11B8D, s6;
	_ =	swait.eq @!p0 [sflag:s5], $0x1  }
0xb2: {  	s4 =	sor.u32 @!p0 s4, s6;
	[sflag:s5] =	ssyncadd.s32 @!p0 $0xFFFFFFFF  }
0xb3: {  	s25 =	simm.s32 $0x1B8E;
	s24 =	sld [smem:$0x3FFE];
	[sflag:s4] =	ssyncadd.remote.s32 @!p0 $0x1  }
0xb4: {  	s26 =	simm.s32 $execute0_lowered;
	[smem:$0x3FD2] =	sst s25  }
0xb5: {  	s5 =	sshll.u32 s26, $0x1;
	_ =	strace $0x80000055;
	[dreg:$0x1] =	wrdreg $0xFFFFFFFF  }
0xb6: {  	s28 =	simm.s32 $_size_execute0_lowered;
	s3 =	sadd.s32 s3, s5;
	[dreg:$0x0] =	wrdreg $0x0  }
0xb7: {  	s5 =	sshll.u32 s28, $0x1;
	[dreg:$0x2] =	wrdreg s3  }
0xb8: {  	[dreg:$0x3] =	wrdreg s5  }
0xb9: {  	[dreg:$0x4] =	wrdreg $0xC0  }
0xba: {  	_ =	task [dreg:s22], $0x5FFFF  }
0xbb: {  	[dreg:$0x1] =	wrdreg $0xFFFFFFFF  }
0xbc: {  	[dreg:$0x0] =	wrdreg $0x60  }
0xbd: {  	[dreg:$0x2] =	wrdreg s24  }
0xbe: {  	[dreg:$0x3] =	wrdreg $0xB  }
0xbf: {  	_ =	task.clear_ibuf [dreg:s22], $0x4FFFF;
	_ =	strace $0x90000055  }
0xc0: {  	s29 =	simm.s32 $0xB;
	_ =	strace $0x80000057  }
0xc1: {  	_ =	swait.ge [sflag:s29], $0x1  }
0xc2: {  	[sflag:s29] =	ssyncadd.s32 $0xFFFFFFFF  }
0xc3: {  	_ =	strace $0x90000057  }
0xc4: {  	_ =	sfence  }
0xc5: {  	s30 =	sld [smem:$0x0];
	_ =	sdelay $0x2  }
0xc6: {  	s31 =	sshll.u32 s1, $0xD;
	s1 =	sshrl.u32 s1, $0x2  }
0xc7: {  	s4 =	sand.u32 $0x4000, s31;
	s1 =	sadd.s32 s1, s30  }
0xc8: {  	s0 =	sor.u32 s4, s0;
	s1 =	sshll.u32 s1, $0x11  }
0xc9: {  	s0 =	sor.u32 s1, s0  }
0xca: {  	s0 =	sadd.s32 $0x8F2B, s0  }
0xcb: {  	[sflag:s0] =	ssyncadd.remote.s32 $0x1  }
0xcc: {  	_ =	sfence.sel $0xFFFF  }
0xcd: {  	[dreg:$0x0] =	wrdreg $0xFFFFFFFF;
	(pc) =	sbr.abs _section_cstart, $3  }
0xce: {  	[dreg:$0x1] =	wrdreg $0xFFFFFFFF  }
0xcf: {  	_ =	task.clear_ibuf [dreg:s22], $0x2FFFF;
	_ =	strace $0x9FFFFFFF  }
0xd0: {  	(tm) =	ssettm $0x7FFFFFFF  }
0xd1: {  	_ =	shalt  }
tec
execute0_lowered:
.L_overlay_start_1:
0x0: {  	(tag) =	ssettag $0x1  }
0x1: {  	s1 =	srdreg.scid;
	s0 =	stileid.u32  }
0x2: {  	s10 =	rddreg [dreg:$0x0];
	s19 =	simm.s32 $0x880;
	s20 =	simm.s32 $0x1080  }
0x3: {  	s21 =	simm.s32 $0x1880;
	s22 =	simm.s32 $0x2080;
	s23 =	simm.s32 $0x2880  }
0x4: {  	s24 =	simm.s32 $0x3080;
	s6 =	simm.s32 $0x3880;
	s1 =	sand.u32 $0x1, s1  }
0x5: {  	s7 =	simm.s32 $0x4080;
	s3 =	sshll.u32 s0, $0x5;
	s2 =	sshll.u32 s1, $0x9  }
0x6: {  	s8 =	simm.s32 $0x4880;
	s3 =	sor.u32 s3, s2;
	s2 =	simm.s32 $0x0  }
0x7: {  	s9 =	simm.s32 $0x5080;
	s11 =	simm.s32 $0x5880;
	[smem:$0x7FF] =	sst s2  }
0x8: {  	s25 =	simm.s32 $0x6080;
	_ =	strace $0x80000056;
	[dreg:$0x4] =	wrdreg s19  }
0x9: {  	s12 =	simm.s32 $0x6880;
	s26 =	simm.s32 $0x7080;
	[dreg:$0x5] =	wrdreg s20  }
0xa: {  	s13 =	simm.s32 $0x80;
	s15 =	simm.s32 $0x8080;
	[dreg:$0x6] =	wrdreg s21  }
0xb: {  	s16 =	simm.s32 $0x8880;
	s17 =	simm.s32 $0x9080;
	[dreg:$0x7] =	wrdreg s22  }
0xc: {  	s18 =	simm.s32 $0x9880;
	s28 =	simm.s32 $0xE080;
	[dreg:$0x8] =	wrdreg s23  }
0xd: {  	s29 =	simm.s32 $0xE880;
	s30 =	simm.s32 $0xF080;
	[dreg:$0x9] =	wrdreg s24  }
0xe: {  	s31 =	simm.s32 $0xF880;
	s1 =	ssub.s32 $0x2, s1;
	[dreg:$0xa] =	wrdreg s6  }
0xf: {  	s5 =	sshrl.u32 s1, $0x1;
	s4 =	sshrl.u32 s3, $0x3;
	[dreg:$0xb] =	wrdreg s7  }
0x10: {  	s3 =	sshll.u32 s3, $0x8;
	s1 =	ssub.s32 s1, s5;
	[dreg:$0xc] =	wrdreg s8  }
0x11: {  	s5 =	sadd.s32 $0x110200, s10;
	s4 =	sadd.s32 s4, s10;
	[dreg:$0xd] =	wrdreg s9  }
0x12: {  	s3 =	sadd.s32 s3, s10;
	s6 =	sadd.s32 $0x110300, s10;
	[dreg:$0xe] =	wrdreg s11  }
0x13: {  	s7 =	sadd.s32 $0x110400, s10;
	s8 =	sadd.s32 $0x110500, s10;
	[dreg:$0xf] =	wrdreg s25  }
0x14: {  	s9 =	sadd.s32 $0x110600, s10;
	s11 =	smax.u32 s1, $0x1;
	[dreg:$0x10] =	wrdreg s12  }
0x15: {  	s12 =	simm.s32 $0x2;
	[dreg:$0x11] =	wrdreg s26;
	s19 =	simm.s32 $0xA080  }
0x16: {  	s20 =	simm.s32 $0xA880;
	s21 =	simm.s32 $0xB080;
	s22 =	simm.s32 $0xB880  }
0x17: {  	s23 =	simm.s32 $0xC080;
	s24 =	simm.s32 $0xC880;
	s25 =	simm.s32 $0xD080  }
0x18: {  	v2 =	vlaneseq.u32;
	s26 =	simm.s32 $0xD880;
	s1 =	simm.s32 $0x1;
	s3 =	sadd.s32 $0x190000, s3  }
0x19: {  	vm0 =	vmmov $0xffff;
	v1 =	vshrl.u32 v2, $0x3;
	s4 =	sadd.s32 $0x8600, s4;
	[dreg:$0x3] =	wrdreg s3;
	s3 =	sadd.s32 $0x110000, s10  }
0x1a: {  	v0 =	vand.u32 $0x7, v2;
	v2 =	vor.u32 $0x8, v2;
	v1 =	vmul.u32 $0x8, v1;
	[dreg:$0x2] =	wrdreg s4;
	s4 =	sadd.s32 $0x110100, s10;
	s10 =	sadd.s32 $0x110700, s10  }
.LBB2_1:
0x1b: {  	s0 =	rddreg [dreg:$0x2]  }
0x1c: {  	[tilespmem:s2], [sflag:$0x2] =	stream.linear.gather [hbm4b:s0+s2], $0x20, $0x38;
	[tilespmem:$0x10080] =	vst v63  }
0x1d: {  	_ =	swait.ge [sflag:s12], $0x20  }
0x1e: {  	[sflag:s12] =	ssyncset.done $0x0  }
0x1f: {  	[sflag:s12] =	ssyncadd.s32 $0xFFFFFFE0  }
0x20: {  	v3 =	vld [tilespmem:$0x0];
	_ =	sdelay $0x4  }
0x21: {  	v4 =	vshll.u32 v3, $0x4  }
0x22: {  	v3 =	vand.u32 $0x7, v3;
	v4 =	vand.u32 $0xFFFFFF80, v4  }
0x23: {  	v3 =	vor.u32 v3, v4  }
0x24: {  	v4 =	vperm.xlane v3, v0;
	_ =	sdelay $0x1  }
0x25: {  	v4 =	vadd.s32 v1, v4;
	_ =	sdelay $0x4  }
0x26: {  	[tilespmem:s13], [sflag:$0x1] =	stream.indirect_vreg.gather [hbm4b:s3+s2], $0x80, v4, vm0, $0xb8;
	[tilespmem:$0x10080] =	vst v63  }
0x27: {  	s0 =	rddreg [dreg:$0x4]  }
0x28: {  	[tilespmem:s0], [sflag:$0x1] =	stream.indirect_vreg.gather [hbm4b:s4+s2], $0x80, v4, vm0, $0xb8;
	[tilespmem:$0x10080] =	vst v63  }
0x29: {  	s14 =	rddreg [dreg:$0x5]  }
0x2a: {  	[tilespmem:s14], [sflag:$0x1] =	stream.indirect_vreg.gather [hbm4b:s5+s2], $0x80, v4, vm0, $0xb8;
	[tilespmem:$0x10080] =	vst v63  }
0x2b: {  	s0 =	rddreg [dreg:$0x6]  }
0x2c: {  	[tilespmem:s0], [sflag:$0x1] =	stream.indirect_vreg.gather [hbm4b:s6+s2], $0x80, v4, vm0, $0xb8;
	[tilespmem:$0x10080] =	vst v63  }
0x2d: {  	s14 =	rddreg [dreg:$0x7]  }
0x2e: {  	[tilespmem:s14], [sflag:$0x1] =	stream.indirect_vreg.gather [hbm4b:s7+s2], $0x80, v4, vm0, $0xb8;
	[tilespmem:$0x10080] =	vst v63  }
0x2f: {  	v3 =	vperm.xlane v3, v2;
	s0 =	rddreg [dreg:$0x8]  }
0x30: {  	[tilespmem:s0], [sflag:$0x1] =	stream.indirect_vreg.gather [hbm4b:s8+s2], $0x80, v4, vm0, $0xb8;
	[tilespmem:$0x10080] =	vst v63  }
0x31: {  	v3 =	vadd.s32 v1, v3;
	s14 =	rddreg [dreg:$0x9]  }
0x32: {  	[tilespmem:s14], [sflag:$0x1] =	stream.indirect_vreg.gather [hbm4b:s9+s2], $0x80, v4, vm0, $0xb8;
	[tilespmem:$0x10080] =	vst v63  }
0x33: {  	s0 =	rddreg [dreg:$0xa]  }
0x34: {  	[tilespmem:s0], [sflag:$0x1] =	stream.indirect_vreg.gather [hbm4b:s10+s2], $0x80, v4, vm0, $0xb8;
	[tilespmem:$0x10080] =	vst v63  }
0x35: {  	s14 =	rddreg [dreg:$0xb]  }
0x36: {  	[tilespmem:s14], [sflag:$0x1] =	stream.indirect_vreg.gather [hbm4b:s3+s2], $0x80, v3, vm0, $0xb8;
	[tilespmem:$0x10080] =	vst v63  }
0x37: {  	s0 =	rddreg [dreg:$0xc]  }
0x38: {  	[tilespmem:s0], [sflag:$0x1] =	stream.indirect_vreg.gather [hbm4b:s4+s2], $0x80, v3, vm0, $0xb8;
	[tilespmem:$0x10080] =	vst v63  }
0x39: {  	s14 =	rddreg [dreg:$0xd]  }
0x3a: {  	[tilespmem:s14], [sflag:$0x1] =	stream.indirect_vreg.gather [hbm4b:s5+s2], $0x80, v3, vm0, $0xb8;
	[tilespmem:$0x10080] =	vst v63  }
0x3b: {  	s0 =	rddreg [dreg:$0xe]  }
0x3c: {  	[tilespmem:s0], [sflag:$0x1] =	stream.indirect_vreg.gather [hbm4b:s6+s2], $0x80, v3, vm0, $0xb8;
	[tilespmem:$0x10080] =	vst v63  }
0x3d: {  	s14 =	rddreg [dreg:$0xf]  }
0x3e: {  	[tilespmem:s14], [sflag:$0x1] =	stream.indirect_vreg.gather [hbm4b:s7+s2], $0x80, v3, vm0, $0xb8;
	[tilespmem:$0x10080] =	vst v63  }
0x3f: {  	s0 =	rddreg [dreg:$0x10]  }
0x40: {  	[tilespmem:s0], [sflag:$0x1] =	stream.indirect_vreg.gather [hbm4b:s8+s2], $0x80, v3, vm0, $0xb8;
	[tilespmem:$0x10080] =	vst v63  }
0x41: {  	s14 =	rddreg [dreg:$0x11]  }
0x42: {  	[tilespmem:s14], [sflag:$0x1] =	stream.indirect_vreg.gather [hbm4b:s9+s2], $0x80, v3, vm0, $0xb8;
	[tilespmem:$0x10080] =	vst v63  }
0x43: {  	s14 =	simm.s32 $0x7880  }
0x44: {  	[tilespmem:s14], [sflag:$0x1] =	stream.indirect_vreg.gather [hbm4b:s10+s2], $0x80, v3, vm0, $0xb8;
	[tilespmem:$0x10080] =	vst v63  }
0x45: {  	v3 =	vld [tilespmem:$0x10];
	_ =	sdelay $0x4  }
0x46: {  	v63 =	vshll.u32 v3, $0x4  }
0x47: {  	v3 =	vand.u32 $0x7, v3;
	v4 =	vand.u32 $0xFFFFFF80, v63  }
0x48: {  	v3 =	vor.u32 v3, v4  }
0x49: {  	v4 =	vperm.xlane v3, v0;
	_ =	sdelay $0x1  }
0x4a: {  	v4 =	vadd.s32 v1, v4;
	_ =	sdelay $0x4  }
0x4b: {  	[tilespmem:s15], [sflag:$0x1] =	stream.indirect_vreg.gather [hbm4b:s3+s2], $0x80, v4, vm0, $0xb8;
	[tilespmem:$0x10080] =	vst v63  }
0x4c: {  	_ = 	snop  }
0x4d: {  	[tilespmem:s16], [sflag:$0x1] =	stream.indirect_vreg.gather [hbm4b:s4+s2], $0x80, v4, vm0, $0xb8;
	[tilespmem:$0x10080] =	vst v63  }
0x4e: {  	_ = 	snop  }
0x4f: {  	[tilespmem:s17], [sflag:$0x1] =	stream.indirect_vreg.gather [hbm4b:s5+s2], $0x80, v4, vm0, $0xb8;
	[tilespmem:$0x10080] =	vst v63  }
0x50: {  	_ = 	snop  }
0x51: {  	[tilespmem:s18], [sflag:$0x1] =	stream.indirect_vreg.gather [hbm4b:s6+s2], $0x80, v4, vm0, $0xb8;
	[tilespmem:$0x10080] =	vst v63  }
0x52: {  	_ = 	snop  }
0x53: {  	[tilespmem:s19], [sflag:$0x1] =	stream.indirect_vreg.gather [hbm4b:s7+s2], $0x80, v4, vm0, $0xb8;
	[tilespmem:$0x10080] =	vst v63  }
0x54: {  	v3 =	vperm.xlane v3, v2  }
0x55: {  	[tilespmem:s20], [sflag:$0x1] =	stream.indirect_vreg.gather [hbm4b:s8+s2], $0x80, v4, vm0, $0xb8;
	[tilespmem:$0x10080] =	vst v63  }
0x56: {  	v3 =	vadd.s32 v1, v3  }
0x57: {  	[tilespmem:s21], [sflag:$0x1] =	stream.indirect_vreg.gather [hbm4b:s9+s2], $0x80, v4, vm0, $0xb8;
	[tilespmem:$0x10080] =	vst v63  }
0x58: {  	_ = 	snop  }
0x59: {  	[tilespmem:s22], [sflag:$0x1] =	stream.indirect_vreg.gather [hbm4b:s10+s2], $0x80, v4, vm0, $0xb8;
	[tilespmem:$0x10080] =	vst v63  }
0x5a: {  	_ = 	snop  }
0x5b: {  	[tilespmem:s23], [sflag:$0x1] =	stream.indirect_vreg.gather [hbm4b:s3+s2], $0x80, v3, vm0, $0xb8;
	[tilespmem:$0x10080] =	vst v63  }
0x5c: {  	_ = 	snop  }
0x5d: {  	[tilespmem:s24], [sflag:$0x1] =	stream.indirect_vreg.gather [hbm4b:s4+s2], $0x80, v3, vm0, $0xb8;
	[tilespmem:$0x10080] =	vst v63  }
0x5e: {  	_ = 	snop  }
0x5f: {  	[tilespmem:s25], [sflag:$0x1] =	stream.indirect_vreg.gather [hbm4b:s5+s2], $0x80, v3, vm0, $0xb8;
	[tilespmem:$0x10080] =	vst v63  }
0x60: {  	_ = 	snop  }
0x61: {  	[tilespmem:s26], [sflag:$0x1] =	stream.indirect_vreg.gather [hbm4b:s6+s2], $0x80, v3, vm0, $0xb8;
	[tilespmem:$0x10080] =	vst v63  }
0x62: {  	_ = 	snop  }
0x63: {  	[tilespmem:s28], [sflag:$0x1] =	stream.indirect_vreg.gather [hbm4b:s7+s2], $0x80, v3, vm0, $0xb8;
	[tilespmem:$0x10080] =	vst v63  }
0x64: {  	_ = 	snop  }
0x65: {  	[tilespmem:s29], [sflag:$0x1] =	stream.indirect_vreg.gather [hbm4b:s8+s2], $0x80, v3, vm0, $0xb8;
	[tilespmem:$0x10080] =	vst v63  }
0x66: {  	_ = 	snop  }
0x67: {  	[tilespmem:s30], [sflag:$0x1] =	stream.indirect_vreg.gather [hbm4b:s9+s2], $0x80, v3, vm0, $0xb8;
	[tilespmem:$0x10080] =	vst v63  }
0x68: {  	_ = 	snop  }
0x69: {  	[tilespmem:s31], [sflag:$0x1] =	stream.indirect_vreg.gather [hbm4b:s10+s2], $0x80, v3, vm0, $0xb8;
	[tilespmem:$0x10080] =	vst v63  }
0x6a: {  	_ =	swait.ge [sflag:s1], $0x10000  }
0x6b: {  	p0 =	sne.s32 s11, $0x1;
	[sflag:s1] =	ssyncset.done $0x0  }
.Ltmp0:
0x6c: {  	s14 =	rddreg [dreg:$0x3];
	[sflag:s1] =	ssyncadd.s32 $0xFFFF0000;
	(pc) =	sbr.rel @p0 .LBB2_1-.Ltmp0, $4  }
0x6d: {  	[hbm4b:s14+s2] =	stream.linear.scatter [tilespmem:s13], [sflag:$0x2], $0x10000, $0x38;
	[tilespmem:$0x10080] =	vst v63  }
0x6e: {  	_ =	swait.ge [sflag:s12], $0x10000  }
0x6f: {  	[sflag:s12] =	ssyncset.done $0x0  }
0x70: {  	s11 =	sadd.s32 $0xFFFFFFFF, s11;
	[sflag:s12] =	ssyncadd.s32 $0xFFFF0000  }
0x71: {  	_ =	sfence.sel $0x180000  }
0x72: {  	[bflag:$0x0] =	sbarrier.arrive $0xFFFF  }
0x73: {  	_ =	strace $0x90000056  }
0x74: {  	s0 =	stileid.u32;
	[bflag:$0x2] =	sbarrier.arrive $0xFFFF  }
0x75: {  	p0 =	sne.s32 s0, $0x0;
	s0 =	rddreg [dreg:$0x1]  }
0x76: {  	s0 =	sadd.s32 @!p0 $0x100000, s0  }
0x77: {  	[sflag:s0] =	ssyncadd.tile.s32 @!p0 $0x1;
	_ =	shalt  }
.Lfunc_end2:
_tile_overlayer_lowered:
.L_overlay_start_2:
0x78: {  	(tag) =	ssettag $0x2  }
0x79: {  	s0 =	rddreg [dreg:$0x0];
	s2 =	stileid.u32  }
0x7a: {  	s1 =	rddreg [dreg:$0x1];
	p0 =	sne.s32 s2, $0x0  }
0x7b: {  	s3 =	rddreg [dreg:$0x2];
	[bflag:$0x3] =	sbarrier.arrive $0xFFFF;
	s2 =	simm.s32 @!p0 $0x1C02  }
0x7c: {  	[timem:s3], [sflag:s2] =	dma.local @!p0 [hbm:s0], s1  }
0x7d: {  	s0 =	simm.s32 @!p0 $0x2  }
0x7e: {  	_ =	swait.ge @!p0 [sflag:s0], s1  }
0x7f: {  	s1 =	ssub.s32 @!p0 $0x0, s1;
	[sflag:s0] =	ssyncset.done @!p0 $0x0  }
0x80: {  	[sflag:s0] =	ssyncadd.s32 @!p0 s1  }
0x81: {  	[bflag:$0x3] =	sbarrier.arrive $0xFFFF  }
0x82: {  	_ =	shalt  }

// kernel: kernel.42.cloned.1.call-start
scs
__scs_entry_jumppad:
0x0: {  	(pc) =	sbr.rel $0x88, $3  }
0x1: {  	(tag) =	ssettag $0x0;
	lr =	simm.s32 $0x1  }
0x2: {  	[smem:$0x3F92] =	sst lr;
	_ =	strace $0xD0000000  }
0x3: {  	_ = 	snop  }
0x4: {  	_ = 	snop  }
0x5: {  	_ = 	snop  }
0x6: {  	_ = 	snop  }
0x7: {  	_ = 	snop  }
__scs_overlays_trampoline_lowered:
0x8: {  	[smem:$0x3FA1] =	sst s0  }
0x9: {  	[smem:$0x3FA2] =	sst s1  }
0xa: {  	[smem:$0x3FA3] =	sst s2  }
0xb: {  	[smem:$0x3FA4] =	sst s3  }
0xc: {  	[smem:$0x3FA5] =	sst s4  }
0xd: {  	[smem:$0x3FA6] =	sst s5  }
0xe: {  	[smem:$0x3FA7] =	sst s6  }
0xf: {  	[smem:$0x3FA8] =	sst s7  }
0x10: {  	[smem:$0x3FA9] =	sst s8  }
0x11: {  	[smem:$0x3FAA] =	sst s9;
	s0 =	simm.s32 @!p0 $0x0  }
0x12: {  	s1 =	sld [smem:$0x3F90];
	s0 =	simm.s32 @p0 $0x1  }
0x13: {  	[smem:$0x3FAB] =	sst s0;
	s0 =	simm.s32 @!p1 $0x0  }
0x14: {  	s2 =	sld [smem:$0x3F8F];
	s0 =	simm.s32 @p1 $0x1  }
0x15: {  	[smem:$0x3FAC] =	sst s0;
	s0 =	simm.s32 @!p2 $0x0  }
0x16: {  	s3 =	sld [smem:$0x3FDB];
	s0 =	simm.s32 @p2 $0x1  }
0x17: {  	s4 =	simm.s32 $0x1BF5;
	[smem:$0x3FAE] =	sst s0  }
0x18: {  	s0 =	sld [smem:$0x3F91];
	_ =	swait.ge [sflag:s4], $0x0  }
0x19: {  	s7 =	sld [smem:$0x3F92]  }
0x1a: {  	s8 =	sadd.s32 $0xFFFFE003, lr  }
0x1b: {  	s9 =	sadd.s32 $0xFFFFFEF7, lr;
	s5 =	simm.s32 $0xFFFFFFFF;
	p2 =	slt.u32 s8, $0xFFFFF086  }
0x1c: {  	p1 =	slt.u32 s9, $0xF7A;
	s5 =	simm.s32 @!p2 $0x0  }
0x1d: {  	s5 =	simm.s32 @p1 $0x1;
	p0 =	seq.s32 s7, s2  }
0x1e: {  	s7 =	smul.u32 @!p0 $0xF7A, s2;
	p2 =	seq.s32 @!p0 s5, $0x0  }
0x1f: {  	s9 =	smul.u32 $0xF7A, s1;
	s8 =	simm.s32 @!p0 $0x1BF5;
	p2 =	por !p2, p0  }
0x20: {  	[sflag:s8] =	ssyncset.s32 @!p0 $0xFFFFF086;
	s6 =	sadd.s32 @!p0 s3, s7;
	s7 =	simm.s32 @!p0 $0x108  }
0x21: {  	s3 =	sadd.s32 s3, s9;
	s6 =	sadd.s32 @!p0 $0x88, s6;
	s7 =	simm.s32 @p2 $0x1082  }
0x22: {  	[simem:s7], [sflag:s8] =	dma.local @!p0 [hbm:s6], $0xF7A  }
0x23: {  	s9 =	sor.u32 $0xD0000000, s2;
	s6 =	simm.s32 $0x108;
	_ =	swait.ge @!p0 [sflag:s8], $0x0  }
0x24: {  	s3 =	sadd.s32 $0x88, s3;
	s6 =	simm.s32 @!p1 $0x1082;
	[sflag:s4] =	ssyncset.s32 $0xFFFFF086  }
0x25: {  	[simem:s6], [sflag:s4] =	dma.local [hbm:s3], $0xF7A  }
0x26: {  	[smem:$0x3F92] =	sst s1;
	(tag) =	ssettag s2;
	_ =	strace s9  }
0x27: {  	s1 =	sld [smem:$0x3FA2]  }
0x28: {  	s2 =	sld [smem:$0x3FA3]  }
0x29: {  	s4 =	sld [smem:$0x3FA5]  }
0x2a: {  	p0 =	seq.s32 s5, $0x0;
	s5 =	sld [smem:$0x3FA6]  }
0x2b: {  	s6 =	sld [smem:$0x3FA7]  }
0x2c: {  	s7 =	sld [smem:$0x3FA8]  }
0x2d: {  	s3 =	simm.s32 $0x108;
	s8 =	sld [smem:$0x3FA9]  }
0x2e: {  	s3 =	simm.s32 @!p0 $0x1082;
	s9 =	sld [smem:$0x3FAA]  }
0x2f: {  	lr =	sadd.s32 s0, s3;
	s0 =	sld [smem:$0x3FA1]  }
0x30: {  	s3 =	sld [smem:$0x3FA4]  }
0x31: {  	[smem:$0x3FAD] =	sst s10  }
0x32: {  	s10 =	sld [smem:$0x3FAB];
	_ =	sdelay $0x3  }
0x33: {  	p0 =	seq.s32 s10, $0x1;
	s10 =	sld [smem:$0x3FAD];
	_ =	sdelay $0x3  }
0x34: {  	[smem:$0x3FAD] =	sst s10  }
0x35: {  	s10 =	sld [smem:$0x3FAC];
	_ =	sdelay $0x3  }
0x36: {  	p1 =	seq.s32 s10, $0x1;
	s10 =	sld [smem:$0x3FAD];
	_ =	sdelay $0x3  }
0x37: {  	[smem:$0x3FAD] =	sst s10  }
0x38: {  	s10 =	sld [smem:$0x3FAE]  }
0x39: {  	_ = 	snop;
	(pc) =	sbr.ind lr, $3  }
0x3a: {  	_ = 	snop  }
0x3b: {  	_ = 	snop  }
0x3c: {  	p2 =	seq.s32 s10, $0x1;
	s10 =	sld [smem:$0x3FAD]  }
0x3d: {  	_ =	shalt  }
0x3e: {  	_ =	shalt  }
0x3f: {  	_ =	shalt  }
0x40: {  	_ =	shalt  }
0x41: {  	_ =	shalt  }
0x42: {  	_ =	shalt  }
0x43: {  	_ =	shalt  }
0x44: {  	_ =	shalt  }
0x45: {  	_ =	shalt  }
0x46: {  	_ =	shalt  }
0x47: {  	_ =	shalt  }
0x48: {  	_ =	shalt  }
0x49: {  	_ =	shalt  }
0x4a: {  	_ =	shalt  }
0x4b: {  	_ =	shalt  }
0x4c: {  	_ =	shalt  }
0x4d: {  	_ =	shalt  }
0x4e: {  	_ =	shalt  }
0x4f: {  	_ =	shalt  }
0x50: {  	_ =	shalt  }
0x51: {  	_ =	shalt  }
0x52: {  	_ =	shalt  }
0x53: {  	_ =	shalt  }
0x54: {  	_ =	shalt  }
0x55: {  	_ =	shalt  }
0x56: {  	_ =	shalt  }
0x57: {  	_ =	shalt  }
0x58: {  	_ =	shalt  }
0x59: {  	_ =	shalt  }
0x5a: {  	_ =	shalt  }
0x5b: {  	_ =	shalt  }
0x5c: {  	_ =	shalt  }
0x5d: {  	_ =	shalt  }
0x5e: {  	_ =	shalt  }
0x5f: {  	_ =	shalt  }
0x60: {  	_ =	shalt  }
0x61: {  	_ =	shalt  }
0x62: {  	_ =	shalt  }
0x63: {  	_ =	shalt  }
0x64: {  	_ =	shalt  }
0x65: {  	_ =	shalt  }
0x66: {  	_ =	shalt  }
0x67: {  	_ =	shalt  }
0x68: {  	_ =	shalt  }
0x69: {  	_ =	shalt  }
0x6a: {  	_ =	shalt  }
0x6b: {  	_ =	shalt  }
0x6c: {  	_ =	shalt  }
0x6d: {  	_ =	shalt  }
0x6e: {  	_ =	shalt  }
0x6f: {  	_ =	shalt  }
0x70: {  	_ =	shalt  }
0x71: {  	_ =	shalt  }
0x72: {  	_ =	shalt  }
0x73: {  	_ =	shalt  }
0x74: {  	_ =	shalt  }
0x75: {  	_ =	shalt  }
0x76: {  	_ =	shalt  }
0x77: {  	_ =	shalt  }
0x78: {  	_ =	shalt  }
0x79: {  	_ =	shalt  }
0x7a: {  	_ =	shalt  }
0x7b: {  	_ =	shalt  }
0x7c: {  	_ =	shalt  }
0x7d: {  	_ =	shalt  }
0x7e: {  	_ =	shalt  }
0x7f: {  	_ =	shalt  }
0x80: {  	_ =	shalt  }
0x81: {  	_ =	shalt  }
0x82: {  	_ =	shalt  }
0x83: {  	_ =	shalt  }
0x84: {  	_ =	shalt  }
0x85: {  	_ =	shalt  }
0x86: {  	_ =	shalt  }
0x87: {  	_ =	shalt  }
.Lfunc_end0:
.L_simem_size_0:
called_computation.7_lowered:
.L_overlay_start_0:
0x88: {  	s2 =	sld [smem:$0x3FD9]  }
0x89: {  	s3 =	sld [smem:$0x3FFE];
	_ =	sdelay $0x1  }
0x8a: {  	s1 =	srdreg.scid  }
0x8b: {  	s0 =	sand.u32 $0x1, s1  }
0x8c: {  	s16 =	sshll.u32 s0, $0xA;
	s2 =	sadd.s32 s3, s2  }
0x8d: {  	s2 =	sadd.s32 s2, s16  }
0x8e: {  	[smem:$0x3FB9] =	sst s2  }
0x8f: {  	_ = 	snop  }
0x90: {  	(tm) =	ssettm $0x1  }
0x91: {  	s17 =	sld [smem:$0x3FFB];
	_ =	sdelay $0x3  }
0x92: {  	_ =	strace s17  }
0x93: {  	s2 =	sld [smem:$0x3FFC];
	_ =	sdelay $0x3  }
0x94: {  	_ =	strace s2  }
0x95: {  	s2 =	sld [smem:$0x3FFD];
	_ =	sdelay $0x3  }
0x96: {  	_ =	strace s2  }
0x97: {  	_ =	strace $0x8FFFFFFF  }
0x98: {  	s18 =	sld [smem:$0x3FDB];
	_ =	sdelay $0x1  }
0x99: {  	s19 =	simm.s32 $_scs_section_size  }
0x9a: {  	s4 =	simm.s32 $_size__tile_overlayer_lowered;
	s5 =	simm.s32 $_tile_overlayer_lowered  }
0x9b: {  	s22 =	simm.s32 $0x1BFF;
	s21 =	sshll.u32 s5, $0x1;
	s2 =	sadd.s32 s19, s18  }
0x9c: {  	s6 =	simm.s32 $0x0;
	s20 =	sshll.u32 s4, $0x1;
	s4 =	sadd.s32 s21, s2  }
0x9d: {  	[timem:s6], [sflag:s22] =	dma.local [hbm:s4], s20  }
0x9e: {  	_ =	swait.ge [sflag:s22], s20  }
0x9f: {  	s3 =	ssub.s32 $0x0, s20;
	[sflag:s22] =	ssyncset.done $0x0  }
0xa0: {  	[sflag:s22] =	ssyncadd.s32 s3;
	_ =	sdelay $0x1  }
0xa1: {  	s23 =	simm.s32 $0x1B8B  }
0xa2: {  	_ =	swait.ge [sflag:s23], $0x1  }
0xa3: {  	[sflag:s23] =	ssyncset.done $0x0  }
0xa4: {  	s25 =	simm.s32 $0x1B8E;
	s24 =	sld [smem:$0x3FFE];
	[sflag:s23] =	ssyncadd.s32 $0xFFFFFFFF  }
0xa5: {  	s26 =	simm.s32 $execute0_lowered;
	[smem:$0x3FD2] =	sst s25  }
0xa6: {  	s4 =	sshll.u32 s26, $0x1;
	_ =	strace $0x8000005B;
	[dreg:$0x1] =	wrdreg $0xFFFFFFFF  }
0xa7: {  	s28 =	simm.s32 $_size_execute0_lowered;
	s2 =	sadd.s32 s2, s4;
	[dreg:$0x0] =	wrdreg $0x0  }
0xa8: {  	s4 =	sshll.u32 s28, $0x1;
	[dreg:$0x2] =	wrdreg s2  }
0xa9: {  	[dreg:$0x3] =	wrdreg s4  }
0xaa: {  	[dreg:$0x4] =	wrdreg $0xC0  }
0xab: {  	_ =	task [dreg:s6], $0x5FFFF  }
0xac: {  	[dreg:$0x1] =	wrdreg $0xFFFFFFFF  }
0xad: {  	[dreg:$0x0] =	wrdreg $0x60  }
0xae: {  	[dreg:$0x2] =	wrdreg s24  }
0xaf: {  	[dreg:$0x3] =	wrdreg $0x20800  }
0xb0: {  	[dreg:$0x4] =	wrdreg $0x9  }
0xb1: {  	_ =	task.clear_ibuf [dreg:s6], $0x5FFFF;
	_ =	strace $0x9000005B  }
0xb2: {  	s29 =	simm.s32 $0x9;
	_ =	strace $0x8000005D  }
0xb3: {  	_ =	swait.ge [sflag:s29], $0x1  }
0xb4: {  	[sflag:s29] =	ssyncadd.s32 $0xFFFFFFFF  }
0xb5: {  	_ =	strace $0x9000005D  }
0xb6: {  	_ =	sfence  }
0xb7: {  	s30 =	sld [smem:$0x0];
	_ =	sdelay $0x2  }
0xb8: {  	s31 =	sshll.u32 s1, $0xD;
	s1 =	sshrl.u32 s1, $0x2  }
0xb9: {  	s3 =	sand.u32 $0x4000, s31;
	s1 =	sadd.s32 s1, s30  }
0xba: {  	s0 =	sor.u32 s3, s0;
	s1 =	sshll.u32 s1, $0x11  }
0xbb: {  	s0 =	sor.u32 s1, s0  }
0xbc: {  	s0 =	sadd.s32 $0x8F2B, s0  }
0xbd: {  	[sflag:s0] =	ssyncadd.remote.s32 $0x1  }
0xbe: {  	_ =	sfence.sel $0xFFFF  }
0xbf: {  	[dreg:$0x0] =	wrdreg $0xFFFFFFFF;
	(pc) =	sbr.abs _section_cstart, $3  }
0xc0: {  	[dreg:$0x1] =	wrdreg $0xFFFFFFFF  }
0xc1: {  	_ =	task.clear_ibuf [dreg:s6], $0x2FFFF;
	_ =	strace $0x9FFFFFFF  }
0xc2: {  	(tm) =	ssettm $0x7FFFFFFF  }
0xc3: {  	_ =	shalt  }
tec
execute0_lowered:
.L_overlay_start_1:
0x0: {  	(tag) =	ssettag $0x1  }
0x1: {  	s9 =	rddreg [dreg:$0x0]  }
0x2: {  	s2 =	rddreg [dreg:$0x1];
	s3 =	srdreg.scid  }
0x3: {  	s0 =	rddreg [dreg:$0x2];
	s1 =	stileid.u32  }
0x4: {  	s11 =	sand.u32 $0x1, s3;
	s3 =	simm.s32 $0x0;
	s10 =	sshll.u32 s1, $0xA  }
0x5: {  	s30 =	sshll.u32 s1, $0xD;
	s6 =	sshll.u32 s1, $0x6;
	s4 =	sshll.u32 s11, $0xE  }
0x6: {  	[smem:$0x7FF] =	sst s3;
	s6 =	sor.u32 $0x1C01, s6;
	s4 =	sor.u32 s4, s10  }
0x7: {  	_ =	strace $0x8000005C;
	s12 =	sadd.s32 s4, s9;
	s4 =	sadd.s32 s30, s2  }
0x8: {  	s5 =	sadd.s32 $0x1D0000, s12;
	s7 =	sshrl.u32 s4, $0x3;
	s4 =	simm.s32 $0x1  }
0x9: {  	[spmem:s7], [sflag:s6] =	dma.local [hbm:s5], $0x400  }
0xa: {  	_ =	swait.ge [sflag:s4], $0x400  }
0xb: {  	s8 =	sshll.u32 s1, $0x3;
	[sflag:s4] =	ssyncset.done $0x0  }
0xc: {  	s8 =	sadd.s32 s8, s9;
	[sflag:s4] =	ssyncadd.s32 $0xFFFFFC00  }
0xd: {  	s8 =	sadd.s32 $0x8600, s8;
	[bflag:$0x0] =	sbarrier.arrive $0xFFFF  }
0xe: {  	[tilespmem:s3], [sflag:$0x1] =	stream.linear.gather [hbm4b:s8+s3], $0x40, $0x38;
	[tilespmem:$0x4088] =	vst v63  }
0xf: {  	_ =	swait.ge [sflag:s4], $0x40  }
0x10: {  	s9 =	sadd.s32 s10, s9;
	[sflag:s4] =	ssyncset.done $0x0  }
0x11: {  	s10 =	simm.s32 $0x80;
	s9 =	sadd.s32 $0x8800, s9;
	[sflag:s4] =	ssyncadd.s32 $0xFFFFFFC0  }
0x12: {  	[tilespmem:s10], [sflag:$0x1] =	stream.linear.gather [hbm4b:s9+s3], $0x2000, $0x38;
	[tilespmem:$0x4088] =	vst v63  }
0x13: {  	_ =	swait.ge [sflag:s4], $0x2000  }
0x14: {  	[sflag:s4] =	ssyncset.done $0x0  }
0x15: {  	[sflag:s4] =	ssyncadd.s32 $0xFFFFE000  }
0x16: {  	v1 =	vld [tilespmem:$0x30]  }
0x17: {  	v2 =	vld [tilespmem:$0x20]  }
0x18: {  	v3 =	vld [tilespmem:$0x0]  }
0x19: {  	s13 =	sshll.u32 s11, $0xA;
	v4 =	vld [tilespmem:$0x10]  }
0x1a: {  	v0 =	vmov s13  }
0x1b: {  	v1 =	vsub.s32 v1, v0  }
0x1c: {  	s31 =	ssub.s32 $0x2, s11;
	v2 =	vsub.s32 v2, v0;
	v1 =	vmin.u32 v1, $0x400  }
0x1d: {  	s14 =	sshrl.u32 s31, $0x1;
	v3 =	vsub.s32 v3, v0;
	v2 =	vmin.u32 v2, $0x400;
	[tilespmem:$0x30] =	vst v1  }
0x1e: {  	s13 =	ssub.s32 s31, s14;
	v1 =	vmin.u32 v3, $0x400;
	v3 =	vsub.s32 v4, v0;
	[tilespmem:$0x20] =	vst v2  }
0x1f: {  	s13 =	smax.u32 s13, $0x1;
	[tilespmem:$0x0] =	vst v1;
	v1 =	vmin.u32 v3, $0x400  }
0x20: {  	s11 =	simm.s32 $0x40;
	p0 =	sne.s32 s13, $0x1;
	[tilespmem:$0x10] =	vst v1  }
0x21: {  	[spmem:s2] =	stream.indirect.scatter.add.f32 [tilespmem:s10], [sflag:$0x1], $0x80, s3, s11, $0xb8;
	[tilespmem:$0x4088] =	vst v63  }
.Ltmp0:
0x22: {  	_ =	swait.ge [sflag:s4], $0x2000;
	(pc) =	sbr.rel @!p0 .LBB2_2-.Ltmp0, $4  }
0x23: {  	[sflag:s4] =	ssyncset.done $0x0  }
0x24: {  	[sflag:s4] =	ssyncadd.s32 $0xFFFFE000  }
0x25: {  	[bflag:$0x0] =	sbarrier.arrive $0xFFFF  }
0x26: {  	s12 =	sadd.s32 $0x400, s12;
	s13 =	sadd.s32 $0xFFFFFFFF, s13  }
.LBB2_1:
0x27: {  	[hbm:s12], [sflag:s6] =	dma.local [spmem:s7], $0x400  }
0x28: {  	p0 =	sne.s32 s13, $0x1;
	s13 =	sadd.s32 $0xFFFFFFFF, s13;
	_ =	swait.ge [sflag:s4], $0x400  }
0x29: {  	[sflag:s4] =	ssyncset.done $0x0  }
0x2a: {  	[sflag:s4] =	ssyncadd.s32 $0xFFFFFC00  }
0x2b: {  	[spmem:s7], [sflag:s6] =	dma.local [hbm:s5], $0x400  }
0x2c: {  	_ =	swait.ge [sflag:s4], $0x400  }
0x2d: {  	[sflag:s4] =	ssyncset.done $0x0  }
0x2e: {  	[sflag:s4] =	ssyncadd.s32 $0xFFFFFC00  }
0x2f: {  	[bflag:$0x0] =	sbarrier.arrive $0xFFFF  }
0x30: {  	[tilespmem:s3], [sflag:$0x1] =	stream.linear.gather [hbm4b:s8+s3], $0x40, $0x38;
	[tilespmem:$0x4088] =	vst v63  }
0x31: {  	_ =	swait.ge [sflag:s4], $0x40  }
0x32: {  	[sflag:s4] =	ssyncset.done $0x0  }
0x33: {  	[sflag:s4] =	ssyncadd.s32 $0xFFFFFFC0  }
0x34: {  	[tilespmem:s10], [sflag:$0x1] =	stream.linear.gather [hbm4b:s9+s3], $0x2000, $0x38;
	[tilespmem:$0x4088] =	vst v63  }
0x35: {  	_ =	swait.ge [sflag:s4], $0x2000  }
0x36: {  	[sflag:s4] =	ssyncset.done $0x0  }
0x37: {  	[sflag:s4] =	ssyncadd.s32 $0xFFFFE000  }
0x38: {  	v1 =	vld [tilespmem:$0x30]  }
0x39: {  	v2 =	vld [tilespmem:$0x20]  }
0x3a: {  	v3 =	vld [tilespmem:$0x0]  }
0x3b: {  	v4 =	vld [tilespmem:$0x10];
	_ =	sdelay $0x1  }
0x3c: {  	v1 =	vsub.s32 v1, v0  }
0x3d: {  	v2 =	vsub.s32 v2, v0;
	v1 =	vmin.u32 v1, $0x400  }
0x3e: {  	v3 =	vsub.s32 v3, v0;
	v2 =	vmin.u32 v2, $0x400;
	[tilespmem:$0x30] =	vst v1  }
0x3f: {  	v1 =	vmin.u32 v3, $0x400;
	v3 =	vsub.s32 v4, v0;
	[tilespmem:$0x20] =	vst v2  }
0x40: {  	[tilespmem:$0x0] =	vst v1;
	v1 =	vmin.u32 v3, $0x400  }
0x41: {  	[tilespmem:$0x10] =	vst v1  }
0x42: {  	[spmem:s2] =	stream.indirect.scatter.add.f32 [tilespmem:s10], [sflag:$0x1], $0x80, s3, s11, $0xb8;
	[tilespmem:$0x4088] =	vst v63  }
.Ltmp1:
0x43: {  	_ =	swait.ge [sflag:s4], $0x2000;
	(pc) =	sbr.rel @p0 .LBB2_1-.Ltmp1, $3  }
0x44: {  	[sflag:s4] =	ssyncset.done $0x0  }
0x45: {  	[sflag:s4] =	ssyncadd.s32 $0xFFFFE000  }
0x46: {  	[bflag:$0x0] =	sbarrier.arrive $0xFFFF;
	_ =	sdelay $0x1  }
.LBB2_2:
0x47: {  	[hbm:s12], [sflag:s6] =	dma.local [spmem:s7], $0x400  }
0x48: {  	_ =	swait.ge [sflag:s4], $0x400  }
0x49: {  	[sflag:s4] =	ssyncset.done $0x0  }
0x4a: {  	[sflag:s4] =	ssyncadd.s32 $0xFFFFFC00  }
0x4b: {  	_ =	sfence.sel $0x180000  }
0x4c: {  	[bflag:$0x0] =	sbarrier.arrive $0xFFFF  }
0x4d: {  	p0 =	sne.s32 s1, $0x0;
	_ =	strace $0x9000005C  }
0x4e: {  	s0 =	sadd.s32 @!p0 $0x100000, s0;
	[bflag:$0x2] =	sbarrier.arrive $0xFFFF  }
0x4f: {  	[sflag:s0] =	ssyncadd.tile.s32 @!p0 $0x1;
	_ =	shalt  }
.Lfunc_end2:
_tile_overlayer_lowered:
.L_overlay_start_2:
0x50: {  	(tag) =	ssettag $0x2  }
0x51: {  	s0 =	rddreg [dreg:$0x0];
	s2 =	stileid.u32  }
0x52: {  	s1 =	rddreg [dreg:$0x1];
	p0 =	sne.s32 s2, $0x0  }
0x53: {  	s3 =	rddreg [dreg:$0x2];
	[bflag:$0x3] =	sbarrier.arrive $0xFFFF;
	s2 =	simm.s32 @!p0 $0x1C01  }
0x54: {  	[timem:s3], [sflag:s2] =	dma.local @!p0 [hbm:s0], s1  }
0x55: {  	s0 =	simm.s32 @!p0 $0x1  }
0x56: {  	_ =	swait.ge @!p0 [sflag:s0], s1  }
0x57: {  	s1 =	ssub.s32 @!p0 $0x0, s1;
	[sflag:s0] =	ssyncset.done @!p0 $0x0  }
0x58: {  	[sflag:s0] =	ssyncadd.s32 @!p0 s1  }
0x59: {  	[bflag:$0x3] =	sbarrier.arrive $0xFFFF  }
0x5a: {  	_ =	shalt  }

// kernel: kernel.45.cloned.1.call-start
scs
__scs_entry_jumppad:
0x0: {  	(pc) =	sbr.rel $0x88, $3  }
0x1: {  	(tag) =	ssettag $0x0;
	lr =	simm.s32 $0x1  }
0x2: {  	[smem:$0x3F92] =	sst lr;
	_ =	strace $0xD0000000  }
0x3: {  	_ = 	snop  }
0x4: {  	_ = 	snop  }
0x5: {  	_ = 	snop  }
0x6: {  	_ = 	snop  }
0x7: {  	_ = 	snop  }
__scs_overlays_trampoline_lowered:
0x8: {  	[smem:$0x3FA1] =	sst s0  }
0x9: {  	[smem:$0x3FA2] =	sst s1  }
0xa: {  	[smem:$0x3FA3] =	sst s2  }
0xb: {  	[smem:$0x3FA4] =	sst s3  }
0xc: {  	[smem:$0x3FA5] =	sst s4  }
0xd: {  	[smem:$0x3FA6] =	sst s5  }
0xe: {  	[smem:$0x3FA7] =	sst s6  }
0xf: {  	[smem:$0x3FA8] =	sst s7  }
0x10: {  	[smem:$0x3FA9] =	sst s8  }
0x11: {  	[smem:$0x3FAA] =	sst s9;
	s0 =	simm.s32 @!p0 $0x0  }
0x12: {  	s1 =	sld [smem:$0x3F90];
	s0 =	simm.s32 @p0 $0x1  }
0x13: {  	[smem:$0x3FAB] =	sst s0;
	s0 =	simm.s32 @!p1 $0x0  }
0x14: {  	s2 =	sld [smem:$0x3F8F];
	s0 =	simm.s32 @p1 $0x1  }
0x15: {  	[smem:$0x3FAC] =	sst s0;
	s0 =	simm.s32 @!p2 $0x0  }
0x16: {  	s3 =	sld [smem:$0x3FDB];
	s0 =	simm.s32 @p2 $0x1  }
0x17: {  	s4 =	simm.s32 $0x1BF5;
	[smem:$0x3FAE] =	sst s0  }
0x18: {  	s0 =	sld [smem:$0x3F91];
	_ =	swait.ge [sflag:s4], $0x0  }
0x19: {  	s7 =	sld [smem:$0x3F92]  }
0x1a: {  	s8 =	sadd.s32 $0xFFFFE003, lr  }
0x1b: {  	s9 =	sadd.s32 $0xFFFFFEF7, lr;
	s5 =	simm.s32 $0xFFFFFFFF;
	p2 =	slt.u32 s8, $0xFFFFF086  }
0x1c: {  	p1 =	slt.u32 s9, $0xF7A;
	s5 =	simm.s32 @!p2 $0x0  }
0x1d: {  	s5 =	simm.s32 @p1 $0x1;
	p0 =	seq.s32 s7, s2  }
0x1e: {  	s7 =	smul.u32 @!p0 $0xF7A, s2;
	p2 =	seq.s32 @!p0 s5, $0x0  }
0x1f: {  	s9 =	smul.u32 $0xF7A, s1;
	s8 =	simm.s32 @!p0 $0x1BF5;
	p2 =	por !p2, p0  }
0x20: {  	[sflag:s8] =	ssyncset.s32 @!p0 $0xFFFFF086;
	s6 =	sadd.s32 @!p0 s3, s7;
	s7 =	simm.s32 @!p0 $0x108  }
0x21: {  	s3 =	sadd.s32 s3, s9;
	s6 =	sadd.s32 @!p0 $0x88, s6;
	s7 =	simm.s32 @p2 $0x1082  }
0x22: {  	[simem:s7], [sflag:s8] =	dma.local @!p0 [hbm:s6], $0xF7A  }
0x23: {  	s9 =	sor.u32 $0xD0000000, s2;
	s6 =	simm.s32 $0x108;
	_ =	swait.ge @!p0 [sflag:s8], $0x0  }
0x24: {  	s3 =	sadd.s32 $0x88, s3;
	s6 =	simm.s32 @!p1 $0x1082;
	[sflag:s4] =	ssyncset.s32 $0xFFFFF086  }
0x25: {  	[simem:s6], [sflag:s4] =	dma.local [hbm:s3], $0xF7A  }
0x26: {  	[smem:$0x3F92] =	sst s1;
	(tag) =	ssettag s2;
	_ =	strace s9  }
0x27: {  	s1 =	sld [smem:$0x3FA2]  }
0x28: {  	s2 =	sld [smem:$0x3FA3]  }
0x29: {  	s4 =	sld [smem:$0x3FA5]  }
0x2a: {  	p0 =	seq.s32 s5, $0x0;
	s5 =	sld [smem:$0x3FA6]  }
0x2b: {  	s6 =	sld [smem:$0x3FA7]  }
0x2c: {  	s7 =	sld [smem:$0x3FA8]  }
0x2d: {  	s3 =	simm.s32 $0x108;
	s8 =	sld [smem:$0x3FA9]  }
0x2e: {  	s3 =	simm.s32 @!p0 $0x1082;
	s9 =	sld [smem:$0x3FAA]  }
0x2f: {  	lr =	sadd.s32 s0, s3;
	s0 =	sld [smem:$0x3FA1]  }
0x30: {  	s3 =	sld [smem:$0x3FA4]  }
0x31: {  	[smem:$0x3FAD] =	sst s10  }
0x32: {  	s10 =	sld [smem:$0x3FAB];
	_ =	sdelay $0x3  }
0x33: {  	p0 =	seq.s32 s10, $0x1;
	s10 =	sld [smem:$0x3FAD];
	_ =	sdelay $0x3  }
0x34: {  	[smem:$0x3FAD] =	sst s10  }
0x35: {  	s10 =	sld [smem:$0x3FAC];
	_ =	sdelay $0x3  }
0x36: {  	p1 =	seq.s32 s10, $0x1;
	s10 =	sld [smem:$0x3FAD];
	_ =	sdelay $0x3  }
0x37: {  	[smem:$0x3FAD] =	sst s10  }
0x38: {  	s10 =	sld [smem:$0x3FAE]  }
0x39: {  	_ = 	snop;
	(pc) =	sbr.ind lr, $3  }
0x3a: {  	_ = 	snop  }
0x3b: {  	_ = 	snop  }
0x3c: {  	p2 =	seq.s32 s10, $0x1;
	s10 =	sld [smem:$0x3FAD]  }
0x3d: {  	_ =	shalt  }
0x3e: {  	_ =	shalt  }
0x3f: {  	_ =	shalt  }
0x40: {  	_ =	shalt  }
0x41: {  	_ =	shalt  }
0x42: {  	_ =	shalt  }
0x43: {  	_ =	shalt  }
0x44: {  	_ =	shalt  }
0x45: {  	_ =	shalt  }
0x46: {  	_ =	shalt  }
0x47: {  	_ =	shalt  }
0x48: {  	_ =	shalt  }
0x49: {  	_ =	shalt  }
0x4a: {  	_ =	shalt  }
0x4b: {  	_ =	shalt  }
0x4c: {  	_ =	shalt  }
0x4d: {  	_ =	shalt  }
0x4e: {  	_ =	shalt  }
0x4f: {  	_ =	shalt  }
0x50: {  	_ =	shalt  }
0x51: {  	_ =	shalt  }
0x52: {  	_ =	shalt  }
0x53: {  	_ =	shalt  }
0x54: {  	_ =	shalt  }
0x55: {  	_ =	shalt  }
0x56: {  	_ =	shalt  }
0x57: {  	_ =	shalt  }
0x58: {  	_ =	shalt  }
0x59: {  	_ =	shalt  }
0x5a: {  	_ =	shalt  }
0x5b: {  	_ =	shalt  }
0x5c: {  	_ =	shalt  }
0x5d: {  	_ =	shalt  }
0x5e: {  	_ =	shalt  }
0x5f: {  	_ =	shalt  }
0x60: {  	_ =	shalt  }
0x61: {  	_ =	shalt  }
0x62: {  	_ =	shalt  }
0x63: {  	_ =	shalt  }
0x64: {  	_ =	shalt  }
0x65: {  	_ =	shalt  }
0x66: {  	_ =	shalt  }
0x67: {  	_ =	shalt  }
0x68: {  	_ =	shalt  }
0x69: {  	_ =	shalt  }
0x6a: {  	_ =	shalt  }
0x6b: {  	_ =	shalt  }
0x6c: {  	_ =	shalt  }
0x6d: {  	_ =	shalt  }
0x6e: {  	_ =	shalt  }
0x6f: {  	_ =	shalt  }
0x70: {  	_ =	shalt  }
0x71: {  	_ =	shalt  }
0x72: {  	_ =	shalt  }
0x73: {  	_ =	shalt  }
0x74: {  	_ =	shalt  }
0x75: {  	_ =	shalt  }
0x76: {  	_ =	shalt  }
0x77: {  	_ =	shalt  }
0x78: {  	_ =	shalt  }
0x79: {  	_ =	shalt  }
0x7a: {  	_ =	shalt  }
0x7b: {  	_ =	shalt  }
0x7c: {  	_ =	shalt  }
0x7d: {  	_ =	shalt  }
0x7e: {  	_ =	shalt  }
0x7f: {  	_ =	shalt  }
0x80: {  	_ =	shalt  }
0x81: {  	_ =	shalt  }
0x82: {  	_ =	shalt  }
0x83: {  	_ =	shalt  }
0x84: {  	_ =	shalt  }
0x85: {  	_ =	shalt  }
0x86: {  	_ =	shalt  }
0x87: {  	_ =	shalt  }
.Lfunc_end0:
.L_simem_size_0:
called_computation.8_lowered:
.L_overlay_start_0:
0x88: {  	s2 =	sld [smem:$0x3FD9]  }
0x89: {  	s3 =	sld [smem:$0x3FFE];
	_ =	sdelay $0x1  }
0x8a: {  	s1 =	srdreg.scid  }
0x8b: {  	s0 =	sand.u32 $0x1, s1  }
0x8c: {  	s17 =	sshll.u32 s0, $0xA;
	s2 =	sadd.s32 s3, s2  }
0x8d: {  	s2 =	sadd.s32 s2, s17  }
0x8e: {  	[smem:$0x3FB9] =	sst s2  }
0x8f: {  	_ = 	snop  }
0x90: {  	s2 =	sld [smem:$0x3FD0];
	(tm) =	ssettm $0x1  }
0x91: {  	s18 =	sld [smem:$0x3FFB];
	_ =	sdelay $0x3  }
0x92: {  	_ =	strace s18  }
0x93: {  	s3 =	sld [smem:$0x3FFC];
	_ =	sdelay $0x3  }
0x94: {  	_ =	strace s3  }
0x95: {  	s3 =	sld [smem:$0x3FFD];
	_ =	sdelay $0x3  }
0x96: {  	_ =	strace s3  }
0x97: {  	_ =	strace $0x8FFFFFFF  }
0x98: {  	s19 =	sld [smem:$0x3FDB];
	_ =	sdelay $0x1  }
0x99: {  	s4 =	simm.s32 $_scs_section_size  }
0x9a: {  	s5 =	simm.s32 $_size__tile_overlayer_lowered;
	s6 =	simm.s32 $_tile_overlayer_lowered  }
0x9b: {  	s22 =	simm.s32 $0x1BFF;
	s21 =	sshll.u32 s6, $0x1;
	s3 =	sadd.s32 s4, s19  }
0x9c: {  	s7 =	simm.s32 $0x0;
	s20 =	sshll.u32 s5, $0x1;
	s5 =	sadd.s32 s21, s3  }
0x9d: {  	[timem:s7], [sflag:s22] =	dma.local [hbm:s5], s20  }
0x9e: {  	_ =	swait.ge [sflag:s22], s20  }
0x9f: {  	s4 =	ssub.s32 $0x0, s20;
	[sflag:s22] =	ssyncset.done $0x0  }
0xa0: {  	[sflag:s22] =	ssyncadd.s32 s4;
	_ =	sdelay $0x1  }
0xa1: {  	s23 =	simm.s32 $0x1B8B  }
0xa2: {  	_ =	swait.ge [sflag:s23], $0x1  }
0xa3: {  	[sflag:s23] =	ssyncset.done $0x0  }
0xa4: {  	s25 =	simm.s32 $0x1B8E;
	s24 =	sld [smem:$0x3FFE];
	[sflag:s23] =	ssyncadd.s32 $0xFFFFFFFF  }
0xa5: {  	s26 =	simm.s32 $execute0_lowered;
	[smem:$0x3FD2] =	sst s25  }
0xa6: {  	s5 =	sshll.u32 s26, $0x1;
	_ =	strace $0x8000005E;
	[dreg:$0x1] =	wrdreg $0xFFFFFFFF  }
0xa7: {  	s28 =	simm.s32 $_size_execute0_lowered;
	s3 =	sadd.s32 s3, s5;
	[dreg:$0x0] =	wrdreg $0x0  }
0xa8: {  	s5 =	sshll.u32 s28, $0x1;
	[dreg:$0x2] =	wrdreg s3  }
0xa9: {  	[dreg:$0x3] =	wrdreg s5  }
0xaa: {  	[dreg:$0x4] =	wrdreg $0xC0  }
0xab: {  	_ =	task [dreg:s7], $0x5FFFF  }
0xac: {  	[dreg:$0x1] =	wrdreg $0xFFFFFFFF  }
0xad: {  	[dreg:$0x0] =	wrdreg $0x60  }
0xae: {  	[dreg:$0x2] =	wrdreg s2  }
0xaf: {  	[dreg:$0x3] =	wrdreg s24  }
0xb0: {  	[dreg:$0x4] =	wrdreg $0x40800  }
0xb1: {  	[dreg:$0x5] =	wrdreg $0x9  }
0xb2: {  	_ =	task.clear_ibuf [dreg:s7], $0x6FFFF;
	_ =	strace $0x9000005E  }
0xb3: {  	s29 =	simm.s32 $0x9;
	_ =	strace $0x80000060  }
0xb4: {  	_ =	swait.ge [sflag:s29], $0x1  }
0xb5: {  	[sflag:s29] =	ssyncadd.s32 $0xFFFFFFFF  }
0xb6: {  	_ =	strace $0x90000060  }
0xb7: {  	_ =	sfence  }
0xb8: {  	s30 =	sld [smem:$0x0];
	_ =	sdelay $0x2  }
0xb9: {  	s31 =	sshll.u32 s1, $0xD;
	s1 =	sshrl.u32 s1, $0x2  }
0xba: {  	s3 =	sand.u32 $0x4000, s31;
	s1 =	sadd.s32 s1, s30  }
0xbb: {  	s0 =	sor.u32 s3, s0;
	s1 =	sshll.u32 s1, $0x11  }
0xbc: {  	s0 =	sor.u32 s1, s0  }
0xbd: {  	s0 =	sadd.s32 $0x8F2B, s0  }
0xbe: {  	[sflag:s0] =	ssyncadd.remote.s32 $0x1  }
0xbf: {  	_ =	sfence.sel $0xFFFF  }
0xc0: {  	[dreg:$0x0] =	wrdreg $0xFFFFFFFF;
	(pc) =	sbr.abs _section_cstart, $3  }
0xc1: {  	[dreg:$0x1] =	wrdreg $0xFFFFFFFF  }
0xc2: {  	_ =	task.clear_ibuf [dreg:s7], $0x2FFFF;
	_ =	strace $0x9FFFFFFF  }
0xc3: {  	(tm) =	ssettm $0x7FFFFFFF  }
tec
execute0_lowered:
.L_overlay_start_1:
0x0: {  	(tag) =	ssettag $0x1  }
0x1: {  	s4 =	rddreg [dreg:$0x0]  }
0x2: {  	s11 =	rddreg [dreg:$0x1]  }
0x3: {  	s2 =	rddreg [dreg:$0x2]  }
0x4: {  	s0 =	rddreg [dreg:$0x3];
	s5 =	srdreg.scid  }
0x5: {  	s3 =	simm.s32 $0x0;
	s1 =	stileid.u32;
	s12 =	sand.u32 $0x1, s5  }
0x6: {  	[smem:$0x7FF] =	sst s3;
	s9 =	sshll.u32 s1, $0xB;
	s29 =	sshll.u32 s1, $0xE  }
0x7: {  	s30 =	sshll.u32 s1, $0x6;
	s5 =	sshll.u32 s12, $0xF;
	_ =	strace $0x8000005F  }
0x8: {  	s6 =	sadd.s32 s29, s2;
	s13 =	sor.u32 s5, s9;
	s5 =	sor.u32 $0x1C01, s30  }
0x9: {  	s6 =	sshrl.u32 s6, $0x3;
	s7 =	sadd.s32 s4, s13;
	s4 =	simm.s32 $0x1  }
0xa: {  	[spmem:s6], [sflag:s5] =	dma.local [hbm:s7], $0x800  }
0xb: {  	_ =	swait.ge [sflag:s4], $0x800  }
0xc: {  	s8 =	sshll.u32 s1, $0x4;
	[sflag:s4] =	ssyncset.done $0x0  }
0xd: {  	s8 =	sadd.s32 s8, s11;
	[sflag:s4] =	ssyncadd.s32 $0xFFFFF800  }
0xe: {  	s8 =	sadd.s32 $0x200, s8;
	[bflag:$0x0] =	sbarrier.arrive $0xFFFF  }
0xf: {  	[tilespmem:s3], [sflag:$0x1] =	stream.linear.gather [hbm4b:s8+s3], $0x80, $0x38;
	[tilespmem:$0x8088] =	vst v63  }
0x10: {  	_ =	swait.ge [sflag:s4], $0x80  }
0x11: {  	s9 =	sadd.s32 s9, s11;
	[sflag:s4] =	ssyncset.done $0x0  }
0x12: {  	s10 =	sadd.s32 $0x400, s9;
	s9 =	simm.s32 $0x80;
	[sflag:s4] =	ssyncadd.s32 $0xFFFFFF80  }
0x13: {  	[tilespmem:s9], [sflag:$0x1] =	stream.linear.gather [hbm4b:s10+s3], $0x4000, $0x38;
	[tilespmem:$0x8088] =	vst v63  }
0x14: {  	_ =	swait.ge [sflag:s4], $0x4000  }
0x15: {  	[sflag:s4] =	ssyncset.done $0x0  }
0x16: {  	[sflag:s4] =	ssyncadd.s32 $0xFFFFC000  }
0x17: {  	v1 =	vld [tilespmem:$0x50]  }
0x18: {  	v2 =	vld [tilespmem:$0x30]  }
0x19: {  	v3 =	vld [tilespmem:$0x20]  }
0x1a: {  	s14 =	sshll.u32 s12, $0xB;
	s12 =	ssub.s32 $0x2, s12;
	v4 =	vld [tilespmem:$0x10]  }
0x1b: {  	v0 =	vmov s14;
	s31 =	sshrl.u32 s12, $0x1;
	v5 =	vld [tilespmem:$0x40]  }
0x1c: {  	s12 =	ssub.s32 s12, s31;
	v6 =	vld [tilespmem:$0x0];
	v1 =	vsub.s32 v1, v0  }
0x1d: {  	s12 =	smax.u32 s12, $0x1;
	v7 =	vld [tilespmem:$0x60];
	v2 =	vsub.s32 v2, v0;
	v1 =	vmin.u32 v1, $0x800  }
0x1e: {  	p0 =	sne.s32 s12, $0x1;
	v8 =	vld [tilespmem:$0x70];
	v3 =	vsub.s32 v3, v0;
	v2 =	vmin.u32 v2, $0x800;
	[tilespmem:$0x50] =	vst v1  }
.Ltmp0:
0x1f: {  	v3 =	vmin.u32 v3, $0x800;
	v1 =	vsub.s32 v4, v0;
	[tilespmem:$0x30] =	vst v2;
	(pc) =	sbr.rel @!p0 .LBB2_2-.Ltmp0, $4  }
0x20: {  	[tilespmem:$0x20] =	vst v3;
	v2 =	vsub.s32 v5, v0;
	v1 =	vmin.u32 v1, $0x800  }
0x21: {  	v3 =	vsub.s32 v6, v0;
	[tilespmem:$0x10] =	vst v1;
	v1 =	vmin.u32 v2, $0x800  }
0x22: {  	s11 =	sadd.s32 s13, s11;
	v2 =	vmin.u32 v3, $0x800;
	[tilespmem:$0x40] =	vst v1;
	v1 =	vsub.s32 v7, v0  }
0x23: {  	s11 =	sadd.s32 $0x8400, s11;
	s12 =	sadd.s32 $0xFFFFFFFF, s12;
	[tilespmem:$0x0] =	vst v2;
	v2 =	vsub.s32 v8, v0;
	v1 =	vmin.u32 v1, $0x800  }
.LBB2_1:
0x24: {  	p0 =	sne.s32 s12, $0x1;
	s12 =	sadd.s32 $0xFFFFFFFF, s12;
	[tilespmem:$0x60] =	vst v1;
	v1 =	vmin.u32 v2, $0x800  }
0x25: {  	[tilespmem:$0x70] =	vst v1  }
0x26: {  	[spmem:s2] =	stream.indirect.scatter.add.f32 [tilespmem:s9], [sflag:$0x1], $0x80, s3, s9, $0xb8;
	[tilespmem:$0x8088] =	vst v63  }
0x27: {  	_ =	swait.ge [sflag:s4], $0x4000  }
0x28: {  	[sflag:s4] =	ssyncset.done $0x0  }
0x29: {  	[sflag:s4] =	ssyncadd.s32 $0xFFFFC000  }
0x2a: {  	[bflag:$0x0] =	sbarrier.arrive $0xFFFF  }
0x2b: {  	[hbm:s11], [sflag:s5] =	dma.local [spmem:s6], $0x800  }
0x2c: {  	_ =	swait.ge [sflag:s4], $0x800  }
0x2d: {  	[sflag:s4] =	ssyncset.done $0x0  }
0x2e: {  	[sflag:s4] =	ssyncadd.s32 $0xFFFFF800  }
0x2f: {  	[spmem:s6], [sflag:s5] =	dma.local [hbm:s7], $0x800  }
0x30: {  	_ =	swait.ge [sflag:s4], $0x800  }
0x31: {  	[sflag:s4] =	ssyncset.done $0x0  }
0x32: {  	[sflag:s4] =	ssyncadd.s32 $0xFFFFF800  }
0x33: {  	[bflag:$0x0] =	sbarrier.arrive $0xFFFF  }
0x34: {  	[tilespmem:s3], [sflag:$0x1] =	stream.linear.gather [hbm4b:s8+s3], $0x80, $0x38;
	[tilespmem:$0x8088] =	vst v63  }
0x35: {  	_ =	swait.ge [sflag:s4], $0x80  }
0x36: {  	[sflag:s4] =	ssyncset.done $0x0  }
0x37: {  	[sflag:s4] =	ssyncadd.s32 $0xFFFFFF80  }
0x38: {  	[tilespmem:s9], [sflag:$0x1] =	stream.linear.gather [hbm4b:s10+s3], $0x4000, $0x38;
	[tilespmem:$0x8088] =	vst v63  }
0x39: {  	_ =	swait.ge [sflag:s4], $0x4000  }
0x3a: {  	[sflag:s4] =	ssyncset.done $0x0  }
0x3b: {  	[sflag:s4] =	ssyncadd.s32 $0xFFFFC000  }
0x3c: {  	v1 =	vld [tilespmem:$0x50]  }
0x3d: {  	v2 =	vld [tilespmem:$0x30]  }
0x3e: {  	v3 =	vld [tilespmem:$0x20]  }
0x3f: {  	v4 =	vld [tilespmem:$0x10]  }
0x40: {  	v5 =	vld [tilespmem:$0x40]  }
0x41: {  	v6 =	vld [tilespmem:$0x0];
	v1 =	vsub.s32 v1, v0  }
0x42: {  	v2 =	vsub.s32 v2, v0;
	v1 =	vmin.u32 v1, $0x800;
	v7 =	vld [tilespmem:$0x60]  }
0x43: {  	v3 =	vsub.s32 v3, v0;
	v2 =	vmin.u32 v2, $0x800;
	[tilespmem:$0x50] =	vst v1;
	v8 =	vld [tilespmem:$0x70]  }
.Ltmp1:
0x44: {  	v1 =	vsub.s32 v4, v0;
	v3 =	vmin.u32 v3, $0x800;
	[tilespmem:$0x30] =	vst v2;
	(pc) =	sbr.rel @p0 .LBB2_1-.Ltmp1, $4  }
0x45: {  	v1 =	vmin.u32 v1, $0x800;
	[tilespmem:$0x20] =	vst v3;
	v2 =	vsub.s32 v5, v0  }
0x46: {  	v3 =	vsub.s32 v6, v0;
	[tilespmem:$0x10] =	vst v1;
	v1 =	vmin.u32 v2, $0x800  }
0x47: {  	v2 =	vmin.u32 v3, $0x800;
	[tilespmem:$0x40] =	vst v1;
	v1 =	vsub.s32 v7, v0  }
0x48: {  	[tilespmem:$0x0] =	vst v2;
	v1 =	vmin.u32 v1, $0x800;
	v2 =	vsub.s32 v8, v0  }
.LBB2_2:
0x49: {  	[tilespmem:$0x60] =	vst v1;
	v0 =	vmin.u32 v2, $0x800  }
0x4a: {  	[tilespmem:$0x70] =	vst v0  }
0x4b: {  	[spmem:s2] =	stream.indirect.scatter.add.f32 [tilespmem:s9], [sflag:$0x1], $0x80, s3, s9, $0xb8;
	[tilespmem:$0x8088] =	vst v63  }
0x4c: {  	_ =	swait.ge [sflag:s4], $0x4000  }
0x4d: {  	[sflag:s4] =	ssyncset.done $0x0  }
0x4e: {  	[sflag:s4] =	ssyncadd.s32 $0xFFFFC000  }
0x4f: {  	[bflag:$0x0] =	sbarrier.arrive $0xFFFF  }
0x50: {  	[hbm:s11], [sflag:s5] =	dma.local [spmem:s6], $0x800  }
0x51: {  	_ =	swait.ge [sflag:s4], $0x800  }
0x52: {  	[sflag:s4] =	ssyncset.done $0x0  }
0x53: {  	[sflag:s4] =	ssyncadd.s32 $0xFFFFF800  }
0x54: {  	_ =	sfence.sel $0x180000  }
0x55: {  	[bflag:$0x0] =	sbarrier.arrive $0xFFFF  }
0x56: {  	p0 =	sne.s32 s1, $0x0;
	_ =	strace $0x9000005F  }
0x57: {  	s0 =	sadd.s32 @!p0 $0x100000, s0;
	[bflag:$0x2] =	sbarrier.arrive $0xFFFF  }
0x58: {  	[sflag:s0] =	ssyncadd.tile.s32 @!p0 $0x1;
	_ =	shalt  }
.Lfunc_end2:
_tile_overlayer_lowered:
.L_overlay_start_2:
0x59: {  	(tag) =	ssettag $0x2  }
0x5a: {  	s0 =	rddreg [dreg:$0x0];
	s2 =	stileid.u32  }
0x5b: {  	s1 =	rddreg [dreg:$0x1];
	p0 =	sne.s32 s2, $0x0  }
0x5c: {  	s3 =	rddreg [dreg:$0x2];
	[bflag:$0x3] =	sbarrier.arrive $0xFFFF;
	s2 =	simm.s32 @!p0 $0x1C01  }
0x5d: {  	[timem:s3], [sflag:s2] =	dma.local @!p0 [hbm:s0], s1  }
0x5e: {  	s0 =	simm.s32 @!p0 $0x1  }
0x5f: {  	_ =	swait.ge @!p0 [sflag:s0], s1  }
0x60: {  	s1 =	ssub.s32 @!p0 $0x0, s1;
	[sflag:s0] =	ssyncset.done @!p0 $0x0  }
0x61: {  	[sflag:s0] =	ssyncadd.s32 @!p0 s1  }
0x62: {  	[bflag:$0x3] =	sbarrier.arrive $0xFFFF  }
0x63: {  	_ =	shalt  }

// kernel: scatter_offload_async_start
scs
__scs_entry_jumppad:
0x0: {  	(pc) =	sbr.rel $0x88, $3  }
0x1: {  	(tag) =	ssettag $0x0;
	lr =	simm.s32 $0x1  }
0x2: {  	[smem:$0x3F92] =	sst lr;
	_ =	strace $0xD0000000  }
0x3: {  	_ = 	snop  }
0x4: {  	_ = 	snop  }
0x5: {  	_ = 	snop  }
0x6: {  	_ = 	snop  }
0x7: {  	_ = 	snop  }
__scs_overlays_trampoline_lowered:
0x8: {  	[smem:$0x3FA1] =	sst s0  }
0x9: {  	[smem:$0x3FA2] =	sst s1  }
0xa: {  	[smem:$0x3FA3] =	sst s2  }
0xb: {  	[smem:$0x3FA4] =	sst s3  }
0xc: {  	[smem:$0x3FA5] =	sst s4  }
0xd: {  	[smem:$0x3FA6] =	sst s5  }
0xe: {  	[smem:$0x3FA7] =	sst s6  }
0xf: {  	[smem:$0x3FA8] =	sst s7  }
0x10: {  	[smem:$0x3FA9] =	sst s8  }
0x11: {  	[smem:$0x3FAA] =	sst s9;
	s0 =	simm.s32 @!p0 $0x0  }
0x12: {  	s1 =	sld [smem:$0x3F90];
	s0 =	simm.s32 @p0 $0x1  }
0x13: {  	[smem:$0x3FAB] =	sst s0;
	s0 =	simm.s32 @!p1 $0x0  }
0x14: {  	s2 =	sld [smem:$0x3F8F];
	s0 =	simm.s32 @p1 $0x1  }
0x15: {  	[smem:$0x3FAC] =	sst s0;
	s0 =	simm.s32 @!p2 $0x0  }
0x16: {  	s3 =	sld [smem:$0x3FDB];
	s0 =	simm.s32 @p2 $0x1  }
0x17: {  	s4 =	simm.s32 $0x1BF5;
	[smem:$0x3FAE] =	sst s0  }
0x18: {  	s0 =	sld [smem:$0x3F91];
	_ =	swait.ge [sflag:s4], $0x0  }
0x19: {  	s7 =	sld [smem:$0x3F92]  }
0x1a: {  	s8 =	sadd.s32 $0xFFFFE003, lr  }
0x1b: {  	s9 =	sadd.s32 $0xFFFFFEF7, lr;
	s5 =	simm.s32 $0xFFFFFFFF;
	p2 =	slt.u32 s8, $0xFFFFF086  }
0x1c: {  	p1 =	slt.u32 s9, $0xF7A;
	s5 =	simm.s32 @!p2 $0x0  }
0x1d: {  	s5 =	simm.s32 @p1 $0x1;
	p0 =	seq.s32 s7, s2  }
0x1e: {  	s7 =	smul.u32 @!p0 $0xF7A, s2;
	p2 =	seq.s32 @!p0 s5, $0x0  }
0x1f: {  	s9 =	smul.u32 $0xF7A, s1;
	s8 =	simm.s32 @!p0 $0x1BF5;
	p2 =	por !p2, p0  }
0x20: {  	[sflag:s8] =	ssyncset.s32 @!p0 $0xFFFFF086;
	s6 =	sadd.s32 @!p0 s3, s7;
	s7 =	simm.s32 @!p0 $0x108  }
0x21: {  	s3 =	sadd.s32 s3, s9;
	s6 =	sadd.s32 @!p0 $0x88, s6;
	s7 =	simm.s32 @p2 $0x1082  }
0x22: {  	[simem:s7], [sflag:s8] =	dma.local @!p0 [hbm:s6], $0xF7A  }
0x23: {  	s9 =	sor.u32 $0xD0000000, s2;
	s6 =	simm.s32 $0x108;
	_ =	swait.ge @!p0 [sflag:s8], $0x0  }
0x24: {  	s3 =	sadd.s32 $0x88, s3;
	s6 =	simm.s32 @!p1 $0x1082;
	[sflag:s4] =	ssyncset.s32 $0xFFFFF086  }
0x25: {  	[simem:s6], [sflag:s4] =	dma.local [hbm:s3], $0xF7A  }
0x26: {  	[smem:$0x3F92] =	sst s1;
	(tag) =	ssettag s2;
	_ =	strace s9  }
0x27: {  	s1 =	sld [smem:$0x3FA2]  }
0x28: {  	s2 =	sld [smem:$0x3FA3]  }
0x29: {  	s4 =	sld [smem:$0x3FA5]  }
0x2a: {  	p0 =	seq.s32 s5, $0x0;
	s5 =	sld [smem:$0x3FA6]  }
0x2b: {  	s6 =	sld [smem:$0x3FA7]  }
0x2c: {  	s7 =	sld [smem:$0x3FA8]  }
0x2d: {  	s3 =	simm.s32 $0x108;
	s8 =	sld [smem:$0x3FA9]  }
0x2e: {  	s3 =	simm.s32 @!p0 $0x1082;
	s9 =	sld [smem:$0x3FAA]  }
0x2f: {  	lr =	sadd.s32 s0, s3;
	s0 =	sld [smem:$0x3FA1]  }
0x30: {  	s3 =	sld [smem:$0x3FA4]  }
0x31: {  	[smem:$0x3FAD] =	sst s10  }
0x32: {  	s10 =	sld [smem:$0x3FAB];
	_ =	sdelay $0x3  }
0x33: {  	p0 =	seq.s32 s10, $0x1;
	s10 =	sld [smem:$0x3FAD];
	_ =	sdelay $0x3  }
0x34: {  	[smem:$0x3FAD] =	sst s10  }
0x35: {  	s10 =	sld [smem:$0x3FAC];
	_ =	sdelay $0x3  }
0x36: {  	p1 =	seq.s32 s10, $0x1;
	s10 =	sld [smem:$0x3FAD];
	_ =	sdelay $0x3  }
0x37: {  	[smem:$0x3FAD] =	sst s10  }
0x38: {  	s10 =	sld [smem:$0x3FAE]  }
0x39: {  	_ = 	snop;
	(pc) =	sbr.ind lr, $3  }
0x3a: {  	_ = 	snop  }
0x3b: {  	_ = 	snop  }
0x3c: {  	p2 =	seq.s32 s10, $0x1;
	s10 =	sld [smem:$0x3FAD]  }
0x3d: {  	_ =	shalt  }
0x3e: {  	_ =	shalt  }
0x3f: {  	_ =	shalt  }
0x40: {  	_ =	shalt  }
0x41: {  	_ =	shalt  }
0x42: {  	_ =	shalt  }
0x43: {  	_ =	shalt  }
0x44: {  	_ =	shalt  }
0x45: {  	_ =	shalt  }
0x46: {  	_ =	shalt  }
0x47: {  	_ =	shalt  }
0x48: {  	_ =	shalt  }
0x49: {  	_ =	shalt  }
0x4a: {  	_ =	shalt  }
0x4b: {  	_ =	shalt  }
0x4c: {  	_ =	shalt  }
0x4d: {  	_ =	shalt  }
0x4e: {  	_ =	shalt  }
0x4f: {  	_ =	shalt  }
0x50: {  	_ =	shalt  }
0x51: {  	_ =	shalt  }
0x52: {  	_ =	shalt  }
0x53: {  	_ =	shalt  }
0x54: {  	_ =	shalt  }
0x55: {  	_ =	shalt  }
0x56: {  	_ =	shalt  }
0x57: {  	_ =	shalt  }
0x58: {  	_ =	shalt  }
0x59: {  	_ =	shalt  }
0x5a: {  	_ =	shalt  }
0x5b: {  	_ =	shalt  }
0x5c: {  	_ =	shalt  }
0x5d: {  	_ =	shalt  }
0x5e: {  	_ =	shalt  }
0x5f: {  	_ =	shalt  }
0x60: {  	_ =	shalt  }
0x61: {  	_ =	shalt  }
0x62: {  	_ =	shalt  }
0x63: {  	_ =	shalt  }
0x64: {  	_ =	shalt  }
0x65: {  	_ =	shalt  }
0x66: {  	_ =	shalt  }
0x67: {  	_ =	shalt  }
0x68: {  	_ =	shalt  }
0x69: {  	_ =	shalt  }
0x6a: {  	_ =	shalt  }
0x6b: {  	_ =	shalt  }
0x6c: {  	_ =	shalt  }
0x6d: {  	_ =	shalt  }
0x6e: {  	_ =	shalt  }
0x6f: {  	_ =	shalt  }
0x70: {  	_ =	shalt  }
0x71: {  	_ =	shalt  }
0x72: {  	_ =	shalt  }
0x73: {  	_ =	shalt  }
0x74: {  	_ =	shalt  }
0x75: {  	_ =	shalt  }
0x76: {  	_ =	shalt  }
0x77: {  	_ =	shalt  }
0x78: {  	_ =	shalt  }
0x79: {  	_ =	shalt  }
0x7a: {  	_ =	shalt  }
0x7b: {  	_ =	shalt  }
0x7c: {  	_ =	shalt  }
0x7d: {  	_ =	shalt  }
0x7e: {  	_ =	shalt  }
0x7f: {  	_ =	shalt  }
0x80: {  	_ =	shalt  }
0x81: {  	_ =	shalt  }
0x82: {  	_ =	shalt  }
0x83: {  	_ =	shalt  }
0x84: {  	_ =	shalt  }
0x85: {  	_ =	shalt  }
0x86: {  	_ =	shalt  }
0x87: {  	_ =	shalt  }
.Lfunc_end0:
.L_simem_size_0:
called_computation_lowered:
.L_overlay_start_0:
0x88: {  	s0 =	sld [smem:$0x3FD9]  }
0x89: {  	s1 =	sld [smem:$0x3FFE];
	_ =	sdelay $0x3  }
0x8a: {  	s0 =	sadd.s32 s1, s0  }
0x8b: {  	[smem:$0x3FB9] =	sst s0  }
0x8c: {  	_ = 	snop  }
0x8d: {  	s0 =	sld [smem:$0x3FD0];
	(tm) =	ssettm $0x1  }
0x8e: {  	s16 =	sld [smem:$0x3FFB];
	_ =	sdelay $0x3  }
0x8f: {  	_ =	strace s16  }
0x90: {  	s1 =	sld [smem:$0x3FFC];
	_ =	sdelay $0x3  }
0x91: {  	_ =	strace s1  }
0x92: {  	s1 =	sld [smem:$0x3FFD];
	_ =	sdelay $0x3  }
0x93: {  	_ =	strace s1  }
0x94: {  	_ =	strace $0x8FFFFFFF  }
0x95: {  	s17 =	sld [smem:$0x3FDB];
	_ =	sdelay $0x1  }
0x96: {  	s2 =	simm.s32 $_scs_section_size  }
0x97: {  	s3 =	simm.s32 $_size__tile_overlayer_lowered;
	s4 =	simm.s32 $_tile_overlayer_lowered  }
0x98: {  	s20 =	simm.s32 $0x1BFF;
	s19 =	sshll.u32 s4, $0x1;
	s1 =	sadd.s32 s2, s17  }
0x99: {  	s5 =	simm.s32 $0x0;
	s18 =	sshll.u32 s3, $0x1;
	s3 =	sadd.s32 s19, s1  }
0x9a: {  	[timem:s5], [sflag:s20] =	dma.local [hbm:s3], s18  }
0x9b: {  	_ =	swait.ge [sflag:s20], s18  }
0x9c: {  	s2 =	ssub.s32 $0x0, s18;
	[sflag:s20] =	ssyncset.done $0x0  }
0x9d: {  	[sflag:s20] =	ssyncadd.s32 s2;
	_ =	sdelay $0x1  }
0x9e: {  	s21 =	simm.s32 $0x1B8B  }
0x9f: {  	_ =	swait.ge [sflag:s21], $0x1  }
0xa0: {  	[sflag:s21] =	ssyncset.done $0x0  }
0xa1: {  	s23 =	simm.s32 $0x1B8E;
	s22 =	sld [smem:$0x3FFE];
	[sflag:s21] =	ssyncadd.s32 $0xFFFFFFFF  }
0xa2: {  	s24 =	simm.s32 $execute0_lowered;
	[smem:$0x3FD2] =	sst s23  }
0xa3: {  	s3 =	sshll.u32 s24, $0x1;
	_ =	strace $0x80000046;
	[dreg:$0x1] =	wrdreg $0xFFFFFFFF  }
0xa4: {  	s25 =	simm.s32 $_size_execute0_lowered;
	s1 =	sadd.s32 s1, s3;
	[dreg:$0x0] =	wrdreg $0x0  }
0xa5: {  	s3 =	sshll.u32 s25, $0x1;
	[dreg:$0x2] =	wrdreg s1  }
0xa6: {  	[dreg:$0x3] =	wrdreg s3  }
0xa7: {  	[dreg:$0x4] =	wrdreg $0xC0  }
0xa8: {  	_ =	task [dreg:s5], $0x5FFFF  }
0xa9: {  	[dreg:$0x1] =	wrdreg $0xFFFFFFFF  }
0xaa: {  	[dreg:$0x0] =	wrdreg $0x60  }
0xab: {  	[dreg:$0x2] =	wrdreg s22  }
0xac: {  	[dreg:$0x3] =	wrdreg s0  }
0xad: {  	[dreg:$0x4] =	wrdreg $0x9  }
0xae: {  	_ =	task.clear_ibuf [dreg:s5], $0x5FFFF;
	_ =	strace $0x90000046  }
0xaf: {  	s26 =	simm.s32 $0x9;
	_ =	strace $0x80000048  }
0xb0: {  	_ =	swait.ge [sflag:s26], $0x1  }
0xb1: {  	[sflag:s26] =	ssyncadd.s32 $0xFFFFFFFF  }
0xb2: {  	_ =	strace $0x90000048  }
0xb3: {  	_ =	sfence  }
0xb4: {  	s28 =	sld [smem:$0x0];
	_ =	sdelay $0x1  }
0xb5: {  	s29 =	srdreg.scid  }
0xb6: {  	s30 =	sshll.u32 s29, $0xD;
	s31 =	sshrl.u32 s29, $0x2  }
0xb7: {  	s2 =	sand.u32 $0x4000, s30;
	s1 =	sand.u32 $0x1, s29;
	s0 =	sadd.s32 s31, s28  }
0xb8: {  	s1 =	sor.u32 s2, s1;
	s0 =	sshll.u32 s0, $0x11  }
0xb9: {  	s0 =	sor.u32 s0, s1  }
0xba: {  	s0 =	sadd.s32 $0x8F2B, s0  }
0xbb: {  	[sflag:s0] =	ssyncadd.remote.s32 $0x1  }
0xbc: {  	_ =	sfence.sel $0xFFFF  }
0xbd: {  	[dreg:$0x0] =	wrdreg $0xFFFFFFFF;
	(pc) =	sbr.abs _section_cstart, $3  }
0xbe: {  	[dreg:$0x1] =	wrdreg $0xFFFFFFFF  }
0xbf: {  	_ =	task.clear_ibuf [dreg:s5], $0x2FFFF;
	_ =	strace $0x9FFFFFFF  }
0xc0: {  	(tm) =	ssettm $0x7FFFFFFF  }
0xc1: {  	_ =	shalt  }
tec
execute0_lowered:
.L_overlay_start_1:
0x0: {  	(tag) =	ssettag $0x1  }
0x1: {  	s0 =	rddreg [dreg:$0x0];
	_ =	strace $0x80000047;
	s4 =	simm.s32 $0x1  }
0x2: {  	v1 =	vimm.s32 $0xFFFFFFFF;
	[sflag:s4] =	ssyncpa.u1 $0x0  }
0x3: {  	[tilespmem:$0x10] =	vst v1  }
0x4: {  	v0 =	vimm.f32 $0.0e+00;
	[tilespmem:$0x20] =	vst v1  }
0x5: {  	[tilespmem:$0x30] =	vst v0  }
0x6: {  	s2 =	simm.s32 $0x2;
	s6 =	simm.s32 $0x7;
	s26 =	stileid.u32;
	[tilespmem:$0x40] =	vst v0  }
0x7: {  	s7 =	simm.s32 $0x8;
	s31 =	simm.s32 $0x9;
	s14 =	simm.s32 $0x0;
	[tilespmem:$0x50] =	vst v0  }
0x8: {  	s15 =	simm.s32 $0x100;
	s17 =	simm.s32 $0x10FF;
	s18 =	simm.s32 $0x10;
	[tilespmem:$0x60] =	vst v1  }
0x9: {  	s19 =	simm.s32 $0x9100;
	s20 =	simm.s32 $0xF;
	s21 =	simm.s32 $0x50;
	[tilespmem:$0x70] =	vst v1  }
0xa: {  	s22 =	simm.s32 $0x40FF;
	s23 =	simm.s32 $0x20;
	s24 =	simm.s32 $0x30;
	[tilespmem:$0x80] =	vst v1  }
0xb: {  	s25 =	simm.s32 $0x80FF;
	s30 =	simm.s32 $0x0;
	s29 =	simm.s32 $0x0;
	v1 =	vimm.s32 $0x0;
	[tilespmem:$0xB0] =	vst v0  }
.Ltmp0:
0xc: {  	s1 =	sadd.s32 $0xA000, s0;
	s5 =	sadd.s32 $0x8000, s0;
	[tilespmem:$0x90] =	vst v1;
	(pc) =	sbr.rel .LBB2_1-.Ltmp0, $4  }
0xd: {  	s8 =	sshll.u32 s26, $0xC;
	s10 =	sshll.u32 s26, $0x1;
	[tilespmem:$0xA0] =	vst v1;
	[sflag:s2] =	ssyncpa.u1 $0x0  }
0xe: {  	s12 =	sshllo.u32 s26, $0x1;
	s26 =	simm.s32 $0x80;
	[sflag:s6] =	ssyncpa.u1 $0x0  }
0xf: {  	vm0 =	vmmov $0xffff;
	v2 =	vlaneseq.u32;
	s9 =	sadd.s32 $0x1000, s8;
	s11 =	sor.u32 $0x81, s10;
	[sflag:s7] =	ssyncpa.u1 $0x0  }
0x10: {  	vm1 =	vmxor vm1, vm1;
	vm2 =	vmmov $0x1;
	vm3 =	vcmask $0x3F3C;
	s13 =	sor.u32 $0x80, s10;
	s28 =	smov.u32 s8;
	[sflag:s31] =	ssyncpa.u1 $0x0  }
.LBB2_3:
0x11: {  	s0 =	sshrl.u32 s28, $0x3;
	s2 =	rddreg [dreg:$0x1]  }
0x12: {  	s31 =	sand.u32 $0x7, s28;
	s0 =	sadd.s32 s2, s0  }
0x13: {  	[tilespmem:s15], [sflag:$0x7] =	stream.linear.gather [hbm4b:s0+s31], $0x1000, $0x38;
	[tilespmem:$0x9120] =	vst v63  }
.LBB2_4:
0x14: {  	s0 =	sadd.s32 $0x1000, s28  }
0x15: {  	s2 =	smov.u32 s8;
	s29 =	sadd.s32 $0x1, s29;
	p0 =	slt.s32 s0, s9  }
0x16: {  	s2 =	smov.u32 @p0 s0;
	p0 =	sne.s32 s29, $0x4  }
.Ltmp1:
0x17: {  	_ = 	snop;
	(pc) =	sbr.rel @!p0 .LBB2_13-.Ltmp1, $2  }
0x18: {  	_ =	sdelay $0x2  }
0x19: {  	s30 =	smov.u32 s28;
	s28 =	smov.u32 s2  }
.LBB2_1:
0x1a: {  	p0 =	sgt.s32 s29, $0x1  }
.Ltmp2:
0x1b: {  	_ = 	snop;
	(pc) =	sbr.rel @p0 .LBB2_11-.Ltmp2, $1  }
0x1c: {  	_ =	sdelay $0x3  }
0x1d: {  	p0 =	seq.s32 s29, $0x0  }
.Ltmp3:
0x1e: {  	_ = 	snop;
	(pc) =	sbr.rel @p0 .LBB2_3-.Ltmp3, $1  }
0x1f: {  	_ =	sdelay $0x3  }
0x20: {  	_ =	swait.ge [sflag:s6], $0x1000  }
0x21: {  	[sflag:s6] =	ssyncset.done $0x0  }
0x22: {  	[sflag:s6] =	ssyncadd.s32 $0xFFFFF000;
	(ifvalue) =	ssetifvalue $0xFFFFFFFF;
	v3 =	vld.msk [tilespmem:s15+$0x0 ss:$0x1], $0xffff;
	_ =	sdelay $0x4  }
0x23: {  	v4 =	vperm.xlane v3, v1  }
0x24: {  	vm4 =	vlt.u32 v3, $0x1000000  }
0x25: {  	v3 =	vnsel vm4, $0xFFFFFFFE, v3;
	vm4 =	vlt.u32 v4, $0x1000000  }
0x26: {  	[tilespmem:$0x70] =	vst v3;
	v3 =	vnsel vm4, $0xFFFFFFFE, v4  }
0x27: {  	s16 =	simm.s32 $0x10F0;
	[tilespmem:$0x80] =	vst v3  }
0x28: {  	v3 =	vld.msk [tilespmem:s16+$0x0 ss:$0x1], $0xffff;
	_ =	sdelay $0x4  }
0x29: {  	(xrf1) =	vunique.msk.u32 $0xffff, v3;
	_ =	sdelay $0xd  }
0x2a: {  	v4 =	vimm.s32 $0xFFFFFFFF;
	v5, _, _ =	vpop (xrf1)  }
0x2b: {  	vm5 =	vne.s32 v3, v4;
	vm4 =	veq.s32 v5, v2  }
0x2c: {  	vm6 =	vlt.u32 v3, $0x1000000;
	vm4 =	vmand vm5, vm4  }
0x2d: {  	vm4 =	vmand vm6, vm4  }
0x2e: {  	v4 =	vnsel vm4, $0xFFFFFFFF, v3;
	_ =	sdelay $0x3  }
0x2f: {  	s0 =	simm.s32 $0x40F0;
	(ifvalue) =	ssetifvalue $0xFFFFFFFF  }
0x30: {  	v3 =	vperm.xlane v3, v1;
	[tilespmem:s0], [sflag:$0x8] =	stream.indirect_vreg.gather [hbm4b:s1+s14], $0x1, v4, vm0, $0x4038;
	v4 =	vnsel vm6, $0xFFFFFFFE, v4;
	[tilespmem:$0x9120] =	vst v63  }
0x31: {  	s2 =	simm.s32 $0x0;
	s3 =	simm.s32 $0x10E0;
	[tilespmem:s16+$0x0] =	vst v4  }
.LBB2_6:
0x32: {  	v4 =	vld.msk [tilespmem:s3+$0x0 ss:$0x1], $0xffff;
	s2 =	sadd.s32 $0x10, s2;
	v5 =	vmov v3;
	s16 =	smov.u32 s3  }
0x33: {  	p0 =	slt.u32 s2, $0xFF0;
	_ =	sdelay $0x4  }
0x34: {  	v3 =	vperm.xlane v4, v1;
	(xrf1) =	vunique.msk.u32 $0xffff, v4;
	_ =	sdelay $0xd  }
0x35: {  	v6, _, _ =	vpop (xrf1)  }
0x36: {  	vm5 =	vne.s32 v4, v5;
	vm4 =	veq.s32 v6, v2  }
0x37: {  	vm6 =	vlt.u32 v4, $0x1000000;
	vm4 =	vmand vm5, vm4  }
0x38: {  	vm4 =	vmand vm6, vm4  }
0x39: {  	v4 =	vnsel vm4, $0xFFFFFFFF, v4  }
.Ltmp4:
0x3a: {  	v5 =	vnsel vm6, $0xFFFFFFFE, v4;
	(pc) =	sbr.rel @p0 .LBB2_6-.Ltmp4, $3  }
0x3b: {  	_ =	sdelay $0x1  }
0x3c: {  	s3 =	sadd.s32 $0xFFFFFFF0, s3;
	s0 =	sadd.s32 $0xFFFFFFF0, s0;
	(ifvalue) =	ssetifvalue $0xFFFFFFFF  }
0x3d: {  	[tilespmem:s0], [sflag:$0x8] =	stream.indirect_vreg.gather [hbm4b:s1+s14], $0x1, v4, vm0, $0x4038;
	[tilespmem:s16+$0x0] =	vst v5  }
.Ltmp5:
0x3e: {  	(pc) =	sbr.rel .LBB2_4-.Ltmp5, $4  }
0x3f: {  	_ = 	snop  }
0x40: {  	s0 =	sshrl.u32 s30, $0x3  }
0x41: {  	s2 =	simm.s32 $0x5100;
	s0 =	sadd.s32 s5, s0  }
0x42: {  	[tilespmem:s2], [sflag:$0x8] =	stream.linear.gather [hbm:s0], $0x1000, $0x38;
	[tilespmem:$0x9120] =	vst v63  }
.LBB2_11:
0x43: {  	p0 =	seq.s32 s29, $0x2  }
.Ltmp6:
0x44: {  	_ = 	snop;
	(pc) =	sbr.rel @!p0 .LBB2_12-.Ltmp6, $1  }
0x45: {  	_ =	sdelay $0x3  }
0x46: {  	_ =	swait.ge [sflag:s7], $0x2000  }
0x47: {  	[sflag:s7] =	ssyncset.done $0x0  }
0x48: {  	[sflag:s7] =	ssyncadd.s32 $0xFFFFE000  }
0x49: {  	[spmem:s11] =	stream.linear.scatter [tilespmem:s17], [sflag:$0x1], $0x1, $0x38;
	[tilespmem:$0x9120] =	vst v63  }
0x4a: {  	_ =	swait.ge [sflag:s4], $0x1  }
0x4b: {  	[sflag:s4] =	ssyncset.done $0x0  }
0x4c: {  	[sflag:s4] =	ssyncadd.s32 $0xFFFFFFFF  }
0x4d: {  	v4 =	vld [tilespmem:$0x10]  }
0x4e: {  	v5 =	vld [tilespmem:$0x70]  }
0x4f: {  	v3 =	vld [tilespmem:$0x80];
	_ =	sdelay $0x2  }
0x50: {  	(v2sf) =	vpush v4, $0x0  }
0x51: {  	(v2sf) =	vpush v5, $0x0  }
0x52: {  	(v2sf) =	vpush v3, $0x0;
	_ =	sdelay $0xc  }
0x53: {  	s0 =	spop (v2sf)  }
0x54: {  	s2 =	spop (v2sf)  }
0x55: {  	s30 =	spop (v2sf)  }
0x56: {  	p0 =	seq.s32 s0, s2;
	p1 =	seq.s32 s30, s0  }
0x57: {  	p1 =	por p0, p1  }
0x58: {  	v4 =	vpsel p1, $0xFFFFFFFF, v4  }
0x59: {  	[tilespmem:s18+$0x0] =	vst.msk $0x1, v4  }
0x5a: {  	v4 =	vld [tilespmem:$0x30]  }
0x5b: {  	v5 =	vld [tilespmem:$0x5100]  }
0x5c: {  	v6 =	vld [tilespmem:$0x40];
	_ =	sdelay $0x3  }
0x5d: {  	vm4 =	vmmov vm1;
	v5 =	vadd.f32 v5, v4  }
0x5e: {  	vm5 =	vmmov vm2;
	s31 =	simm.s32 $0x5100;
	vm4 =	vmmov @p0 vm2;
	v4 =	vadd.f32 v6, v4  }
0x5f: {  	vm5 =	vmmov @p1 vm1;
	[tilespmem:s31+$0x0] =	vst.msk vm4, v5  }
0x60: {  	[tilespmem:s19+$0x0] =	vst.msk vm5, v4  }
0x61: {  	v4 =	vld [tilespmem:$0x40F0];
	_ =	sdelay $0x3  }
0x62: {  	v5 =	vimm.f32 $0.0e+00  }
0x63: {  	v4 =	vshift.insert v4, v5, s20;
	_ =	sdelay $0x1  }
0x64: {  	[tilespmem:s21+$0x0] =	vst.msk $0x1, v4  }
0x65: {  	[tilespmem:s22+$0x0] =	vst.msk $0x1, v5  }
0x66: {  	v4 =	vld [tilespmem:$0x10F0];
	_ =	sdelay $0x4  }
0x67: {  	v4 =	vshift.insert v4, v1, s20;
	_ =	sdelay $0x1  }
0x68: {  	[tilespmem:s23+$0x0] =	vst.msk $0x1, v4  }
0x69: {  	s16 =	simm.s32 $0x100;
	v6 =	vld [tilespmem:s31+$0x0]  }
0x6a: {  	v7 =	vld [tilespmem:s16+$0x0];
	_ =	sdelay $0x3  }
0x6b: {  	v5 =	vadd.f32 v6, v5  }
0x6c: {  	vm4 =	vne.s32 v7, $0xFFFFFFFF  }
0x6d: {  	(xrf2) =	vadd.seg.scan.f32 vm4, v5;
	_ =	sdelay $0x3  }
0x6e: {  	s0 =	simm.s32 $0x3100;
	v5 =	vperm.xlane v4, v1  }
0x6f: {  	v6 =	vld [tilespmem:s0+$0x0]  }
0x70: {  	vm5 =	veq.s32 v7, v3;
	vm6 =	veq.s32 v7, v5  }
0x71: {  	vm7 =	vgt.u32 v7, $0xFFFFFFFD;
	vm6 =	vmor vm6, vm5  }
0x72: {  	vm6 =	vmor vm6, vm7  }
0x73: {  	v9 =	vld [tilespmem:$0xA0];
	v7 =	vsel vm6, $0xFFFFFFFF, v7  }
0x74: {  	v10 =	vld [tilespmem:$0x90];
	v6 =	vsel vm5, $0x0, v6;
	v8, _, _ =	vpop (xrf2)  }
0x75: {  	v6 =	vadd.f32 v8, v6  }
0x76: {  	s2 =	simm.s32 $0x7100  }
0x77: {  	vm4 =	vmand vm4, vm3;
	[tilespmem:s2+$0x0] =	vst v6;
	(ifvalue) =	ssetifvalue $0xFFFFFFFF  }
0x78: {  	vm6 =	veq.s32 v9, $0x1;
	[hbm4b:s1+s14] =	stream.indirect_vreg.scatter [tilespmem:s2], [sflag:$0x2], $0x1, v7, vm0, $0x4038;
	v7 =	vsel vm4, $0x0, v8;
	[tilespmem:$0x9120] =	vst v63  }
0x79: {  	s3 =	simm.s32 $0x0;
	s16 =	simm.s32 $0x110;
	vm4 =	vmor vm6, vm5;
	v6 =	vsel vm5, v8, v10;
	v7 =	vshift.insert v7, v0, s20  }
.LBB2_9:
0x7a: {  	v8 =	vld [tilespmem:s16+$0x0];
	s31 =	sadd.s32 $0x10, s31  }
0x7b: {  	s0 =	sadd.s32 $0x10, s0;
	v9 =	vld [tilespmem:s31+$0x0]  }
0x7c: {  	s3 =	sadd.s32 $0x10, s3;
	v10 =	vld [tilespmem:s0+$0x0]  }
0x7d: {  	p0 =	slt.u32 s3, $0xFF0;
	_ =	sdelay $0x2  }
0x7e: {  	v7 =	vadd.f32 v9, v7  }
0x7f: {  	vm5 =	vne.s32 v8, $0xFFFFFFFF  }
0x80: {  	vm6 =	vmand vm5, vm3;
	(xrf2) =	vadd.seg.scan.f32 vm5, v7;
	_ =	sdelay $0x5  }
0x81: {  	vm7 =	veq.s32 v8, v5;
	vm5 =	veq.s32 v8, v3  }
0x82: {  	vm8 =	vgt.u32 v8, $0xFFFFFFFD;
	vm4 =	vmor vm4, vm5;
	vm7 =	vmor vm7, vm5  }
0x83: {  	vm7 =	vmor vm7, vm8  }
0x84: {  	v8 =	vsel vm7, $0xFFFFFFFF, v8  }
.Ltmp7:
0x85: {  	v7 =	vsel vm5, $0x0, v10;
	v9, _, _ =	vpop (xrf2);
	(pc) =	sbr.rel @p0 .LBB2_9-.Ltmp7, $4  }
0x86: {  	v6 =	vsel vm5, v9, v6;
	v10 =	vadd.f32 v9, v7;
	v7 =	vsel vm6, $0x0, v9  }
0x87: {  	s2 =	sadd.s32 $0x10, s2;
	v7 =	vshift.insert v7, v0, s20  }
0x88: {  	s16 =	sadd.s32 $0x10, s16;
	[tilespmem:s2+$0x0] =	vst v10;
	(ifvalue) =	ssetifvalue $0xFFFFFFFF  }
0x89: {  	[hbm4b:s1+s14] =	stream.indirect_vreg.scatter [tilespmem:s2], [sflag:$0x2], $0x1, v8, vm0, $0x4038;
	[tilespmem:$0x9120] =	vst v63  }
0x8a: {  	v3 =	vld [tilespmem:$0x80F0];
	_ =	sdelay $0x4  }
0x8b: {  	v3 =	vshift.insert v3, v0, s20;
	_ =	sdelay $0x1  }
0x8c: {  	[tilespmem:s24+$0x0] =	vst.msk $0x1, v3  }
0x8d: {  	v3 =	vsel vm4, $0x1, v1;
	[tilespmem:$0x90] =	vst v6  }
0x8e: {  	[tilespmem:$0xA0] =	vst v3  }
0x8f: {  	[spmem:s12] =	stream.linear.scatter [tilespmem:s25], [sflag:$0x1], $0x1, $0x38;
	[tilespmem:$0x9120] =	vst v63  }
0x90: {  	v3 =	vmctz.xlane vm4;
	_ =	swait.ge [sflag:s4], $0x1  }
0x91: {  	(v2sf) =	vpush v4, $0x0  }
0x92: {  	(v2sf) =	vpush v3, $0x0;
	_ =	sdelay $0xd  }
0x93: {  	s0 =	spop (v2sf)  }
0x94: {  	s2 =	spop (v2sf)  }
0x95: {  	[sflag:s4] =	ssyncset.done $0x0;
	p0 =	sne.s32 s30, s0;
	p1 =	slt.s32 s2, $0xF  }
0x96: {  	[sflag:s4] =	ssyncadd.s32 $0xFFFFFFFF;
	v3 =	vimm.s32 @!p0 $0xFFFFFFFF;
	s2 =	simm.s32 @!p1 $0xF  }
0x97: {  	[tilespmem:$0x80] =	vst @!p0 v3;
	s31 =	sadd.s32 $0x90, s2  }
0x98: {  	[spmem:s10] =	stream.linear.scatter [tilespmem:s31], [sflag:$0x1], $0x1, $0x38;
	[tilespmem:$0x9120] =	vst v63  }
0x99: {  	_ =	swait.ge [sflag:s4], $0x1  }
0x9a: {  	[sflag:s4] =	ssyncset.done $0x0  }
0x9b: {  	[sflag:s4] =	ssyncadd.s32 $0xFFFFFFFF  }
0x9c: {  	[spmem:s13] =	stream.linear.scatter [tilespmem:s26], [sflag:$0x1], $0x1, $0x38;
	[tilespmem:$0x9120] =	vst v63  }
0x9d: {  	_ =	swait.ge [sflag:s4], $0x1  }
0x9e: {  	[sflag:s4] =	ssyncset.done $0x0  }
0x9f: {  	[sflag:s4] =	ssyncadd.s32 $0xFFFFFFFF;
	(ifvalue) =	ssetifvalue $0xFFFFFFFF;
	v3 =	vld [tilespmem:$0x10];
	_ =	sdelay $0x3  }
.Ltmp8:
0xa0: {  	_ = 	snop;
	(pc) =	sbr.rel .LBB2_4-.Ltmp8, $3  }
0xa1: {  	_ =	sdelay $0x1  }
0xa2: {  	(ifvalue) =	ssetifvalue $0xFFFFFFFF  }
0xa3: {  	[hbm4b:s1+s14] =	stream.indirect_vreg.scatter [tilespmem:s19], [sflag:$0x9], $0x1, v3, vm0, $0x4038;
	[tilespmem:$0x9120] =	vst v63  }
.LBB2_12:
0xa4: {  	s0 =	simm.s32 $0x2  }
0xa5: {  	_ =	swait.ge [sflag:s0], $0x1000  }
0xa6: {  	[sflag:s0] =	ssyncset.done $0x0  }
0xa7: {  	s31 =	simm.s32 $0x9;
	[sflag:s0] =	ssyncadd.s32 $0xFFFFF000  }
0xa8: {  	_ =	swait.ge [sflag:s31], $0x10  }
0xa9: {  	[sflag:s31] =	ssyncset.done $0x0  }
0xaa: {  	[sflag:s31] =	ssyncadd.s32 $0xFFFFFFF0  }
.LBB2_13:
0xab: {  	_ =	sfence.sel $0x180000  }
0xac: {  	s0 =	simm.s32 $0x7;
	[bflag:$0x0] =	sbarrier.arrive $0xFFFF  }
0xad: {  	s26 =	simm.s32 $0x8;
	[sflag:s0] =	ssyncpa.u1 $0x1  }
0xae: {  	s28 =	simm.s32 $0x9;
	[sflag:s26] =	ssyncpa.u1 $0x1  }
0xaf: {  	[sflag:s28] =	ssyncpa.u1 $0x1  }
0xb0: {  	_ =	sfence.stream.spmem  }
0xb1: {  	s29 =	simm.s32 $0x3;
	[bflag:$0x0] =	sbarrier.arrive $0xFFFF  }
0xb2: {  	s30 =	simm.s32 $0x4;
	[sflag:s29] =	ssyncpa.u1 $0x1  }
0xb3: {  	s31 =	simm.s32 $0x3C;
	s2 =	stileid.u32;
	[sflag:s30] =	ssyncpa.u1 $0x1  }
0xb4: {  	p0 =	sne.s32 s2, $0x0;
	[sflag:s31] =	ssyncpa.u1 $0x1  }
0xb5: {  	s0 =	simm.s32 @p0 $0x1;
	_ =	sfence @p0  }
0xb6: {  	[sflag:s0] =	ssyncpa.u1 @p0 $0x1;
	s0 =	simm.s32 @p0 $0x2  }
0xb7: {  	[sflag:s0] =	ssyncpa.u1 @p0 $0x1  }
0xb8: {  	_ =	strace @p0 $0x90000047  }
0xb9: {  	[bflag:$0x2] =	sbarrier.arrive @p0 $0xFFFF  }
0xba: {  	_ =	shalt @p0  }
.LBB2_14:
0xbb: {  	_ =	sfence.stream.spmem;
	s0 =	simm.s32 $0x5  }
0xbc: {  	s2 =	simm.s32 $0x80;
	s3 =	simm.s32 $0xC0;
	[sflag:s0] =	ssyncpa.u1 $0x0  }
0xbd: {  	[tilespmem:s3], [sflag:$0x5] =	stream.linear.gather [spmem:s2], $0x20, $0x38;
	[tilespmem:$0x9120] =	vst v63  }
0xbe: {  	s2 =	simm.s32 $0x0;
	s3 =	simm.s32 $0xE0  }
0xbf: {  	[tilespmem:s3], [sflag:$0x5] =	stream.linear.gather [spmem:s2], $0x20, $0x38;
	[tilespmem:$0x9120] =	vst v63  }
.Ltmp9:
0xc0: {  	_ = 	snop;
	(pc) =	sbr.rel .LBB2_15-.Ltmp9, $4  }
0xc1: {  	_ =	swait.ge [sflag:s0], $0x40  }
0xc2: {  	[sflag:s0] =	ssyncset.done $0x0  }
0xc3: {  	s31 =	simm.s32 $0x6;
	[sflag:s0] =	ssyncadd.s32 $0xFFFFFFC0  }
0xc4: {  	s4 =	simm.s32 $0x0;
	[sflag:s31] =	ssyncpa.u1 $0x0  }
.LBB2_20:
0xc5: {  	p0 =	sgt.u32 s0, $0xFFFFFF  }
0xc6: {  	s5 =	sshrl.u32 @!p0 s0, $0x3  }
0xc7: {  	s0 =	sand.u32 @!p0 $0x7, s0;
	s6 =	simm.s32 @!p0 $0xB0;
	s5 =	sadd.s32 @!p0 s1, s5  }
0xc8: {  	[tilespmem:s6], [sflag:$0x6] =	stream.linear.gather @!p0 [hbm4b:s5+s0], $0x1, $0x38;
	[tilespmem:$0x9120] =	vst v63  }
0xc9: {  	s0 =	simm.s32 @!p0 $0x6  }
0xca: {  	_ =	swait.ge @!p0 [sflag:s0], $0x1  }
0xcb: {  	[sflag:s0] =	ssyncset.done @!p0 $0x0  }
0xcc: {  	[sflag:s0] =	ssyncadd.s32 @!p0 $0xFFFFFFFF  }
0xcd: {  	v2 =	vmov @!p0 s4;
	v1 =	vld.msk @!p0 [tilespmem:$0xB0], $0x1;
	_ =	sdelay $0x3  }
0xce: {  	s0 =	simm.s32 @!p0 $0xE0  }
0xcf: {  	[tilespmem:v2+s0+$0x0], v1 =	vst.idx.ret.add.f32.msk @!p0 $0x1, v1  }
0xd0: {  	[tilespmem:s2+$0xC0] =	vst.msk $0x1, v0  }
0xd1: {  	v0 =	vld.msk [tilespmem:s4+$0xE0], $0x1;
	_ =	sdelay $0x4  }
0xd2: {  	[tilespmem:s2+$0xE0] =	vst.msk $0x1, v0;
	s2 =	sadd.s32 $0x1, s2  }
.LBB2_22:
0xd3: {  	s4 =	sadd.s32 $0x1, s4  }
0xd4: {  	p0 =	sne.s32 s4, $0x20  }
.Ltmp10:
0xd5: {  	_ = 	snop;
	(pc) =	sbr.rel @!p0 .LBB2_23-.Ltmp10, $1  }
0xd6: {  	_ =	sdelay $0x3  }
.LBB2_15:
0xd7: {  	v0 =	vld.msk [tilespmem:s4+$0xC0], $0x1;
	_ =	sdelay $0x4  }
0xd8: {  	(v2sf) =	vpush v0, $0x0;
	_ =	sdelay $0xe  }
0xd9: {  	s0 =	spop (v2sf)  }
0xda: {  	p0 =	seq.s32 s0, $0xFFFFFFFF  }
.Ltmp11:
0xdb: {  	_ = 	snop;
	(pc) =	sbr.rel @p0 .LBB2_22-.Ltmp11, $1  }
0xdc: {  	_ =	sdelay $0x3  }
0xdd: {  	p0 =	slt.s32 s2, $0x1  }
.Ltmp12:
0xde: {  	_ = 	snop;
	(pc) =	sbr.rel @p0 .LBB2_20-.Ltmp12, $1  }
0xdf: {  	_ =	sdelay $0x3  }
0xe0: {  	s5 =	simm.s32 $0xC0;
	p0 =	por $0x0, $0x0  }
0xe1: {  	v1 =	vld.msk @!p0 [tilespmem:s5+$0x0], $0x1;
	_ =	sdelay $0x4  }
0xe2: {  	(v2sf) =	vpush @!p0 v1, $0x0;
	_ =	sdelay $0xd  }
0xe3: {  	p2 =	sne.s32 s2, $0x1  }
.Ltmp13:
0xe4: {  	s6 =	spop @!p0 (v2sf);
	(pc) =	sbr.rel @!p2 .LBB2_19-.Ltmp13, $4  }
0xe5: {  	p1 =	seq.s32 @!p0 s0, s6  }
0xe6: {  	s6 =	simm.s32 $0x0;
	p1 =	por !p1, p0  }
0xe7: {  	s8 =	simm.s32 $0xFFFFFFFF;
	s6 =	simm.s32 @p1 $0xFFFFFFFF  }
0xe8: {  	s7 =	simm.s32 $0x1;
	s6 =	smov.u32 @p0 s8  }
.LBB2_18:
0xe9: {  	s8 =	smov.u32 s6;
	p0 =	sne.s32 s6, $0xFFFFFFFF  }
0xea: {  	s5 =	sadd.s32 $0x1, s5;
	s6 =	smov.u32 s7;
	s7 =	sadd.s32 $0x1, s7  }
0xeb: {  	p1 =	sne.s32 s2, s7;
	v1 =	vld.msk @!p0 [tilespmem:s5+$0x0], $0x1;
	_ =	sdelay $0x4  }
0xec: {  	(v2sf) =	vpush @!p0 v1, $0x0;
	_ =	sdelay $0xe  }
.Ltmp14:
0xed: {  	s9 =	spop @!p0 (v2sf);
	(pc) =	sbr.rel @p1 .LBB2_18-.Ltmp14, $4  }
0xee: {  	p2 =	seq.s32 @!p0 s0, s9  }
0xef: {  	p2 =	por !p2, p0  }
0xf0: {  	s6 =	simm.s32 @p2 $0xFFFFFFFF  }
0xf1: {  	s6 =	smov.u32 @p0 s8  }
.LBB2_19:
0xf2: {  	p0 =	sne.s32 s6, $0xFFFFFFFF  }
.Ltmp15:
0xf3: {  	_ = 	snop;
	(pc) =	sbr.rel @!p0 .LBB2_20-.Ltmp15, $1  }
0xf4: {  	_ =	sdelay $0x3  }
0xf5: {  	v0 =	vld.msk [tilespmem:s4+$0xE0], $0x1;
	v1 =	vmov s6  }
.Ltmp16:
0xf6: {  	_ = 	snop;
	(pc) =	sbr.rel .LBB2_22-.Ltmp16, $2  }
0xf7: {  	_ =	sdelay $0x2  }
0xf8: {  	[tilespmem:v1+s3+$0x0], v0 =	vst.idx.ret.add.f32.msk $0x1, v0  }
.LBB2_23:
0xf9: {  	p0 =	slt.s32 s2, $0x1  }
.Ltmp17:
0xfa: {  	_ = 	snop;
	(pc) =	sbr.rel @p0 .LBB2_27-.Ltmp17, $3  }
0xfb: {  	_ =	sdelay $0x1  }
0xfc: {  	s0 =	simm.s32 $0x6  }
0xfd: {  	[sflag:s0] =	ssyncpa.u1 $0x1;
	s0 =	simm.s32 $0x0  }
0xfe: {  	s3 =	simm.s32 $0xC0  }
0xff: {  	v0 =	vld.msk [tilespmem:s3+$0x0], $0x1;
	_ =	sdelay $0x4  }
0x100: {  	(v2sf) =	vpush v0, $0x0;
	_ =	sdelay $0xe  }
0x101: {  	s2 =	sadd.s32 $0xFFFFFFFF, s2;
	s4 =	spop (v2sf)  }
0x102: {  	p1 =	sne.s32 s2, $0x0;
	p0 =	sgt.u32 s4, $0xFFFFFF  }
.Ltmp18:
0x103: {  	s5 =	sshrl.u32 @!p0 s4, $0x3;
	(pc) =	sbr.rel @!p1 .LBB2_26-.Ltmp18, $4  }
0x104: {  	s3 =	simm.s32 $0xE0;
	s4 =	sand.u32 @!p0 $0x7, s4;
	s5 =	sadd.s32 @!p0 s1, s5  }
0x105: {  	[hbm4b:s5+s4] =	stream.linear.scatter @!p0 [tilespmem:s3], [sflag:$0x5], $0x1, $0x38;
	[tilespmem:$0x9120] =	vst v63  }
0x106: {  	s5 =	simm.s32 $0x0  }
0x107: {  	s4 =	simm.s32 $0xC1;
	s5 =	simm.s32 @!p0 $0x4  }
.LBB2_25:
0x108: {  	v0 =	vld.msk [tilespmem:s4+$0x0], $0x1;
	s2 =	sadd.s32 $0xFFFFFFFF, s2;
	s0 =	sadd.s32 s0, s5  }
0x109: {  	p0 =	sne.s32 s2, $0x0;
	_ =	sdelay $0x3  }
0x10a: {  	(v2sf) =	vpush v0, $0x0;
	_ =	sdelay $0xe  }
.Ltmp19:
0x10b: {  	s6 =	spop (v2sf);
	(pc) =	sbr.rel @p0 .LBB2_25-.Ltmp19, $4  }
0x10c: {  	s5 =	simm.s32 $0x0;
	p1 =	sgt.u32 s6, $0xFFFFFF  }
0x10d: {  	s3 =	sadd.s32 $0x1, s3;
	s5 =	simm.s32 @!p1 $0x4;
	s7 =	sshrl.u32 @!p1 s6, $0x3  }
0x10e: {  	s4 =	sadd.s32 $0x1, s4;
	s6 =	sand.u32 @!p1 $0x7, s6;
	s7 =	sadd.s32 @!p1 s1, s7  }
0x10f: {  	[hbm4b:s7+s6] =	stream.linear.scatter @!p1 [tilespmem:s3], [sflag:$0x5], $0x1, $0x38;
	[tilespmem:$0x9120] =	vst v63  }
.LBB2_26:
0x110: {  	s0 =	sadd.s32 s0, s5  }
0x111: {  	s0 =	sshrl.u32 s0, $0x2  }
.LBB2_27:
0x112: {  	s1 =	simm.s32 $0x5  }
0x113: {  	_ =	swait.ge [sflag:s1], s0  }
0x114: {  	s28 =	ssub.s32 $0x0, s0;
	[sflag:s1] =	ssyncset.done $0x0  }
0x115: {  	[sflag:s1] =	ssyncadd.s32 s28  }
0x116: {  	[sflag:s1] =	ssyncpa.u1 $0x1  }
0x117: {  	s29 =	simm.s32 $0x1;
	_ =	sfence  }
0x118: {  	s30 =	simm.s32 $0x2;
	[sflag:s29] =	ssyncpa.u1 $0x1  }
0x119: {  	[sflag:s30] =	ssyncpa.u1 $0x1  }
0x11a: {  	_ =	strace $0x90000047  }
0x11b: {  	[bflag:$0x2] =	sbarrier.arrive $0xFFFF  }
0x11c: {  	s31 =	rddreg [dreg:$0x2]  }
0x11d: {  	s0 =	sadd.s32 $0x100000, s31  }
0x11e: {  	[sflag:s0] =	ssyncadd.tile.s32 $0x1;
	_ =	shalt  }
.Lfunc_end2:
_tile_overlayer_lowered:
.L_overlay_start_2:
0x11f: {  	(tag) =	ssettag $0x2  }
0x120: {  	s0 =	rddreg [dreg:$0x0];
	s2 =	stileid.u32  }
0x121: {  	s1 =	rddreg [dreg:$0x1];
	p0 =	sne.s32 s2, $0x0  }
0x122: {  	s3 =	rddreg [dreg:$0x2];
	[bflag:$0x3] =	sbarrier.arrive $0xFFFF;
	s2 =	simm.s32 @!p0 $0x1C01  }
0x123: {  	[timem:s3], [sflag:s2] =	dma.local @!p0 [hbm:s0], s1  }
0x124: {  	s0 =	simm.s32 @!p0 $0x1  }
0x125: {  	_ =	swait.ge @!p0 [sflag:s0], s1  }
0x126: {  	s1 =	ssub.s32 @!p0 $0x0, s1;
	[sflag:s0] =	ssyncset.done @!p0 $0x0  }
0x127: {  	[sflag:s0] =	ssyncadd.s32 @!p0 s1  }
0x128: {  	[bflag:$0x3] =	sbarrier.arrive $0xFFFF  }
0x129: {  	_ =	shalt  }

</sc_bundles>
